<compile_context>
chip_gen: v7x
topology: tpu7x:2x2x1
jax: 0.10.2.dev20260603
libtpu: 0.0.44.dev20260713+nightly
codegen_flags: <defaults>
</compile_context>

<pallas_src>
import functools

import jax
import jax.numpy as jnp
from jax import lax
from jax.experimental import pallas as pl
from jax.experimental.pallas import tpu as pltpu
from jax.experimental.pallas import tpu_sc as plsc

N_NODES = 10000
N_EDGES = 160000
F = 128
CUTOFF = 5.0

_NW = 32
_CH = 128
_NCHUNK = N_EDGES // _CH
_GITERS = -(-_NCHUNK // _NW)


def _make_gather_body(nchunk):
    giters = -(-nchunk // _NW)

    def _gather_body(x_hbm, src_hbm, dst_hbm,
                     xs_out, xd_out,
                     idx_s, idx_d, sbuf, dbuf, ss, sd):
        wid = lax.axis_index("s") * 2 + lax.axis_index("c")

        def body(i, carry):
            c = i * _NW + wid

            @pl.when(c < nchunk)
            def _():
                base = c * _CH
                pltpu.sync_copy(src_hbm.at[pl.ds(base, _CH)], idx_s)
                pltpu.sync_copy(dst_hbm.at[pl.ds(base, _CH)], idx_d)
                cs = pltpu.async_copy(x_hbm.at[idx_s], sbuf, ss)
                cd = pltpu.async_copy(x_hbm.at[idx_d], dbuf, sd)
                cs.wait()
                cd.wait()
                pltpu.sync_copy(sbuf, xs_out.at[pl.ds(base, _CH)])
                pltpu.sync_copy(dbuf, xd_out.at[pl.ds(base, _CH)])

            return carry

        lax.fori_loop(0, giters, body, 0)

    return _gather_body


def _sc_gather(x, src, dst):
    n_edges = src.shape[0]
    mesh = plsc.VectorSubcoreMesh(core_axis_name="c", subcore_axis_name="s")
    return pl.kernel(
        _make_gather_body(n_edges // _CH),
        mesh=mesh,
        out_type=[jax.ShapeDtypeStruct((n_edges, F), jnp.float32)] * 2,
        scratch_types=(
            [pltpu.VMEM((_CH,), jnp.int32)] * 2
            + [pltpu.VMEM((_CH, F), jnp.float32)] * 2
            + [pltpu.SemaphoreType.DMA] * 2
        ),
    )(x, src, dst)

_NODE_BLK = 2000


def _node_mm_body(x_ref, wv, bv, ws1, bs1, ws2, bs2, s1_ref, s2_ref):
    v = x_ref[...] @ wv[...] + bv[...]
    s1_ref[...] = v @ ws1[...] + bs1[...]
    s2_ref[...] = v @ ws2[...] + bs2[...]


def _node_matmuls(x, WV, bV, WS1, bS1, WS2, bS2):
    blk = pl.BlockSpec((_NODE_BLK, F), lambda i: (i, 0))
    wspec = pl.BlockSpec((F, F), lambda i: (0, 0))
    bspec = pl.BlockSpec((F,), lambda i: (0,))
    out_shape = [jax.ShapeDtypeStruct((N_NODES, F), jnp.float32)] * 2
    return pl.pallas_call(
        _node_mm_body,
        grid=(N_NODES // _NODE_BLK,),
        in_specs=[blk, wspec, bspec, wspec, bspec, wspec, bspec],
        out_specs=[blk] * 2,
        out_shape=out_shape,
    )(x, WV, bV, WS1, bS1, WS2, bS2)


_EDGE_BLK = 3200
_NPARTS = 5


def _edge_body(d_ref, xs_ref, xd_ref, mu_ref,
               wk, bk, wq, bq, wv, bv,
               wdk, bdk, wdv, bdv, logabs_ref, neg_ref):
    d = d_ref[...][:, 0]
    mu = mu_ref[...]
    delta = mu[1] - mu[0]
    coeff = -0.5 / (delta ** 2)
    bf = jnp.exp(coeff * (d[:, None] - mu[None, :]) ** 2)
    cut = jnp.where(d < CUTOFF,
                    0.5 * (jnp.cos(jnp.pi * d / CUTOFF) + 1.0), 0.0)
    xs = xs_ref[...]
    xd = xd_ref[...]
    ksrc = xs @ wk[...] + bk[...]
    qdst = xd @ wq[...] + bq[...]
    vsrc = xs @ wv[...] + bv[...]
    dVb = jax.nn.silu(bf @ wdv[...] + bdv[...])
    dKb = jax.nn.silu(bf @ wdk[...] + bdk[...])
    weight = jax.nn.silu(jnp.sum(ksrc * qdst * dKb, axis=-1)) * cut
    ev = bf * cut[:, None]
    value = vsrc * ev * dVb * cut[:, None]
    msg = value * weight[:, None]
    logabs_ref[...] = jnp.log(jnp.abs(msg))
    neg_ref[...] = (msg < 0).astype(jnp.float32)


def _edge_stage(edge_d, xsrc, xdst, mu, WK, bK, WQ, bQ, WV, bV,
                WdK, bdK, WdV, bdV):
    eblk = pl.BlockSpec((_EDGE_BLK, F), lambda i: (i, 0))
    dblk = pl.BlockSpec((_EDGE_BLK, 1), lambda i: (i, 0))
    wspec = pl.BlockSpec((F, F), lambda i: (0, 0))
    bspec = pl.BlockSpec((F,), lambda i: (0,))
    n_edges = xsrc.shape[0]
    return pl.pallas_call(
        _edge_body,
        grid=(n_edges // _EDGE_BLK,),
        in_specs=[dblk, eblk, eblk, bspec, wspec, bspec, wspec, bspec,
                  wspec, bspec, wspec, bspec, wspec, bspec],
        out_specs=[eblk, eblk],
        out_shape=[jax.ShapeDtypeStruct((n_edges, F), jnp.float32),
                   jax.ShapeDtypeStruct((n_edges, F), jnp.float32)],
    )(edge_d[:, None], xsrc, xdst, mu, WK, bK, WQ, bQ, WV, bV,
      WdK, bdK, WdV, bdV)


_NPAD = 10240
_NSUB = _NPAD // 16
_SITERS = -(-_NCHUNK // 16)


def _make_scatter_body(nchunk):
    siters = -(-nchunk // 16)

    def _scatter_body(logabs_hbm, neg_hbm, dst_hbm, zf_hbm,
                      acc_out,
                      idx, lbuf, acc):
        core = lax.axis_index("c")
        sub = lax.axis_index("s")
        pltpu.sync_copy(zf_hbm.at[pl.ds(sub * _NSUB, _NSUB)],
                        acc.at[pl.ds(sub * _NSUB, _NSUB)])
        plsc.subcore_barrier()

        def body(i, carry):
            c = i * 16 + sub

            @pl.when(c < nchunk)
            def _():
                base = c * _CH
                pltpu.sync_copy(dst_hbm.at[pl.ds(base, _CH)], idx)

                @pl.when(core == 0)
                def _():
                    pltpu.sync_copy(logabs_hbm.at[pl.ds(base, _CH)], lbuf)

                @pl.when(core == 1)
                def _():
                    pltpu.sync_copy(neg_hbm.at[pl.ds(base, _CH)], lbuf)

                pltpu.sync_copy(lbuf, acc.at[idx], add=True)

            return carry

        lax.fori_loop(0, siters, body, 0)
        plsc.subcore_barrier()
        pltpu.sync_copy(acc.at[pl.ds(sub * _NSUB, _NSUB)],
                        acc_out.at[core, pl.ds(sub * _NSUB, _NSUB)])

    return _scatter_body


def _sc_scatter(logabs, neg, dst, zf):
    n_edges = dst.shape[0]
    mesh = plsc.VectorSubcoreMesh(core_axis_name="c", subcore_axis_name="s")
    return pl.kernel(
        _make_scatter_body(n_edges // _CH),
        mesh=mesh,
        out_type=jax.ShapeDtypeStruct((2, _NPAD, F), jnp.float32),
        scratch_types=[
            pltpu.VMEM((_CH,), jnp.int32),
            pltpu.VMEM((_CH, F), jnp.float32),
            pltpu.VMEM_SHARED((_NPAD, F), jnp.float32),
        ],
    )(logabs, neg, dst, zf)


def _make_final_body(nparts):
    def _final_body(*refs):
        ls_refs = refs[:nparts]
        cnt_refs = refs[nparts:2 * nparts]
        wib, bib, y_ref = refs[2 * nparts:]
        ls = ls_refs[0][...]
        cnt = cnt_refs[0][...]
        for r in ls_refs[1:]:
            ls = ls + r[...]
        for r in cnt_refs[1:]:
            cnt = cnt + r[...]
        parity = cnt - 2.0 * jnp.floor(cnt * 0.5)
        sign = 1.0 - 2.0 * parity
        h = sign * jnp.exp(ls)
        y_ref[...] = h @ wib[...] + bib[...]

    return _final_body


def _final_stage(accs, WIB, bIB):
    nparts = len(accs)
    blk = pl.BlockSpec((_NODE_BLK, F), lambda i: (i, 0))
    wspec = pl.BlockSpec((F, F), lambda i: (0, 0))
    bspec = pl.BlockSpec((F,), lambda i: (0,))
    args = ([a[0, :N_NODES] for a in accs] + [a[1, :N_NODES] for a in accs]
            + [WIB, bIB])
    return pl.pallas_call(
        _make_final_body(nparts),
        grid=(N_NODES // _NODE_BLK,),
        in_specs=[blk] * (2 * nparts) + [wspec, bspec],
        out_specs=blk,
        out_shape=jax.ShapeDtypeStruct((N_NODES, F), jnp.float32),
    )(*args)


def kernel(x, edge_index, edge_d, WK, bK, WQ, bQ, WV, bV, WdK, bdK, WdV, bdV,
           WIB, bIB, WS1, bS1, WS2, bS2):
    src = edge_index[0]
    dst = edge_index[1]
    s1, s2 = _node_matmuls(x, WV, bV, WS1, bS1, WS2, bS2)

    mu = jnp.linspace(0.0, CUTOFF, F)
    zf = jnp.zeros((_NPAD, F), jnp.float32)
    part = N_EDGES // _NPARTS
    acc_parts = []
    for lo in range(0, N_EDGES, part):
        s_h = lax.dynamic_slice_in_dim(src, lo, part)
        d_h = lax.dynamic_slice_in_dim(dst, lo, part)
        e_h = lax.dynamic_slice_in_dim(edge_d, lo, part)
        xsrc, xdst = _sc_gather(x, s_h, d_h)
        logabs, neg = _edge_stage(e_h, xsrc, xdst, mu, WK, bK, WQ, bQ,
                                  WV, bV, WdK, bdK, WdV, bdV)
        acc_parts.append(_sc_scatter(logabs, neg, d_h, zf))
    y = _final_stage(acc_parts, WIB, bIB)
    return (y, s1, s2)

# --- scband reference (transcript-rebuilt; emitter-appended) ---
"""Pipeline reference for scband-mdnet-attn-53042846105738 (READ-ONLY COPY).

The authoritative reference and input builder live on the scoring server;
editing this copy changes nothing except your own understanding.
"""

import jax, jax.numpy as jnp
import numpy as np

N_NODES = 10000
N_EDGES = 160000
IN_FEATS = 128
OUT_FEATS = 128
CUTOFF = 5.0


def _mlp(h, W, b):
    return h @ W + b


def _smooth_cutoff(d):
    return jnp.where(d < CUTOFF, 0.5 * (jnp.cos(jnp.pi * d / CUTOFF) + 1.0), 0.0)


def _basis_func(d):
    mu = jnp.linspace(0.0, CUTOFF, IN_FEATS)
    delta = mu[1] - mu[0]
    coeff = -0.5 / (delta ** 2)
    return jnp.exp(coeff * (d[:, None] - mu[None, :]) ** 2)


def setup_inputs(seed: int = 0):
    key = jax.random.key(seed)
    ks = jax.random.split(key, 16)
    s = 0.05
    inp = {}
    inp['x'] = jax.random.normal(ks[0], (N_NODES, IN_FEATS), dtype=jnp.float32)
    inp['edge_index'] = jax.random.randint(ks[1], (2, N_EDGES), 0, N_NODES, dtype=jnp.int32)
    inp['edge_d'] = jax.random.uniform(ks[2], (N_EDGES,), dtype=jnp.float32)
    inp['WK'] = jax.random.normal(ks[3], (IN_FEATS, IN_FEATS), dtype=jnp.float32) * s
    inp['bK'] = jnp.zeros((IN_FEATS,), dtype=jnp.float32)
    inp['WQ'] = jax.random.normal(ks[4], (IN_FEATS, IN_FEATS), dtype=jnp.float32) * s
    inp['bQ'] = jnp.zeros((IN_FEATS,), dtype=jnp.float32)
    inp['WV'] = jax.random.normal(ks[5], (IN_FEATS, IN_FEATS), dtype=jnp.float32) * s
    inp['bV'] = jnp.zeros((IN_FEATS,), dtype=jnp.float32)
    inp['WdK'] = jax.random.normal(ks[6], (IN_FEATS, IN_FEATS), dtype=jnp.float32) * s
    inp['bdK'] = jnp.zeros((IN_FEATS,), dtype=jnp.float32)
    inp['WdV'] = jax.random.normal(ks[7], (IN_FEATS, IN_FEATS), dtype=jnp.float32) * s
    inp['bdV'] = jnp.zeros((IN_FEATS,), dtype=jnp.float32)
    inp['WIB'] = jax.random.normal(ks[8], (IN_FEATS, OUT_FEATS), dtype=jnp.float32) * s
    inp['bIB'] = jnp.zeros((OUT_FEATS,), dtype=jnp.float32)
    inp['WS1'] = jax.random.normal(ks[9], (IN_FEATS, OUT_FEATS), dtype=jnp.float32) * s
    inp['bS1'] = jnp.zeros((OUT_FEATS,), dtype=jnp.float32)
    inp['WS2'] = jax.random.normal(ks[10], (IN_FEATS, OUT_FEATS), dtype=jnp.float32) * s
    inp['bS2'] = jnp.zeros((OUT_FEATS,), dtype=jnp.float32)
    return inp


def reference(x, edge_index, edge_d, WK, bK, WQ, bQ, WV, bV, WdK, bdK, WdV, bdV, WIB, bIB, WS1, bS1, WS2, bS2):
    src = edge_index[0]
    dst = edge_index[1]
    k = _mlp(x, WK, bK)
    q = _mlp(x, WQ, bQ)
    v = _mlp(x, WV, bV)
    bf_raw = _basis_func(edge_d)
    cut = _smooth_cutoff(edge_d)
    ev = bf_raw * cut[:, None]
    dV = jax.nn.silu(_mlp(bf_raw, WdV, bdV))
    dK = jax.nn.silu(_mlp(bf_raw, WdK, bdK))
    weight = jax.nn.silu(jnp.sum(k[src] * q[dst] * dK, axis=-1)) * cut
    value = v[src] * ev * dV * cut[:, None]
    msg = value * weight[:, None]
    h = jax.ops.segment_prod(msg, dst, num_segments=N_NODES)
    y = _mlp(h, WIB, bIB)
    s1 = _mlp(v, WS1, bS1)
    s2 = _mlp(v, WS2, bS2)
    return (y, s1, s2)

if __name__ == "__main__":
    import jax
    _d = setup_inputs()
    print(jax.jit(kernel)(*tuple(_d.values())))

</pallas_src>

<mosaic_0001>
#map = affine_map<(d0, d1) -> (0, 0)>
#map1 = affine_map<(d0, d1) -> (0)>
module attributes {stable_mosaic.version = 14 : i64} {
  func.func @_gather_body(%arg0: i32, %arg1: i32, %arg2: memref<10000x128xf32, #tpu.memory_space<hbm>>, %arg3: memref<32000xi32, #tpu.memory_space<hbm>>, %arg4: memref<32000xi32, #tpu.memory_space<hbm>>, %arg5: memref<32000x128xf32, #tpu.memory_space<hbm>>, %arg6: memref<32000x128xf32, #tpu.memory_space<hbm>>, %arg7: memref<128xi32, #tpu.memory_space<vmem>>, %arg8: memref<128xi32, #tpu.memory_space<vmem>>, %arg9: memref<128x128xf32, #tpu.memory_space<vmem>>, %arg10: memref<128x128xf32, #tpu.memory_space<vmem>>, %arg11: memref<!tpu.dma_semaphore, #tpu.memory_space<semaphore_mem>>, %arg12: memref<!tpu.dma_semaphore, #tpu.memory_space<semaphore_mem>>) attributes {dimension_semantics = [#tpu.dimension_semantics<core_parallel>, #tpu.dimension_semantics<subcore_parallel>], iteration_bounds = array<i64: 2, 16>, scalar_prefetch = 0 : i64, scratch_operands = 6 : i64, tpu.core_type = #tpu.core_type<sc_vector_subcore>, window_params = [{transform_indices = #map}, {transform_indices = #map1}, {transform_indices = #map1}, {transform_indices = #map}, {transform_indices = #map}]} {
    %mul3A = arith.constant 2 : i32
    %mul3A_0 = arith.muli %arg1, %mul3A : i32
    %add3A = arith.addi %mul3A_0, %arg0 : i32
    %scan3A = arith.constant 0 : i32
    %scan3A_1 = arith.constant 0 : i32
    %scan3A_2 = arith.constant 8 : i32
    %scan3A_3 = arith.addi %scan3A_1, %scan3A_2 : i32
    %scan3A_4 = arith.constant 1 : i32
    scf.for %scan3A_6 = %scan3A_1 to %scan3A_3 step %scan3A_4  : i32 {
      %mul3A_7 = arith.constant 32 : i32
      %mul3A_8 = arith.muli %scan3A_6, %mul3A_7 : i32
      %add3A_9 = arith.addi %mul3A_8, %add3A : i32
      %lt3A = arith.constant 250 : i32
      %lt3A_10 = arith.cmpi slt, %add3A_9, %lt3A : i32
      %convert_element_type3A = arith.extui %lt3A_10 : i1 to i32
      %cond3A = arith.constant 0 : i32
      %cond3A_11 = arith.cmpi ne, %convert_element_type3A, %cond3A : i32
      scf.if %cond3A_11 {
        %mul3A_12 = arith.constant 128 : i32
        %mul3A_13 = arith.muli %add3A_9, %mul3A_12 : i32
        "tpu.region"() ({
          %run_scoped3A = tpu.sem_alloc : memref<!tpu.dma_semaphore, #tpu.memory_space<semaphore_mem>>
          %dma_start3A_24 = tpu.memref_slice %arg3[%mul3A_13] : memref<32000xi32, #tpu.memory_space<hbm>> -> memref<128xi32, #tpu.memory_space<hbm>>
          %dma_start3A_25 = tpu.memref_slice %arg3[%mul3A_13] : memref<32000xi32, #tpu.memory_space<hbm>> -> memref<128xi32, #tpu.memory_space<hbm>>
          tpu.enqueue_dma source(%dma_start3A_25 : memref<128xi32, #tpu.memory_space<hbm>>) target(%arg7 : memref<128xi32, #tpu.memory_space<vmem>>) target_semaphore(%run_scoped3A : memref<!tpu.dma_semaphore, #tpu.memory_space<semaphore_mem>>)
          %dma_wait3A_26 = tpu.memref_slice %arg3[%mul3A_13] : memref<32000xi32, #tpu.memory_space<hbm>> -> memref<128xi32, #tpu.memory_space<hbm>>
          %dma_wait3A_27 = tpu.memref_slice %arg3[%mul3A_13] : memref<32000xi32, #tpu.memory_space<hbm>> -> memref<128xi32, #tpu.memory_space<hbm>>
          tpu.wait_dma2 semaphore(%run_scoped3A : memref<!tpu.dma_semaphore, #tpu.memory_space<semaphore_mem>>) src(%dma_wait3A_27 : memref<128xi32, #tpu.memory_space<hbm>>) dst(%arg7 : memref<128xi32, #tpu.memory_space<vmem>>)
          tpu.yield
        }) : () -> ()
        "tpu.region"() ({
          %run_scoped3A = tpu.sem_alloc : memref<!tpu.dma_semaphore, #tpu.memory_space<semaphore_mem>>
          %dma_start3A_24 = tpu.memref_slice %arg4[%mul3A_13] : memref<32000xi32, #tpu.memory_space<hbm>> -> memref<128xi32, #tpu.memory_space<hbm>>
          %dma_start3A_25 = tpu.memref_slice %arg4[%mul3A_13] : memref<32000xi32, #tpu.memory_space<hbm>> -> memref<128xi32, #tpu.memory_space<hbm>>
          tpu.enqueue_dma source(%dma_start3A_25 : memref<128xi32, #tpu.memory_space<hbm>>) target(%arg8 : memref<128xi32, #tpu.memory_space<vmem>>) target_semaphore(%run_scoped3A : memref<!tpu.dma_semaphore, #tpu.memory_space<semaphore_mem>>)
          %dma_wait3A_26 = tpu.memref_slice %arg4[%mul3A_13] : memref<32000xi32, #tpu.memory_space<hbm>> -> memref<128xi32, #tpu.memory_space<hbm>>
          %dma_wait3A_27 = tpu.memref_slice %arg4[%mul3A_13] : memref<32000xi32, #tpu.memory_space<hbm>> -> memref<128xi32, #tpu.memory_space<hbm>>
          tpu.wait_dma2 semaphore(%run_scoped3A : memref<!tpu.dma_semaphore, #tpu.memory_space<semaphore_mem>>) src(%dma_wait3A_27 : memref<128xi32, #tpu.memory_space<hbm>>) dst(%arg8 : memref<128xi32, #tpu.memory_space<vmem>>)
          tpu.yield
        }) : () -> ()
        %dma_start3A = arith.constant 0 : i32
        %dma_start3A_14 = arith.constant 0 : i32
        %dma_start3A_15 = tpu.memref_slice %arg2[%dma_start3A, %dma_start3A_14] : memref<10000x128xf32, #tpu.memory_space<hbm>> -> memref<10000x128xf32, #tpu.memory_space<hbm>>
        tpu.enqueue_indirect_dma source(%dma_start3A_15 : memref<10000x128xf32, #tpu.memory_space<hbm>>) target(%arg9 : memref<128x128xf32, #tpu.memory_space<vmem>>) offsets(%arg7 : memref<128xi32, #tpu.memory_space<vmem>>) semaphore(%arg11 : memref<!tpu.dma_semaphore, #tpu.memory_space<semaphore_mem>>)
        %dma_start3A_16 = arith.constant 0 : i32
        %dma_start3A_17 = arith.constant 0 : i32
        %dma_start3A_18 = tpu.memref_slice %arg2[%dma_start3A_16, %dma_start3A_17] : memref<10000x128xf32, #tpu.memory_space<hbm>> -> memref<10000x128xf32, #tpu.memory_space<hbm>>
        tpu.enqueue_indirect_dma source(%dma_start3A_18 : memref<10000x128xf32, #tpu.memory_space<hbm>>) target(%arg10 : memref<128x128xf32, #tpu.memory_space<vmem>>) offsets(%arg8 : memref<128xi32, #tpu.memory_space<vmem>>) semaphore(%arg12 : memref<!tpu.dma_semaphore, #tpu.memory_space<semaphore_mem>>)
        %dma_wait3A = arith.constant 0 : i32
        %dma_wait3A_19 = arith.constant 0 : i32
        %dma_wait3A_20 = tpu.memref_slice %arg2[%dma_wait3A, %dma_wait3A_19] : memref<10000x128xf32, #tpu.memory_space<hbm>> -> memref<10000x128xf32, #tpu.memory_space<hbm>>
        tpu.wait_indirect_dma semaphore(%arg11 : memref<!tpu.dma_semaphore, #tpu.memory_space<semaphore_mem>>) src(%dma_wait3A_20 : memref<10000x128xf32, #tpu.memory_space<hbm>>) dst(%arg9 : memref<128x128xf32, #tpu.memory_space<vmem>>)
        %dma_wait3A_21 = arith.constant 0 : i32
        %dma_wait3A_22 = arith.constant 0 : i32
        %dma_wait3A_23 = tpu.memref_slice %arg2[%dma_wait3A_21, %dma_wait3A_22] : memref<10000x128xf32, #tpu.memory_space<hbm>> -> memref<10000x128xf32, #tpu.memory_space<hbm>>
        tpu.wait_indirect_dma semaphore(%arg12 : memref<!tpu.dma_semaphore, #tpu.memory_space<semaphore_mem>>) src(%dma_wait3A_23 : memref<10000x128xf32, #tpu.memory_space<hbm>>) dst(%arg10 : memref<128x128xf32, #tpu.memory_space<vmem>>)
        "tpu.region"() ({
          %run_scoped3A = tpu.sem_alloc : memref<!tpu.dma_semaphore, #tpu.memory_space<semaphore_mem>>
          %dma_start3A_24 = arith.constant 0 : i32
          %dma_start3A_25 = tpu.memref_slice %arg5[%mul3A_13, %dma_start3A_24] : memref<32000x128xf32, #tpu.memory_space<hbm>> -> memref<128x128xf32, #tpu.memory_space<hbm>>
          %dma_start3A_26 = arith.constant 0 : i32
          %dma_start3A_27 = tpu.memref_slice %arg5[%mul3A_13, %dma_start3A_26] : memref<32000x128xf32, #tpu.memory_space<hbm>> -> memref<128x128xf32, #tpu.memory_space<hbm>>
          tpu.enqueue_dma source(%arg9 : memref<128x128xf32, #tpu.memory_space<vmem>>) target(%dma_start3A_27 : memref<128x128xf32, #tpu.memory_space<hbm>>) target_semaphore(%run_scoped3A : memref<!tpu.dma_semaphore, #tpu.memory_space<semaphore_mem>>)
          %dma_wait3A_28 = arith.constant 0 : i32
          %dma_wait3A_29 = tpu.memref_slice %arg5[%mul3A_13, %dma_wait3A_28] : memref<32000x128xf32, #tpu.memory_space<hbm>> -> memref<128x128xf32, #tpu.memory_space<hbm>>
          %dma_wait3A_30 = arith.constant 0 : i32
          %dma_wait3A_31 = tpu.memref_slice %arg5[%mul3A_13, %dma_wait3A_30] : memref<32000x128xf32, #tpu.memory_space<hbm>> -> memref<128x128xf32, #tpu.memory_space<hbm>>
          tpu.wait_dma2 semaphore(%run_scoped3A : memref<!tpu.dma_semaphore, #tpu.memory_space<semaphore_mem>>) src(%arg9 : memref<128x128xf32, #tpu.memory_space<vmem>>) dst(%dma_wait3A_31 : memref<128x128xf32, #tpu.memory_space<hbm>>)
          tpu.yield
        }) : () -> ()
        "tpu.region"() ({
          %run_scoped3A = tpu.sem_alloc : memref<!tpu.dma_semaphore, #tpu.memory_space<semaphore_mem>>
          %dma_start3A_24 = arith.constant 0 : i32
          %dma_start3A_25 = tpu.memref_slice %arg6[%mul3A_13, %dma_start3A_24] : memref<32000x128xf32, #tpu.memory_space<hbm>> -> memref<128x128xf32, #tpu.memory_space<hbm>>
          %dma_start3A_26 = arith.constant 0 : i32
          %dma_start3A_27 = tpu.memref_slice %arg6[%mul3A_13, %dma_start3A_26] : memref<32000x128xf32, #tpu.memory_space<hbm>> -> memref<128x128xf32, #tpu.memory_space<hbm>>
          tpu.enqueue_dma source(%arg10 : memref<128x128xf32, #tpu.memory_space<vmem>>) target(%dma_start3A_27 : memref<128x128xf32, #tpu.memory_space<hbm>>) target_semaphore(%run_scoped3A : memref<!tpu.dma_semaphore, #tpu.memory_space<semaphore_mem>>)
          %dma_wait3A_28 = arith.constant 0 : i32
          %dma_wait3A_29 = tpu.memref_slice %arg6[%mul3A_13, %dma_wait3A_28] : memref<32000x128xf32, #tpu.memory_space<hbm>> -> memref<128x128xf32, #tpu.memory_space<hbm>>
          %dma_wait3A_30 = arith.constant 0 : i32
          %dma_wait3A_31 = tpu.memref_slice %arg6[%mul3A_13, %dma_wait3A_30] : memref<32000x128xf32, #tpu.memory_space<hbm>> -> memref<128x128xf32, #tpu.memory_space<hbm>>
          tpu.wait_dma2 semaphore(%run_scoped3A : memref<!tpu.dma_semaphore, #tpu.memory_space<semaphore_mem>>) src(%arg10 : memref<128x128xf32, #tpu.memory_space<vmem>>) dst(%dma_wait3A_31 : memref<128x128xf32, #tpu.memory_space<hbm>>)
          tpu.yield
        }) : () -> ()
      } else {
      }
    }
    %scan3A_5 = arith.constant 8 : i32
    return
  }
}

#map = affine_map<(d0, d1) -> (0, 0)>
#map1 = affine_map<(d0, d1) -> (0)>
module attributes {stable_mosaic.version = 14 : i64} {
  func.func @_gather_body(%arg0: i32, %arg1: i32, %arg2: memref<10000x128xf32, #tpu.memory_space<hbm>>, %arg3: memref<32000xi32, #tpu.memory_space<hbm>>, %arg4: memref<32000xi32, #tpu.memory_space<hbm>>, %arg5: memref<32000x128xf32, #tpu.memory_space<hbm>>, %arg6: memref<32000x128xf32, #tpu.memory_space<hbm>>, %arg7: memref<128xi32, #tpu.memory_space<vmem>>, %arg8: memref<128xi32, #tpu.memory_space<vmem>>, %arg9: memref<128x128xf32, #tpu.memory_space<vmem>>, %arg10: memref<128x128xf32, #tpu.memory_space<vmem>>, %arg11: memref<!tpu.dma_semaphore, #tpu.memory_space<semaphore_mem>>, %arg12: memref<!tpu.dma_semaphore, #tpu.memory_space<semaphore_mem>>) attributes {dimension_semantics = [#tpu.dimension_semantics<core_parallel>, #tpu.dimension_semantics<subcore_parallel>], iteration_bounds = array<i64: 2, 16>, scalar_prefetch = 0 : i64, scratch_operands = 6 : i64, tpu.core_type = #tpu.core_type<sc_vector_subcore>, window_params = [{transform_indices = #map}, {transform_indices = #map1}, {transform_indices = #map1}, {transform_indices = #map}, {transform_indices = #map}]} {
    %mul3A = arith.constant 2 : i32
    %mul3A_0 = arith.muli %arg1, %mul3A : i32
    %add3A = arith.addi %mul3A_0, %arg0 : i32
    %scan3A = arith.constant 0 : i32
    %scan3A_1 = arith.constant 0 : i32
    %scan3A_2 = arith.constant 8 : i32
    %scan3A_3 = arith.addi %scan3A_1, %scan3A_2 : i32
    %scan3A_4 = arith.constant 1 : i32
    scf.for %scan3A_6 = %scan3A_1 to %scan3A_3 step %scan3A_4  : i32 {
      %mul3A_7 = arith.constant 32 : i32
      %mul3A_8 = arith.muli %scan3A_6, %mul3A_7 : i32
      %add3A_9 = arith.addi %mul3A_8, %add3A : i32
      %lt3A = arith.constant 250 : i32
      %lt3A_10 = arith.cmpi slt, %add3A_9, %lt3A : i32
      %convert_element_type3A = arith.extui %lt3A_10 : i1 to i32
      %cond3A = arith.constant 0 : i32
      %cond3A_11 = arith.cmpi ne, %convert_element_type3A, %cond3A : i32
      scf.if %cond3A_11 {
        %mul3A_12 = arith.constant 128 : i32
        %mul3A_13 = arith.muli %add3A_9, %mul3A_12 : i32
        "tpu.region"() ({
          %run_scoped3A = tpu.sem_alloc : memref<!tpu.dma_semaphore, #tpu.memory_space<semaphore_mem>>
          %dma_start3A_24 = tpu.memref_slice %arg3[%mul3A_13] : memref<32000xi32, #tpu.memory_space<hbm>> -> memref<128xi32, #tpu.memory_space<hbm>>
          %dma_start3A_25 = tpu.memref_slice %arg3[%mul3A_13] : memref<32000xi32, #tpu.memory_space<hbm>> -> memref<128xi32, #tpu.memory_space<hbm>>
          tpu.enqueue_dma source(%dma_start3A_25 : memref<128xi32, #tpu.memory_space<hbm>>) target(%arg7 : memref<128xi32, #tpu.memory_space<vmem>>) target_semaphore(%run_scoped3A : memref<!tpu.dma_semaphore, #tpu.memory_space<semaphore_mem>>)
          %dma_wait3A_26 = tpu.memref_slice %arg3[%mul3A_13] : memref<32000xi32, #tpu.memory_space<hbm>> -> memref<128xi32, #tpu.memory_space<hbm>>
          %dma_wait3A_27 = tpu.memref_slice %arg3[%mul3A_13] : memref<32000xi32, #tpu.memory_space<hbm>> -> memref<128xi32, #tpu.memory_space<hbm>>
          tpu.wait_dma2 semaphore(%run_scoped3A : memref<!tpu.dma_semaphore, #tpu.memory_space<semaphore_mem>>) src(%dma_wait3A_27 : memref<128xi32, #tpu.memory_space<hbm>>) dst(%arg7 : memref<128xi32, #tpu.memory_space<vmem>>)
          tpu.yield
        }) : () -> ()
        "tpu.region"() ({
          %run_scoped3A = tpu.sem_alloc : memref<!tpu.dma_semaphore, #tpu.memory_space<semaphore_mem>>
          %dma_start3A_24 = tpu.memref_slice %arg4[%mul3A_13] : memref<32000xi32, #tpu.memory_space<hbm>> -> memref<128xi32, #tpu.memory_space<hbm>>
          %dma_start3A_25 = tpu.memref_slice %arg4[%mul3A_13] : memref<32000xi32, #tpu.memory_space<hbm>> -> memref<128xi32, #tpu.memory_space<hbm>>
          tpu.enqueue_dma source(%dma_start3A_25 : memref<128xi32, #tpu.memory_space<hbm>>) target(%arg8 : memref<128xi32, #tpu.memory_space<vmem>>) target_semaphore(%run_scoped3A : memref<!tpu.dma_semaphore, #tpu.memory_space<semaphore_mem>>)
          %dma_wait3A_26 = tpu.memref_slice %arg4[%mul3A_13] : memref<32000xi32, #tpu.memory_space<hbm>> -> memref<128xi32, #tpu.memory_space<hbm>>
          %dma_wait3A_27 = tpu.memref_slice %arg4[%mul3A_13] : memref<32000xi32, #tpu.memory_space<hbm>> -> memref<128xi32, #tpu.memory_space<hbm>>
          tpu.wait_dma2 semaphore(%run_scoped3A : memref<!tpu.dma_semaphore, #tpu.memory_space<semaphore_mem>>) src(%dma_wait3A_27 : memref<128xi32, #tpu.memory_space<hbm>>) dst(%arg8 : memref<128xi32, #tpu.memory_space<vmem>>)
          tpu.yield
        }) : () -> ()
        %dma_start3A = arith.constant 0 : i32
        %dma_start3A_14 = arith.constant 0 : i32
        %dma_start3A_15 = tpu.memref_slice %arg2[%dma_start3A, %dma_start3A_14] : memref<10000x128xf32, #tpu.memory_space<hbm>> -> memref<10000x128xf32, #tpu.memory_space<hbm>>
        tpu.enqueue_indirect_dma source(%dma_start3A_15 : memref<10000x128xf32, #tpu.memory_space<hbm>>) target(%arg9 : memref<128x128xf32, #tpu.memory_space<vmem>>) offsets(%arg7 : memref<128xi32, #tpu.memory_space<vmem>>) semaphore(%arg11 : memref<!tpu.dma_semaphore, #tpu.memory_space<semaphore_mem>>)
        %dma_start3A_16 = arith.constant 0 : i32
        %dma_start3A_17 = arith.constant 0 : i32
        %dma_start3A_18 = tpu.memref_slice %arg2[%dma_start3A_16, %dma_start3A_17] : memref<10000x128xf32, #tpu.memory_space<hbm>> -> memref<10000x128xf32, #tpu.memory_space<hbm>>
        tpu.enqueue_indirect_dma source(%dma_start3A_18 : memref<10000x128xf32, #tpu.memory_space<hbm>>) target(%arg10 : memref<128x128xf32, #tpu.memory_space<vmem>>) offsets(%arg8 : memref<128xi32, #tpu.memory_space<vmem>>) semaphore(%arg12 : memref<!tpu.dma_semaphore, #tpu.memory_space<semaphore_mem>>)
        %dma_wait3A = arith.constant 0 : i32
        %dma_wait3A_19 = arith.constant 0 : i32
        %dma_wait3A_20 = tpu.memref_slice %arg2[%dma_wait3A, %dma_wait3A_19] : memref<10000x128xf32, #tpu.memory_space<hbm>> -> memref<10000x128xf32, #tpu.memory_space<hbm>>
        tpu.wait_indirect_dma semaphore(%arg11 : memref<!tpu.dma_semaphore, #tpu.memory_space<semaphore_mem>>) src(%dma_wait3A_20 : memref<10000x128xf32, #tpu.memory_space<hbm>>) dst(%arg9 : memref<128x128xf32, #tpu.memory_space<vmem>>)
        %dma_wait3A_21 = arith.constant 0 : i32
        %dma_wait3A_22 = arith.constant 0 : i32
        %dma_wait3A_23 = tpu.memref_slice %arg2[%dma_wait3A_21, %dma_wait3A_22] : memref<10000x128xf32, #tpu.memory_space<hbm>> -> memref<10000x128xf32, #tpu.memory_space<hbm>>
        tpu.wait_indirect_dma semaphore(%arg12 : memref<!tpu.dma_semaphore, #tpu.memory_space<semaphore_mem>>) src(%dma_wait3A_23 : memref<10000x128xf32, #tpu.memory_space<hbm>>) dst(%arg10 : memref<128x128xf32, #tpu.memory_space<vmem>>)
        "tpu.region"() ({
          %run_scoped3A = tpu.sem_alloc : memref<!tpu.dma_semaphore, #tpu.memory_space<semaphore_mem>>
          %dma_start3A_24 = arith.constant 0 : i32
          %dma_start3A_25 = tpu.memref_slice %arg5[%mul3A_13, %dma_start3A_24] : memref<32000x128xf32, #tpu.memory_space<hbm>> -> memref<128x128xf32, #tpu.memory_space<hbm>>
          %dma_start3A_26 = arith.constant 0 : i32
          %dma_start3A_27 = tpu.memref_slice %arg5[%mul3A_13, %dma_start3A_26] : memref<32000x128xf32, #tpu.memory_space<hbm>> -> memref<128x128xf32, #tpu.memory_space<hbm>>
          tpu.enqueue_dma source(%arg9 : memref<128x128xf32, #tpu.memory_space<vmem>>) target(%dma_start3A_27 : memref<128x128xf32, #tpu.memory_space<hbm>>) target_semaphore(%run_scoped3A : memref<!tpu.dma_semaphore, #tpu.memory_space<semaphore_mem>>)
          %dma_wait3A_28 = arith.constant 0 : i32
          %dma_wait3A_29 = tpu.memref_slice %arg5[%mul3A_13, %dma_wait3A_28] : memref<32000x128xf32, #tpu.memory_space<hbm>> -> memref<128x128xf32, #tpu.memory_space<hbm>>
          %dma_wait3A_30 = arith.constant 0 : i32
          %dma_wait3A_31 = tpu.memref_slice %arg5[%mul3A_13, %dma_wait3A_30] : memref<32000x128xf32, #tpu.memory_space<hbm>> -> memref<128x128xf32, #tpu.memory_space<hbm>>
          tpu.wait_dma2 semaphore(%run_scoped3A : memref<!tpu.dma_semaphore, #tpu.memory_space<semaphore_mem>>) src(%arg9 : memref<128x128xf32, #tpu.memory_space<vmem>>) dst(%dma_wait3A_31 : memref<128x128xf32, #tpu.memory_space<hbm>>)
          tpu.yield
        }) : () -> ()
        "tpu.region"() ({
          %run_scoped3A = tpu.sem_alloc : memref<!tpu.dma_semaphore, #tpu.memory_space<semaphore_mem>>
          %dma_start3A_24 = arith.constant 0 : i32
          %dma_start3A_25 = tpu.memref_slice %arg6[%mul3A_13, %dma_start3A_24] : memref<32000x128xf32, #tpu.memory_space<hbm>> -> memref<128x128xf32, #tpu.memory_space<hbm>>
          %dma_start3A_26 = arith.constant 0 : i32
          %dma_start3A_27 = tpu.memref_slice %arg6[%mul3A_13, %dma_start3A_26] : memref<32000x128xf32, #tpu.memory_space<hbm>> -> memref<128x128xf32, #tpu.memory_space<hbm>>
          tpu.enqueue_dma source(%arg10 : memref<128x128xf32, #tpu.memory_space<vmem>>) target(%dma_start3A_27 : memref<128x128xf32, #tpu.memory_space<hbm>>) target_semaphore(%run_scoped3A : memref<!tpu.dma_semaphore, #tpu.memory_space<semaphore_mem>>)
          %dma_wait3A_28 = arith.constant 0 : i32
          %dma_wait3A_29 = tpu.memref_slice %arg6[%mul3A_13, %dma_wait3A_28] : memref<32000x128xf32, #tpu.memory_space<hbm>> -> memref<128x128xf32, #tpu.memory_space<hbm>>
          %dma_wait3A_30 = arith.constant 0 : i32
          %dma_wait3A_31 = tpu.memref_slice %arg6[%mul3A_13, %dma_wait3A_30] : memref<32000x128xf32, #tpu.memory_space<hbm>> -> memref<128x128xf32, #tpu.memory_space<hbm>>
          tpu.wait_dma2 semaphore(%run_scoped3A : memref<!tpu.dma_semaphore, #tpu.memory_space<semaphore_mem>>) src(%arg10 : memref<128x128xf32, #tpu.memory_space<vmem>>) dst(%dma_wait3A_31 : memref<128x128xf32, #tpu.memory_space<hbm>>)
          tpu.yield
        }) : () -> ()
      } else {
      }
    }
    %scan3A_5 = arith.constant 8 : i32
    return
  }
}

#map = affine_map<(d0, d1) -> (0, 0)>
#map1 = affine_map<(d0, d1) -> (0)>
module attributes {stable_mosaic.version = 14 : i64} {
  func.func @_gather_body(%arg0: i32, %arg1: i32, %arg2: memref<10000x128xf32, #tpu.memory_space<hbm>>, %arg3: memref<32000xi32, #tpu.memory_space<hbm>>, %arg4: memref<32000xi32, #tpu.memory_space<hbm>>, %arg5: memref<32000x128xf32, #tpu.memory_space<hbm>>, %arg6: memref<32000x128xf32, #tpu.memory_space<hbm>>, %arg7: memref<128xi32, #tpu.memory_space<vmem>>, %arg8: memref<128xi32, #tpu.memory_space<vmem>>, %arg9: memref<128x128xf32, #tpu.memory_space<vmem>>, %arg10: memref<128x128xf32, #tpu.memory_space<vmem>>, %arg11: memref<!tpu.dma_semaphore, #tpu.memory_space<semaphore_mem>>, %arg12: memref<!tpu.dma_semaphore, #tpu.memory_space<semaphore_mem>>) attributes {dimension_semantics = [#tpu.dimension_semantics<core_parallel>, #tpu.dimension_semantics<subcore_parallel>], iteration_bounds = array<i64: 2, 16>, scalar_prefetch = 0 : i64, scratch_operands = 6 : i64, tpu.core_type = #tpu.core_type<sc_vector_subcore>, window_params = [{transform_indices = #map}, {transform_indices = #map1}, {transform_indices = #map1}, {transform_indices = #map}, {transform_indices = #map}]} {
    %mul3A = arith.constant 2 : i32
    %mul3A_0 = arith.muli %arg1, %mul3A : i32
    %add3A = arith.addi %mul3A_0, %arg0 : i32
    %scan3A = arith.constant 0 : i32
    %scan3A_1 = arith.constant 0 : i32
    %scan3A_2 = arith.constant 8 : i32
    %scan3A_3 = arith.addi %scan3A_1, %scan3A_2 : i32
    %scan3A_4 = arith.constant 1 : i32
    scf.for %scan3A_6 = %scan3A_1 to %scan3A_3 step %scan3A_4  : i32 {
      %mul3A_7 = arith.constant 32 : i32
      %mul3A_8 = arith.muli %scan3A_6, %mul3A_7 : i32
      %add3A_9 = arith.addi %mul3A_8, %add3A : i32
      %lt3A = arith.constant 250 : i32
      %lt3A_10 = arith.cmpi slt, %add3A_9, %lt3A : i32
      %convert_element_type3A = arith.extui %lt3A_10 : i1 to i32
      %cond3A = arith.constant 0 : i32
      %cond3A_11 = arith.cmpi ne, %convert_element_type3A, %cond3A : i32
      scf.if %cond3A_11 {
        %mul3A_12 = arith.constant 128 : i32
        %mul3A_13 = arith.muli %add3A_9, %mul3A_12 : i32
        "tpu.region"() ({
          %run_scoped3A = tpu.sem_alloc : memref<!tpu.dma_semaphore, #tpu.memory_space<semaphore_mem>>
          %dma_start3A_24 = tpu.memref_slice %arg3[%mul3A_13] : memref<32000xi32, #tpu.memory_space<hbm>> -> memref<128xi32, #tpu.memory_space<hbm>>
          %dma_start3A_25 = tpu.memref_slice %arg3[%mul3A_13] : memref<32000xi32, #tpu.memory_space<hbm>> -> memref<128xi32, #tpu.memory_space<hbm>>
          tpu.enqueue_dma source(%dma_start3A_25 : memref<128xi32, #tpu.memory_space<hbm>>) target(%arg7 : memref<128xi32, #tpu.memory_space<vmem>>) target_semaphore(%run_scoped3A : memref<!tpu.dma_semaphore, #tpu.memory_space<semaphore_mem>>)
          %dma_wait3A_26 = tpu.memref_slice %arg3[%mul3A_13] : memref<32000xi32, #tpu.memory_space<hbm>> -> memref<128xi32, #tpu.memory_space<hbm>>
          %dma_wait3A_27 = tpu.memref_slice %arg3[%mul3A_13] : memref<32000xi32, #tpu.memory_space<hbm>> -> memref<128xi32, #tpu.memory_space<hbm>>
          tpu.wait_dma2 semaphore(%run_scoped3A : memref<!tpu.dma_semaphore, #tpu.memory_space<semaphore_mem>>) src(%dma_wait3A_27 : memref<128xi32, #tpu.memory_space<hbm>>) dst(%arg7 : memref<128xi32, #tpu.memory_space<vmem>>)
          tpu.yield
        }) : () -> ()
        "tpu.region"() ({
          %run_scoped3A = tpu.sem_alloc : memref<!tpu.dma_semaphore, #tpu.memory_space<semaphore_mem>>
          %dma_start3A_24 = tpu.memref_slice %arg4[%mul3A_13] : memref<32000xi32, #tpu.memory_space<hbm>> -> memref<128xi32, #tpu.memory_space<hbm>>
          %dma_start3A_25 = tpu.memref_slice %arg4[%mul3A_13] : memref<32000xi32, #tpu.memory_space<hbm>> -> memref<128xi32, #tpu.memory_space<hbm>>
          tpu.enqueue_dma source(%dma_start3A_25 : memref<128xi32, #tpu.memory_space<hbm>>) target(%arg8 : memref<128xi32, #tpu.memory_space<vmem>>) target_semaphore(%run_scoped3A : memref<!tpu.dma_semaphore, #tpu.memory_space<semaphore_mem>>)
          %dma_wait3A_26 = tpu.memref_slice %arg4[%mul3A_13] : memref<32000xi32, #tpu.memory_space<hbm>> -> memref<128xi32, #tpu.memory_space<hbm>>
          %dma_wait3A_27 = tpu.memref_slice %arg4[%mul3A_13] : memref<32000xi32, #tpu.memory_space<hbm>> -> memref<128xi32, #tpu.memory_space<hbm>>
          tpu.wait_dma2 semaphore(%run_scoped3A : memref<!tpu.dma_semaphore, #tpu.memory_space<semaphore_mem>>) src(%dma_wait3A_27 : memref<128xi32, #tpu.memory_space<hbm>>) dst(%arg8 : memref<128xi32, #tpu.memory_space<vmem>>)
          tpu.yield
        }) : () -> ()
        %dma_start3A = arith.constant 0 : i32
        %dma_start3A_14 = arith.constant 0 : i32
        %dma_start3A_15 = tpu.memref_slice %arg2[%dma_start3A, %dma_start3A_14] : memref<10000x128xf32, #tpu.memory_space<hbm>> -> memref<10000x128xf32, #tpu.memory_space<hbm>>
        tpu.enqueue_indirect_dma source(%dma_start3A_15 : memref<10000x128xf32, #tpu.memory_space<hbm>>) target(%arg9 : memref<128x128xf32, #tpu.memory_space<vmem>>) offsets(%arg7 : memref<128xi32, #tpu.memory_space<vmem>>) semaphore(%arg11 : memref<!tpu.dma_semaphore, #tpu.memory_space<semaphore_mem>>)
        %dma_start3A_16 = arith.constant 0 : i32
        %dma_start3A_17 = arith.constant 0 : i32
        %dma_start3A_18 = tpu.memref_slice %arg2[%dma_start3A_16, %dma_start3A_17] : memref<10000x128xf32, #tpu.memory_space<hbm>> -> memref<10000x128xf32, #tpu.memory_space<hbm>>
        tpu.enqueue_indirect_dma source(%dma_start3A_18 : memref<10000x128xf32, #tpu.memory_space<hbm>>) target(%arg10 : memref<128x128xf32, #tpu.memory_space<vmem>>) offsets(%arg8 : memref<128xi32, #tpu.memory_space<vmem>>) semaphore(%arg12 : memref<!tpu.dma_semaphore, #tpu.memory_space<semaphore_mem>>)
        %dma_wait3A = arith.constant 0 : i32
        %dma_wait3A_19 = arith.constant 0 : i32
        %dma_wait3A_20 = tpu.memref_slice %arg2[%dma_wait3A, %dma_wait3A_19] : memref<10000x128xf32, #tpu.memory_space<hbm>> -> memref<10000x128xf32, #tpu.memory_space<hbm>>
        tpu.wait_indirect_dma semaphore(%arg11 : memref<!tpu.dma_semaphore, #tpu.memory_space<semaphore_mem>>) src(%dma_wait3A_20 : memref<10000x128xf32, #tpu.memory_space<hbm>>) dst(%arg9 : memref<128x128xf32, #tpu.memory_space<vmem>>)
        %dma_wait3A_21 = arith.constant 0 : i32
        %dma_wait3A_22 = arith.constant 0 : i32
        %dma_wait3A_23 = tpu.memref_slice %arg2[%dma_wait3A_21, %dma_wait3A_22] : memref<10000x128xf32, #tpu.memory_space<hbm>> -> memref<10000x128xf32, #tpu.memory_space<hbm>>
        tpu.wait_indirect_dma semaphore(%arg12 : memref<!tpu.dma_semaphore, #tpu.memory_space<semaphore_mem>>) src(%dma_wait3A_23 : memref<10000x128xf32, #tpu.memory_space<hbm>>) dst(%arg10 : memref<128x128xf32, #tpu.memory_space<vmem>>)
        "tpu.region"() ({
          %run_scoped3A = tpu.sem_alloc : memref<!tpu.dma_semaphore, #tpu.memory_space<semaphore_mem>>
          %dma_start3A_24 = arith.constant 0 : i32
          %dma_start3A_25 = tpu.memref_slice %arg5[%mul3A_13, %dma_start3A_24] : memref<32000x128xf32, #tpu.memory_space<hbm>> -> memref<128x128xf32, #tpu.memory_space<hbm>>
          %dma_start3A_26 = arith.constant 0 : i32
          %dma_start3A_27 = tpu.memref_slice %arg5[%mul3A_13, %dma_start3A_26] : memref<32000x128xf32, #tpu.memory_space<hbm>> -> memref<128x128xf32, #tpu.memory_space<hbm>>
          tpu.enqueue_dma source(%arg9 : memref<128x128xf32, #tpu.memory_space<vmem>>) target(%dma_start3A_27 : memref<128x128xf32, #tpu.memory_space<hbm>>) target_semaphore(%run_scoped3A : memref<!tpu.dma_semaphore, #tpu.memory_space<semaphore_mem>>)
          %dma_wait3A_28 = arith.constant 0 : i32
          %dma_wait3A_29 = tpu.memref_slice %arg5[%mul3A_13, %dma_wait3A_28] : memref<32000x128xf32, #tpu.memory_space<hbm>> -> memref<128x128xf32, #tpu.memory_space<hbm>>
          %dma_wait3A_30 = arith.constant 0 : i32
          %dma_wait3A_31 = tpu.memref_slice %arg5[%mul3A_13, %dma_wait3A_30] : memref<32000x128xf32, #tpu.memory_space<hbm>> -> memref<128x128xf32, #tpu.memory_space<hbm>>
          tpu.wait_dma2 semaphore(%run_scoped3A : memref<!tpu.dma_semaphore, #tpu.memory_space<semaphore_mem>>) src(%arg9 : memref<128x128xf32, #tpu.memory_space<vmem>>) dst(%dma_wait3A_31 : memref<128x128xf32, #tpu.memory_space<hbm>>)
          tpu.yield
        }) : () -> ()
        "tpu.region"() ({
          %run_scoped3A = tpu.sem_alloc : memref<!tpu.dma_semaphore, #tpu.memory_space<semaphore_mem>>
          %dma_start3A_24 = arith.constant 0 : i32
          %dma_start3A_25 = tpu.memref_slice %arg6[%mul3A_13, %dma_start3A_24] : memref<32000x128xf32, #tpu.memory_space<hbm>> -> memref<128x128xf32, #tpu.memory_space<hbm>>
          %dma_start3A_26 = arith.constant 0 : i32
          %dma_start3A_27 = tpu.memref_slice %arg6[%mul3A_13, %dma_start3A_26] : memref<32000x128xf32, #tpu.memory_space<hbm>> -> memref<128x128xf32, #tpu.memory_space<hbm>>
          tpu.enqueue_dma source(%arg10 : memref<128x128xf32, #tpu.memory_space<vmem>>) target(%dma_start3A_27 : memref<128x128xf32, #tpu.memory_space<hbm>>) target_semaphore(%run_scoped3A : memref<!tpu.dma_semaphore, #tpu.memory_space<semaphore_mem>>)
          %dma_wait3A_28 = arith.constant 0 : i32
          %dma_wait3A_29 = tpu.memref_slice %arg6[%mul3A_13, %dma_wait3A_28] : memref<32000x128xf32, #tpu.memory_space<hbm>> -> memref<128x128xf32, #tpu.memory_space<hbm>>
          %dma_wait3A_30 = arith.constant 0 : i32
          %dma_wait3A_31 = tpu.memref_slice %arg6[%mul3A_13, %dma_wait3A_30] : memref<32000x128xf32, #tpu.memory_space<hbm>> -> memref<128x128xf32, #tpu.memory_space<hbm>>
          tpu.wait_dma2 semaphore(%run_scoped3A : memref<!tpu.dma_semaphore, #tpu.memory_space<semaphore_mem>>) src(%arg10 : memref<128x128xf32, #tpu.memory_space<vmem>>) dst(%dma_wait3A_31 : memref<128x128xf32, #tpu.memory_space<hbm>>)
          tpu.yield
        }) : () -> ()
      } else {
      }
    }
    %scan3A_5 = arith.constant 8 : i32
    return
  }
}

#map = affine_map<(d0, d1) -> (0, 0)>
#map1 = affine_map<(d0, d1) -> (0)>
module attributes {stable_mosaic.version = 14 : i64} {
  func.func @_gather_body(%arg0: i32, %arg1: i32, %arg2: memref<10000x128xf32, #tpu.memory_space<hbm>>, %arg3: memref<32000xi32, #tpu.memory_space<hbm>>, %arg4: memref<32000xi32, #tpu.memory_space<hbm>>, %arg5: memref<32000x128xf32, #tpu.memory_space<hbm>>, %arg6: memref<32000x128xf32, #tpu.memory_space<hbm>>, %arg7: memref<128xi32, #tpu.memory_space<vmem>>, %arg8: memref<128xi32, #tpu.memory_space<vmem>>, %arg9: memref<128x128xf32, #tpu.memory_space<vmem>>, %arg10: memref<128x128xf32, #tpu.memory_space<vmem>>, %arg11: memref<!tpu.dma_semaphore, #tpu.memory_space<semaphore_mem>>, %arg12: memref<!tpu.dma_semaphore, #tpu.memory_space<semaphore_mem>>) attributes {dimension_semantics = [#tpu.dimension_semantics<core_parallel>, #tpu.dimension_semantics<subcore_parallel>], iteration_bounds = array<i64: 2, 16>, scalar_prefetch = 0 : i64, scratch_operands = 6 : i64, tpu.core_type = #tpu.core_type<sc_vector_subcore>, window_params = [{transform_indices = #map}, {transform_indices = #map1}, {transform_indices = #map1}, {transform_indices = #map}, {transform_indices = #map}]} {
    %mul3A = arith.constant 2 : i32
    %mul3A_0 = arith.muli %arg1, %mul3A : i32
    %add3A = arith.addi %mul3A_0, %arg0 : i32
    %scan3A = arith.constant 0 : i32
    %scan3A_1 = arith.constant 0 : i32
    %scan3A_2 = arith.constant 8 : i32
    %scan3A_3 = arith.addi %scan3A_1, %scan3A_2 : i32
    %scan3A_4 = arith.constant 1 : i32
    scf.for %scan3A_6 = %scan3A_1 to %scan3A_3 step %scan3A_4  : i32 {
      %mul3A_7 = arith.constant 32 : i32
      %mul3A_8 = arith.muli %scan3A_6, %mul3A_7 : i32
      %add3A_9 = arith.addi %mul3A_8, %add3A : i32
      %lt3A = arith.constant 250 : i32
      %lt3A_10 = arith.cmpi slt, %add3A_9, %lt3A : i32
      %convert_element_type3A = arith.extui %lt3A_10 : i1 to i32
      %cond3A = arith.constant 0 : i32
      %cond3A_11 = arith.cmpi ne, %convert_element_type3A, %cond3A : i32
      scf.if %cond3A_11 {
        %mul3A_12 = arith.constant 128 : i32
        %mul3A_13 = arith.muli %add3A_9, %mul3A_12 : i32
        "tpu.region"() ({
          %run_scoped3A = tpu.sem_alloc : memref<!tpu.dma_semaphore, #tpu.memory_space<semaphore_mem>>
          %dma_start3A_24 = tpu.memref_slice %arg3[%mul3A_13] : memref<32000xi32, #tpu.memory_space<hbm>> -> memref<128xi32, #tpu.memory_space<hbm>>
          %dma_start3A_25 = tpu.memref_slice %arg3[%mul3A_13] : memref<32000xi32, #tpu.memory_space<hbm>> -> memref<128xi32, #tpu.memory_space<hbm>>
          tpu.enqueue_dma source(%dma_start3A_25 : memref<128xi32, #tpu.memory_space<hbm>>) target(%arg7 : memref<128xi32, #tpu.memory_space<vmem>>) target_semaphore(%run_scoped3A : memref<!tpu.dma_semaphore, #tpu.memory_space<semaphore_mem>>)
          %dma_wait3A_26 = tpu.memref_slice %arg3[%mul3A_13] : memref<32000xi32, #tpu.memory_space<hbm>> -> memref<128xi32, #tpu.memory_space<hbm>>
          %dma_wait3A_27 = tpu.memref_slice %arg3[%mul3A_13] : memref<32000xi32, #tpu.memory_space<hbm>> -> memref<128xi32, #tpu.memory_space<hbm>>
          tpu.wait_dma2 semaphore(%run_scoped3A : memref<!tpu.dma_semaphore, #tpu.memory_space<semaphore_mem>>) src(%dma_wait3A_27 : memref<128xi32, #tpu.memory_space<hbm>>) dst(%arg7 : memref<128xi32, #tpu.memory_space<vmem>>)
          tpu.yield
        }) : () -> ()
        "tpu.region"() ({
          %run_scoped3A = tpu.sem_alloc : memref<!tpu.dma_semaphore, #tpu.memory_space<semaphore_mem>>
          %dma_start3A_24 = tpu.memref_slice %arg4[%mul3A_13] : memref<32000xi32, #tpu.memory_space<hbm>> -> memref<128xi32, #tpu.memory_space<hbm>>
          %dma_start3A_25 = tpu.memref_slice %arg4[%mul3A_13] : memref<32000xi32, #tpu.memory_space<hbm>> -> memref<128xi32, #tpu.memory_space<hbm>>
          tpu.enqueue_dma source(%dma_start3A_25 : memref<128xi32, #tpu.memory_space<hbm>>) target(%arg8 : memref<128xi32, #tpu.memory_space<vmem>>) target_semaphore(%run_scoped3A : memref<!tpu.dma_semaphore, #tpu.memory_space<semaphore_mem>>)
          %dma_wait3A_26 = tpu.memref_slice %arg4[%mul3A_13] : memref<32000xi32, #tpu.memory_space<hbm>> -> memref<128xi32, #tpu.memory_space<hbm>>
          %dma_wait3A_27 = tpu.memref_slice %arg4[%mul3A_13] : memref<32000xi32, #tpu.memory_space<hbm>> -> memref<128xi32, #tpu.memory_space<hbm>>
          tpu.wait_dma2 semaphore(%run_scoped3A : memref<!tpu.dma_semaphore, #tpu.memory_space<semaphore_mem>>) src(%dma_wait3A_27 : memref<128xi32, #tpu.memory_space<hbm>>) dst(%arg8 : memref<128xi32, #tpu.memory_space<vmem>>)
          tpu.yield
        }) : () -> ()
        %dma_start3A = arith.constant 0 : i32
        %dma_start3A_14 = arith.constant 0 : i32
        %dma_start3A_15 = tpu.memref_slice %arg2[%dma_start3A, %dma_start3A_14] : memref<10000x128xf32, #tpu.memory_space<hbm>> -> memref<10000x128xf32, #tpu.memory_space<hbm>>
        tpu.enqueue_indirect_dma source(%dma_start3A_15 : memref<10000x128xf32, #tpu.memory_space<hbm>>) target(%arg9 : memref<128x128xf32, #tpu.memory_space<vmem>>) offsets(%arg7 : memref<128xi32, #tpu.memory_space<vmem>>) semaphore(%arg11 : memref<!tpu.dma_semaphore, #tpu.memory_space<semaphore_mem>>)
        %dma_start3A_16 = arith.constant 0 : i32
        %dma_start3A_17 = arith.constant 0 : i32
        %dma_start3A_18 = tpu.memref_slice %arg2[%dma_start3A_16, %dma_start3A_17] : memref<10000x128xf32, #tpu.memory_space<hbm>> -> memref<10000x128xf32, #tpu.memory_space<hbm>>
        tpu.enqueue_indirect_dma source(%dma_start3A_18 : memref<10000x128xf32, #tpu.memory_space<hbm>>) target(%arg10 : memref<128x128xf32, #tpu.memory_space<vmem>>) offsets(%arg8 : memref<128xi32, #tpu.memory_space<vmem>>) semaphore(%arg12 : memref<!tpu.dma_semaphore, #tpu.memory_space<semaphore_mem>>)
        %dma_wait3A = arith.constant 0 : i32
        %dma_wait3A_19 = arith.constant 0 : i32
        %dma_wait3A_20 = tpu.memref_slice %arg2[%dma_wait3A, %dma_wait3A_19] : memref<10000x128xf32, #tpu.memory_space<hbm>> -> memref<10000x128xf32, #tpu.memory_space<hbm>>
        tpu.wait_indirect_dma semaphore(%arg11 : memref<!tpu.dma_semaphore, #tpu.memory_space<semaphore_mem>>) src(%dma_wait3A_20 : memref<10000x128xf32, #tpu.memory_space<hbm>>) dst(%arg9 : memref<128x128xf32, #tpu.memory_space<vmem>>)
        %dma_wait3A_21 = arith.constant 0 : i32
        %dma_wait3A_22 = arith.constant 0 : i32
        %dma_wait3A_23 = tpu.memref_slice %arg2[%dma_wait3A_21, %dma_wait3A_22] : memref<10000x128xf32, #tpu.memory_space<hbm>> -> memref<10000x128xf32, #tpu.memory_space<hbm>>
        tpu.wait_indirect_dma semaphore(%arg12 : memref<!tpu.dma_semaphore, #tpu.memory_space<semaphore_mem>>) src(%dma_wait3A_23 : memref<10000x128xf32, #tpu.memory_space<hbm>>) dst(%arg10 : memref<128x128xf32, #tpu.memory_space<vmem>>)
        "tpu.region"() ({
          %run_scoped3A = tpu.sem_alloc : memref<!tpu.dma_semaphore, #tpu.memory_space<semaphore_mem>>
          %dma_start3A_24 = arith.constant 0 : i32
          %dma_start3A_25 = tpu.memref_slice %arg5[%mul3A_13, %dma_start3A_24] : memref<32000x128xf32, #tpu.memory_space<hbm>> -> memref<128x128xf32, #tpu.memory_space<hbm>>
          %dma_start3A_26 = arith.constant 0 : i32
          %dma_start3A_27 = tpu.memref_slice %arg5[%mul3A_13, %dma_start3A_26] : memref<32000x128xf32, #tpu.memory_space<hbm>> -> memref<128x128xf32, #tpu.memory_space<hbm>>
          tpu.enqueue_dma source(%arg9 : memref<128x128xf32, #tpu.memory_space<vmem>>) target(%dma_start3A_27 : memref<128x128xf32, #tpu.memory_space<hbm>>) target_semaphore(%run_scoped3A : memref<!tpu.dma_semaphore, #tpu.memory_space<semaphore_mem>>)
          %dma_wait3A_28 = arith.constant 0 : i32
          %dma_wait3A_29 = tpu.memref_slice %arg5[%mul3A_13, %dma_wait3A_28] : memref<32000x128xf32, #tpu.memory_space<hbm>> -> memref<128x128xf32, #tpu.memory_space<hbm>>
          %dma_wait3A_30 = arith.constant 0 : i32
          %dma_wait3A_31 = tpu.memref_slice %arg5[%mul3A_13, %dma_wait3A_30] : memref<32000x128xf32, #tpu.memory_space<hbm>> -> memref<128x128xf32, #tpu.memory_space<hbm>>
          tpu.wait_dma2 semaphore(%run_scoped3A : memref<!tpu.dma_semaphore, #tpu.memory_space<semaphore_mem>>) src(%arg9 : memref<128x128xf32, #tpu.memory_space<vmem>>) dst(%dma_wait3A_31 : memref<128x128xf32, #tpu.memory_space<hbm>>)
          tpu.yield
        }) : () -> ()
        "tpu.region"() ({
          %run_scoped3A = tpu.sem_alloc : memref<!tpu.dma_semaphore, #tpu.memory_space<semaphore_mem>>
          %dma_start3A_24 = arith.constant 0 : i32
          %dma_start3A_25 = tpu.memref_slice %arg6[%mul3A_13, %dma_start3A_24] : memref<32000x128xf32, #tpu.memory_space<hbm>> -> memref<128x128xf32, #tpu.memory_space<hbm>>
          %dma_start3A_26 = arith.constant 0 : i32
          %dma_start3A_27 = tpu.memref_slice %arg6[%mul3A_13, %dma_start3A_26] : memref<32000x128xf32, #tpu.memory_space<hbm>> -> memref<128x128xf32, #tpu.memory_space<hbm>>
          tpu.enqueue_dma source(%arg10 : memref<128x128xf32, #tpu.memory_space<vmem>>) target(%dma_start3A_27 : memref<128x128xf32, #tpu.memory_space<hbm>>) target_semaphore(%run_scoped3A : memref<!tpu.dma_semaphore, #tpu.memory_space<semaphore_mem>>)
          %dma_wait3A_28 = arith.constant 0 : i32
          %dma_wait3A_29 = tpu.memref_slice %arg6[%mul3A_13, %dma_wait3A_28] : memref<32000x128xf32, #tpu.memory_space<hbm>> -> memref<128x128xf32, #tpu.memory_space<hbm>>
          %dma_wait3A_30 = arith.constant 0 : i32
          %dma_wait3A_31 = tpu.memref_slice %arg6[%mul3A_13, %dma_wait3A_30] : memref<32000x128xf32, #tpu.memory_space<hbm>> -> memref<128x128xf32, #tpu.memory_space<hbm>>
          tpu.wait_dma2 semaphore(%run_scoped3A : memref<!tpu.dma_semaphore, #tpu.memory_space<semaphore_mem>>) src(%arg10 : memref<128x128xf32, #tpu.memory_space<vmem>>) dst(%dma_wait3A_31 : memref<128x128xf32, #tpu.memory_space<hbm>>)
          tpu.yield
        }) : () -> ()
      } else {
      }
    }
    %scan3A_5 = arith.constant 8 : i32
    return
  }
}

#map = affine_map<(d0, d1) -> (0, 0)>
#map1 = affine_map<(d0, d1) -> (0)>
module attributes {stable_mosaic.version = 14 : i64} {
  func.func @_gather_body(%arg0: i32, %arg1: i32, %arg2: memref<10000x128xf32, #tpu.memory_space<hbm>>, %arg3: memref<32000xi32, #tpu.memory_space<hbm>>, %arg4: memref<32000xi32, #tpu.memory_space<hbm>>, %arg5: memref<32000x128xf32, #tpu.memory_space<hbm>>, %arg6: memref<32000x128xf32, #tpu.memory_space<hbm>>, %arg7: memref<128xi32, #tpu.memory_space<vmem>>, %arg8: memref<128xi32, #tpu.memory_space<vmem>>, %arg9: memref<128x128xf32, #tpu.memory_space<vmem>>, %arg10: memref<128x128xf32, #tpu.memory_space<vmem>>, %arg11: memref<!tpu.dma_semaphore, #tpu.memory_space<semaphore_mem>>, %arg12: memref<!tpu.dma_semaphore, #tpu.memory_space<semaphore_mem>>) attributes {dimension_semantics = [#tpu.dimension_semantics<core_parallel>, #tpu.dimension_semantics<subcore_parallel>], iteration_bounds = array<i64: 2, 16>, scalar_prefetch = 0 : i64, scratch_operands = 6 : i64, tpu.core_type = #tpu.core_type<sc_vector_subcore>, window_params = [{transform_indices = #map}, {transform_indices = #map1}, {transform_indices = #map1}, {transform_indices = #map}, {transform_indices = #map}]} {
    %mul3A = arith.constant 2 : i32
    %mul3A_0 = arith.muli %arg1, %mul3A : i32
    %add3A = arith.addi %mul3A_0, %arg0 : i32
    %scan3A = arith.constant 0 : i32
    %scan3A_1 = arith.constant 0 : i32
    %scan3A_2 = arith.constant 8 : i32
    %scan3A_3 = arith.addi %scan3A_1, %scan3A_2 : i32
    %scan3A_4 = arith.constant 1 : i32
    scf.for %scan3A_6 = %scan3A_1 to %scan3A_3 step %scan3A_4  : i32 {
      %mul3A_7 = arith.constant 32 : i32
      %mul3A_8 = arith.muli %scan3A_6, %mul3A_7 : i32
      %add3A_9 = arith.addi %mul3A_8, %add3A : i32
      %lt3A = arith.constant 250 : i32
      %lt3A_10 = arith.cmpi slt, %add3A_9, %lt3A : i32
      %convert_element_type3A = arith.extui %lt3A_10 : i1 to i32
      %cond3A = arith.constant 0 : i32
      %cond3A_11 = arith.cmpi ne, %convert_element_type3A, %cond3A : i32
      scf.if %cond3A_11 {
        %mul3A_12 = arith.constant 128 : i32
        %mul3A_13 = arith.muli %add3A_9, %mul3A_12 : i32
        "tpu.region"() ({
          %run_scoped3A = tpu.sem_alloc : memref<!tpu.dma_semaphore, #tpu.memory_space<semaphore_mem>>
          %dma_start3A_24 = tpu.memref_slice %arg3[%mul3A_13] : memref<32000xi32, #tpu.memory_space<hbm>> -> memref<128xi32, #tpu.memory_space<hbm>>
          %dma_start3A_25 = tpu.memref_slice %arg3[%mul3A_13] : memref<32000xi32, #tpu.memory_space<hbm>> -> memref<128xi32, #tpu.memory_space<hbm>>
          tpu.enqueue_dma source(%dma_start3A_25 : memref<128xi32, #tpu.memory_space<hbm>>) target(%arg7 : memref<128xi32, #tpu.memory_space<vmem>>) target_semaphore(%run_scoped3A : memref<!tpu.dma_semaphore, #tpu.memory_space<semaphore_mem>>)
          %dma_wait3A_26 = tpu.memref_slice %arg3[%mul3A_13] : memref<32000xi32, #tpu.memory_space<hbm>> -> memref<128xi32, #tpu.memory_space<hbm>>
          %dma_wait3A_27 = tpu.memref_slice %arg3[%mul3A_13] : memref<32000xi32, #tpu.memory_space<hbm>> -> memref<128xi32, #tpu.memory_space<hbm>>
          tpu.wait_dma2 semaphore(%run_scoped3A : memref<!tpu.dma_semaphore, #tpu.memory_space<semaphore_mem>>) src(%dma_wait3A_27 : memref<128xi32, #tpu.memory_space<hbm>>) dst(%arg7 : memref<128xi32, #tpu.memory_space<vmem>>)
          tpu.yield
        }) : () -> ()
        "tpu.region"() ({
          %run_scoped3A = tpu.sem_alloc : memref<!tpu.dma_semaphore, #tpu.memory_space<semaphore_mem>>
          %dma_start3A_24 = tpu.memref_slice %arg4[%mul3A_13] : memref<32000xi32, #tpu.memory_space<hbm>> -> memref<128xi32, #tpu.memory_space<hbm>>
          %dma_start3A_25 = tpu.memref_slice %arg4[%mul3A_13] : memref<32000xi32, #tpu.memory_space<hbm>> -> memref<128xi32, #tpu.memory_space<hbm>>
          tpu.enqueue_dma source(%dma_start3A_25 : memref<128xi32, #tpu.memory_space<hbm>>) target(%arg8 : memref<128xi32, #tpu.memory_space<vmem>>) target_semaphore(%run_scoped3A : memref<!tpu.dma_semaphore, #tpu.memory_space<semaphore_mem>>)
          %dma_wait3A_26 = tpu.memref_slice %arg4[%mul3A_13] : memref<32000xi32, #tpu.memory_space<hbm>> -> memref<128xi32, #tpu.memory_space<hbm>>
          %dma_wait3A_27 = tpu.memref_slice %arg4[%mul3A_13] : memref<32000xi32, #tpu.memory_space<hbm>> -> memref<128xi32, #tpu.memory_space<hbm>>
          tpu.wait_dma2 semaphore(%run_scoped3A : memref<!tpu.dma_semaphore, #tpu.memory_space<semaphore_mem>>) src(%dma_wait3A_27 : memref<128xi32, #tpu.memory_space<hbm>>) dst(%arg8 : memref<128xi32, #tpu.memory_space<vmem>>)
          tpu.yield
        }) : () -> ()
        %dma_start3A = arith.constant 0 : i32
        %dma_start3A_14 = arith.constant 0 : i32
        %dma_start3A_15 = tpu.memref_slice %arg2[%dma_start3A, %dma_start3A_14] : memref<10000x128xf32, #tpu.memory_space<hbm>> -> memref<10000x128xf32, #tpu.memory_space<hbm>>
        tpu.enqueue_indirect_dma source(%dma_start3A_15 : memref<10000x128xf32, #tpu.memory_space<hbm>>) target(%arg9 : memref<128x128xf32, #tpu.memory_space<vmem>>) offsets(%arg7 : memref<128xi32, #tpu.memory_space<vmem>>) semaphore(%arg11 : memref<!tpu.dma_semaphore, #tpu.memory_space<semaphore_mem>>)
        %dma_start3A_16 = arith.constant 0 : i32
        %dma_start3A_17 = arith.constant 0 : i32
        %dma_start3A_18 = tpu.memref_slice %arg2[%dma_start3A_16, %dma_start3A_17] : memref<10000x128xf32, #tpu.memory_space<hbm>> -> memref<10000x128xf32, #tpu.memory_space<hbm>>
        tpu.enqueue_indirect_dma source(%dma_start3A_18 : memref<10000x128xf32, #tpu.memory_space<hbm>>) target(%arg10 : memref<128x128xf32, #tpu.memory_space<vmem>>) offsets(%arg8 : memref<128xi32, #tpu.memory_space<vmem>>) semaphore(%arg12 : memref<!tpu.dma_semaphore, #tpu.memory_space<semaphore_mem>>)
        %dma_wait3A = arith.constant 0 : i32
        %dma_wait3A_19 = arith.constant 0 : i32
        %dma_wait3A_20 = tpu.memref_slice %arg2[%dma_wait3A, %dma_wait3A_19] : memref<10000x128xf32, #tpu.memory_space<hbm>> -> memref<10000x128xf32, #tpu.memory_space<hbm>>
        tpu.wait_indirect_dma semaphore(%arg11 : memref<!tpu.dma_semaphore, #tpu.memory_space<semaphore_mem>>) src(%dma_wait3A_20 : memref<10000x128xf32, #tpu.memory_space<hbm>>) dst(%arg9 : memref<128x128xf32, #tpu.memory_space<vmem>>)
        %dma_wait3A_21 = arith.constant 0 : i32
        %dma_wait3A_22 = arith.constant 0 : i32
        %dma_wait3A_23 = tpu.memref_slice %arg2[%dma_wait3A_21, %dma_wait3A_22] : memref<10000x128xf32, #tpu.memory_space<hbm>> -> memref<10000x128xf32, #tpu.memory_space<hbm>>
        tpu.wait_indirect_dma semaphore(%arg12 : memref<!tpu.dma_semaphore, #tpu.memory_space<semaphore_mem>>) src(%dma_wait3A_23 : memref<10000x128xf32, #tpu.memory_space<hbm>>) dst(%arg10 : memref<128x128xf32, #tpu.memory_space<vmem>>)
        "tpu.region"() ({
          %run_scoped3A = tpu.sem_alloc : memref<!tpu.dma_semaphore, #tpu.memory_space<semaphore_mem>>
          %dma_start3A_24 = arith.constant 0 : i32
          %dma_start3A_25 = tpu.memref_slice %arg5[%mul3A_13, %dma_start3A_24] : memref<32000x128xf32, #tpu.memory_space<hbm>> -> memref<128x128xf32, #tpu.memory_space<hbm>>
          %dma_start3A_26 = arith.constant 0 : i32
          %dma_start3A_27 = tpu.memref_slice %arg5[%mul3A_13, %dma_start3A_26] : memref<32000x128xf32, #tpu.memory_space<hbm>> -> memref<128x128xf32, #tpu.memory_space<hbm>>
          tpu.enqueue_dma source(%arg9 : memref<128x128xf32, #tpu.memory_space<vmem>>) target(%dma_start3A_27 : memref<128x128xf32, #tpu.memory_space<hbm>>) target_semaphore(%run_scoped3A : memref<!tpu.dma_semaphore, #tpu.memory_space<semaphore_mem>>)
          %dma_wait3A_28 = arith.constant 0 : i32
          %dma_wait3A_29 = tpu.memref_slice %arg5[%mul3A_13, %dma_wait3A_28] : memref<32000x128xf32, #tpu.memory_space<hbm>> -> memref<128x128xf32, #tpu.memory_space<hbm>>
          %dma_wait3A_30 = arith.constant 0 : i32
          %dma_wait3A_31 = tpu.memref_slice %arg5[%mul3A_13, %dma_wait3A_30] : memref<32000x128xf32, #tpu.memory_space<hbm>> -> memref<128x128xf32, #tpu.memory_space<hbm>>
          tpu.wait_dma2 semaphore(%run_scoped3A : memref<!tpu.dma_semaphore, #tpu.memory_space<semaphore_mem>>) src(%arg9 : memref<128x128xf32, #tpu.memory_space<vmem>>) dst(%dma_wait3A_31 : memref<128x128xf32, #tpu.memory_space<hbm>>)
          tpu.yield
        }) : () -> ()
        "tpu.region"() ({
          %run_scoped3A = tpu.sem_alloc : memref<!tpu.dma_semaphore, #tpu.memory_space<semaphore_mem>>
          %dma_start3A_24 = arith.constant 0 : i32
          %dma_start3A_25 = tpu.memref_slice %arg6[%mul3A_13, %dma_start3A_24] : memref<32000x128xf32, #tpu.memory_space<hbm>> -> memref<128x128xf32, #tpu.memory_space<hbm>>
          %dma_start3A_26 = arith.constant 0 : i32
          %dma_start3A_27 = tpu.memref_slice %arg6[%mul3A_13, %dma_start3A_26] : memref<32000x128xf32, #tpu.memory_space<hbm>> -> memref<128x128xf32, #tpu.memory_space<hbm>>
          tpu.enqueue_dma source(%arg10 : memref<128x128xf32, #tpu.memory_space<vmem>>) target(%dma_start3A_27 : memref<128x128xf32, #tpu.memory_space<hbm>>) target_semaphore(%run_scoped3A : memref<!tpu.dma_semaphore, #tpu.memory_space<semaphore_mem>>)
          %dma_wait3A_28 = arith.constant 0 : i32
          %dma_wait3A_29 = tpu.memref_slice %arg6[%mul3A_13, %dma_wait3A_28] : memref<32000x128xf32, #tpu.memory_space<hbm>> -> memref<128x128xf32, #tpu.memory_space<hbm>>
          %dma_wait3A_30 = arith.constant 0 : i32
          %dma_wait3A_31 = tpu.memref_slice %arg6[%mul3A_13, %dma_wait3A_30] : memref<32000x128xf32, #tpu.memory_space<hbm>> -> memref<128x128xf32, #tpu.memory_space<hbm>>
          tpu.wait_dma2 semaphore(%run_scoped3A : memref<!tpu.dma_semaphore, #tpu.memory_space<semaphore_mem>>) src(%arg10 : memref<128x128xf32, #tpu.memory_space<vmem>>) dst(%dma_wait3A_31 : memref<128x128xf32, #tpu.memory_space<hbm>>)
          tpu.yield
        }) : () -> ()
      } else {
      }
    }
    %scan3A_5 = arith.constant 8 : i32
    return
  }
}

#map = affine_map<(d0, d1) -> (0, 0)>
#map1 = affine_map<(d0, d1) -> (0)>
#map2 = affine_map<(d0, d1) -> (0, 0, 0)>
module attributes {stable_mosaic.version = 14 : i64} {
  func.func @_scatter_body(%arg0: i32, %arg1: i32, %arg2: memref<32000x128xf32, #tpu.memory_space<hbm>>, %arg3: memref<32000x128xf32, #tpu.memory_space<hbm>>, %arg4: memref<32000xi32, #tpu.memory_space<hbm>>, %arg5: memref<10240x128xf32, #tpu.memory_space<hbm>>, %arg6: memref<2x10240x128xf32, #tpu.memory_space<hbm>>, %arg7: memref<128xi32, #tpu.memory_space<vmem>>, %arg8: memref<128x128xf32, #tpu.memory_space<vmem>>, %arg9: memref<10240x128xf32, #tpu.memory_space<vmem_shared>>) attributes {dimension_semantics = [#tpu.dimension_semantics<core_parallel>, #tpu.dimension_semantics<subcore_parallel>], iteration_bounds = array<i64: 2, 16>, scalar_prefetch = 0 : i64, scratch_operands = 3 : i64, tpu.core_type = #tpu.core_type<sc_vector_subcore>, window_params = [{transform_indices = #map}, {transform_indices = #map}, {transform_indices = #map1}, {transform_indices = #map}, {transform_indices = #map2}]} {
    %mul3A = arith.constant 640 : i32
    %mul3A_0 = arith.muli %arg1, %mul3A : i32
    %mul3A_1 = arith.constant 640 : i32
    %mul3A_2 = arith.muli %arg1, %mul3A_1 : i32
    "tpu.region"() ({
      %run_scoped3A = tpu.sem_alloc : memref<!tpu.dma_semaphore, #tpu.memory_space<semaphore_mem>>
      %dma_start3A = arith.constant 0 : i32
      %dma_start3A_13 = tpu.memref_slice %arg9[%mul3A_2, %dma_start3A] : memref<10240x128xf32, #tpu.memory_space<vmem_shared>> -> memref<640x128xf32, #tpu.memory_space<vmem_shared>>
      %dma_start3A_14 = arith.constant 0 : i32
      %dma_start3A_15 = tpu.memref_slice %arg5[%mul3A_0, %dma_start3A_14] : memref<10240x128xf32, #tpu.memory_space<hbm>> -> memref<640x128xf32, #tpu.memory_space<hbm>>
      tpu.enqueue_dma source(%dma_start3A_15 : memref<640x128xf32, #tpu.memory_space<hbm>>) target(%dma_start3A_13 : memref<640x128xf32, #tpu.memory_space<vmem_shared>>) target_semaphore(%run_scoped3A : memref<!tpu.dma_semaphore, #tpu.memory_space<semaphore_mem>>)
      %dma_wait3A = arith.constant 0 : i32
      %dma_wait3A_16 = tpu.memref_slice %arg9[%mul3A_2, %dma_wait3A] : memref<10240x128xf32, #tpu.memory_space<vmem_shared>> -> memref<640x128xf32, #tpu.memory_space<vmem_shared>>
      %dma_wait3A_17 = arith.constant 0 : i32
      %dma_wait3A_18 = tpu.memref_slice %arg5[%mul3A_0, %dma_wait3A_17] : memref<10240x128xf32, #tpu.memory_space<hbm>> -> memref<640x128xf32, #tpu.memory_space<hbm>>
      tpu.wait_dma2 semaphore(%run_scoped3A : memref<!tpu.dma_semaphore, #tpu.memory_space<semaphore_mem>>) src(%dma_wait3A_18 : memref<640x128xf32, #tpu.memory_space<hbm>>) dst(%dma_wait3A_16 : memref<640x128xf32, #tpu.memory_space<vmem_shared>>)
      tpu.yield
    }) : () -> ()
    %barrier3A = arith.constant 0 : index
    tpu.barrier barrier_id(%barrier3A)
    %scan3A = arith.constant 0 : i32
    %scan3A_3 = arith.constant 0 : i32
    %scan3A_4 = arith.constant 16 : i32
    %scan3A_5 = arith.addi %scan3A_3, %scan3A_4 : i32
    %scan3A_6 = arith.constant 1 : i32
    scf.for %scan3A_13 = %scan3A_3 to %scan3A_5 step %scan3A_6  : i32 {
      %mul3A_14 = arith.constant 16 : i32
      %mul3A_15 = arith.muli %scan3A_13, %mul3A_14 : i32
      %add3A = arith.addi %mul3A_15, %arg1 : i32
      %lt3A = arith.constant 250 : i32
      %lt3A_16 = arith.cmpi slt, %add3A, %lt3A : i32
      %convert_element_type3A = arith.extui %lt3A_16 : i1 to i32
      %cond3A = arith.constant 0 : i32
      %cond3A_17 = arith.cmpi ne, %convert_element_type3A, %cond3A : i32
      scf.if %cond3A_17 {
        %mul3A_18 = arith.constant 128 : i32
        %mul3A_19 = arith.muli %add3A, %mul3A_18 : i32
        "tpu.region"() ({
          %run_scoped3A = tpu.sem_alloc : memref<!tpu.dma_semaphore, #tpu.memory_space<semaphore_mem>>
          %dma_start3A = tpu.memref_slice %arg4[%mul3A_19] : memref<32000xi32, #tpu.memory_space<hbm>> -> memref<128xi32, #tpu.memory_space<hbm>>
          %dma_start3A_29 = tpu.memref_slice %arg4[%mul3A_19] : memref<32000xi32, #tpu.memory_space<hbm>> -> memref<128xi32, #tpu.memory_space<hbm>>
          tpu.enqueue_dma source(%dma_start3A_29 : memref<128xi32, #tpu.memory_space<hbm>>) target(%arg7 : memref<128xi32, #tpu.memory_space<vmem>>) target_semaphore(%run_scoped3A : memref<!tpu.dma_semaphore, #tpu.memory_space<semaphore_mem>>)
          %dma_wait3A = tpu.memref_slice %arg4[%mul3A_19] : memref<32000xi32, #tpu.memory_space<hbm>> -> memref<128xi32, #tpu.memory_space<hbm>>
          %dma_wait3A_30 = tpu.memref_slice %arg4[%mul3A_19] : memref<32000xi32, #tpu.memory_space<hbm>> -> memref<128xi32, #tpu.memory_space<hbm>>
          tpu.wait_dma2 semaphore(%run_scoped3A : memref<!tpu.dma_semaphore, #tpu.memory_space<semaphore_mem>>) src(%dma_wait3A_30 : memref<128xi32, #tpu.memory_space<hbm>>) dst(%arg7 : memref<128xi32, #tpu.memory_space<vmem>>)
          tpu.yield
        }) : () -> ()
        %eq3A = arith.constant 0 : i32
        %eq3A_20 = arith.cmpi eq, %arg0, %eq3A : i32
        %convert_element_type3A_21 = arith.extui %eq3A_20 : i1 to i32
        %cond3A_22 = arith.constant 0 : i32
        %cond3A_23 = arith.cmpi ne, %convert_element_type3A_21, %cond3A_22 : i32
        scf.if %cond3A_23 {
          "tpu.region"() ({
            %run_scoped3A = tpu.sem_alloc : memref<!tpu.dma_semaphore, #tpu.memory_space<semaphore_mem>>
            %dma_start3A = arith.constant 0 : i32
            %dma_start3A_29 = tpu.memref_slice %arg2[%mul3A_19, %dma_start3A] : memref<32000x128xf32, #tpu.memory_space<hbm>> -> memref<128x128xf32, #tpu.memory_space<hbm>>
            %dma_start3A_30 = arith.constant 0 : i32
            %dma_start3A_31 = tpu.memref_slice %arg2[%mul3A_19, %dma_start3A_30] : memref<32000x128xf32, #tpu.memory_space<hbm>> -> memref<128x128xf32, #tpu.memory_space<hbm>>
            tpu.enqueue_dma source(%dma_start3A_31 : memref<128x128xf32, #tpu.memory_space<hbm>>) target(%arg8 : memref<128x128xf32, #tpu.memory_space<vmem>>) target_semaphore(%run_scoped3A : memref<!tpu.dma_semaphore, #tpu.memory_space<semaphore_mem>>)
            %dma_wait3A = arith.constant 0 : i32
            %dma_wait3A_32 = tpu.memref_slice %arg2[%mul3A_19, %dma_wait3A] : memref<32000x128xf32, #tpu.memory_space<hbm>> -> memref<128x128xf32, #tpu.memory_space<hbm>>
            %dma_wait3A_33 = arith.constant 0 : i32
            %dma_wait3A_34 = tpu.memref_slice %arg2[%mul3A_19, %dma_wait3A_33] : memref<32000x128xf32, #tpu.memory_space<hbm>> -> memref<128x128xf32, #tpu.memory_space<hbm>>
            tpu.wait_dma2 semaphore(%run_scoped3A : memref<!tpu.dma_semaphore, #tpu.memory_space<semaphore_mem>>) src(%dma_wait3A_34 : memref<128x128xf32, #tpu.memory_space<hbm>>) dst(%arg8 : memref<128x128xf32, #tpu.memory_space<vmem>>)
            tpu.yield
          }) : () -> ()
        } else {
        }
        %eq3A_24 = arith.constant 1 : i32
        %eq3A_25 = arith.cmpi eq, %arg0, %eq3A_24 : i32
        %convert_element_type3A_26 = arith.extui %eq3A_25 : i1 to i32
        %cond3A_27 = arith.constant 0 : i32
        %cond3A_28 = arith.cmpi ne, %convert_element_type3A_26, %cond3A_27 : i32
        scf.if %cond3A_28 {
          "tpu.region"() ({
            %run_scoped3A = tpu.sem_alloc : memref<!tpu.dma_semaphore, #tpu.memory_space<semaphore_mem>>
            %dma_start3A = arith.constant 0 : i32
            %dma_start3A_29 = tpu.memref_slice %arg3[%mul3A_19, %dma_start3A] : memref<32000x128xf32, #tpu.memory_space<hbm>> -> memref<128x128xf32, #tpu.memory_space<hbm>>
            %dma_start3A_30 = arith.constant 0 : i32
            %dma_start3A_31 = tpu.memref_slice %arg3[%mul3A_19, %dma_start3A_30] : memref<32000x128xf32, #tpu.memory_space<hbm>> -> memref<128x128xf32, #tpu.memory_space<hbm>>
            tpu.enqueue_dma source(%dma_start3A_31 : memref<128x128xf32, #tpu.memory_space<hbm>>) target(%arg8 : memref<128x128xf32, #tpu.memory_space<vmem>>) target_semaphore(%run_scoped3A : memref<!tpu.dma_semaphore, #tpu.memory_space<semaphore_mem>>)
            %dma_wait3A = arith.constant 0 : i32
            %dma_wait3A_32 = tpu.memref_slice %arg3[%mul3A_19, %dma_wait3A] : memref<32000x128xf32, #tpu.memory_space<hbm>> -> memref<128x128xf32, #tpu.memory_space<hbm>>
            %dma_wait3A_33 = arith.constant 0 : i32
            %dma_wait3A_34 = tpu.memref_slice %arg3[%mul3A_19, %dma_wait3A_33] : memref<32000x128xf32, #tpu.memory_space<hbm>> -> memref<128x128xf32, #tpu.memory_space<hbm>>
            tpu.wait_dma2 semaphore(%run_scoped3A : memref<!tpu.dma_semaphore, #tpu.memory_space<semaphore_mem>>) src(%dma_wait3A_34 : memref<128x128xf32, #tpu.memory_space<hbm>>) dst(%arg8 : memref<128x128xf32, #tpu.memory_space<vmem>>)
            tpu.yield
          }) : () -> ()
        } else {
        }
        "tpu.region"() ({
          %run_scoped3A = tpu.sem_alloc : memref<!tpu.dma_semaphore, #tpu.memory_space<semaphore_mem>>
          %dma_start3A = arith.constant 0 : i32
          %dma_start3A_29 = arith.constant 0 : i32
          %dma_start3A_30 = tpu.memref_slice %arg9[%dma_start3A, %dma_start3A_29] : memref<10240x128xf32, #tpu.memory_space<vmem_shared>> -> memref<10240x128xf32, #tpu.memory_space<vmem_shared>>
          tpu.enqueue_indirect_dma source(%arg8 : memref<128x128xf32, #tpu.memory_space<vmem>>) target(%dma_start3A_30 : memref<10240x128xf32, #tpu.memory_space<vmem_shared>>) offsets(%arg7 : memref<128xi32, #tpu.memory_space<vmem>>) semaphore(%run_scoped3A : memref<!tpu.dma_semaphore, #tpu.memory_space<semaphore_mem>>) {add = true}
          %dma_wait3A = arith.constant 0 : i32
          %dma_wait3A_31 = arith.constant 0 : i32
          %dma_wait3A_32 = tpu.memref_slice %arg9[%dma_wait3A, %dma_wait3A_31] : memref<10240x128xf32, #tpu.memory_space<vmem_shared>> -> memref<10240x128xf32, #tpu.memory_space<vmem_shared>>
          tpu.wait_indirect_dma semaphore(%run_scoped3A : memref<!tpu.dma_semaphore, #tpu.memory_space<semaphore_mem>>) src(%arg8 : memref<128x128xf32, #tpu.memory_space<vmem>>) dst(%dma_wait3A_32 : memref<10240x128xf32, #tpu.memory_space<vmem_shared>>)
          tpu.yield
        }) : () -> ()
      } else {
      }
    }
    %scan3A_7 = arith.constant 16 : i32
    %barrier3A_8 = arith.constant 0 : index
    tpu.barrier barrier_id(%barrier3A_8)
    %mul3A_9 = arith.constant 640 : i32
    %mul3A_10 = arith.muli %arg1, %mul3A_9 : i32
    %mul3A_11 = arith.constant 640 : i32
    %mul3A_12 = arith.muli %arg1, %mul3A_11 : i32
    "tpu.region"() ({
      %run_scoped3A = tpu.sem_alloc : memref<!tpu.dma_semaphore, #tpu.memory_space<semaphore_mem>>
      %dma_start3A = arith.constant 0 : i32
      %dma_start3A_13 = tpu.memref_slice %arg6[%arg0, %mul3A_12, %dma_start3A] : memref<2x10240x128xf32, #tpu.memory_space<hbm>> -> memref<1x640x128xf32, #tpu.memory_space<hbm>>
      %dma_start3A_14 = tpu.memref_squeeze %dma_start3A_13 : memref<1x640x128xf32, #tpu.memory_space<hbm>> -> memref<640x128xf32, #tpu.memory_space<hbm>>
      %dma_start3A_15 = arith.constant 0 : i32
      %dma_start3A_16 = tpu.memref_slice %arg9[%mul3A_10, %dma_start3A_15] : memref<10240x128xf32, #tpu.memory_space<vmem_shared>> -> memref<640x128xf32, #tpu.memory_space<vmem_shared>>
      tpu.enqueue_dma source(%dma_start3A_16 : memref<640x128xf32, #tpu.memory_space<vmem_shared>>) target(%dma_start3A_14 : memref<640x128xf32, #tpu.memory_space<hbm>>) target_semaphore(%run_scoped3A : memref<!tpu.dma_semaphore, #tpu.memory_space<semaphore_mem>>)
      %dma_wait3A = arith.constant 0 : i32
      %dma_wait3A_17 = tpu.memref_slice %arg6[%arg0, %mul3A_12, %dma_wait3A] : memref<2x10240x128xf32, #tpu.memory_space<hbm>> -> memref<1x640x128xf32, #tpu.memory_space<hbm>>
      %dma_wait3A_18 = tpu.memref_squeeze %dma_wait3A_17 : memref<1x640x128xf32, #tpu.memory_space<hbm>> -> memref<640x128xf32, #tpu.memory_space<hbm>>
      %dma_wait3A_19 = arith.constant 0 : i32
      %dma_wait3A_20 = tpu.memref_slice %arg9[%mul3A_10, %dma_wait3A_19] : memref<10240x128xf32, #tpu.memory_space<vmem_shared>> -> memref<640x128xf32, #tpu.memory_space<vmem_shared>>
      tpu.wait_dma2 semaphore(%run_scoped3A : memref<!tpu.dma_semaphore, #tpu.memory_space<semaphore_mem>>) src(%dma_wait3A_20 : memref<640x128xf32, #tpu.memory_space<vmem_shared>>) dst(%dma_wait3A_18 : memref<640x128xf32, #tpu.memory_space<hbm>>)
      tpu.yield
    }) : () -> ()
    return
  }
}

#map = affine_map<(d0, d1) -> (0, 0)>
#map1 = affine_map<(d0, d1) -> (0)>
#map2 = affine_map<(d0, d1) -> (0, 0, 0)>
module attributes {stable_mosaic.version = 14 : i64} {
  func.func @_scatter_body(%arg0: i32, %arg1: i32, %arg2: memref<32000x128xf32, #tpu.memory_space<hbm>>, %arg3: memref<32000x128xf32, #tpu.memory_space<hbm>>, %arg4: memref<32000xi32, #tpu.memory_space<hbm>>, %arg5: memref<10240x128xf32, #tpu.memory_space<hbm>>, %arg6: memref<2x10240x128xf32, #tpu.memory_space<hbm>>, %arg7: memref<128xi32, #tpu.memory_space<vmem>>, %arg8: memref<128x128xf32, #tpu.memory_space<vmem>>, %arg9: memref<10240x128xf32, #tpu.memory_space<vmem_shared>>) attributes {dimension_semantics = [#tpu.dimension_semantics<core_parallel>, #tpu.dimension_semantics<subcore_parallel>], iteration_bounds = array<i64: 2, 16>, scalar_prefetch = 0 : i64, scratch_operands = 3 : i64, tpu.core_type = #tpu.core_type<sc_vector_subcore>, window_params = [{transform_indices = #map}, {transform_indices = #map}, {transform_indices = #map1}, {transform_indices = #map}, {transform_indices = #map2}]} {
    %mul3A = arith.constant 640 : i32
    %mul3A_0 = arith.muli %arg1, %mul3A : i32
    %mul3A_1 = arith.constant 640 : i32
    %mul3A_2 = arith.muli %arg1, %mul3A_1 : i32
    "tpu.region"() ({
      %run_scoped3A = tpu.sem_alloc : memref<!tpu.dma_semaphore, #tpu.memory_space<semaphore_mem>>
      %dma_start3A = arith.constant 0 : i32
      %dma_start3A_13 = tpu.memref_slice %arg9[%mul3A_2, %dma_start3A] : memref<10240x128xf32, #tpu.memory_space<vmem_shared>> -> memref<640x128xf32, #tpu.memory_space<vmem_shared>>
      %dma_start3A_14 = arith.constant 0 : i32
      %dma_start3A_15 = tpu.memref_slice %arg5[%mul3A_0, %dma_start3A_14] : memref<10240x128xf32, #tpu.memory_space<hbm>> -> memref<640x128xf32, #tpu.memory_space<hbm>>
      tpu.enqueue_dma source(%dma_start3A_15 : memref<640x128xf32, #tpu.memory_space<hbm>>) target(%dma_start3A_13 : memref<640x128xf32, #tpu.memory_space<vmem_shared>>) target_semaphore(%run_scoped3A : memref<!tpu.dma_semaphore, #tpu.memory_space<semaphore_mem>>)
      %dma_wait3A = arith.constant 0 : i32
      %dma_wait3A_16 = tpu.memref_slice %arg9[%mul3A_2, %dma_wait3A] : memref<10240x128xf32, #tpu.memory_space<vmem_shared>> -> memref<640x128xf32, #tpu.memory_space<vmem_shared>>
      %dma_wait3A_17 = arith.constant 0 : i32
      %dma_wait3A_18 = tpu.memref_slice %arg5[%mul3A_0, %dma_wait3A_17] : memref<10240x128xf32, #tpu.memory_space<hbm>> -> memref<640x128xf32, #tpu.memory_space<hbm>>
      tpu.wait_dma2 semaphore(%run_scoped3A : memref<!tpu.dma_semaphore, #tpu.memory_space<semaphore_mem>>) src(%dma_wait3A_18 : memref<640x128xf32, #tpu.memory_space<hbm>>) dst(%dma_wait3A_16 : memref<640x128xf32, #tpu.memory_space<vmem_shared>>)
      tpu.yield
    }) : () -> ()
    %barrier3A = arith.constant 0 : index
    tpu.barrier barrier_id(%barrier3A)
    %scan3A = arith.constant 0 : i32
    %scan3A_3 = arith.constant 0 : i32
    %scan3A_4 = arith.constant 16 : i32
    %scan3A_5 = arith.addi %scan3A_3, %scan3A_4 : i32
    %scan3A_6 = arith.constant 1 : i32
    scf.for %scan3A_13 = %scan3A_3 to %scan3A_5 step %scan3A_6  : i32 {
      %mul3A_14 = arith.constant 16 : i32
      %mul3A_15 = arith.muli %scan3A_13, %mul3A_14 : i32
      %add3A = arith.addi %mul3A_15, %arg1 : i32
      %lt3A = arith.constant 250 : i32
      %lt3A_16 = arith.cmpi slt, %add3A, %lt3A : i32
      %convert_element_type3A = arith.extui %lt3A_16 : i1 to i32
      %cond3A = arith.constant 0 : i32
      %cond3A_17 = arith.cmpi ne, %convert_element_type3A, %cond3A : i32
      scf.if %cond3A_17 {
        %mul3A_18 = arith.constant 128 : i32
        %mul3A_19 = arith.muli %add3A, %mul3A_18 : i32
        "tpu.region"() ({
          %run_scoped3A = tpu.sem_alloc : memref<!tpu.dma_semaphore, #tpu.memory_space<semaphore_mem>>
          %dma_start3A = tpu.memref_slice %arg4[%mul3A_19] : memref<32000xi32, #tpu.memory_space<hbm>> -> memref<128xi32, #tpu.memory_space<hbm>>
          %dma_start3A_29 = tpu.memref_slice %arg4[%mul3A_19] : memref<32000xi32, #tpu.memory_space<hbm>> -> memref<128xi32, #tpu.memory_space<hbm>>
          tpu.enqueue_dma source(%dma_start3A_29 : memref<128xi32, #tpu.memory_space<hbm>>) target(%arg7 : memref<128xi32, #tpu.memory_space<vmem>>) target_semaphore(%run_scoped3A : memref<!tpu.dma_semaphore, #tpu.memory_space<semaphore_mem>>)
          %dma_wait3A = tpu.memref_slice %arg4[%mul3A_19] : memref<32000xi32, #tpu.memory_space<hbm>> -> memref<128xi32, #tpu.memory_space<hbm>>
          %dma_wait3A_30 = tpu.memref_slice %arg4[%mul3A_19] : memref<32000xi32, #tpu.memory_space<hbm>> -> memref<128xi32, #tpu.memory_space<hbm>>
          tpu.wait_dma2 semaphore(%run_scoped3A : memref<!tpu.dma_semaphore, #tpu.memory_space<semaphore_mem>>) src(%dma_wait3A_30 : memref<128xi32, #tpu.memory_space<hbm>>) dst(%arg7 : memref<128xi32, #tpu.memory_space<vmem>>)
          tpu.yield
        }) : () -> ()
        %eq3A = arith.constant 0 : i32
        %eq3A_20 = arith.cmpi eq, %arg0, %eq3A : i32
        %convert_element_type3A_21 = arith.extui %eq3A_20 : i1 to i32
        %cond3A_22 = arith.constant 0 : i32
        %cond3A_23 = arith.cmpi ne, %convert_element_type3A_21, %cond3A_22 : i32
        scf.if %cond3A_23 {
          "tpu.region"() ({
            %run_scoped3A = tpu.sem_alloc : memref<!tpu.dma_semaphore, #tpu.memory_space<semaphore_mem>>
            %dma_start3A = arith.constant 0 : i32
            %dma_start3A_29 = tpu.memref_slice %arg2[%mul3A_19, %dma_start3A] : memref<32000x128xf32, #tpu.memory_space<hbm>> -> memref<128x128xf32, #tpu.memory_space<hbm>>
            %dma_start3A_30 = arith.constant 0 : i32
            %dma_start3A_31 = tpu.memref_slice %arg2[%mul3A_19, %dma_start3A_30] : memref<32000x128xf32, #tpu.memory_space<hbm>> -> memref<128x128xf32, #tpu.memory_space<hbm>>
            tpu.enqueue_dma source(%dma_start3A_31 : memref<128x128xf32, #tpu.memory_space<hbm>>) target(%arg8 : memref<128x128xf32, #tpu.memory_space<vmem>>) target_semaphore(%run_scoped3A : memref<!tpu.dma_semaphore, #tpu.memory_space<semaphore_mem>>)
            %dma_wait3A = arith.constant 0 : i32
            %dma_wait3A_32 = tpu.memref_slice %arg2[%mul3A_19, %dma_wait3A] : memref<32000x128xf32, #tpu.memory_space<hbm>> -> memref<128x128xf32, #tpu.memory_space<hbm>>
            %dma_wait3A_33 = arith.constant 0 : i32
            %dma_wait3A_34 = tpu.memref_slice %arg2[%mul3A_19, %dma_wait3A_33] : memref<32000x128xf32, #tpu.memory_space<hbm>> -> memref<128x128xf32, #tpu.memory_space<hbm>>
            tpu.wait_dma2 semaphore(%run_scoped3A : memref<!tpu.dma_semaphore, #tpu.memory_space<semaphore_mem>>) src(%dma_wait3A_34 : memref<128x128xf32, #tpu.memory_space<hbm>>) dst(%arg8 : memref<128x128xf32, #tpu.memory_space<vmem>>)
            tpu.yield
          }) : () -> ()
        } else {
        }
        %eq3A_24 = arith.constant 1 : i32
        %eq3A_25 = arith.cmpi eq, %arg0, %eq3A_24 : i32
        %convert_element_type3A_26 = arith.extui %eq3A_25 : i1 to i32
        %cond3A_27 = arith.constant 0 : i32
        %cond3A_28 = arith.cmpi ne, %convert_element_type3A_26, %cond3A_27 : i32
        scf.if %cond3A_28 {
          "tpu.region"() ({
            %run_scoped3A = tpu.sem_alloc : memref<!tpu.dma_semaphore, #tpu.memory_space<semaphore_mem>>
            %dma_start3A = arith.constant 0 : i32
            %dma_start3A_29 = tpu.memref_slice %arg3[%mul3A_19, %dma_start3A] : memref<32000x128xf32, #tpu.memory_space<hbm>> -> memref<128x128xf32, #tpu.memory_space<hbm>>
            %dma_start3A_30 = arith.constant 0 : i32
            %dma_start3A_31 = tpu.memref_slice %arg3[%mul3A_19, %dma_start3A_30] : memref<32000x128xf32, #tpu.memory_space<hbm>> -> memref<128x128xf32, #tpu.memory_space<hbm>>
            tpu.enqueue_dma source(%dma_start3A_31 : memref<128x128xf32, #tpu.memory_space<hbm>>) target(%arg8 : memref<128x128xf32, #tpu.memory_space<vmem>>) target_semaphore(%run_scoped3A : memref<!tpu.dma_semaphore, #tpu.memory_space<semaphore_mem>>)
            %dma_wait3A = arith.constant 0 : i32
            %dma_wait3A_32 = tpu.memref_slice %arg3[%mul3A_19, %dma_wait3A] : memref<32000x128xf32, #tpu.memory_space<hbm>> -> memref<128x128xf32, #tpu.memory_space<hbm>>
            %dma_wait3A_33 = arith.constant 0 : i32
            %dma_wait3A_34 = tpu.memref_slice %arg3[%mul3A_19, %dma_wait3A_33] : memref<32000x128xf32, #tpu.memory_space<hbm>> -> memref<128x128xf32, #tpu.memory_space<hbm>>
            tpu.wait_dma2 semaphore(%run_scoped3A : memref<!tpu.dma_semaphore, #tpu.memory_space<semaphore_mem>>) src(%dma_wait3A_34 : memref<128x128xf32, #tpu.memory_space<hbm>>) dst(%arg8 : memref<128x128xf32, #tpu.memory_space<vmem>>)
            tpu.yield
          }) : () -> ()
        } else {
        }
        "tpu.region"() ({
          %run_scoped3A = tpu.sem_alloc : memref<!tpu.dma_semaphore, #tpu.memory_space<semaphore_mem>>
          %dma_start3A = arith.constant 0 : i32
          %dma_start3A_29 = arith.constant 0 : i32
          %dma_start3A_30 = tpu.memref_slice %arg9[%dma_start3A, %dma_start3A_29] : memref<10240x128xf32, #tpu.memory_space<vmem_shared>> -> memref<10240x128xf32, #tpu.memory_space<vmem_shared>>
          tpu.enqueue_indirect_dma source(%arg8 : memref<128x128xf32, #tpu.memory_space<vmem>>) target(%dma_start3A_30 : memref<10240x128xf32, #tpu.memory_space<vmem_shared>>) offsets(%arg7 : memref<128xi32, #tpu.memory_space<vmem>>) semaphore(%run_scoped3A : memref<!tpu.dma_semaphore, #tpu.memory_space<semaphore_mem>>) {add = true}
          %dma_wait3A = arith.constant 0 : i32
          %dma_wait3A_31 = arith.constant 0 : i32
          %dma_wait3A_32 = tpu.memref_slice %arg9[%dma_wait3A, %dma_wait3A_31] : memref<10240x128xf32, #tpu.memory_space<vmem_shared>> -> memref<10240x128xf32, #tpu.memory_space<vmem_shared>>
          tpu.wait_indirect_dma semaphore(%run_scoped3A : memref<!tpu.dma_semaphore, #tpu.memory_space<semaphore_mem>>) src(%arg8 : memref<128x128xf32, #tpu.memory_space<vmem>>) dst(%dma_wait3A_32 : memref<10240x128xf32, #tpu.memory_space<vmem_shared>>)
          tpu.yield
        }) : () -> ()
      } else {
      }
    }
    %scan3A_7 = arith.constant 16 : i32
    %barrier3A_8 = arith.constant 0 : index
    tpu.barrier barrier_id(%barrier3A_8)
    %mul3A_9 = arith.constant 640 : i32
    %mul3A_10 = arith.muli %arg1, %mul3A_9 : i32
    %mul3A_11 = arith.constant 640 : i32
    %mul3A_12 = arith.muli %arg1, %mul3A_11 : i32
    "tpu.region"() ({
      %run_scoped3A = tpu.sem_alloc : memref<!tpu.dma_semaphore, #tpu.memory_space<semaphore_mem>>
      %dma_start3A = arith.constant 0 : i32
      %dma_start3A_13 = tpu.memref_slice %arg6[%arg0, %mul3A_12, %dma_start3A] : memref<2x10240x128xf32, #tpu.memory_space<hbm>> -> memref<1x640x128xf32, #tpu.memory_space<hbm>>
      %dma_start3A_14 = tpu.memref_squeeze %dma_start3A_13 : memref<1x640x128xf32, #tpu.memory_space<hbm>> -> memref<640x128xf32, #tpu.memory_space<hbm>>
      %dma_start3A_15 = arith.constant 0 : i32
      %dma_start3A_16 = tpu.memref_slice %arg9[%mul3A_10, %dma_start3A_15] : memref<10240x128xf32, #tpu.memory_space<vmem_shared>> -> memref<640x128xf32, #tpu.memory_space<vmem_shared>>
      tpu.enqueue_dma source(%dma_start3A_16 : memref<640x128xf32, #tpu.memory_space<vmem_shared>>) target(%dma_start3A_14 : memref<640x128xf32, #tpu.memory_space<hbm>>) target_semaphore(%run_scoped3A : memref<!tpu.dma_semaphore, #tpu.memory_space<semaphore_mem>>)
      %dma_wait3A = arith.constant 0 : i32
      %dma_wait3A_17 = tpu.memref_slice %arg6[%arg0, %mul3A_12, %dma_wait3A] : memref<2x10240x128xf32, #tpu.memory_space<hbm>> -> memref<1x640x128xf32, #tpu.memory_space<hbm>>
      %dma_wait3A_18 = tpu.memref_squeeze %dma_wait3A_17 : memref<1x640x128xf32, #tpu.memory_space<hbm>> -> memref<640x128xf32, #tpu.memory_space<hbm>>
      %dma_wait3A_19 = arith.constant 0 : i32
      %dma_wait3A_20 = tpu.memref_slice %arg9[%mul3A_10, %dma_wait3A_19] : memref<10240x128xf32, #tpu.memory_space<vmem_shared>> -> memref<640x128xf32, #tpu.memory_space<vmem_shared>>
      tpu.wait_dma2 semaphore(%run_scoped3A : memref<!tpu.dma_semaphore, #tpu.memory_space<semaphore_mem>>) src(%dma_wait3A_20 : memref<640x128xf32, #tpu.memory_space<vmem_shared>>) dst(%dma_wait3A_18 : memref<640x128xf32, #tpu.memory_space<hbm>>)
      tpu.yield
    }) : () -> ()
    return
  }
}

#map = affine_map<(d0, d1) -> (0, 0)>
#map1 = affine_map<(d0, d1) -> (0)>
#map2 = affine_map<(d0, d1) -> (0, 0, 0)>
module attributes {stable_mosaic.version = 14 : i64} {
  func.func @_scatter_body(%arg0: i32, %arg1: i32, %arg2: memref<32000x128xf32, #tpu.memory_space<hbm>>, %arg3: memref<32000x128xf32, #tpu.memory_space<hbm>>, %arg4: memref<32000xi32, #tpu.memory_space<hbm>>, %arg5: memref<10240x128xf32, #tpu.memory_space<hbm>>, %arg6: memref<2x10240x128xf32, #tpu.memory_space<hbm>>, %arg7: memref<128xi32, #tpu.memory_space<vmem>>, %arg8: memref<128x128xf32, #tpu.memory_space<vmem>>, %arg9: memref<10240x128xf32, #tpu.memory_space<vmem_shared>>) attributes {dimension_semantics = [#tpu.dimension_semantics<core_parallel>, #tpu.dimension_semantics<subcore_parallel>], iteration_bounds = array<i64: 2, 16>, scalar_prefetch = 0 : i64, scratch_operands = 3 : i64, tpu.core_type = #tpu.core_type<sc_vector_subcore>, window_params = [{transform_indices = #map}, {transform_indices = #map}, {transform_indices = #map1}, {transform_indices = #map}, {transform_indices = #map2}]} {
    %mul3A = arith.constant 640 : i32
    %mul3A_0 = arith.muli %arg1, %mul3A : i32
    %mul3A_1 = arith.constant 640 : i32
    %mul3A_2 = arith.muli %arg1, %mul3A_1 : i32
    "tpu.region"() ({
      %run_scoped3A = tpu.sem_alloc : memref<!tpu.dma_semaphore, #tpu.memory_space<semaphore_mem>>
      %dma_start3A = arith.constant 0 : i32
      %dma_start3A_13 = tpu.memref_slice %arg9[%mul3A_2, %dma_start3A] : memref<10240x128xf32, #tpu.memory_space<vmem_shared>> -> memref<640x128xf32, #tpu.memory_space<vmem_shared>>
      %dma_start3A_14 = arith.constant 0 : i32
      %dma_start3A_15 = tpu.memref_slice %arg5[%mul3A_0, %dma_start3A_14] : memref<10240x128xf32, #tpu.memory_space<hbm>> -> memref<640x128xf32, #tpu.memory_space<hbm>>
      tpu.enqueue_dma source(%dma_start3A_15 : memref<640x128xf32, #tpu.memory_space<hbm>>) target(%dma_start3A_13 : memref<640x128xf32, #tpu.memory_space<vmem_shared>>) target_semaphore(%run_scoped3A : memref<!tpu.dma_semaphore, #tpu.memory_space<semaphore_mem>>)
      %dma_wait3A = arith.constant 0 : i32
      %dma_wait3A_16 = tpu.memref_slice %arg9[%mul3A_2, %dma_wait3A] : memref<10240x128xf32, #tpu.memory_space<vmem_shared>> -> memref<640x128xf32, #tpu.memory_space<vmem_shared>>
      %dma_wait3A_17 = arith.constant 0 : i32
      %dma_wait3A_18 = tpu.memref_slice %arg5[%mul3A_0, %dma_wait3A_17] : memref<10240x128xf32, #tpu.memory_space<hbm>> -> memref<640x128xf32, #tpu.memory_space<hbm>>
      tpu.wait_dma2 semaphore(%run_scoped3A : memref<!tpu.dma_semaphore, #tpu.memory_space<semaphore_mem>>) src(%dma_wait3A_18 : memref<640x128xf32, #tpu.memory_space<hbm>>) dst(%dma_wait3A_16 : memref<640x128xf32, #tpu.memory_space<vmem_shared>>)
      tpu.yield
    }) : () -> ()
    %barrier3A = arith.constant 0 : index
    tpu.barrier barrier_id(%barrier3A)
    %scan3A = arith.constant 0 : i32
    %scan3A_3 = arith.constant 0 : i32
    %scan3A_4 = arith.constant 16 : i32
    %scan3A_5 = arith.addi %scan3A_3, %scan3A_4 : i32
    %scan3A_6 = arith.constant 1 : i32
    scf.for %scan3A_13 = %scan3A_3 to %scan3A_5 step %scan3A_6  : i32 {
      %mul3A_14 = arith.constant 16 : i32
      %mul3A_15 = arith.muli %scan3A_13, %mul3A_14 : i32
      %add3A = arith.addi %mul3A_15, %arg1 : i32
      %lt3A = arith.constant 250 : i32
      %lt3A_16 = arith.cmpi slt, %add3A, %lt3A : i32
      %convert_element_type3A = arith.extui %lt3A_16 : i1 to i32
      %cond3A = arith.constant 0 : i32
      %cond3A_17 = arith.cmpi ne, %convert_element_type3A, %cond3A : i32
      scf.if %cond3A_17 {
        %mul3A_18 = arith.constant 128 : i32
        %mul3A_19 = arith.muli %add3A, %mul3A_18 : i32
        "tpu.region"() ({
          %run_scoped3A = tpu.sem_alloc : memref<!tpu.dma_semaphore, #tpu.memory_space<semaphore_mem>>
          %dma_start3A = tpu.memref_slice %arg4[%mul3A_19] : memref<32000xi32, #tpu.memory_space<hbm>> -> memref<128xi32, #tpu.memory_space<hbm>>
          %dma_start3A_29 = tpu.memref_slice %arg4[%mul3A_19] : memref<32000xi32, #tpu.memory_space<hbm>> -> memref<128xi32, #tpu.memory_space<hbm>>
          tpu.enqueue_dma source(%dma_start3A_29 : memref<128xi32, #tpu.memory_space<hbm>>) target(%arg7 : memref<128xi32, #tpu.memory_space<vmem>>) target_semaphore(%run_scoped3A : memref<!tpu.dma_semaphore, #tpu.memory_space<semaphore_mem>>)
          %dma_wait3A = tpu.memref_slice %arg4[%mul3A_19] : memref<32000xi32, #tpu.memory_space<hbm>> -> memref<128xi32, #tpu.memory_space<hbm>>
          %dma_wait3A_30 = tpu.memref_slice %arg4[%mul3A_19] : memref<32000xi32, #tpu.memory_space<hbm>> -> memref<128xi32, #tpu.memory_space<hbm>>
          tpu.wait_dma2 semaphore(%run_scoped3A : memref<!tpu.dma_semaphore, #tpu.memory_space<semaphore_mem>>) src(%dma_wait3A_30 : memref<128xi32, #tpu.memory_space<hbm>>) dst(%arg7 : memref<128xi32, #tpu.memory_space<vmem>>)
          tpu.yield
        }) : () -> ()
        %eq3A = arith.constant 0 : i32
        %eq3A_20 = arith.cmpi eq, %arg0, %eq3A : i32
        %convert_element_type3A_21 = arith.extui %eq3A_20 : i1 to i32
        %cond3A_22 = arith.constant 0 : i32
        %cond3A_23 = arith.cmpi ne, %convert_element_type3A_21, %cond3A_22 : i32
        scf.if %cond3A_23 {
          "tpu.region"() ({
            %run_scoped3A = tpu.sem_alloc : memref<!tpu.dma_semaphore, #tpu.memory_space<semaphore_mem>>
            %dma_start3A = arith.constant 0 : i32
            %dma_start3A_29 = tpu.memref_slice %arg2[%mul3A_19, %dma_start3A] : memref<32000x128xf32, #tpu.memory_space<hbm>> -> memref<128x128xf32, #tpu.memory_space<hbm>>
            %dma_start3A_30 = arith.constant 0 : i32
            %dma_start3A_31 = tpu.memref_slice %arg2[%mul3A_19, %dma_start3A_30] : memref<32000x128xf32, #tpu.memory_space<hbm>> -> memref<128x128xf32, #tpu.memory_space<hbm>>
            tpu.enqueue_dma source(%dma_start3A_31 : memref<128x128xf32, #tpu.memory_space<hbm>>) target(%arg8 : memref<128x128xf32, #tpu.memory_space<vmem>>) target_semaphore(%run_scoped3A : memref<!tpu.dma_semaphore, #tpu.memory_space<semaphore_mem>>)
            %dma_wait3A = arith.constant 0 : i32
            %dma_wait3A_32 = tpu.memref_slice %arg2[%mul3A_19, %dma_wait3A] : memref<32000x128xf32, #tpu.memory_space<hbm>> -> memref<128x128xf32, #tpu.memory_space<hbm>>
            %dma_wait3A_33 = arith.constant 0 : i32
            %dma_wait3A_34 = tpu.memref_slice %arg2[%mul3A_19, %dma_wait3A_33] : memref<32000x128xf32, #tpu.memory_space<hbm>> -> memref<128x128xf32, #tpu.memory_space<hbm>>
            tpu.wait_dma2 semaphore(%run_scoped3A : memref<!tpu.dma_semaphore, #tpu.memory_space<semaphore_mem>>) src(%dma_wait3A_34 : memref<128x128xf32, #tpu.memory_space<hbm>>) dst(%arg8 : memref<128x128xf32, #tpu.memory_space<vmem>>)
            tpu.yield
          }) : () -> ()
        } else {
        }
        %eq3A_24 = arith.constant 1 : i32
        %eq3A_25 = arith.cmpi eq, %arg0, %eq3A_24 : i32
        %convert_element_type3A_26 = arith.extui %eq3A_25 : i1 to i32
        %cond3A_27 = arith.constant 0 : i32
        %cond3A_28 = arith.cmpi ne, %convert_element_type3A_26, %cond3A_27 : i32
        scf.if %cond3A_28 {
          "tpu.region"() ({
            %run_scoped3A = tpu.sem_alloc : memref<!tpu.dma_semaphore, #tpu.memory_space<semaphore_mem>>
            %dma_start3A = arith.constant 0 : i32
            %dma_start3A_29 = tpu.memref_slice %arg3[%mul3A_19, %dma_start3A] : memref<32000x128xf32, #tpu.memory_space<hbm>> -> memref<128x128xf32, #tpu.memory_space<hbm>>
            %dma_start3A_30 = arith.constant 0 : i32
            %dma_start3A_31 = tpu.memref_slice %arg3[%mul3A_19, %dma_start3A_30] : memref<32000x128xf32, #tpu.memory_space<hbm>> -> memref<128x128xf32, #tpu.memory_space<hbm>>
            tpu.enqueue_dma source(%dma_start3A_31 : memref<128x128xf32, #tpu.memory_space<hbm>>) target(%arg8 : memref<128x128xf32, #tpu.memory_space<vmem>>) target_semaphore(%run_scoped3A : memref<!tpu.dma_semaphore, #tpu.memory_space<semaphore_mem>>)
            %dma_wait3A = arith.constant 0 : i32
            %dma_wait3A_32 = tpu.memref_slice %arg3[%mul3A_19, %dma_wait3A] : memref<32000x128xf32, #tpu.memory_space<hbm>> -> memref<128x128xf32, #tpu.memory_space<hbm>>
            %dma_wait3A_33 = arith.constant 0 : i32
            %dma_wait3A_34 = tpu.memref_slice %arg3[%mul3A_19, %dma_wait3A_33] : memref<32000x128xf32, #tpu.memory_space<hbm>> -> memref<128x128xf32, #tpu.memory_space<hbm>>
            tpu.wait_dma2 semaphore(%run_scoped3A : memref<!tpu.dma_semaphore, #tpu.memory_space<semaphore_mem>>) src(%dma_wait3A_34 : memref<128x128xf32, #tpu.memory_space<hbm>>) dst(%arg8 : memref<128x128xf32, #tpu.memory_space<vmem>>)
            tpu.yield
          }) : () -> ()
        } else {
        }
        "tpu.region"() ({
          %run_scoped3A = tpu.sem_alloc : memref<!tpu.dma_semaphore, #tpu.memory_space<semaphore_mem>>
          %dma_start3A = arith.constant 0 : i32
          %dma_start3A_29 = arith.constant 0 : i32
          %dma_start3A_30 = tpu.memref_slice %arg9[%dma_start3A, %dma_start3A_29] : memref<10240x128xf32, #tpu.memory_space<vmem_shared>> -> memref<10240x128xf32, #tpu.memory_space<vmem_shared>>
          tpu.enqueue_indirect_dma source(%arg8 : memref<128x128xf32, #tpu.memory_space<vmem>>) target(%dma_start3A_30 : memref<10240x128xf32, #tpu.memory_space<vmem_shared>>) offsets(%arg7 : memref<128xi32, #tpu.memory_space<vmem>>) semaphore(%run_scoped3A : memref<!tpu.dma_semaphore, #tpu.memory_space<semaphore_mem>>) {add = true}
          %dma_wait3A = arith.constant 0 : i32
          %dma_wait3A_31 = arith.constant 0 : i32
          %dma_wait3A_32 = tpu.memref_slice %arg9[%dma_wait3A, %dma_wait3A_31] : memref<10240x128xf32, #tpu.memory_space<vmem_shared>> -> memref<10240x128xf32, #tpu.memory_space<vmem_shared>>
          tpu.wait_indirect_dma semaphore(%run_scoped3A : memref<!tpu.dma_semaphore, #tpu.memory_space<semaphore_mem>>) src(%arg8 : memref<128x128xf32, #tpu.memory_space<vmem>>) dst(%dma_wait3A_32 : memref<10240x128xf32, #tpu.memory_space<vmem_shared>>)
          tpu.yield
        }) : () -> ()
      } else {
      }
    }
    %scan3A_7 = arith.constant 16 : i32
    %barrier3A_8 = arith.constant 0 : index
    tpu.barrier barrier_id(%barrier3A_8)
    %mul3A_9 = arith.constant 640 : i32
    %mul3A_10 = arith.muli %arg1, %mul3A_9 : i32
    %mul3A_11 = arith.constant 640 : i32
    %mul3A_12 = arith.muli %arg1, %mul3A_11 : i32
    "tpu.region"() ({
      %run_scoped3A = tpu.sem_alloc : memref<!tpu.dma_semaphore, #tpu.memory_space<semaphore_mem>>
      %dma_start3A = arith.constant 0 : i32
      %dma_start3A_13 = tpu.memref_slice %arg6[%arg0, %mul3A_12, %dma_start3A] : memref<2x10240x128xf32, #tpu.memory_space<hbm>> -> memref<1x640x128xf32, #tpu.memory_space<hbm>>
      %dma_start3A_14 = tpu.memref_squeeze %dma_start3A_13 : memref<1x640x128xf32, #tpu.memory_space<hbm>> -> memref<640x128xf32, #tpu.memory_space<hbm>>
      %dma_start3A_15 = arith.constant 0 : i32
      %dma_start3A_16 = tpu.memref_slice %arg9[%mul3A_10, %dma_start3A_15] : memref<10240x128xf32, #tpu.memory_space<vmem_shared>> -> memref<640x128xf32, #tpu.memory_space<vmem_shared>>
      tpu.enqueue_dma source(%dma_start3A_16 : memref<640x128xf32, #tpu.memory_space<vmem_shared>>) target(%dma_start3A_14 : memref<640x128xf32, #tpu.memory_space<hbm>>) target_semaphore(%run_scoped3A : memref<!tpu.dma_semaphore, #tpu.memory_space<semaphore_mem>>)
      %dma_wait3A = arith.constant 0 : i32
      %dma_wait3A_17 = tpu.memref_slice %arg6[%arg0, %mul3A_12, %dma_wait3A] : memref<2x10240x128xf32, #tpu.memory_space<hbm>> -> memref<1x640x128xf32, #tpu.memory_space<hbm>>
      %dma_wait3A_18 = tpu.memref_squeeze %dma_wait3A_17 : memref<1x640x128xf32, #tpu.memory_space<hbm>> -> memref<640x128xf32, #tpu.memory_space<hbm>>
      %dma_wait3A_19 = arith.constant 0 : i32
      %dma_wait3A_20 = tpu.memref_slice %arg9[%mul3A_10, %dma_wait3A_19] : memref<10240x128xf32, #tpu.memory_space<vmem_shared>> -> memref<640x128xf32, #tpu.memory_space<vmem_shared>>
      tpu.wait_dma2 semaphore(%run_scoped3A : memref<!tpu.dma_semaphore, #tpu.memory_space<semaphore_mem>>) src(%dma_wait3A_20 : memref<640x128xf32, #tpu.memory_space<vmem_shared>>) dst(%dma_wait3A_18 : memref<640x128xf32, #tpu.memory_space<hbm>>)
      tpu.yield
    }) : () -> ()
    return
  }
}

#map = affine_map<(d0, d1) -> (0, 0)>
#map1 = affine_map<(d0, d1) -> (0)>
#map2 = affine_map<(d0, d1) -> (0, 0, 0)>
module attributes {stable_mosaic.version = 14 : i64} {
  func.func @_scatter_body(%arg0: i32, %arg1: i32, %arg2: memref<32000x128xf32, #tpu.memory_space<hbm>>, %arg3: memref<32000x128xf32, #tpu.memory_space<hbm>>, %arg4: memref<32000xi32, #tpu.memory_space<hbm>>, %arg5: memref<10240x128xf32, #tpu.memory_space<hbm>>, %arg6: memref<2x10240x128xf32, #tpu.memory_space<hbm>>, %arg7: memref<128xi32, #tpu.memory_space<vmem>>, %arg8: memref<128x128xf32, #tpu.memory_space<vmem>>, %arg9: memref<10240x128xf32, #tpu.memory_space<vmem_shared>>) attributes {dimension_semantics = [#tpu.dimension_semantics<core_parallel>, #tpu.dimension_semantics<subcore_parallel>], iteration_bounds = array<i64: 2, 16>, scalar_prefetch = 0 : i64, scratch_operands = 3 : i64, tpu.core_type = #tpu.core_type<sc_vector_subcore>, window_params = [{transform_indices = #map}, {transform_indices = #map}, {transform_indices = #map1}, {transform_indices = #map}, {transform_indices = #map2}]} {
    %mul3A = arith.constant 640 : i32
    %mul3A_0 = arith.muli %arg1, %mul3A : i32
    %mul3A_1 = arith.constant 640 : i32
    %mul3A_2 = arith.muli %arg1, %mul3A_1 : i32
    "tpu.region"() ({
      %run_scoped3A = tpu.sem_alloc : memref<!tpu.dma_semaphore, #tpu.memory_space<semaphore_mem>>
      %dma_start3A = arith.constant 0 : i32
      %dma_start3A_13 = tpu.memref_slice %arg9[%mul3A_2, %dma_start3A] : memref<10240x128xf32, #tpu.memory_space<vmem_shared>> -> memref<640x128xf32, #tpu.memory_space<vmem_shared>>
      %dma_start3A_14 = arith.constant 0 : i32
      %dma_start3A_15 = tpu.memref_slice %arg5[%mul3A_0, %dma_start3A_14] : memref<10240x128xf32, #tpu.memory_space<hbm>> -> memref<640x128xf32, #tpu.memory_space<hbm>>
      tpu.enqueue_dma source(%dma_start3A_15 : memref<640x128xf32, #tpu.memory_space<hbm>>) target(%dma_start3A_13 : memref<640x128xf32, #tpu.memory_space<vmem_shared>>) target_semaphore(%run_scoped3A : memref<!tpu.dma_semaphore, #tpu.memory_space<semaphore_mem>>)
      %dma_wait3A = arith.constant 0 : i32
      %dma_wait3A_16 = tpu.memref_slice %arg9[%mul3A_2, %dma_wait3A] : memref<10240x128xf32, #tpu.memory_space<vmem_shared>> -> memref<640x128xf32, #tpu.memory_space<vmem_shared>>
      %dma_wait3A_17 = arith.constant 0 : i32
      %dma_wait3A_18 = tpu.memref_slice %arg5[%mul3A_0, %dma_wait3A_17] : memref<10240x128xf32, #tpu.memory_space<hbm>> -> memref<640x128xf32, #tpu.memory_space<hbm>>
      tpu.wait_dma2 semaphore(%run_scoped3A : memref<!tpu.dma_semaphore, #tpu.memory_space<semaphore_mem>>) src(%dma_wait3A_18 : memref<640x128xf32, #tpu.memory_space<hbm>>) dst(%dma_wait3A_16 : memref<640x128xf32, #tpu.memory_space<vmem_shared>>)
      tpu.yield
    }) : () -> ()
    %barrier3A = arith.constant 0 : index
    tpu.barrier barrier_id(%barrier3A)
    %scan3A = arith.constant 0 : i32
    %scan3A_3 = arith.constant 0 : i32
    %scan3A_4 = arith.constant 16 : i32
    %scan3A_5 = arith.addi %scan3A_3, %scan3A_4 : i32
    %scan3A_6 = arith.constant 1 : i32
    scf.for %scan3A_13 = %scan3A_3 to %scan3A_5 step %scan3A_6  : i32 {
      %mul3A_14 = arith.constant 16 : i32
      %mul3A_15 = arith.muli %scan3A_13, %mul3A_14 : i32
      %add3A = arith.addi %mul3A_15, %arg1 : i32
      %lt3A = arith.constant 250 : i32
      %lt3A_16 = arith.cmpi slt, %add3A, %lt3A : i32
      %convert_element_type3A = arith.extui %lt3A_16 : i1 to i32
      %cond3A = arith.constant 0 : i32
      %cond3A_17 = arith.cmpi ne, %convert_element_type3A, %cond3A : i32
      scf.if %cond3A_17 {
        %mul3A_18 = arith.constant 128 : i32
        %mul3A_19 = arith.muli %add3A, %mul3A_18 : i32
        "tpu.region"() ({
          %run_scoped3A = tpu.sem_alloc : memref<!tpu.dma_semaphore, #tpu.memory_space<semaphore_mem>>
          %dma_start3A = tpu.memref_slice %arg4[%mul3A_19] : memref<32000xi32, #tpu.memory_space<hbm>> -> memref<128xi32, #tpu.memory_space<hbm>>
          %dma_start3A_29 = tpu.memref_slice %arg4[%mul3A_19] : memref<32000xi32, #tpu.memory_space<hbm>> -> memref<128xi32, #tpu.memory_space<hbm>>
          tpu.enqueue_dma source(%dma_start3A_29 : memref<128xi32, #tpu.memory_space<hbm>>) target(%arg7 : memref<128xi32, #tpu.memory_space<vmem>>) target_semaphore(%run_scoped3A : memref<!tpu.dma_semaphore, #tpu.memory_space<semaphore_mem>>)
          %dma_wait3A = tpu.memref_slice %arg4[%mul3A_19] : memref<32000xi32, #tpu.memory_space<hbm>> -> memref<128xi32, #tpu.memory_space<hbm>>
          %dma_wait3A_30 = tpu.memref_slice %arg4[%mul3A_19] : memref<32000xi32, #tpu.memory_space<hbm>> -> memref<128xi32, #tpu.memory_space<hbm>>
          tpu.wait_dma2 semaphore(%run_scoped3A : memref<!tpu.dma_semaphore, #tpu.memory_space<semaphore_mem>>) src(%dma_wait3A_30 : memref<128xi32, #tpu.memory_space<hbm>>) dst(%arg7 : memref<128xi32, #tpu.memory_space<vmem>>)
          tpu.yield
        }) : () -> ()
        %eq3A = arith.constant 0 : i32
        %eq3A_20 = arith.cmpi eq, %arg0, %eq3A : i32
        %convert_element_type3A_21 = arith.extui %eq3A_20 : i1 to i32
        %cond3A_22 = arith.constant 0 : i32
        %cond3A_23 = arith.cmpi ne, %convert_element_type3A_21, %cond3A_22 : i32
        scf.if %cond3A_23 {
          "tpu.region"() ({
            %run_scoped3A = tpu.sem_alloc : memref<!tpu.dma_semaphore, #tpu.memory_space<semaphore_mem>>
            %dma_start3A = arith.constant 0 : i32
            %dma_start3A_29 = tpu.memref_slice %arg2[%mul3A_19, %dma_start3A] : memref<32000x128xf32, #tpu.memory_space<hbm>> -> memref<128x128xf32, #tpu.memory_space<hbm>>
            %dma_start3A_30 = arith.constant 0 : i32
            %dma_start3A_31 = tpu.memref_slice %arg2[%mul3A_19, %dma_start3A_30] : memref<32000x128xf32, #tpu.memory_space<hbm>> -> memref<128x128xf32, #tpu.memory_space<hbm>>
            tpu.enqueue_dma source(%dma_start3A_31 : memref<128x128xf32, #tpu.memory_space<hbm>>) target(%arg8 : memref<128x128xf32, #tpu.memory_space<vmem>>) target_semaphore(%run_scoped3A : memref<!tpu.dma_semaphore, #tpu.memory_space<semaphore_mem>>)
            %dma_wait3A = arith.constant 0 : i32
            %dma_wait3A_32 = tpu.memref_slice %arg2[%mul3A_19, %dma_wait3A] : memref<32000x128xf32, #tpu.memory_space<hbm>> -> memref<128x128xf32, #tpu.memory_space<hbm>>
            %dma_wait3A_33 = arith.constant 0 : i32
            %dma_wait3A_34 = tpu.memref_slice %arg2[%mul3A_19, %dma_wait3A_33] : memref<32000x128xf32, #tpu.memory_space<hbm>> -> memref<128x128xf32, #tpu.memory_space<hbm>>
            tpu.wait_dma2 semaphore(%run_scoped3A : memref<!tpu.dma_semaphore, #tpu.memory_space<semaphore_mem>>) src(%dma_wait3A_34 : memref<128x128xf32, #tpu.memory_space<hbm>>) dst(%arg8 : memref<128x128xf32, #tpu.memory_space<vmem>>)
            tpu.yield
          }) : () -> ()
        } else {
        }
        %eq3A_24 = arith.constant 1 : i32
        %eq3A_25 = arith.cmpi eq, %arg0, %eq3A_24 : i32
        %convert_element_type3A_26 = arith.extui %eq3A_25 : i1 to i32
        %cond3A_27 = arith.constant 0 : i32
        %cond3A_28 = arith.cmpi ne, %convert_element_type3A_26, %cond3A_27 : i32
        scf.if %cond3A_28 {
          "tpu.region"() ({
            %run_scoped3A = tpu.sem_alloc : memref<!tpu.dma_semaphore, #tpu.memory_space<semaphore_mem>>
            %dma_start3A = arith.constant 0 : i32
            %dma_start3A_29 = tpu.memref_slice %arg3[%mul3A_19, %dma_start3A] : memref<32000x128xf32, #tpu.memory_space<hbm>> -> memref<128x128xf32, #tpu.memory_space<hbm>>
            %dma_start3A_30 = arith.constant 0 : i32
            %dma_start3A_31 = tpu.memref_slice %arg3[%mul3A_19, %dma_start3A_30] : memref<32000x128xf32, #tpu.memory_space<hbm>> -> memref<128x128xf32, #tpu.memory_space<hbm>>
            tpu.enqueue_dma source(%dma_start3A_31 : memref<128x128xf32, #tpu.memory_space<hbm>>) target(%arg8 : memref<128x128xf32, #tpu.memory_space<vmem>>) target_semaphore(%run_scoped3A : memref<!tpu.dma_semaphore, #tpu.memory_space<semaphore_mem>>)
            %dma_wait3A = arith.constant 0 : i32
            %dma_wait3A_32 = tpu.memref_slice %arg3[%mul3A_19, %dma_wait3A] : memref<32000x128xf32, #tpu.memory_space<hbm>> -> memref<128x128xf32, #tpu.memory_space<hbm>>
            %dma_wait3A_33 = arith.constant 0 : i32
            %dma_wait3A_34 = tpu.memref_slice %arg3[%mul3A_19, %dma_wait3A_33] : memref<32000x128xf32, #tpu.memory_space<hbm>> -> memref<128x128xf32, #tpu.memory_space<hbm>>
            tpu.wait_dma2 semaphore(%run_scoped3A : memref<!tpu.dma_semaphore, #tpu.memory_space<semaphore_mem>>) src(%dma_wait3A_34 : memref<128x128xf32, #tpu.memory_space<hbm>>) dst(%arg8 : memref<128x128xf32, #tpu.memory_space<vmem>>)
            tpu.yield
          }) : () -> ()
        } else {
        }
        "tpu.region"() ({
          %run_scoped3A = tpu.sem_alloc : memref<!tpu.dma_semaphore, #tpu.memory_space<semaphore_mem>>
          %dma_start3A = arith.constant 0 : i32
          %dma_start3A_29 = arith.constant 0 : i32
          %dma_start3A_30 = tpu.memref_slice %arg9[%dma_start3A, %dma_start3A_29] : memref<10240x128xf32, #tpu.memory_space<vmem_shared>> -> memref<10240x128xf32, #tpu.memory_space<vmem_shared>>
          tpu.enqueue_indirect_dma source(%arg8 : memref<128x128xf32, #tpu.memory_space<vmem>>) target(%dma_start3A_30 : memref<10240x128xf32, #tpu.memory_space<vmem_shared>>) offsets(%arg7 : memref<128xi32, #tpu.memory_space<vmem>>) semaphore(%run_scoped3A : memref<!tpu.dma_semaphore, #tpu.memory_space<semaphore_mem>>) {add = true}
          %dma_wait3A = arith.constant 0 : i32
          %dma_wait3A_31 = arith.constant 0 : i32
          %dma_wait3A_32 = tpu.memref_slice %arg9[%dma_wait3A, %dma_wait3A_31] : memref<10240x128xf32, #tpu.memory_space<vmem_shared>> -> memref<10240x128xf32, #tpu.memory_space<vmem_shared>>
          tpu.wait_indirect_dma semaphore(%run_scoped3A : memref<!tpu.dma_semaphore, #tpu.memory_space<semaphore_mem>>) src(%arg8 : memref<128x128xf32, #tpu.memory_space<vmem>>) dst(%dma_wait3A_32 : memref<10240x128xf32, #tpu.memory_space<vmem_shared>>)
          tpu.yield
        }) : () -> ()
      } else {
      }
    }
    %scan3A_7 = arith.constant 16 : i32
    %barrier3A_8 = arith.constant 0 : index
    tpu.barrier barrier_id(%barrier3A_8)
    %mul3A_9 = arith.constant 640 : i32
    %mul3A_10 = arith.muli %arg1, %mul3A_9 : i32
    %mul3A_11 = arith.constant 640 : i32
    %mul3A_12 = arith.muli %arg1, %mul3A_11 : i32
    "tpu.region"() ({
      %run_scoped3A = tpu.sem_alloc : memref<!tpu.dma_semaphore, #tpu.memory_space<semaphore_mem>>
      %dma_start3A = arith.constant 0 : i32
      %dma_start3A_13 = tpu.memref_slice %arg6[%arg0, %mul3A_12, %dma_start3A] : memref<2x10240x128xf32, #tpu.memory_space<hbm>> -> memref<1x640x128xf32, #tpu.memory_space<hbm>>
      %dma_start3A_14 = tpu.memref_squeeze %dma_start3A_13 : memref<1x640x128xf32, #tpu.memory_space<hbm>> -> memref<640x128xf32, #tpu.memory_space<hbm>>
      %dma_start3A_15 = arith.constant 0 : i32
      %dma_start3A_16 = tpu.memref_slice %arg9[%mul3A_10, %dma_start3A_15] : memref<10240x128xf32, #tpu.memory_space<vmem_shared>> -> memref<640x128xf32, #tpu.memory_space<vmem_shared>>
      tpu.enqueue_dma source(%dma_start3A_16 : memref<640x128xf32, #tpu.memory_space<vmem_shared>>) target(%dma_start3A_14 : memref<640x128xf32, #tpu.memory_space<hbm>>) target_semaphore(%run_scoped3A : memref<!tpu.dma_semaphore, #tpu.memory_space<semaphore_mem>>)
      %dma_wait3A = arith.constant 0 : i32
      %dma_wait3A_17 = tpu.memref_slice %arg6[%arg0, %mul3A_12, %dma_wait3A] : memref<2x10240x128xf32, #tpu.memory_space<hbm>> -> memref<1x640x128xf32, #tpu.memory_space<hbm>>
      %dma_wait3A_18 = tpu.memref_squeeze %dma_wait3A_17 : memref<1x640x128xf32, #tpu.memory_space<hbm>> -> memref<640x128xf32, #tpu.memory_space<hbm>>
      %dma_wait3A_19 = arith.constant 0 : i32
      %dma_wait3A_20 = tpu.memref_slice %arg9[%mul3A_10, %dma_wait3A_19] : memref<10240x128xf32, #tpu.memory_space<vmem_shared>> -> memref<640x128xf32, #tpu.memory_space<vmem_shared>>
      tpu.wait_dma2 semaphore(%run_scoped3A : memref<!tpu.dma_semaphore, #tpu.memory_space<semaphore_mem>>) src(%dma_wait3A_20 : memref<640x128xf32, #tpu.memory_space<vmem_shared>>) dst(%dma_wait3A_18 : memref<640x128xf32, #tpu.memory_space<hbm>>)
      tpu.yield
    }) : () -> ()
    return
  }
}

#map = affine_map<(d0, d1) -> (0, 0)>
#map1 = affine_map<(d0, d1) -> (0)>
#map2 = affine_map<(d0, d1) -> (0, 0, 0)>
module attributes {stable_mosaic.version = 14 : i64} {
  func.func @_scatter_body(%arg0: i32, %arg1: i32, %arg2: memref<32000x128xf32, #tpu.memory_space<hbm>>, %arg3: memref<32000x128xf32, #tpu.memory_space<hbm>>, %arg4: memref<32000xi32, #tpu.memory_space<hbm>>, %arg5: memref<10240x128xf32, #tpu.memory_space<hbm>>, %arg6: memref<2x10240x128xf32, #tpu.memory_space<hbm>>, %arg7: memref<128xi32, #tpu.memory_space<vmem>>, %arg8: memref<128x128xf32, #tpu.memory_space<vmem>>, %arg9: memref<10240x128xf32, #tpu.memory_space<vmem_shared>>) attributes {dimension_semantics = [#tpu.dimension_semantics<core_parallel>, #tpu.dimension_semantics<subcore_parallel>], iteration_bounds = array<i64: 2, 16>, scalar_prefetch = 0 : i64, scratch_operands = 3 : i64, tpu.core_type = #tpu.core_type<sc_vector_subcore>, window_params = [{transform_indices = #map}, {transform_indices = #map}, {transform_indices = #map1}, {transform_indices = #map}, {transform_indices = #map2}]} {
    %mul3A = arith.constant 640 : i32
    %mul3A_0 = arith.muli %arg1, %mul3A : i32
    %mul3A_1 = arith.constant 640 : i32
    %mul3A_2 = arith.muli %arg1, %mul3A_1 : i32
    "tpu.region"() ({
      %run_scoped3A = tpu.sem_alloc : memref<!tpu.dma_semaphore, #tpu.memory_space<semaphore_mem>>
      %dma_start3A = arith.constant 0 : i32
      %dma_start3A_13 = tpu.memref_slice %arg9[%mul3A_2, %dma_start3A] : memref<10240x128xf32, #tpu.memory_space<vmem_shared>> -> memref<640x128xf32, #tpu.memory_space<vmem_shared>>
      %dma_start3A_14 = arith.constant 0 : i32
      %dma_start3A_15 = tpu.memref_slice %arg5[%mul3A_0, %dma_start3A_14] : memref<10240x128xf32, #tpu.memory_space<hbm>> -> memref<640x128xf32, #tpu.memory_space<hbm>>
      tpu.enqueue_dma source(%dma_start3A_15 : memref<640x128xf32, #tpu.memory_space<hbm>>) target(%dma_start3A_13 : memref<640x128xf32, #tpu.memory_space<vmem_shared>>) target_semaphore(%run_scoped3A : memref<!tpu.dma_semaphore, #tpu.memory_space<semaphore_mem>>)
      %dma_wait3A = arith.constant 0 : i32
      %dma_wait3A_16 = tpu.memref_slice %arg9[%mul3A_2, %dma_wait3A] : memref<10240x128xf32, #tpu.memory_space<vmem_shared>> -> memref<640x128xf32, #tpu.memory_space<vmem_shared>>
      %dma_wait3A_17 = arith.constant 0 : i32
      %dma_wait3A_18 = tpu.memref_slice %arg5[%mul3A_0, %dma_wait3A_17] : memref<10240x128xf32, #tpu.memory_space<hbm>> -> memref<640x128xf32, #tpu.memory_space<hbm>>
      tpu.wait_dma2 semaphore(%run_scoped3A : memref<!tpu.dma_semaphore, #tpu.memory_space<semaphore_mem>>) src(%dma_wait3A_18 : memref<640x128xf32, #tpu.memory_space<hbm>>) dst(%dma_wait3A_16 : memref<640x128xf32, #tpu.memory_space<vmem_shared>>)
      tpu.yield
    }) : () -> ()
    %barrier3A = arith.constant 0 : index
    tpu.barrier barrier_id(%barrier3A)
    %scan3A = arith.constant 0 : i32
    %scan3A_3 = arith.constant 0 : i32
    %scan3A_4 = arith.constant 16 : i32
    %scan3A_5 = arith.addi %scan3A_3, %scan3A_4 : i32
    %scan3A_6 = arith.constant 1 : i32
    scf.for %scan3A_13 = %scan3A_3 to %scan3A_5 step %scan3A_6  : i32 {
      %mul3A_14 = arith.constant 16 : i32
      %mul3A_15 = arith.muli %scan3A_13, %mul3A_14 : i32
      %add3A = arith.addi %mul3A_15, %arg1 : i32
      %lt3A = arith.constant 250 : i32
      %lt3A_16 = arith.cmpi slt, %add3A, %lt3A : i32
      %convert_element_type3A = arith.extui %lt3A_16 : i1 to i32
      %cond3A = arith.constant 0 : i32
      %cond3A_17 = arith.cmpi ne, %convert_element_type3A, %cond3A : i32
      scf.if %cond3A_17 {
        %mul3A_18 = arith.constant 128 : i32
        %mul3A_19 = arith.muli %add3A, %mul3A_18 : i32
        "tpu.region"() ({
          %run_scoped3A = tpu.sem_alloc : memref<!tpu.dma_semaphore, #tpu.memory_space<semaphore_mem>>
          %dma_start3A = tpu.memref_slice %arg4[%mul3A_19] : memref<32000xi32, #tpu.memory_space<hbm>> -> memref<128xi32, #tpu.memory_space<hbm>>
          %dma_start3A_29 = tpu.memref_slice %arg4[%mul3A_19] : memref<32000xi32, #tpu.memory_space<hbm>> -> memref<128xi32, #tpu.memory_space<hbm>>
          tpu.enqueue_dma source(%dma_start3A_29 : memref<128xi32, #tpu.memory_space<hbm>>) target(%arg7 : memref<128xi32, #tpu.memory_space<vmem>>) target_semaphore(%run_scoped3A : memref<!tpu.dma_semaphore, #tpu.memory_space<semaphore_mem>>)
          %dma_wait3A = tpu.memref_slice %arg4[%mul3A_19] : memref<32000xi32, #tpu.memory_space<hbm>> -> memref<128xi32, #tpu.memory_space<hbm>>
          %dma_wait3A_30 = tpu.memref_slice %arg4[%mul3A_19] : memref<32000xi32, #tpu.memory_space<hbm>> -> memref<128xi32, #tpu.memory_space<hbm>>
          tpu.wait_dma2 semaphore(%run_scoped3A : memref<!tpu.dma_semaphore, #tpu.memory_space<semaphore_mem>>) src(%dma_wait3A_30 : memref<128xi32, #tpu.memory_space<hbm>>) dst(%arg7 : memref<128xi32, #tpu.memory_space<vmem>>)
          tpu.yield
        }) : () -> ()
        %eq3A = arith.constant 0 : i32
        %eq3A_20 = arith.cmpi eq, %arg0, %eq3A : i32
        %convert_element_type3A_21 = arith.extui %eq3A_20 : i1 to i32
        %cond3A_22 = arith.constant 0 : i32
        %cond3A_23 = arith.cmpi ne, %convert_element_type3A_21, %cond3A_22 : i32
        scf.if %cond3A_23 {
          "tpu.region"() ({
            %run_scoped3A = tpu.sem_alloc : memref<!tpu.dma_semaphore, #tpu.memory_space<semaphore_mem>>
            %dma_start3A = arith.constant 0 : i32
            %dma_start3A_29 = tpu.memref_slice %arg2[%mul3A_19, %dma_start3A] : memref<32000x128xf32, #tpu.memory_space<hbm>> -> memref<128x128xf32, #tpu.memory_space<hbm>>
            %dma_start3A_30 = arith.constant 0 : i32
            %dma_start3A_31 = tpu.memref_slice %arg2[%mul3A_19, %dma_start3A_30] : memref<32000x128xf32, #tpu.memory_space<hbm>> -> memref<128x128xf32, #tpu.memory_space<hbm>>
            tpu.enqueue_dma source(%dma_start3A_31 : memref<128x128xf32, #tpu.memory_space<hbm>>) target(%arg8 : memref<128x128xf32, #tpu.memory_space<vmem>>) target_semaphore(%run_scoped3A : memref<!tpu.dma_semaphore, #tpu.memory_space<semaphore_mem>>)
            %dma_wait3A = arith.constant 0 : i32
            %dma_wait3A_32 = tpu.memref_slice %arg2[%mul3A_19, %dma_wait3A] : memref<32000x128xf32, #tpu.memory_space<hbm>> -> memref<128x128xf32, #tpu.memory_space<hbm>>
            %dma_wait3A_33 = arith.constant 0 : i32
            %dma_wait3A_34 = tpu.memref_slice %arg2[%mul3A_19, %dma_wait3A_33] : memref<32000x128xf32, #tpu.memory_space<hbm>> -> memref<128x128xf32, #tpu.memory_space<hbm>>
            tpu.wait_dma2 semaphore(%run_scoped3A : memref<!tpu.dma_semaphore, #tpu.memory_space<semaphore_mem>>) src(%dma_wait3A_34 : memref<128x128xf32, #tpu.memory_space<hbm>>) dst(%arg8 : memref<128x128xf32, #tpu.memory_space<vmem>>)
            tpu.yield
          }) : () -> ()
        } else {
        }
        %eq3A_24 = arith.constant 1 : i32
        %eq3A_25 = arith.cmpi eq, %arg0, %eq3A_24 : i32
        %convert_element_type3A_26 = arith.extui %eq3A_25 : i1 to i32
        %cond3A_27 = arith.constant 0 : i32
        %cond3A_28 = arith.cmpi ne, %convert_element_type3A_26, %cond3A_27 : i32
        scf.if %cond3A_28 {
          "tpu.region"() ({
            %run_scoped3A = tpu.sem_alloc : memref<!tpu.dma_semaphore, #tpu.memory_space<semaphore_mem>>
            %dma_start3A = arith.constant 0 : i32
            %dma_start3A_29 = tpu.memref_slice %arg3[%mul3A_19, %dma_start3A] : memref<32000x128xf32, #tpu.memory_space<hbm>> -> memref<128x128xf32, #tpu.memory_space<hbm>>
            %dma_start3A_30 = arith.constant 0 : i32
            %dma_start3A_31 = tpu.memref_slice %arg3[%mul3A_19, %dma_start3A_30] : memref<32000x128xf32, #tpu.memory_space<hbm>> -> memref<128x128xf32, #tpu.memory_space<hbm>>
            tpu.enqueue_dma source(%dma_start3A_31 : memref<128x128xf32, #tpu.memory_space<hbm>>) target(%arg8 : memref<128x128xf32, #tpu.memory_space<vmem>>) target_semaphore(%run_scoped3A : memref<!tpu.dma_semaphore, #tpu.memory_space<semaphore_mem>>)
            %dma_wait3A = arith.constant 0 : i32
            %dma_wait3A_32 = tpu.memref_slice %arg3[%mul3A_19, %dma_wait3A] : memref<32000x128xf32, #tpu.memory_space<hbm>> -> memref<128x128xf32, #tpu.memory_space<hbm>>
            %dma_wait3A_33 = arith.constant 0 : i32
            %dma_wait3A_34 = tpu.memref_slice %arg3[%mul3A_19, %dma_wait3A_33] : memref<32000x128xf32, #tpu.memory_space<hbm>> -> memref<128x128xf32, #tpu.memory_space<hbm>>
            tpu.wait_dma2 semaphore(%run_scoped3A : memref<!tpu.dma_semaphore, #tpu.memory_space<semaphore_mem>>) src(%dma_wait3A_34 : memref<128x128xf32, #tpu.memory_space<hbm>>) dst(%arg8 : memref<128x128xf32, #tpu.memory_space<vmem>>)
            tpu.yield
          }) : () -> ()
        } else {
        }
        "tpu.region"() ({
          %run_scoped3A = tpu.sem_alloc : memref<!tpu.dma_semaphore, #tpu.memory_space<semaphore_mem>>
          %dma_start3A = arith.constant 0 : i32
          %dma_start3A_29 = arith.constant 0 : i32
          %dma_start3A_30 = tpu.memref_slice %arg9[%dma_start3A, %dma_start3A_29] : memref<10240x128xf32, #tpu.memory_space<vmem_shared>> -> memref<10240x128xf32, #tpu.memory_space<vmem_shared>>
          tpu.enqueue_indirect_dma source(%arg8 : memref<128x128xf32, #tpu.memory_space<vmem>>) target(%dma_start3A_30 : memref<10240x128xf32, #tpu.memory_space<vmem_shared>>) offsets(%arg7 : memref<128xi32, #tpu.memory_space<vmem>>) semaphore(%run_scoped3A : memref<!tpu.dma_semaphore, #tpu.memory_space<semaphore_mem>>) {add = true}
          %dma_wait3A = arith.constant 0 : i32
          %dma_wait3A_31 = arith.constant 0 : i32
          %dma_wait3A_32 = tpu.memref_slice %arg9[%dma_wait3A, %dma_wait3A_31] : memref<10240x128xf32, #tpu.memory_space<vmem_shared>> -> memref<10240x128xf32, #tpu.memory_space<vmem_shared>>
          tpu.wait_indirect_dma semaphore(%run_scoped3A : memref<!tpu.dma_semaphore, #tpu.memory_space<semaphore_mem>>) src(%arg8 : memref<128x128xf32, #tpu.memory_space<vmem>>) dst(%dma_wait3A_32 : memref<10240x128xf32, #tpu.memory_space<vmem_shared>>)
          tpu.yield
        }) : () -> ()
      } else {
      }
    }
    %scan3A_7 = arith.constant 16 : i32
    %barrier3A_8 = arith.constant 0 : index
    tpu.barrier barrier_id(%barrier3A_8)
    %mul3A_9 = arith.constant 640 : i32
    %mul3A_10 = arith.muli %arg1, %mul3A_9 : i32
    %mul3A_11 = arith.constant 640 : i32
    %mul3A_12 = arith.muli %arg1, %mul3A_11 : i32
    "tpu.region"() ({
      %run_scoped3A = tpu.sem_alloc : memref<!tpu.dma_semaphore, #tpu.memory_space<semaphore_mem>>
      %dma_start3A = arith.constant 0 : i32
      %dma_start3A_13 = tpu.memref_slice %arg6[%arg0, %mul3A_12, %dma_start3A] : memref<2x10240x128xf32, #tpu.memory_space<hbm>> -> memref<1x640x128xf32, #tpu.memory_space<hbm>>
      %dma_start3A_14 = tpu.memref_squeeze %dma_start3A_13 : memref<1x640x128xf32, #tpu.memory_space<hbm>> -> memref<640x128xf32, #tpu.memory_space<hbm>>
      %dma_start3A_15 = arith.constant 0 : i32
      %dma_start3A_16 = tpu.memref_slice %arg9[%mul3A_10, %dma_start3A_15] : memref<10240x128xf32, #tpu.memory_space<vmem_shared>> -> memref<640x128xf32, #tpu.memory_space<vmem_shared>>
      tpu.enqueue_dma source(%dma_start3A_16 : memref<640x128xf32, #tpu.memory_space<vmem_shared>>) target(%dma_start3A_14 : memref<640x128xf32, #tpu.memory_space<hbm>>) target_semaphore(%run_scoped3A : memref<!tpu.dma_semaphore, #tpu.memory_space<semaphore_mem>>)
      %dma_wait3A = arith.constant 0 : i32
      %dma_wait3A_17 = tpu.memref_slice %arg6[%arg0, %mul3A_12, %dma_wait3A] : memref<2x10240x128xf32, #tpu.memory_space<hbm>> -> memref<1x640x128xf32, #tpu.memory_space<hbm>>
      %dma_wait3A_18 = tpu.memref_squeeze %dma_wait3A_17 : memref<1x640x128xf32, #tpu.memory_space<hbm>> -> memref<640x128xf32, #tpu.memory_space<hbm>>
      %dma_wait3A_19 = arith.constant 0 : i32
      %dma_wait3A_20 = tpu.memref_slice %arg9[%mul3A_10, %dma_wait3A_19] : memref<10240x128xf32, #tpu.memory_space<vmem_shared>> -> memref<640x128xf32, #tpu.memory_space<vmem_shared>>
      tpu.wait_dma2 semaphore(%run_scoped3A : memref<!tpu.dma_semaphore, #tpu.memory_space<semaphore_mem>>) src(%dma_wait3A_20 : memref<640x128xf32, #tpu.memory_space<vmem_shared>>) dst(%dma_wait3A_18 : memref<640x128xf32, #tpu.memory_space<hbm>>)
      tpu.yield
    }) : () -> ()
    return
  }
}

module attributes {stable_mosaic.version = 14 : i64} {
  func.func @_edge_body(%arg0: i32, %arg1: memref<3200x1xf32, #tpu.memory_space<vmem>>, %arg2: memref<3200x128xf32, #tpu.memory_space<vmem>>, %arg3: memref<3200x128xf32, #tpu.memory_space<vmem>>, %arg4: memref<128xf32, #tpu.memory_space<vmem>>, %arg5: memref<128x128xf32, #tpu.memory_space<vmem>>, %arg6: memref<128xf32, #tpu.memory_space<vmem>>, %arg7: memref<128x128xf32, #tpu.memory_space<vmem>>, %arg8: memref<128xf32, #tpu.memory_space<vmem>>, %arg9: memref<128x128xf32, #tpu.memory_space<vmem>>, %arg10: memref<128xf32, #tpu.memory_space<vmem>>, %arg11: memref<128x128xf32, #tpu.memory_space<vmem>>, %arg12: memref<128xf32, #tpu.memory_space<vmem>>, %arg13: memref<128x128xf32, #tpu.memory_space<vmem>>, %arg14: memref<128xf32, #tpu.memory_space<vmem>>, %arg15: memref<3200x128xf32, #tpu.memory_space<vmem>>, %arg16: memref<3200x128xf32, #tpu.memory_space<vmem>>) attributes {dimension_semantics = [#tpu.dimension_semantics<arbitrary>], iteration_bounds = array<i64: 10>, scalar_prefetch = 0 : i64, scratch_operands = 0 : i64, tpu.core_type = #tpu.core_type<tc>, window_params = [{transform_indices = @transform_0, window_bounds = array<i64: 3200, 1>}, {transform_indices = @transform_1, window_bounds = array<i64: 3200, 128>}, {transform_indices = @transform_2, window_bounds = array<i64: 3200, 128>}, {pipeline_mode = #tpu.pipeline_mode<synchronous>, transform_indices = @transform_3, window_bounds = array<i64: 128>}, {pipeline_mode = #tpu.pipeline_mode<synchronous>, transform_indices = @transform_4, window_bounds = array<i64: 128, 128>}, {pipeline_mode = #tpu.pipeline_mode<synchronous>, transform_indices = @transform_5, window_bounds = array<i64: 128>}, {pipeline_mode = #tpu.pipeline_mode<synchronous>, transform_indices = @transform_6, window_bounds = array<i64: 128, 128>}, {pipeline_mode = #tpu.pipeline_mode<synchronous>, transform_indices = @transform_7, window_bounds = array<i64: 128>}, {pipeline_mode = #tpu.pipeline_mode<synchronous>, transform_indices = @transform_8, window_bounds = array<i64: 128, 128>}, {pipeline_mode = #tpu.pipeline_mode<synchronous>, transform_indices = @transform_9, window_bounds = array<i64: 128>}, {pipeline_mode = #tpu.pipeline_mode<synchronous>, transform_indices = @transform_10, window_bounds = array<i64: 128, 128>}, {pipeline_mode = #tpu.pipeline_mode<synchronous>, transform_indices = @transform_11, window_bounds = array<i64: 128>}, {pipeline_mode = #tpu.pipeline_mode<synchronous>, transform_indices = @transform_12, window_bounds = array<i64: 128, 128>}, {pipeline_mode = #tpu.pipeline_mode<synchronous>, transform_indices = @transform_13, window_bounds = array<i64: 128>}, {transform_indices = @transform_14, window_bounds = array<i64: 3200, 128>}, {transform_indices = @transform_15, window_bounds = array<i64: 3200, 128>}]} {
    %get3A = arith.constant 0 : index
    %get3A_0 = arith.constant 0 : index
    %get3A_1 = vector.load %arg1[%get3A, %get3A_0] : memref<3200x1xf32, #tpu.memory_space<vmem>>, vector<3200x1xf32>
    %squeeze3A = vector.shape_cast %get3A_1 : vector<3200x1xf32> to vector<3200xf32>
    %get3A_2 = arith.constant 0 : index
    %get3A_3 = vector.load %arg4[%get3A_2] : memref<128xf32, #tpu.memory_space<vmem>>, vector<128xf32>
    %slice3A = vector.extract_strided_slice %get3A_3 {offsets = [1], sizes = [1], strides = [1]} : vector<128xf32> to vector<1xf32>
    %squeeze3A_4 = vector.extract %slice3A[0] : f32 from vector<1xf32>
    %slice3A_5 = vector.extract_strided_slice %get3A_3 {offsets = [0], sizes = [1], strides = [1]} : vector<128xf32> to vector<1xf32>
    %squeeze3A_6 = vector.extract %slice3A_5[0] : f32 from vector<1xf32>
    %sub3A = arith.subf %squeeze3A_4, %squeeze3A_6 : f32
    %integer_pow3A = arith.mulf %sub3A, %sub3A : f32
    %div3A = arith.constant -5.000000e-01 : f32
    %div3A_7 = arith.divf %div3A, %integer_pow3A : f32
    %broadcast_in_dim3A = vector.shape_cast %squeeze3A : vector<3200xf32> to vector<3200x1xf32>
    %broadcast_in_dim3A_8 = vector.shape_cast %get3A_3 : vector<128xf32> to vector<1x128xf32>
    %sub3A_9 = vector.broadcast %broadcast_in_dim3A : vector<3200x1xf32> to vector<3200x128xf32>
    %sub3A_10 = vector.broadcast %broadcast_in_dim3A_8 : vector<1x128xf32> to vector<3200x128xf32>
    %sub3A_11 = arith.subf %sub3A_9, %sub3A_10 : vector<3200x128xf32>
    %integer_pow3A_12 = arith.mulf %sub3A_11, %sub3A_11 : vector<3200x128xf32>
    %mul3A = vector.broadcast %div3A_7 : f32 to vector<3200x128xf32>
    %mul3A_13 = arith.mulf %mul3A, %integer_pow3A_12 : vector<3200x128xf32>
    %exp3A = math.exp %mul3A_13 : vector<3200x128xf32>
    %lt3A = arith.constant 5.000000e+00 : f32
    %lt3A_14 = vector.broadcast %lt3A : f32 to vector<3200xf32>
    %lt3A_15 = arith.cmpf olt, %squeeze3A, %lt3A_14 : vector<3200xf32>
    %mul3A_16 = arith.constant 3.14159274 : f32
    %mul3A_17 = vector.broadcast %mul3A_16 : f32 to vector<3200xf32>
    %mul3A_18 = arith.mulf %mul3A_17, %squeeze3A : vector<3200xf32>
    %div3A_19 = arith.constant 5.000000e+00 : f32
    %div3A_20 = vector.broadcast %div3A_19 : f32 to vector<3200xf32>
    %div3A_21 = arith.divf %mul3A_18, %div3A_20 : vector<3200xf32>
    %cos3A = math.cos %div3A_21 : vector<3200xf32>
    %add3A = arith.constant 1.000000e+00 : f32
    %add3A_22 = vector.broadcast %add3A : f32 to vector<3200xf32>
    %add3A_23 = arith.addf %cos3A, %add3A_22 : vector<3200xf32>
    %mul3A_24 = arith.constant 5.000000e-01 : f32
    %mul3A_25 = vector.broadcast %mul3A_24 : f32 to vector<3200xf32>
    %mul3A_26 = arith.mulf %mul3A_25, %add3A_23 : vector<3200xf32>
    %jit3A = arith.constant 0.000000e+00 : f32
    %broadcast_in_dim3A_27 = vector.broadcast %jit3A : f32 to vector<3200xf32>
    %select_n3A = arith.select %lt3A_15, %mul3A_26, %broadcast_in_dim3A_27 : vector<3200xi1>, vector<3200xf32>
    %get3A_28 = arith.constant 0 : index
    %get3A_29 = arith.constant 0 : index
    %get3A_30 = vector.load %arg2[%get3A_28, %get3A_29] : memref<3200x128xf32, #tpu.memory_space<vmem>>, vector<3200x128xf32>
    %get3A_31 = arith.constant 0 : index
    %get3A_32 = arith.constant 0 : index
    %get3A_33 = vector.load %arg3[%get3A_31, %get3A_32] : memref<3200x128xf32, #tpu.memory_space<vmem>>, vector<3200x128xf32>
    %get3A_34 = arith.constant 0 : index
    %get3A_35 = arith.constant 0 : index
    %get3A_36 = vector.load %arg5[%get3A_34, %get3A_35] : memref<128x128xf32, #tpu.memory_space<vmem>>, vector<128x128xf32>
    %dot_general3A = arith.constant dense<0.000000e+00> : vector<3200x128xf32>
    %dot_general3A_37 = tpu.matmul %get3A_30, %get3A_36, %dot_general3A {dimension_numbers = #tpu.dot_dimension_numbers<[1], [0], [0], [1], [0, 0, 1, 1], [], []>, transpose_lhs_hint = false} : vector<3200x128xf32>, vector<128x128xf32>, vector<3200x128xf32> -> vector<3200x128xf32>
    %get3A_38 = arith.constant 0 : index
    %get3A_39 = vector.load %arg6[%get3A_38] : memref<128xf32, #tpu.memory_space<vmem>>, vector<128xf32>
    %broadcast_in_dim3A_40 = vector.shape_cast %get3A_39 : vector<128xf32> to vector<1x128xf32>
    %add3A_41 = vector.broadcast %broadcast_in_dim3A_40 : vector<1x128xf32> to vector<3200x128xf32>
    %add3A_42 = arith.addf %dot_general3A_37, %add3A_41 : vector<3200x128xf32>
    %get3A_43 = arith.constant 0 : index
    %get3A_44 = arith.constant 0 : index
    %get3A_45 = vector.load %arg7[%get3A_43, %get3A_44] : memref<128x128xf32, #tpu.memory_space<vmem>>, vector<128x128xf32>
    %dot_general3A_46 = arith.constant dense<0.000000e+00> : vector<3200x128xf32>
    %dot_general3A_47 = tpu.matmul %get3A_33, %get3A_45, %dot_general3A_46 {dimension_numbers = #tpu.dot_dimension_numbers<[1], [0], [0], [1], [0, 0, 1, 1], [], []>, transpose_lhs_hint = false} : vector<3200x128xf32>, vector<128x128xf32>, vector<3200x128xf32> -> vector<3200x128xf32>
    %get3A_48 = arith.constant 0 : index
    %get3A_49 = vector.load %arg8[%get3A_48] : memref<128xf32, #tpu.memory_space<vmem>>, vector<128xf32>
    %broadcast_in_dim3A_50 = vector.shape_cast %get3A_49 : vector<128xf32> to vector<1x128xf32>
    %add3A_51 = vector.broadcast %broadcast_in_dim3A_50 : vector<1x128xf32> to vector<3200x128xf32>
    %add3A_52 = arith.addf %dot_general3A_47, %add3A_51 : vector<3200x128xf32>
    %get3A_53 = arith.constant 0 : index
    %get3A_54 = arith.constant 0 : index
    %get3A_55 = vector.load %arg9[%get3A_53, %get3A_54] : memref<128x128xf32, #tpu.memory_space<vmem>>, vector<128x128xf32>
    %dot_general3A_56 = arith.constant dense<0.000000e+00> : vector<3200x128xf32>
    %dot_general3A_57 = tpu.matmul %get3A_30, %get3A_55, %dot_general3A_56 {dimension_numbers = #tpu.dot_dimension_numbers<[1], [0], [0], [1], [0, 0, 1, 1], [], []>, transpose_lhs_hint = false} : vector<3200x128xf32>, vector<128x128xf32>, vector<3200x128xf32> -> vector<3200x128xf32>
    %get3A_58 = arith.constant 0 : index
    %get3A_59 = vector.load %arg10[%get3A_58] : memref<128xf32, #tpu.memory_space<vmem>>, vector<128xf32>
    %broadcast_in_dim3A_60 = vector.shape_cast %get3A_59 : vector<128xf32> to vector<1x128xf32>
    %add3A_61 = vector.broadcast %broadcast_in_dim3A_60 : vector<1x128xf32> to vector<3200x128xf32>
    %add3A_62 = arith.addf %dot_general3A_57, %add3A_61 : vector<3200x128xf32>
    %get3A_63 = arith.constant 0 : index
    %get3A_64 = arith.constant 0 : index
    %get3A_65 = vector.load %arg13[%get3A_63, %get3A_64] : memref<128x128xf32, #tpu.memory_space<vmem>>, vector<128x128xf32>
    %dot_general3A_66 = arith.constant dense<0.000000e+00> : vector<3200x128xf32>
    %dot_general3A_67 = tpu.matmul %exp3A, %get3A_65, %dot_general3A_66 {dimension_numbers = #tpu.dot_dimension_numbers<[1], [0], [0], [1], [0, 0, 1, 1], [], []>, transpose_lhs_hint = false} : vector<3200x128xf32>, vector<128x128xf32>, vector<3200x128xf32> -> vector<3200x128xf32>
    %get3A_68 = arith.constant 0 : index
    %get3A_69 = vector.load %arg14[%get3A_68] : memref<128xf32, #tpu.memory_space<vmem>>, vector<128xf32>
    %broadcast_in_dim3A_70 = vector.shape_cast %get3A_69 : vector<128xf32> to vector<1x128xf32>
    %add3A_71 = vector.broadcast %broadcast_in_dim3A_70 : vector<1x128xf32> to vector<3200x128xf32>
    %add3A_72 = arith.addf %dot_general3A_67, %add3A_71 : vector<3200x128xf32>
    %logistic3A = arith.negf %add3A_72 : vector<3200x128xf32>
    %logistic3A_73 = math.exp %logistic3A : vector<3200x128xf32>
    %logistic3A_74 = arith.constant 1.000000e+00 : f32
    %logistic3A_75 = vector.broadcast %logistic3A_74 : f32 to vector<3200x128xf32>
    %logistic3A_76 = arith.addf %logistic3A_75, %logistic3A_73 : vector<3200x128xf32>
    %logistic3A_77 = arith.divf %logistic3A_75, %logistic3A_76 : vector<3200x128xf32>
    %mul3A_78 = arith.mulf %add3A_72, %logistic3A_77 : vector<3200x128xf32>
    %get3A_79 = arith.constant 0 : index
    %get3A_80 = arith.constant 0 : index
    %get3A_81 = vector.load %arg11[%get3A_79, %get3A_80] : memref<128x128xf32, #tpu.memory_space<vmem>>, vector<128x128xf32>
    %dot_general3A_82 = arith.constant dense<0.000000e+00> : vector<3200x128xf32>
    %dot_general3A_83 = tpu.matmul %exp3A, %get3A_81, %dot_general3A_82 {dimension_numbers = #tpu.dot_dimension_numbers<[1], [0], [0], [1], [0, 0, 1, 1], [], []>, transpose_lhs_hint = false} : vector<3200x128xf32>, vector<128x128xf32>, vector<3200x128xf32> -> vector<3200x128xf32>
    %get3A_84 = arith.constant 0 : index
    %get3A_85 = vector.load %arg12[%get3A_84] : memref<128xf32, #tpu.memory_space<vmem>>, vector<128xf32>
    %broadcast_in_dim3A_86 = vector.shape_cast %get3A_85 : vector<128xf32> to vector<1x128xf32>
    %add3A_87 = vector.broadcast %broadcast_in_dim3A_86 : vector<1x128xf32> to vector<3200x128xf32>
    %add3A_88 = arith.addf %dot_general3A_83, %add3A_87 : vector<3200x128xf32>
    %logistic3A_89 = arith.negf %add3A_88 : vector<3200x128xf32>
    %logistic3A_90 = math.exp %logistic3A_89 : vector<3200x128xf32>
    %logistic3A_91 = arith.constant 1.000000e+00 : f32
    %logistic3A_92 = vector.broadcast %logistic3A_91 : f32 to vector<3200x128xf32>
    %logistic3A_93 = arith.addf %logistic3A_92, %logistic3A_90 : vector<3200x128xf32>
    %logistic3A_94 = arith.divf %logistic3A_92, %logistic3A_93 : vector<3200x128xf32>
    %mul3A_95 = arith.mulf %add3A_88, %logistic3A_94 : vector<3200x128xf32>
    %mul3A_96 = arith.mulf %add3A_42, %add3A_52 : vector<3200x128xf32>
    %mul3A_97 = arith.mulf %mul3A_96, %mul3A_95 : vector<3200x128xf32>
    %reduce_sum3A = arith.constant dense<0.000000e+00> : vector<3200xf32>
    %reduce_sum3A_98 = vector.multi_reduction <add>, %mul3A_97, %reduce_sum3A [1] : vector<3200x128xf32> to vector<3200xf32>
    %logistic3A_99 = arith.negf %reduce_sum3A_98 : vector<3200xf32>
    %logistic3A_100 = math.exp %logistic3A_99 : vector<3200xf32>
    %logistic3A_101 = arith.constant 1.000000e+00 : f32
    %logistic3A_102 = vector.broadcast %logistic3A_101 : f32 to vector<3200xf32>
    %logistic3A_103 = arith.addf %logistic3A_102, %logistic3A_100 : vector<3200xf32>
    %logistic3A_104 = arith.divf %logistic3A_102, %logistic3A_103 : vector<3200xf32>
    %mul3A_105 = arith.mulf %reduce_sum3A_98, %logistic3A_104 : vector<3200xf32>
    %mul3A_106 = arith.mulf %mul3A_105, %select_n3A : vector<3200xf32>
    %broadcast_in_dim3A_107 = vector.shape_cast %select_n3A : vector<3200xf32> to vector<3200x1xf32>
    %mul3A_108 = vector.broadcast %broadcast_in_dim3A_107 : vector<3200x1xf32> to vector<3200x128xf32>
    %mul3A_109 = arith.mulf %exp3A, %mul3A_108 : vector<3200x128xf32>
    %mul3A_110 = arith.mulf %add3A_62, %mul3A_109 : vector<3200x128xf32>
    %mul3A_111 = arith.mulf %mul3A_110, %mul3A_78 : vector<3200x128xf32>
    %broadcast_in_dim3A_112 = vector.shape_cast %select_n3A : vector<3200xf32> to vector<3200x1xf32>
    %mul3A_113 = vector.broadcast %broadcast_in_dim3A_112 : vector<3200x1xf32> to vector<3200x128xf32>
    %mul3A_114 = arith.mulf %mul3A_111, %mul3A_113 : vector<3200x128xf32>
    %broadcast_in_dim3A_115 = vector.shape_cast %mul3A_106 : vector<3200xf32> to vector<3200x1xf32>
    %mul3A_116 = vector.broadcast %broadcast_in_dim3A_115 : vector<3200x1xf32> to vector<3200x128xf32>
    %mul3A_117 = arith.mulf %mul3A_114, %mul3A_116 : vector<3200x128xf32>
    %abs3A = math.absf %mul3A_117 : vector<3200x128xf32>
    %log3A = math.log %abs3A : vector<3200x128xf32>
    %swap3A = arith.constant 0 : index
    %swap3A_118 = arith.constant 0 : index
    %swap3A_119 = vector.load %arg15[%swap3A, %swap3A_118] : memref<3200x128xf32, #tpu.memory_space<vmem>>, vector<3200x128xf32>
    tpu.vector_store %arg15[%swap3A, %swap3A_118], %log3A {strides = array<i32>} : memref<3200x128xf32, #tpu.memory_space<vmem>>, vector<3200x128xf32>,
    %lt3A_120 = arith.constant 0.000000e+00 : f32
    %lt3A_121 = vector.broadcast %lt3A_120 : f32 to vector<3200x128xf32>
    %lt3A_122 = arith.cmpf olt, %mul3A_117, %lt3A_121 : vector<3200x128xf32>
    %convert_element_type3A = arith.extui %lt3A_122 : vector<3200x128xi1> to vector<3200x128xi32>
    %convert_element_type3A_123 = arith.sitofp %convert_element_type3A : vector<3200x128xi32> to vector<3200x128xf32>
    %swap3A_124 = arith.constant 0 : index
    %swap3A_125 = arith.constant 0 : index
    %swap3A_126 = vector.load %arg16[%swap3A_124, %swap3A_125] : memref<3200x128xf32, #tpu.memory_space<vmem>>, vector<3200x128xf32>
    tpu.vector_store %arg16[%swap3A_124, %swap3A_125], %convert_element_type3A_123 {strides = array<i32>} : memref<3200x128xf32, #tpu.memory_space<vmem>>, vector<3200x128xf32>,
    return
  }
  func.func @transform_0(%arg0: i32) -> (i32, i32) {
    %c0_i32 = arith.constant 0 : i32
    %c0_i32_0 = arith.constant 0 : i32
    return %arg0, %c0_i32 : i32, i32
  }
  func.func @transform_1(%arg0: i32) -> (i32, i32) {
    %c0_i32 = arith.constant 0 : i32
    %c0_i32_0 = arith.constant 0 : i32
    return %arg0, %c0_i32 : i32, i32
  }
  func.func @transform_2(%arg0: i32) -> (i32, i32) {
    %c0_i32 = arith.constant 0 : i32
    %c0_i32_0 = arith.constant 0 : i32
    return %arg0, %c0_i32 : i32, i32
  }
  func.func @transform_3(%arg0: i32) -> i32 {
    %c0_i32 = arith.constant 0 : i32
    %c0_i32_0 = arith.constant 0 : i32
    return %c0_i32 : i32
  }
  func.func @transform_4(%arg0: i32) -> (i32, i32) {
    %c0_i32 = arith.constant 0 : i32
    %c0_i32_0 = arith.constant 0 : i32
    %c0_i32_1 = arith.constant 0 : i32
    return %c0_i32, %c0_i32_0 : i32, i32
  }
  func.func @transform_5(%arg0: i32) -> i32 {
    %c0_i32 = arith.constant 0 : i32
    %c0_i32_0 = arith.constant 0 : i32
    return %c0_i32 : i32
  }
  func.func @transform_6(%arg0: i32) -> (i32, i32) {
    %c0_i32 = arith.constant 0 : i32
    %c0_i32_0 = arith.constant 0 : i32
    %c0_i32_1 = arith.constant 0 : i32
    return %c0_i32, %c0_i32_0 : i32, i32
  }
  func.func @transform_7(%arg0: i32) -> i32 {
    %c0_i32 = arith.constant 0 : i32
    %c0_i32_0 = arith.constant 0 : i32
    return %c0_i32 : i32
  }
  func.func @transform_8(%arg0: i32) -> (i32, i32) {
    %c0_i32 = arith.constant 0 : i32
    %c0_i32_0 = arith.constant 0 : i32
    %c0_i32_1 = arith.constant 0 : i32
    return %c0_i32, %c0_i32_0 : i32, i32
  }
  func.func @transform_9(%arg0: i32) -> i32 {
    %c0_i32 = arith.constant 0 : i32
    %c0_i32_0 = arith.constant 0 : i32
    return %c0_i32 : i32
  }
  func.func @transform_10(%arg0: i32) -> (i32, i32) {
    %c0_i32 = arith.constant 0 : i32
    %c0_i32_0 = arith.constant 0 : i32
    %c0_i32_1 = arith.constant 0 : i32
    return %c0_i32, %c0_i32_0 : i32, i32
  }
  func.func @transform_11(%arg0: i32) -> i32 {
    %c0_i32 = arith.constant 0 : i32
    %c0_i32_0 = arith.constant 0 : i32
    return %c0_i32 : i32
  }
  func.func @transform_12(%arg0: i32) -> (i32, i32) {
    %c0_i32 = arith.constant 0 : i32
    %c0_i32_0 = arith.constant 0 : i32
    %c0_i32_1 = arith.constant 0 : i32
    return %c0_i32, %c0_i32_0 : i32, i32
  }
  func.func @transform_13(%arg0: i32) -> i32 {
    %c0_i32 = arith.constant 0 : i32
    %c0_i32_0 = arith.constant 0 : i32
    return %c0_i32 : i32
  }
  func.func @transform_14(%arg0: i32) -> (i32, i32) {
    %c0_i32 = arith.constant 0 : i32
    %c0_i32_0 = arith.constant 0 : i32
    return %arg0, %c0_i32 : i32, i32
  }
  func.func @transform_15(%arg0: i32) -> (i32, i32) {
    %c0_i32 = arith.constant 0 : i32
    %c0_i32_0 = arith.constant 0 : i32
    return %arg0, %c0_i32 : i32, i32
  }
}

module attributes {stable_mosaic.version = 14 : i64} {
  func.func @_node_mm_body(%arg0: i32, %arg1: memref<2000x128xf32, #tpu.memory_space<vmem>>, %arg2: memref<128x128xf32, #tpu.memory_space<vmem>>, %arg3: memref<128xf32, #tpu.memory_space<vmem>>, %arg4: memref<128x128xf32, #tpu.memory_space<vmem>>, %arg5: memref<128xf32, #tpu.memory_space<vmem>>, %arg6: memref<128x128xf32, #tpu.memory_space<vmem>>, %arg7: memref<128xf32, #tpu.memory_space<vmem>>, %arg8: memref<2000x128xf32, #tpu.memory_space<vmem>>, %arg9: memref<2000x128xf32, #tpu.memory_space<vmem>>) attributes {dimension_semantics = [#tpu.dimension_semantics<arbitrary>], iteration_bounds = array<i64: 5>, scalar_prefetch = 0 : i64, scratch_operands = 0 : i64, tpu.core_type = #tpu.core_type<tc>, window_params = [{transform_indices = @transform_0, window_bounds = array<i64: 2000, 128>}, {pipeline_mode = #tpu.pipeline_mode<synchronous>, transform_indices = @transform_1, window_bounds = array<i64: 128, 128>}, {pipeline_mode = #tpu.pipeline_mode<synchronous>, transform_indices = @transform_2, window_bounds = array<i64: 128>}, {pipeline_mode = #tpu.pipeline_mode<synchronous>, transform_indices = @transform_3, window_bounds = array<i64: 128, 128>}, {pipeline_mode = #tpu.pipeline_mode<synchronous>, transform_indices = @transform_4, window_bounds = array<i64: 128>}, {pipeline_mode = #tpu.pipeline_mode<synchronous>, transform_indices = @transform_5, window_bounds = array<i64: 128, 128>}, {pipeline_mode = #tpu.pipeline_mode<synchronous>, transform_indices = @transform_6, window_bounds = array<i64: 128>}, {transform_indices = @transform_7, window_bounds = array<i64: 2000, 128>}, {transform_indices = @transform_8, window_bounds = array<i64: 2000, 128>}]} {
    %get3A = arith.constant 0 : index
    %get3A_0 = arith.constant 0 : index
    %get3A_1 = vector.load %arg1[%get3A, %get3A_0] : memref<2000x128xf32, #tpu.memory_space<vmem>>, vector<2000x128xf32>
    %get3A_2 = arith.constant 0 : index
    %get3A_3 = arith.constant 0 : index
    %get3A_4 = vector.load %arg2[%get3A_2, %get3A_3] : memref<128x128xf32, #tpu.memory_space<vmem>>, vector<128x128xf32>
    %dot_general3A = arith.constant dense<0.000000e+00> : vector<2000x128xf32>
    %dot_general3A_5 = tpu.matmul %get3A_1, %get3A_4, %dot_general3A {dimension_numbers = #tpu.dot_dimension_numbers<[1], [0], [0], [1], [0, 0, 1, 1], [], []>, transpose_lhs_hint = false} : vector<2000x128xf32>, vector<128x128xf32>, vector<2000x128xf32> -> vector<2000x128xf32>
    %get3A_6 = arith.constant 0 : index
    %get3A_7 = vector.load %arg3[%get3A_6] : memref<128xf32, #tpu.memory_space<vmem>>, vector<128xf32>
    %broadcast_in_dim3A = vector.shape_cast %get3A_7 : vector<128xf32> to vector<1x128xf32>
    %add3A = vector.broadcast %broadcast_in_dim3A : vector<1x128xf32> to vector<2000x128xf32>
    %add3A_8 = arith.addf %dot_general3A_5, %add3A : vector<2000x128xf32>
    %get3A_9 = arith.constant 0 : index
    %get3A_10 = arith.constant 0 : index
    %get3A_11 = vector.load %arg4[%get3A_9, %get3A_10] : memref<128x128xf32, #tpu.memory_space<vmem>>, vector<128x128xf32>
    %dot_general3A_12 = arith.constant dense<0.000000e+00> : vector<2000x128xf32>
    %dot_general3A_13 = tpu.matmul %add3A_8, %get3A_11, %dot_general3A_12 {dimension_numbers = #tpu.dot_dimension_numbers<[1], [0], [0], [1], [0, 0, 1, 1], [], []>, transpose_lhs_hint = false} : vector<2000x128xf32>, vector<128x128xf32>, vector<2000x128xf32> -> vector<2000x128xf32>
    %get3A_14 = arith.constant 0 : index
    %get3A_15 = vector.load %arg5[%get3A_14] : memref<128xf32, #tpu.memory_space<vmem>>, vector<128xf32>
    %broadcast_in_dim3A_16 = vector.shape_cast %get3A_15 : vector<128xf32> to vector<1x128xf32>
    %add3A_17 = vector.broadcast %broadcast_in_dim3A_16 : vector<1x128xf32> to vector<2000x128xf32>
    %add3A_18 = arith.addf %dot_general3A_13, %add3A_17 : vector<2000x128xf32>
    %swap3A = arith.constant 0 : index
    %swap3A_19 = arith.constant 0 : index
    %swap3A_20 = vector.load %arg8[%swap3A, %swap3A_19] : memref<2000x128xf32, #tpu.memory_space<vmem>>, vector<2000x128xf32>
    tpu.vector_store %arg8[%swap3A, %swap3A_19], %add3A_18 {strides = array<i32>} : memref<2000x128xf32, #tpu.memory_space<vmem>>, vector<2000x128xf32>,
    %get3A_21 = arith.constant 0 : index
    %get3A_22 = arith.constant 0 : index
    %get3A_23 = vector.load %arg6[%get3A_21, %get3A_22] : memref<128x128xf32, #tpu.memory_space<vmem>>, vector<128x128xf32>
    %dot_general3A_24 = arith.constant dense<0.000000e+00> : vector<2000x128xf32>
    %dot_general3A_25 = tpu.matmul %add3A_8, %get3A_23, %dot_general3A_24 {dimension_numbers = #tpu.dot_dimension_numbers<[1], [0], [0], [1], [0, 0, 1, 1], [], []>, transpose_lhs_hint = false} : vector<2000x128xf32>, vector<128x128xf32>, vector<2000x128xf32> -> vector<2000x128xf32>
    %get3A_26 = arith.constant 0 : index
    %get3A_27 = vector.load %arg7[%get3A_26] : memref<128xf32, #tpu.memory_space<vmem>>, vector<128xf32>
    %broadcast_in_dim3A_28 = vector.shape_cast %get3A_27 : vector<128xf32> to vector<1x128xf32>
    %add3A_29 = vector.broadcast %broadcast_in_dim3A_28 : vector<1x128xf32> to vector<2000x128xf32>
    %add3A_30 = arith.addf %dot_general3A_25, %add3A_29 : vector<2000x128xf32>
    %swap3A_31 = arith.constant 0 : index
    %swap3A_32 = arith.constant 0 : index
    %swap3A_33 = vector.load %arg9[%swap3A_31, %swap3A_32] : memref<2000x128xf32, #tpu.memory_space<vmem>>, vector<2000x128xf32>
    tpu.vector_store %arg9[%swap3A_31, %swap3A_32], %add3A_30 {strides = array<i32>} : memref<2000x128xf32, #tpu.memory_space<vmem>>, vector<2000x128xf32>,
    return
  }
  func.func @transform_0(%arg0: i32) -> (i32, i32) {
    %c0_i32 = arith.constant 0 : i32
    %c0_i32_0 = arith.constant 0 : i32
    return %arg0, %c0_i32 : i32, i32
  }
  func.func @transform_1(%arg0: i32) -> (i32, i32) {
    %c0_i32 = arith.constant 0 : i32
    %c0_i32_0 = arith.constant 0 : i32
    %c0_i32_1 = arith.constant 0 : i32
    return %c0_i32, %c0_i32_0 : i32, i32
  }
  func.func @transform_2(%arg0: i32) -> i32 {
    %c0_i32 = arith.constant 0 : i32
    %c0_i32_0 = arith.constant 0 : i32
    return %c0_i32 : i32
  }
  func.func @transform_3(%arg0: i32) -> (i32, i32) {
    %c0_i32 = arith.constant 0 : i32
    %c0_i32_0 = arith.constant 0 : i32
    %c0_i32_1 = arith.constant 0 : i32
    return %c0_i32, %c0_i32_0 : i32, i32
  }
  func.func @transform_4(%arg0: i32) -> i32 {
    %c0_i32 = arith.constant 0 : i32
    %c0_i32_0 = arith.constant 0 : i32
    return %c0_i32 : i32
  }
  func.func @transform_5(%arg0: i32) -> (i32, i32) {
    %c0_i32 = arith.constant 0 : i32
    %c0_i32_0 = arith.constant 0 : i32
    %c0_i32_1 = arith.constant 0 : i32
    return %c0_i32, %c0_i32_0 : i32, i32
  }
  func.func @transform_6(%arg0: i32) -> i32 {
    %c0_i32 = arith.constant 0 : i32
    %c0_i32_0 = arith.constant 0 : i32
    return %c0_i32 : i32
  }
  func.func @transform_7(%arg0: i32) -> (i32, i32) {
    %c0_i32 = arith.constant 0 : i32
    %c0_i32_0 = arith.constant 0 : i32
    return %arg0, %c0_i32 : i32, i32
  }
  func.func @transform_8(%arg0: i32) -> (i32, i32) {
    %c0_i32 = arith.constant 0 : i32
    %c0_i32_0 = arith.constant 0 : i32
    return %arg0, %c0_i32 : i32, i32
  }
}

module attributes {stable_mosaic.version = 14 : i64} {
  func.func @_final_body(%arg0: i32, %arg1: memref<2000x128xf32, #tpu.memory_space<vmem>>, %arg2: memref<2000x128xf32, #tpu.memory_space<vmem>>, %arg3: memref<2000x128xf32, #tpu.memory_space<vmem>>, %arg4: memref<2000x128xf32, #tpu.memory_space<vmem>>, %arg5: memref<2000x128xf32, #tpu.memory_space<vmem>>, %arg6: memref<2000x128xf32, #tpu.memory_space<vmem>>, %arg7: memref<2000x128xf32, #tpu.memory_space<vmem>>, %arg8: memref<2000x128xf32, #tpu.memory_space<vmem>>, %arg9: memref<2000x128xf32, #tpu.memory_space<vmem>>, %arg10: memref<2000x128xf32, #tpu.memory_space<vmem>>, %arg11: memref<128x128xf32, #tpu.memory_space<vmem>>, %arg12: memref<128xf32, #tpu.memory_space<vmem>>, %arg13: memref<2000x128xf32, #tpu.memory_space<vmem>>) attributes {dimension_semantics = [#tpu.dimension_semantics<arbitrary>], iteration_bounds = array<i64: 5>, scalar_prefetch = 0 : i64, scratch_operands = 0 : i64, tpu.core_type = #tpu.core_type<tc>, window_params = [{transform_indices = @transform_0, window_bounds = array<i64: 2000, 128>}, {transform_indices = @transform_1, window_bounds = array<i64: 2000, 128>}, {transform_indices = @transform_2, window_bounds = array<i64: 2000, 128>}, {transform_indices = @transform_3, window_bounds = array<i64: 2000, 128>}, {transform_indices = @transform_4, window_bounds = array<i64: 2000, 128>}, {transform_indices = @transform_5, window_bounds = array<i64: 2000, 128>}, {transform_indices = @transform_6, window_bounds = array<i64: 2000, 128>}, {transform_indices = @transform_7, window_bounds = array<i64: 2000, 128>}, {transform_indices = @transform_8, window_bounds = array<i64: 2000, 128>}, {transform_indices = @transform_9, window_bounds = array<i64: 2000, 128>}, {pipeline_mode = #tpu.pipeline_mode<synchronous>, transform_indices = @transform_10, window_bounds = array<i64: 128, 128>}, {pipeline_mode = #tpu.pipeline_mode<synchronous>, transform_indices = @transform_11, window_bounds = array<i64: 128>}, {transform_indices = @transform_12, window_bounds = array<i64: 2000, 128>}]} {
    %get3A = arith.constant 0 : index
    %get3A_0 = arith.constant 0 : index
    %get3A_1 = vector.load %arg1[%get3A, %get3A_0] : memref<2000x128xf32, #tpu.memory_space<vmem>>, vector<2000x128xf32>
    %get3A_2 = arith.constant 0 : index
    %get3A_3 = arith.constant 0 : index
    %get3A_4 = vector.load %arg6[%get3A_2, %get3A_3] : memref<2000x128xf32, #tpu.memory_space<vmem>>, vector<2000x128xf32>
    %get3A_5 = arith.constant 0 : index
    %get3A_6 = arith.constant 0 : index
    %get3A_7 = vector.load %arg2[%get3A_5, %get3A_6] : memref<2000x128xf32, #tpu.memory_space<vmem>>, vector<2000x128xf32>
    %add3A = arith.addf %get3A_1, %get3A_7 : vector<2000x128xf32>
    %get3A_8 = arith.constant 0 : index
    %get3A_9 = arith.constant 0 : index
    %get3A_10 = vector.load %arg3[%get3A_8, %get3A_9] : memref<2000x128xf32, #tpu.memory_space<vmem>>, vector<2000x128xf32>
    %add3A_11 = arith.addf %add3A, %get3A_10 : vector<2000x128xf32>
    %get3A_12 = arith.constant 0 : index
    %get3A_13 = arith.constant 0 : index
    %get3A_14 = vector.load %arg4[%get3A_12, %get3A_13] : memref<2000x128xf32, #tpu.memory_space<vmem>>, vector<2000x128xf32>
    %add3A_15 = arith.addf %add3A_11, %get3A_14 : vector<2000x128xf32>
    %get3A_16 = arith.constant 0 : index
    %get3A_17 = arith.constant 0 : index
    %get3A_18 = vector.load %arg5[%get3A_16, %get3A_17] : memref<2000x128xf32, #tpu.memory_space<vmem>>, vector<2000x128xf32>
    %add3A_19 = arith.addf %add3A_15, %get3A_18 : vector<2000x128xf32>
    %get3A_20 = arith.constant 0 : index
    %get3A_21 = arith.constant 0 : index
    %get3A_22 = vector.load %arg7[%get3A_20, %get3A_21] : memref<2000x128xf32, #tpu.memory_space<vmem>>, vector<2000x128xf32>
    %add3A_23 = arith.addf %get3A_4, %get3A_22 : vector<2000x128xf32>
    %get3A_24 = arith.constant 0 : index
    %get3A_25 = arith.constant 0 : index
    %get3A_26 = vector.load %arg8[%get3A_24, %get3A_25] : memref<2000x128xf32, #tpu.memory_space<vmem>>, vector<2000x128xf32>
    %add3A_27 = arith.addf %add3A_23, %get3A_26 : vector<2000x128xf32>
    %get3A_28 = arith.constant 0 : index
    %get3A_29 = arith.constant 0 : index
    %get3A_30 = vector.load %arg9[%get3A_28, %get3A_29] : memref<2000x128xf32, #tpu.memory_space<vmem>>, vector<2000x128xf32>
    %add3A_31 = arith.addf %add3A_27, %get3A_30 : vector<2000x128xf32>
    %get3A_32 = arith.constant 0 : index
    %get3A_33 = arith.constant 0 : index
    %get3A_34 = vector.load %arg10[%get3A_32, %get3A_33] : memref<2000x128xf32, #tpu.memory_space<vmem>>, vector<2000x128xf32>
    %add3A_35 = arith.addf %add3A_31, %get3A_34 : vector<2000x128xf32>
    %mul3A = arith.constant 5.000000e-01 : f32
    %mul3A_36 = vector.broadcast %mul3A : f32 to vector<2000x128xf32>
    %mul3A_37 = arith.mulf %add3A_35, %mul3A_36 : vector<2000x128xf32>
    %floor3A = math.floor %mul3A_37 : vector<2000x128xf32>
    %mul3A_38 = arith.constant 2.000000e+00 : f32
    %mul3A_39 = vector.broadcast %mul3A_38 : f32 to vector<2000x128xf32>
    %mul3A_40 = arith.mulf %mul3A_39, %floor3A : vector<2000x128xf32>
    %sub3A = arith.subf %add3A_35, %mul3A_40 : vector<2000x128xf32>
    %mul3A_41 = arith.constant 2.000000e+00 : f32
    %mul3A_42 = vector.broadcast %mul3A_41 : f32 to vector<2000x128xf32>
    %mul3A_43 = arith.mulf %mul3A_42, %sub3A : vector<2000x128xf32>
    %sub3A_44 = arith.constant 1.000000e+00 : f32
    %sub3A_45 = vector.broadcast %sub3A_44 : f32 to vector<2000x128xf32>
    %sub3A_46 = arith.subf %sub3A_45, %mul3A_43 : vector<2000x128xf32>
    %exp3A = math.exp %add3A_19 : vector<2000x128xf32>
    %mul3A_47 = arith.mulf %sub3A_46, %exp3A : vector<2000x128xf32>
    %get3A_48 = arith.constant 0 : index
    %get3A_49 = arith.constant 0 : index
    %get3A_50 = vector.load %arg11[%get3A_48, %get3A_49] : memref<128x128xf32, #tpu.memory_space<vmem>>, vector<128x128xf32>
    %dot_general3A = arith.constant dense<0.000000e+00> : vector<2000x128xf32>
    %dot_general3A_51 = tpu.matmul %mul3A_47, %get3A_50, %dot_general3A {dimension_numbers = #tpu.dot_dimension_numbers<[1], [0], [0], [1], [0, 0, 1, 1], [], []>, transpose_lhs_hint = false} : vector<2000x128xf32>, vector<128x128xf32>, vector<2000x128xf32> -> vector<2000x128xf32>
    %get3A_52 = arith.constant 0 : index
    %get3A_53 = vector.load %arg12[%get3A_52] : memref<128xf32, #tpu.memory_space<vmem>>, vector<128xf32>
    %broadcast_in_dim3A = vector.shape_cast %get3A_53 : vector<128xf32> to vector<1x128xf32>
    %add3A_54 = vector.broadcast %broadcast_in_dim3A : vector<1x128xf32> to vector<2000x128xf32>
    %add3A_55 = arith.addf %dot_general3A_51, %add3A_54 : vector<2000x128xf32>
    %swap3A = arith.constant 0 : index
    %swap3A_56 = arith.constant 0 : index
    %swap3A_57 = vector.load %arg13[%swap3A, %swap3A_56] : memref<2000x128xf32, #tpu.memory_space<vmem>>, vector<2000x128xf32>
    tpu.vector_store %arg13[%swap3A, %swap3A_56], %add3A_55 {strides = array<i32>} : memref<2000x128xf32, #tpu.memory_space<vmem>>, vector<2000x128xf32>,
    return
  }
  func.func @transform_0(%arg0: i32) -> (i32, i32) {
    %c0_i32 = arith.constant 0 : i32
    %c0_i32_0 = arith.constant 0 : i32
    return %arg0, %c0_i32 : i32, i32
  }
  func.func @transform_1(%arg0: i32) -> (i32, i32) {
    %c0_i32 = arith.constant 0 : i32
    %c0_i32_0 = arith.constant 0 : i32
    return %arg0, %c0_i32 : i32, i32
  }
  func.func @transform_2(%arg0: i32) -> (i32, i32) {
    %c0_i32 = arith.constant 0 : i32
    %c0_i32_0 = arith.constant 0 : i32
    return %arg0, %c0_i32 : i32, i32
  }
  func.func @transform_3(%arg0: i32) -> (i32, i32) {
    %c0_i32 = arith.constant 0 : i32
    %c0_i32_0 = arith.constant 0 : i32
    return %arg0, %c0_i32 : i32, i32
  }
  func.func @transform_4(%arg0: i32) -> (i32, i32) {
    %c0_i32 = arith.constant 0 : i32
    %c0_i32_0 = arith.constant 0 : i32
    return %arg0, %c0_i32 : i32, i32
  }
  func.func @transform_5(%arg0: i32) -> (i32, i32) {
    %c0_i32 = arith.constant 0 : i32
    %c0_i32_0 = arith.constant 0 : i32
    return %arg0, %c0_i32 : i32, i32
  }
  func.func @transform_6(%arg0: i32) -> (i32, i32) {
    %c0_i32 = arith.constant 0 : i32
    %c0_i32_0 = arith.constant 0 : i32
    return %arg0, %c0_i32 : i32, i32
  }
  func.func @transform_7(%arg0: i32) -> (i32, i32) {
    %c0_i32 = arith.constant 0 : i32
    %c0_i32_0 = arith.constant 0 : i32
    return %arg0, %c0_i32 : i32, i32
  }
  func.func @transform_8(%arg0: i32) -> (i32, i32) {
    %c0_i32 = arith.constant 0 : i32
    %c0_i32_0 = arith.constant 0 : i32
    return %arg0, %c0_i32 : i32, i32
  }
  func.func @transform_9(%arg0: i32) -> (i32, i32) {
    %c0_i32 = arith.constant 0 : i32
    %c0_i32_0 = arith.constant 0 : i32
    return %arg0, %c0_i32 : i32, i32
  }
  func.func @transform_10(%arg0: i32) -> (i32, i32) {
    %c0_i32 = arith.constant 0 : i32
    %c0_i32_0 = arith.constant 0 : i32
    %c0_i32_1 = arith.constant 0 : i32
    return %c0_i32, %c0_i32_0 : i32, i32
  }
  func.func @transform_11(%arg0: i32) -> i32 {
    %c0_i32 = arith.constant 0 : i32
    %c0_i32_0 = arith.constant 0 : i32
    return %c0_i32 : i32
  }
  func.func @transform_12(%arg0: i32) -> (i32, i32) {
    %c0_i32 = arith.constant 0 : i32
    %c0_i32_0 = arith.constant 0 : i32
    return %arg0, %c0_i32 : i32, i32
  }
}

</mosaic_0001>

<sc_bundles>
// kernel: kernel.19.cloned.1.call-start
scs
__scs_entry_jumppad:
0x0: {  	(pc) =	sbr.rel $0x88, $3  }
0x1: {  	(tag) =	ssettag $0x0;
	lr =	simm.s32 $0x1  }
0x2: {  	[smem:$0x3F8E] =	sst lr;
	_ =	strace $0xD0000000  }
0x3: {  	_ = 	snop  }
0x4: {  	_ = 	snop  }
0x5: {  	_ = 	snop  }
0x6: {  	_ = 	snop  }
0x7: {  	_ = 	snop  }
__scs_overlays_trampoline_lowered:
0x8: {  	[smem:$0x3F9D] =	sst s0  }
0x9: {  	[smem:$0x3F9E] =	sst s1  }
0xa: {  	[smem:$0x3F9F] =	sst s2  }
0xb: {  	[smem:$0x3FA0] =	sst s3  }
0xc: {  	[smem:$0x3FA1] =	sst s4  }
0xd: {  	[smem:$0x3FA2] =	sst s5  }
0xe: {  	[smem:$0x3FA3] =	sst s6  }
0xf: {  	[smem:$0x3FA4] =	sst s7  }
0x10: {  	[smem:$0x3FA5] =	sst s8  }
0x11: {  	[smem:$0x3FA6] =	sst s9;
	s0 =	simm.s32 @!p0 $0x0  }
0x12: {  	s1 =	sld [smem:$0x3F8C];
	s0 =	simm.s32 @p0 $0x1  }
0x13: {  	[smem:$0x3FA7] =	sst s0;
	s0 =	simm.s32 @!p1 $0x0  }
0x14: {  	s2 =	sld [smem:$0x3F8B];
	s0 =	simm.s32 @p1 $0x1  }
0x15: {  	[smem:$0x3FA8] =	sst s0;
	s0 =	simm.s32 @!p2 $0x0  }
0x16: {  	s3 =	sld [smem:$0x3FDB];
	s0 =	simm.s32 @p2 $0x1  }
0x17: {  	s4 =	simm.s32 $0x1BF5;
	[smem:$0x3FAA] =	sst s0  }
0x18: {  	s0 =	sld [smem:$0x3F8D];
	_ =	swait.ge [sflag:s4], $0x0  }
0x19: {  	s7 =	sld [smem:$0x3F8E]  }
0x1a: {  	s8 =	sadd.s32 $0xFFFFE003, lr  }
0x1b: {  	s9 =	sadd.s32 $0xFFFFFEF7, lr;
	s5 =	simm.s32 $0xFFFFFFFF;
	p2 =	slt.u32 s8, $0xFFFFF086  }
0x1c: {  	p1 =	slt.u32 s9, $0xF7A;
	s5 =	simm.s32 @!p2 $0x0  }
0x1d: {  	s5 =	simm.s32 @p1 $0x1;
	p0 =	seq.s32 s7, s2  }
0x1e: {  	s7 =	smul.u32 @!p0 $0xF7A, s2;
	p2 =	seq.s32 @!p0 s5, $0x0  }
0x1f: {  	s9 =	smul.u32 $0xF7A, s1;
	s8 =	simm.s32 @!p0 $0x1BF5;
	p2 =	por !p2, p0  }
0x20: {  	[sflag:s8] =	ssyncset.s32 @!p0 $0xFFFFF086;
	s6 =	sadd.s32 @!p0 s3, s7;
	s7 =	simm.s32 @!p0 $0x108  }
0x21: {  	s3 =	sadd.s32 s3, s9;
	s6 =	sadd.s32 @!p0 $0x88, s6;
	s7 =	simm.s32 @p2 $0x1082  }
0x22: {  	[simem:s7], [sflag:s8] =	dma.local @!p0 [hbm:s6], $0xF7A  }
0x23: {  	s9 =	sor.u32 $0xD0000000, s2;
	s6 =	simm.s32 $0x108;
	_ =	swait.ge @!p0 [sflag:s8], $0x0  }
0x24: {  	s3 =	sadd.s32 $0x88, s3;
	s6 =	simm.s32 @!p1 $0x1082;
	[sflag:s4] =	ssyncset.s32 $0xFFFFF086  }
0x25: {  	[simem:s6], [sflag:s4] =	dma.local [hbm:s3], $0xF7A  }
0x26: {  	[smem:$0x3F8E] =	sst s1;
	(tag) =	ssettag s2;
	_ =	strace s9  }
0x27: {  	s1 =	sld [smem:$0x3F9E]  }
0x28: {  	s2 =	sld [smem:$0x3F9F]  }
0x29: {  	s4 =	sld [smem:$0x3FA1]  }
0x2a: {  	p0 =	seq.s32 s5, $0x0;
	s5 =	sld [smem:$0x3FA2]  }
0x2b: {  	s6 =	sld [smem:$0x3FA3]  }
0x2c: {  	s7 =	sld [smem:$0x3FA4]  }
0x2d: {  	s3 =	simm.s32 $0x108;
	s8 =	sld [smem:$0x3FA5]  }
0x2e: {  	s3 =	simm.s32 @!p0 $0x1082;
	s9 =	sld [smem:$0x3FA6]  }
0x2f: {  	lr =	sadd.s32 s0, s3;
	s0 =	sld [smem:$0x3F9D]  }
0x30: {  	s3 =	sld [smem:$0x3FA0]  }
0x31: {  	[smem:$0x3FA9] =	sst s10  }
0x32: {  	s10 =	sld [smem:$0x3FA7];
	_ =	sdelay $0x3  }
0x33: {  	p0 =	seq.s32 s10, $0x1;
	s10 =	sld [smem:$0x3FA9];
	_ =	sdelay $0x3  }
0x34: {  	[smem:$0x3FA9] =	sst s10  }
0x35: {  	s10 =	sld [smem:$0x3FA8];
	_ =	sdelay $0x3  }
0x36: {  	p1 =	seq.s32 s10, $0x1;
	s10 =	sld [smem:$0x3FA9];
	_ =	sdelay $0x3  }
0x37: {  	[smem:$0x3FA9] =	sst s10  }
0x38: {  	s10 =	sld [smem:$0x3FAA]  }
0x39: {  	_ = 	snop;
	(pc) =	sbr.ind lr, $3  }
0x3a: {  	_ = 	snop  }
0x3b: {  	_ = 	snop  }
0x3c: {  	p2 =	seq.s32 s10, $0x1;
	s10 =	sld [smem:$0x3FA9]  }
0x3d: {  	_ =	shalt  }
0x3e: {  	_ =	shalt  }
0x3f: {  	_ =	shalt  }
0x40: {  	_ =	shalt  }
0x41: {  	_ =	shalt  }
0x42: {  	_ =	shalt  }
0x43: {  	_ =	shalt  }
0x44: {  	_ =	shalt  }
0x45: {  	_ =	shalt  }
0x46: {  	_ =	shalt  }
0x47: {  	_ =	shalt  }
0x48: {  	_ =	shalt  }
0x49: {  	_ =	shalt  }
0x4a: {  	_ =	shalt  }
0x4b: {  	_ =	shalt  }
0x4c: {  	_ =	shalt  }
0x4d: {  	_ =	shalt  }
0x4e: {  	_ =	shalt  }
0x4f: {  	_ =	shalt  }
0x50: {  	_ =	shalt  }
0x51: {  	_ =	shalt  }
0x52: {  	_ =	shalt  }
0x53: {  	_ =	shalt  }
0x54: {  	_ =	shalt  }
0x55: {  	_ =	shalt  }
0x56: {  	_ =	shalt  }
0x57: {  	_ =	shalt  }
0x58: {  	_ =	shalt  }
0x59: {  	_ =	shalt  }
0x5a: {  	_ =	shalt  }
0x5b: {  	_ =	shalt  }
0x5c: {  	_ =	shalt  }
0x5d: {  	_ =	shalt  }
0x5e: {  	_ =	shalt  }
0x5f: {  	_ =	shalt  }
0x60: {  	_ =	shalt  }
0x61: {  	_ =	shalt  }
0x62: {  	_ =	shalt  }
0x63: {  	_ =	shalt  }
0x64: {  	_ =	shalt  }
0x65: {  	_ =	shalt  }
0x66: {  	_ =	shalt  }
0x67: {  	_ =	shalt  }
0x68: {  	_ =	shalt  }
0x69: {  	_ =	shalt  }
0x6a: {  	_ =	shalt  }
0x6b: {  	_ =	shalt  }
0x6c: {  	_ =	shalt  }
0x6d: {  	_ =	shalt  }
0x6e: {  	_ =	shalt  }
0x6f: {  	_ =	shalt  }
0x70: {  	_ =	shalt  }
0x71: {  	_ =	shalt  }
0x72: {  	_ =	shalt  }
0x73: {  	_ =	shalt  }
0x74: {  	_ =	shalt  }
0x75: {  	_ =	shalt  }
0x76: {  	_ =	shalt  }
0x77: {  	_ =	shalt  }
0x78: {  	_ =	shalt  }
0x79: {  	_ =	shalt  }
0x7a: {  	_ =	shalt  }
0x7b: {  	_ =	shalt  }
0x7c: {  	_ =	shalt  }
0x7d: {  	_ =	shalt  }
0x7e: {  	_ =	shalt  }
0x7f: {  	_ =	shalt  }
0x80: {  	_ =	shalt  }
0x81: {  	_ =	shalt  }
0x82: {  	_ =	shalt  }
0x83: {  	_ =	shalt  }
0x84: {  	_ =	shalt  }
0x85: {  	_ =	shalt  }
0x86: {  	_ =	shalt  }
0x87: {  	_ =	shalt  }
.Lfunc_end0:
.L_simem_size_0:
called_computation_lowered:
.L_overlay_start_0:
0x88: {  	s2 =	sld [smem:$0x3FD9]  }
0x89: {  	s3 =	sld [smem:$0x3FFE];
	_ =	sdelay $0x1  }
0x8a: {  	s1 =	srdreg.scid  }
0x8b: {  	s0 =	sand.u32 $0x1, s1  }
0x8c: {  	s15 =	sshll.u32 s0, $0xA;
	s2 =	sadd.s32 s3, s2  }
0x8d: {  	s2 =	sadd.s32 s2, s15  }
0x8e: {  	[smem:$0x3FB5] =	sst s2  }
0x8f: {  	_ = 	snop  }
0x90: {  	s16 =	sld [smem:$0x3FD0];
	_ =	sdelay $0x2  }
0x91: {  	s4 =	simm.s32 $0xE;
	s5 =	simm.s32 $0x10;
	s2 =	sld [smem:$0x3FC9]  }
0x92: {  	[smem:s5], [sflag:s4] =	dma.local [hbm:s16], $0x1  }
0x93: {  	_ =	swait.eq [sflag:s4], $0x1  }
0x94: {  	[sflag:s4] =	ssyncset.done $0x0  }
0x95: {  	[sflag:s4] =	ssyncadd.s32 $0xFFFFFFFF  }
0x96: {  	s17 =	sld [smem:$0x10];
	(tm) =	ssettm $0x1  }
0x97: {  	s18 =	sld [smem:$0x3FFB];
	_ =	sdelay $0x3  }
0x98: {  	_ =	strace s18  }
0x99: {  	s3 =	sld [smem:$0x3FFC];
	_ =	sdelay $0x3  }
0x9a: {  	_ =	strace s3  }
0x9b: {  	s3 =	sld [smem:$0x3FFD];
	_ =	sdelay $0x3  }
0x9c: {  	_ =	strace s3  }
0x9d: {  	_ =	strace $0x8FFFFFFF  }
0x9e: {  	s19 =	sld [smem:$0x3FDB];
	_ =	sdelay $0x1  }
0x9f: {  	s20 =	simm.s32 $_scs_section_size  }
0xa0: {  	s6 =	simm.s32 $_size__tile_overlayer_lowered;
	s7 =	simm.s32 $_tile_overlayer_lowered  }
0xa1: {  	s8 =	simm.s32 $0x1BFF;
	s21 =	sshll.u32 s7, $0x1;
	s5 =	sadd.s32 s20, s19  }
0xa2: {  	s22 =	simm.s32 $0x0;
	s6 =	sshll.u32 s6, $0x1;
	s7 =	sadd.s32 s21, s5  }
0xa3: {  	[timem:s22], [sflag:s8] =	dma.local [hbm:s7], s6  }
0xa4: {  	_ =	swait.ge [sflag:s8], s6  }
0xa5: {  	s6 =	ssub.s32 $0x0, s6;
	[sflag:s8] =	ssyncset.done $0x0  }
0xa6: {  	[sflag:s8] =	ssyncadd.s32 s6;
	_ =	sdelay $0x1  }
0xa7: {  	s23 =	simm.s32 $0x1B8B  }
0xa8: {  	_ =	swait.ge [sflag:s23], $0x1  }
0xa9: {  	[sflag:s23] =	ssyncset.done $0x0  }
0xaa: {  	[sflag:s23] =	ssyncadd.s32 $0xFFFFFFFF  }
0xab: {  	s6 =	sld [smem:$0x0]  }
0xac: {  	s7 =	sand.u32 $0xFFFFFFFE, s1  }
0xad: {  	p0 =	sne.s32 s1, s7  }
0xae: {  	s7 =	sshll.u32 @p0 s7, $0xE  }
0xaf: {  	s7 =	sadd.s32 @p0 $0x11B8D, s7;
	s8 =	sshll.u32 @p0 s6, $0x11  }
0xb0: {  	s7 =	sor.u32 @p0 s8, s7  }
0xb1: {  	[sflag:s7] =	ssyncadd.remote.s32 @p0 $0x1;
	_ =	sdelay $0x1  }
0xb2: {  	s7 =	simm.s32 @p0 $0x1B8D  }
0xb3: {  	_ =	swait.eq @p0 [sflag:s7], $0x1  }
0xb4: {  	[sflag:s7] =	ssyncadd.s32 @p0 $0xFFFFFFFF  }
0xb5: {  	s8 =	sshll.u32 @!p0 s1, $0xE  }
0xb6: {  	s8 =	sor.u32 @!p0 $0x4000, s8;
	s7 =	simm.s32 @!p0 $0x1B8D  }
0xb7: {  	s6 =	sshll.u32 @!p0 s6, $0x11;
	s8 =	sadd.s32 @!p0 $0x11B8D, s8;
	_ =	swait.eq @!p0 [sflag:s7], $0x1  }
0xb8: {  	s6 =	sor.u32 @!p0 s6, s8;
	[sflag:s7] =	ssyncadd.s32 @!p0 $0xFFFFFFFF  }
0xb9: {  	s25 =	simm.s32 $0x1B8E;
	s24 =	sld [smem:$0x3FFE];
	[sflag:s6] =	ssyncadd.remote.s32 @!p0 $0x1  }
0xba: {  	s26 =	simm.s32 $execute0_lowered;
	[smem:$0x3FD2] =	sst s25  }
0xbb: {  	s7 =	sshll.u32 s26, $0x1;
	_ =	strace $0x80000052;
	[dreg:$0x1] =	wrdreg $0xFFFFFFFF  }
0xbc: {  	s28 =	simm.s32 $_size_execute0_lowered;
	s5 =	sadd.s32 s5, s7;
	[dreg:$0x0] =	wrdreg $0x0  }
0xbd: {  	s7 =	sshll.u32 s28, $0x1;
	[dreg:$0x2] =	wrdreg s5  }
0xbe: {  	[dreg:$0x3] =	wrdreg s7  }
0xbf: {  	[dreg:$0x4] =	wrdreg $0xC0  }
0xc0: {  	_ =	task [dreg:s22], $0x5FFFF  }
0xc1: {  	[dreg:$0x1] =	wrdreg $0xFFFFFFFF  }
0xc2: {  	[dreg:$0x0] =	wrdreg $0x60  }
0xc3: {  	[dreg:$0x2] =	wrdreg s2  }
0xc4: {  	[dreg:$0x3] =	wrdreg s24  }
0xc5: {  	[dreg:$0x4] =	wrdreg s17  }
0xc6: {  	[dreg:$0x5] =	wrdreg $0x9  }
0xc7: {  	_ =	task.clear_ibuf [dreg:s22], $0x6FFFF;
	_ =	strace $0x90000052  }
0xc8: {  	s29 =	simm.s32 $0x9;
	_ =	strace $0x80000054  }
0xc9: {  	_ =	swait.ge [sflag:s29], $0x1  }
0xca: {  	[sflag:s29] =	ssyncadd.s32 $0xFFFFFFFF  }
0xcb: {  	_ =	strace $0x90000054  }
0xcc: {  	_ =	sfence  }
0xcd: {  	s30 =	sld [smem:$0x0];
	_ =	sdelay $0x2  }
0xce: {  	s31 =	sshll.u32 s1, $0xD;
	s1 =	sshrl.u32 s1, $0x2  }
0xcf: {  	s4 =	sand.u32 $0x4000, s31;
	s1 =	sadd.s32 s1, s30  }
0xd0: {  	s0 =	sor.u32 s4, s0;
	s1 =	sshll.u32 s1, $0x11  }
0xd1: {  	s0 =	sor.u32 s1, s0  }
0xd2: {  	s0 =	sadd.s32 $0x8F2B, s0  }
0xd3: {  	[sflag:s0] =	ssyncadd.remote.s32 $0x1  }
0xd4: {  	_ =	sfence.sel $0xFFFF  }
0xd5: {  	[dreg:$0x0] =	wrdreg $0xFFFFFFFF;
	(pc) =	sbr.abs _section_cstart, $3  }
0xd6: {  	[dreg:$0x1] =	wrdreg $0xFFFFFFFF  }
0xd7: {  	_ =	task.clear_ibuf [dreg:s22], $0x2FFFF;
	_ =	strace $0x9FFFFFFF  }
0xd8: {  	(tm) =	ssettm $0x7FFFFFFF  }
0xd9: {  	_ =	shalt  }
tec
execute0_lowered:
.L_overlay_start_1:
0x0: {  	(tag) =	ssettag $0x1  }
0x1: {  	s1 =	rddreg [dreg:$0x0]  }
0x2: {  	s4 =	rddreg [dreg:$0x1]  }
0x3: {  	s5 =	rddreg [dreg:$0x2]  }
0x4: {  	s0 =	rddreg [dreg:$0x3]  }
0x5: {  	s3 =	simm.s32 $0x0;
	s6 =	srdreg.scid;
	s2 =	stileid.u32  }
0x6: {  	[smem:$0x7FF] =	sst s3;
	s6 =	sand.u32 $0x1, s6;
	s7 =	sshll.u32 s2, $0x5  }
0x7: {  	s8 =	sshll.u32 s2, $0xC;
	_ =	strace $0x80000053;
	s9 =	ssub.s32 $0x2, s6  }
0x8: {  	s10 =	sadd.s32 s7, s4;
	s8 =	sadd.s32 s8, s4;
	s7 =	sadd.s32 s7, s5  }
0x9: {  	s11 =	sshll.u32 s6, $0x4;
	s4 =	sshll.u32 s2, $0x1;
	s12 =	sshll.u32 s6, $0xB  }
0xa: {  	s30 =	sshrl.u32 s9, $0x1;
	s10 =	sadd.s32 s11, s10;
	s31 =	sadd.s32 s12, s8  }
0xb: {  	s7 =	sadd.s32 s11, s7;
	s9 =	ssub.s32 s9, s30;
	s6 =	sadd.s32 $0x3F7C00, s10  }
0xc: {  	s8 =	sadd.s32 $0x475C00, s31;
	s5 =	smax.u32 s9, $0x1;
	s9 =	sadd.s32 $0x3F8C00, s31  }
.LBB2_1:
0xd: {  	p0 =	sgt.u32 s4, $0xF9  }
0xe: {  	s10 =	sadd.s32 @!p0 $0x0, s6;
	s11 =	simm.s32 @!p0 $0x0;
	s14 =	simm.s32 @!p0 $0x4  }
0xf: {  	[tilespmem:s11], [sflag:$0x4] =	stream.linear.gather @!p0 [hbm4b:s10+s11], $0x80, $0x38;
	[tilespmem:$0x8100] =	vst v63  }
0x10: {  	_ =	swait.ge @!p0 [sflag:s14], $0x80;
	p0 =	por p0, p0  }
0x11: {  	[sflag:s14] =	ssyncset.done @!p0 $0x0  }
0x12: {  	s10 =	sadd.s32 @!p0 $0x0, s7;
	s12 =	simm.s32 @!p0 $0x80;
	[sflag:s14] =	ssyncadd.s32 @!p0 $0xFFFFFF80  }
0x13: {  	[tilespmem:s12], [sflag:$0x4] =	stream.linear.gather @!p0 [hbm4b:s10+s11], $0x80, $0x38;
	[tilespmem:$0x8100] =	vst v63  }
0x14: {  	_ =	swait.ge @!p0 [sflag:s14], $0x80  }
0x15: {  	[sflag:s14] =	ssyncset.done @!p0 $0x0  }
0x16: {  	s10 =	simm.s32 @!p0 $0x100;
	[sflag:s14] =	ssyncadd.s32 @!p0 $0xFFFFFF80  }
0x17: {  	[tilespmem:s10], [sflag:$0x1] =	stream.indirect.gather @!p0 [hbm4b:s1+s12], $0x80, s11, s12, $0xb8;
	[tilespmem:$0x8100] =	vst v63  }
0x18: {  	s15 =	simm.s32 @!p0 $0x4100;
	s13 =	simm.s32 @!p0 $0x1  }
0x19: {  	[tilespmem:s15], [sflag:$0x2] =	stream.indirect.gather @!p0 [hbm4b:s1+s12], $0x80, s12, s12, $0xb8;
	[tilespmem:$0x8100] =	vst v63  }
0x1a: {  	_ =	swait.ge @!p0 [sflag:s13], $0x4000  }
0x1b: {  	[sflag:s13] =	ssyncset.done @!p0 $0x0  }
0x1c: {  	s12 =	simm.s32 @!p0 $0x2;
	[sflag:s13] =	ssyncadd.s32 @!p0 $0xFFFFC000  }
0x1d: {  	_ =	swait.ge @!p0 [sflag:s12], $0x4000  }
0x1e: {  	[sflag:s12] =	ssyncset.done @!p0 $0x0  }
0x1f: {  	[sflag:s12] =	ssyncadd.s32 @!p0 $0xFFFFC000  }
0x20: {  	[hbm4b:s9+s11] =	stream.linear.scatter @!p0 [tilespmem:s10], [sflag:$0x4], $0x4000, $0x38;
	[tilespmem:$0x8100] =	vst v63  }
0x21: {  	_ =	swait.ge @!p0 [sflag:s14], $0x4000  }
0x22: {  	[sflag:s14] =	ssyncset.done @!p0 $0x0  }
0x23: {  	s13 =	simm.s32 $0x400;
	s12 =	simm.s32 $0x200;
	[sflag:s14] =	ssyncadd.s32 @!p0 $0xFFFFC000  }
0x24: {  	[hbm4b:s8+s11] =	stream.linear.scatter @!p0 [tilespmem:s15], [sflag:$0x3], $0x4000, $0x38;
	[tilespmem:$0x8100] =	vst v63  }
0x25: {  	s10 =	sadd.s32 $0x10000, s9;
	s14 =	sadd.s32 $0x20, s4;
	s15 =	simm.s32 @!p0 $0x3  }
0x26: {  	p2 =	sgt.u32 s14, $0xF9;
	s11 =	sadd.s32 $0x10000, s8;
	_ =	swait.ge @!p0 [sflag:s15], $0x4000  }
.LBB2_2:
0x27: {  	s16 =	sadd.s32 @!p2 s12, s6  }
0x28: {  	s17 =	simm.s32 @!p2 $0x0;
	[sflag:s15] =	ssyncset.done @!p0 $0x0;
	s18 =	smov.u32 s13  }
0x29: {  	s13 =	sadd.s32 $0x200, s13;
	s19 =	simm.s32 @!p2 $0x4;
	[sflag:s15] =	ssyncadd.s32 @!p0 $0xFFFFC000  }
0x2a: {  	[tilespmem:s17], [sflag:$0x4] =	stream.linear.gather @!p2 [hbm4b:s16+s17], $0x80, $0x38;
	[tilespmem:$0x8100] =	vst v63  }
0x2b: {  	p1 =	sne.s32 s13, $0x1000;
	p0 =	por p2, p2;
	_ =	swait.ge @!p2 [sflag:s19], $0x80  }
0x2c: {  	[sflag:s19] =	ssyncset.done @!p0 $0x0  }
0x2d: {  	s12 =	sadd.s32 @!p0 s12, s7;
	s15 =	simm.s32 @!p0 $0x80;
	[sflag:s19] =	ssyncadd.s32 @!p0 $0xFFFFFF80  }
0x2e: {  	[tilespmem:s15], [sflag:$0x4] =	stream.linear.gather @!p0 [hbm4b:s12+s17], $0x80, $0x38;
	[tilespmem:$0x8100] =	vst v63  }
0x2f: {  	s12 =	smov.u32 s18;
	_ =	swait.ge @!p0 [sflag:s19], $0x80  }
0x30: {  	[sflag:s19] =	ssyncset.done @!p0 $0x0  }
0x31: {  	s16 =	simm.s32 @!p0 $0x100;
	[sflag:s19] =	ssyncadd.s32 @!p0 $0xFFFFFF80  }
0x32: {  	[tilespmem:s16], [sflag:$0x1] =	stream.indirect.gather @!p0 [hbm4b:s1+s15], $0x80, s17, s15, $0xb8;
	[tilespmem:$0x8100] =	vst v63  }
0x33: {  	s20 =	simm.s32 @!p0 $0x1;
	s18 =	simm.s32 @!p0 $0x4100  }
0x34: {  	[tilespmem:s18], [sflag:$0x2] =	stream.indirect.gather @!p0 [hbm4b:s1+s15], $0x80, s15, s15, $0xb8;
	[tilespmem:$0x8100] =	vst v63  }
0x35: {  	_ =	swait.ge @!p0 [sflag:s20], $0x4000  }
0x36: {  	[sflag:s20] =	ssyncset.done @!p0 $0x0  }
0x37: {  	s15 =	simm.s32 @!p0 $0x2;
	[sflag:s20] =	ssyncadd.s32 @!p0 $0xFFFFC000  }
0x38: {  	_ =	swait.ge @!p0 [sflag:s15], $0x4000  }
0x39: {  	[sflag:s15] =	ssyncset.done @!p0 $0x0  }
0x3a: {  	[sflag:s15] =	ssyncadd.s32 @!p0 $0xFFFFC000  }
0x3b: {  	[hbm4b:s10+s17] =	stream.linear.scatter @!p0 [tilespmem:s16], [sflag:$0x4], $0x4000, $0x38;
	[tilespmem:$0x8100] =	vst v63  }
.Ltmp0:
0x3c: {  	_ =	swait.ge @!p0 [sflag:s19], $0x4000;
	(pc) =	sbr.rel @p1 .LBB2_2-.Ltmp0, $4  }
0x3d: {  	s10 =	sadd.s32 $0x10000, s10;
	[sflag:s19] =	ssyncset.done @!p0 $0x0  }
0x3e: {  	s14 =	sadd.s32 $0x20, s14;
	s15 =	simm.s32 @!p0 $0x3;
	[sflag:s19] =	ssyncadd.s32 @!p0 $0xFFFFC000  }
0x3f: {  	[hbm4b:s11+s17] =	stream.linear.scatter @!p0 [tilespmem:s18], [sflag:$0x3], $0x4000, $0x38;
	[tilespmem:$0x8100] =	vst v63  }
0x40: {  	p2 =	sgt.u32 s14, $0xF9;
	s11 =	sadd.s32 $0x10000, s11;
	_ =	swait.ge @!p0 [sflag:s15], $0x4000  }
0x41: {  	s13 =	sadd.s32 @!p2 s12, s6;
	[sflag:s15] =	ssyncset.done @!p0 $0x0  }
0x42: {  	s14 =	simm.s32 @!p2 $0x0;
	s16 =	simm.s32 @!p2 $0x4;
	[sflag:s15] =	ssyncadd.s32 @!p0 $0xFFFFC000  }
0x43: {  	[tilespmem:s14], [sflag:$0x4] =	stream.linear.gather @!p2 [hbm4b:s13+s14], $0x80, $0x38;
	[tilespmem:$0x8100] =	vst v63  }
0x44: {  	p0 =	por p2, p2;
	_ =	swait.ge @!p2 [sflag:s16], $0x80  }
0x45: {  	[sflag:s16] =	ssyncset.done @!p0 $0x0  }
0x46: {  	s12 =	sadd.s32 @!p0 s12, s7;
	s13 =	simm.s32 @!p0 $0x80;
	[sflag:s16] =	ssyncadd.s32 @!p0 $0xFFFFFF80  }
0x47: {  	[tilespmem:s13], [sflag:$0x4] =	stream.linear.gather @!p0 [hbm4b:s12+s14], $0x80, $0x38;
	[tilespmem:$0x8100] =	vst v63  }
0x48: {  	_ =	swait.ge @!p0 [sflag:s16], $0x80  }
0x49: {  	[sflag:s16] =	ssyncset.done @!p0 $0x0  }
0x4a: {  	s12 =	simm.s32 @!p0 $0x100;
	[sflag:s16] =	ssyncadd.s32 @!p0 $0xFFFFFF80  }
0x4b: {  	[tilespmem:s12], [sflag:$0x1] =	stream.indirect.gather @!p0 [hbm4b:s1+s13], $0x80, s14, s13, $0xb8;
	[tilespmem:$0x8100] =	vst v63  }
0x4c: {  	s15 =	simm.s32 @!p0 $0x4100;
	s17 =	simm.s32 @!p0 $0x1  }
0x4d: {  	[tilespmem:s15], [sflag:$0x2] =	stream.indirect.gather @!p0 [hbm4b:s1+s13], $0x80, s13, s13, $0xb8;
	[tilespmem:$0x8100] =	vst v63  }
0x4e: {  	_ =	swait.ge @!p0 [sflag:s17], $0x4000  }
0x4f: {  	[sflag:s17] =	ssyncset.done @!p0 $0x0  }
0x50: {  	s13 =	simm.s32 @!p0 $0x2;
	[sflag:s17] =	ssyncadd.s32 @!p0 $0xFFFFC000  }
0x51: {  	_ =	swait.ge @!p0 [sflag:s13], $0x4000  }
0x52: {  	[sflag:s13] =	ssyncset.done @!p0 $0x0  }
0x53: {  	[sflag:s13] =	ssyncadd.s32 @!p0 $0xFFFFC000  }
0x54: {  	[hbm4b:s10+s14] =	stream.linear.scatter @!p0 [tilespmem:s12], [sflag:$0x4], $0x4000, $0x38;
	[tilespmem:$0x8100] =	vst v63  }
0x55: {  	s3 =	sadd.s32 $0x1, s3;
	_ =	swait.ge @!p0 [sflag:s16], $0x4000  }
0x56: {  	p1 =	sne.s32 s3, s5;
	[sflag:s16] =	ssyncset.done @!p0 $0x0  }
.Ltmp1:
0x57: {  	s10 =	simm.s32 @!p0 $0x3;
	[sflag:s16] =	ssyncadd.s32 @!p0 $0xFFFFC000;
	(pc) =	sbr.rel @p1 .LBB2_1-.Ltmp1, $4  }
0x58: {  	[hbm4b:s11+s14] =	stream.linear.scatter @!p0 [tilespmem:s15], [sflag:$0x3], $0x4000, $0x38;
	[tilespmem:$0x8100] =	vst v63  }
0x59: {  	_ =	swait.ge @!p0 [sflag:s10], $0x4000  }
0x5a: {  	[sflag:s10] =	ssyncset.done @!p0 $0x0  }
0x5b: {  	[sflag:s10] =	ssyncadd.s32 @!p0 $0xFFFFC000  }
0x5c: {  	_ =	sfence.sel $0x180000  }
0x5d: {  	[bflag:$0x0] =	sbarrier.arrive $0xFFFF  }
0x5e: {  	p0 =	sne.s32 s2, $0x0;
	_ =	strace $0x90000053  }
0x5f: {  	s0 =	sadd.s32 @!p0 $0x100000, s0;
	[bflag:$0x2] =	sbarrier.arrive $0xFFFF  }
0x60: {  	[sflag:s0] =	ssyncadd.tile.s32 @!p0 $0x1;
	_ =	shalt  }
.Lfunc_end2:
_tile_overlayer_lowered:
.L_overlay_start_2:
0x61: {  	(tag) =	ssettag $0x2  }
0x62: {  	s0 =	rddreg [dreg:$0x0];
	s2 =	stileid.u32  }
0x63: {  	s1 =	rddreg [dreg:$0x1];
	p0 =	sne.s32 s2, $0x0  }
0x64: {  	s3 =	rddreg [dreg:$0x2];
	[bflag:$0x3] =	sbarrier.arrive $0xFFFF;
	s2 =	simm.s32 @!p0 $0x1C03  }
0x65: {  	[timem:s3], [sflag:s2] =	dma.local @!p0 [hbm:s0], s1  }
0x66: {  	s0 =	simm.s32 @!p0 $0x3  }
0x67: {  	_ =	swait.ge @!p0 [sflag:s0], s1  }
0x68: {  	s1 =	ssub.s32 @!p0 $0x0, s1;
	[sflag:s0] =	ssyncset.done @!p0 $0x0  }
0x69: {  	[sflag:s0] =	ssyncadd.s32 @!p0 s1  }
0x6a: {  	[bflag:$0x3] =	sbarrier.arrive $0xFFFF  }
0x6b: {  	_ =	shalt  }

// kernel: kernel.22.cloned.1.call-start
scs
__scs_entry_jumppad:
0x0: {  	(pc) =	sbr.rel $0x88, $3  }
0x1: {  	(tag) =	ssettag $0x0;
	lr =	simm.s32 $0x1  }
0x2: {  	[smem:$0x3F8E] =	sst lr;
	_ =	strace $0xD0000000  }
0x3: {  	_ = 	snop  }
0x4: {  	_ = 	snop  }
0x5: {  	_ = 	snop  }
0x6: {  	_ = 	snop  }
0x7: {  	_ = 	snop  }
__scs_overlays_trampoline_lowered:
0x8: {  	[smem:$0x3F9D] =	sst s0  }
0x9: {  	[smem:$0x3F9E] =	sst s1  }
0xa: {  	[smem:$0x3F9F] =	sst s2  }
0xb: {  	[smem:$0x3FA0] =	sst s3  }
0xc: {  	[smem:$0x3FA1] =	sst s4  }
0xd: {  	[smem:$0x3FA2] =	sst s5  }
0xe: {  	[smem:$0x3FA3] =	sst s6  }
0xf: {  	[smem:$0x3FA4] =	sst s7  }
0x10: {  	[smem:$0x3FA5] =	sst s8  }
0x11: {  	[smem:$0x3FA6] =	sst s9;
	s0 =	simm.s32 @!p0 $0x0  }
0x12: {  	s1 =	sld [smem:$0x3F8C];
	s0 =	simm.s32 @p0 $0x1  }
0x13: {  	[smem:$0x3FA7] =	sst s0;
	s0 =	simm.s32 @!p1 $0x0  }
0x14: {  	s2 =	sld [smem:$0x3F8B];
	s0 =	simm.s32 @p1 $0x1  }
0x15: {  	[smem:$0x3FA8] =	sst s0;
	s0 =	simm.s32 @!p2 $0x0  }
0x16: {  	s3 =	sld [smem:$0x3FDB];
	s0 =	simm.s32 @p2 $0x1  }
0x17: {  	s4 =	simm.s32 $0x1BF5;
	[smem:$0x3FAA] =	sst s0  }
0x18: {  	s0 =	sld [smem:$0x3F8D];
	_ =	swait.ge [sflag:s4], $0x0  }
0x19: {  	s7 =	sld [smem:$0x3F8E]  }
0x1a: {  	s8 =	sadd.s32 $0xFFFFE003, lr  }
0x1b: {  	s9 =	sadd.s32 $0xFFFFFEF7, lr;
	s5 =	simm.s32 $0xFFFFFFFF;
	p2 =	slt.u32 s8, $0xFFFFF086  }
0x1c: {  	p1 =	slt.u32 s9, $0xF7A;
	s5 =	simm.s32 @!p2 $0x0  }
0x1d: {  	s5 =	simm.s32 @p1 $0x1;
	p0 =	seq.s32 s7, s2  }
0x1e: {  	s7 =	smul.u32 @!p0 $0xF7A, s2;
	p2 =	seq.s32 @!p0 s5, $0x0  }
0x1f: {  	s9 =	smul.u32 $0xF7A, s1;
	s8 =	simm.s32 @!p0 $0x1BF5;
	p2 =	por !p2, p0  }
0x20: {  	[sflag:s8] =	ssyncset.s32 @!p0 $0xFFFFF086;
	s6 =	sadd.s32 @!p0 s3, s7;
	s7 =	simm.s32 @!p0 $0x108  }
0x21: {  	s3 =	sadd.s32 s3, s9;
	s6 =	sadd.s32 @!p0 $0x88, s6;
	s7 =	simm.s32 @p2 $0x1082  }
0x22: {  	[simem:s7], [sflag:s8] =	dma.local @!p0 [hbm:s6], $0xF7A  }
0x23: {  	s9 =	sor.u32 $0xD0000000, s2;
	s6 =	simm.s32 $0x108;
	_ =	swait.ge @!p0 [sflag:s8], $0x0  }
0x24: {  	s3 =	sadd.s32 $0x88, s3;
	s6 =	simm.s32 @!p1 $0x1082;
	[sflag:s4] =	ssyncset.s32 $0xFFFFF086  }
0x25: {  	[simem:s6], [sflag:s4] =	dma.local [hbm:s3], $0xF7A  }
0x26: {  	[smem:$0x3F8E] =	sst s1;
	(tag) =	ssettag s2;
	_ =	strace s9  }
0x27: {  	s1 =	sld [smem:$0x3F9E]  }
0x28: {  	s2 =	sld [smem:$0x3F9F]  }
0x29: {  	s4 =	sld [smem:$0x3FA1]  }
0x2a: {  	p0 =	seq.s32 s5, $0x0;
	s5 =	sld [smem:$0x3FA2]  }
0x2b: {  	s6 =	sld [smem:$0x3FA3]  }
0x2c: {  	s7 =	sld [smem:$0x3FA4]  }
0x2d: {  	s3 =	simm.s32 $0x108;
	s8 =	sld [smem:$0x3FA5]  }
0x2e: {  	s3 =	simm.s32 @!p0 $0x1082;
	s9 =	sld [smem:$0x3FA6]  }
0x2f: {  	lr =	sadd.s32 s0, s3;
	s0 =	sld [smem:$0x3F9D]  }
0x30: {  	s3 =	sld [smem:$0x3FA0]  }
0x31: {  	[smem:$0x3FA9] =	sst s10  }
0x32: {  	s10 =	sld [smem:$0x3FA7];
	_ =	sdelay $0x3  }
0x33: {  	p0 =	seq.s32 s10, $0x1;
	s10 =	sld [smem:$0x3FA9];
	_ =	sdelay $0x3  }
0x34: {  	[smem:$0x3FA9] =	sst s10  }
0x35: {  	s10 =	sld [smem:$0x3FA8];
	_ =	sdelay $0x3  }
0x36: {  	p1 =	seq.s32 s10, $0x1;
	s10 =	sld [smem:$0x3FA9];
	_ =	sdelay $0x3  }
0x37: {  	[smem:$0x3FA9] =	sst s10  }
0x38: {  	s10 =	sld [smem:$0x3FAA]  }
0x39: {  	_ = 	snop;
	(pc) =	sbr.ind lr, $3  }
0x3a: {  	_ = 	snop  }
0x3b: {  	_ = 	snop  }
0x3c: {  	p2 =	seq.s32 s10, $0x1;
	s10 =	sld [smem:$0x3FA9]  }
0x3d: {  	_ =	shalt  }
0x3e: {  	_ =	shalt  }
0x3f: {  	_ =	shalt  }
0x40: {  	_ =	shalt  }
0x41: {  	_ =	shalt  }
0x42: {  	_ =	shalt  }
0x43: {  	_ =	shalt  }
0x44: {  	_ =	shalt  }
0x45: {  	_ =	shalt  }
0x46: {  	_ =	shalt  }
0x47: {  	_ =	shalt  }
0x48: {  	_ =	shalt  }
0x49: {  	_ =	shalt  }
0x4a: {  	_ =	shalt  }
0x4b: {  	_ =	shalt  }
0x4c: {  	_ =	shalt  }
0x4d: {  	_ =	shalt  }
0x4e: {  	_ =	shalt  }
0x4f: {  	_ =	shalt  }
0x50: {  	_ =	shalt  }
0x51: {  	_ =	shalt  }
0x52: {  	_ =	shalt  }
0x53: {  	_ =	shalt  }
0x54: {  	_ =	shalt  }
0x55: {  	_ =	shalt  }
0x56: {  	_ =	shalt  }
0x57: {  	_ =	shalt  }
0x58: {  	_ =	shalt  }
0x59: {  	_ =	shalt  }
0x5a: {  	_ =	shalt  }
0x5b: {  	_ =	shalt  }
0x5c: {  	_ =	shalt  }
0x5d: {  	_ =	shalt  }
0x5e: {  	_ =	shalt  }
0x5f: {  	_ =	shalt  }
0x60: {  	_ =	shalt  }
0x61: {  	_ =	shalt  }
0x62: {  	_ =	shalt  }
0x63: {  	_ =	shalt  }
0x64: {  	_ =	shalt  }
0x65: {  	_ =	shalt  }
0x66: {  	_ =	shalt  }
0x67: {  	_ =	shalt  }
0x68: {  	_ =	shalt  }
0x69: {  	_ =	shalt  }
0x6a: {  	_ =	shalt  }
0x6b: {  	_ =	shalt  }
0x6c: {  	_ =	shalt  }
0x6d: {  	_ =	shalt  }
0x6e: {  	_ =	shalt  }
0x6f: {  	_ =	shalt  }
0x70: {  	_ =	shalt  }
0x71: {  	_ =	shalt  }
0x72: {  	_ =	shalt  }
0x73: {  	_ =	shalt  }
0x74: {  	_ =	shalt  }
0x75: {  	_ =	shalt  }
0x76: {  	_ =	shalt  }
0x77: {  	_ =	shalt  }
0x78: {  	_ =	shalt  }
0x79: {  	_ =	shalt  }
0x7a: {  	_ =	shalt  }
0x7b: {  	_ =	shalt  }
0x7c: {  	_ =	shalt  }
0x7d: {  	_ =	shalt  }
0x7e: {  	_ =	shalt  }
0x7f: {  	_ =	shalt  }
0x80: {  	_ =	shalt  }
0x81: {  	_ =	shalt  }
0x82: {  	_ =	shalt  }
0x83: {  	_ =	shalt  }
0x84: {  	_ =	shalt  }
0x85: {  	_ =	shalt  }
0x86: {  	_ =	shalt  }
0x87: {  	_ =	shalt  }
.Lfunc_end0:
.L_simem_size_0:
called_computation.1_lowered:
.L_overlay_start_0:
0x88: {  	s2 =	sld [smem:$0x3FD9]  }
0x89: {  	s3 =	sld [smem:$0x3FFE];
	_ =	sdelay $0x1  }
0x8a: {  	s1 =	srdreg.scid  }
0x8b: {  	s0 =	sand.u32 $0x1, s1  }
0x8c: {  	s15 =	sshll.u32 s0, $0xA;
	s2 =	sadd.s32 s3, s2  }
0x8d: {  	s2 =	sadd.s32 s2, s15  }
0x8e: {  	[smem:$0x3FB5] =	sst s2  }
0x8f: {  	_ = 	snop  }
0x90: {  	s2 =	sld [smem:$0x3FD0];
	_ =	sdelay $0x2  }
0x91: {  	s16 =	simm.s32 $0xE;
	s4 =	simm.s32 $0x10  }
0x92: {  	[smem:s4], [sflag:s16] =	dma.local [hbm:s2], $0x1  }
0x93: {  	_ =	swait.eq [sflag:s16], $0x1  }
0x94: {  	[sflag:s16] =	ssyncset.done $0x0  }
0x95: {  	[sflag:s16] =	ssyncadd.s32 $0xFFFFFFFF  }
0x96: {  	s17 =	sld [smem:$0x10];
	(tm) =	ssettm $0x1  }
0x97: {  	s18 =	sld [smem:$0x3FFB];
	_ =	sdelay $0x3  }
0x98: {  	_ =	strace s18  }
0x99: {  	s2 =	sld [smem:$0x3FFC];
	_ =	sdelay $0x3  }
0x9a: {  	_ =	strace s2  }
0x9b: {  	s2 =	sld [smem:$0x3FFD];
	_ =	sdelay $0x3  }
0x9c: {  	_ =	strace s2  }
0x9d: {  	_ =	strace $0x8FFFFFFF  }
0x9e: {  	s19 =	sld [smem:$0x3FDB];
	_ =	sdelay $0x1  }
0x9f: {  	s20 =	simm.s32 $_scs_section_size  }
0xa0: {  	s5 =	simm.s32 $_size__tile_overlayer_lowered;
	s6 =	simm.s32 $_tile_overlayer_lowered  }
0xa1: {  	s7 =	simm.s32 $0x1BFF;
	s21 =	sshll.u32 s6, $0x1;
	s4 =	sadd.s32 s20, s19  }
0xa2: {  	s22 =	simm.s32 $0x0;
	s5 =	sshll.u32 s5, $0x1;
	s6 =	sadd.s32 s21, s4  }
0xa3: {  	[timem:s22], [sflag:s7] =	dma.local [hbm:s6], s5  }
0xa4: {  	_ =	swait.ge [sflag:s7], s5  }
0xa5: {  	s5 =	ssub.s32 $0x0, s5;
	[sflag:s7] =	ssyncset.done $0x0  }
0xa6: {  	[sflag:s7] =	ssyncadd.s32 s5;
	_ =	sdelay $0x1  }
0xa7: {  	s23 =	simm.s32 $0x1B8B  }
0xa8: {  	_ =	swait.ge [sflag:s23], $0x1  }
0xa9: {  	[sflag:s23] =	ssyncset.done $0x0  }
0xaa: {  	[sflag:s23] =	ssyncadd.s32 $0xFFFFFFFF  }
0xab: {  	s5 =	sld [smem:$0x0]  }
0xac: {  	s6 =	sand.u32 $0xFFFFFFFE, s1  }
0xad: {  	p0 =	sne.s32 s1, s6  }
0xae: {  	s6 =	sshll.u32 @p0 s6, $0xE  }
0xaf: {  	s6 =	sadd.s32 @p0 $0x11B8D, s6;
	s7 =	sshll.u32 @p0 s5, $0x11  }
0xb0: {  	s6 =	sor.u32 @p0 s7, s6  }
0xb1: {  	[sflag:s6] =	ssyncadd.remote.s32 @p0 $0x1;
	_ =	sdelay $0x1  }
0xb2: {  	s6 =	simm.s32 @p0 $0x1B8D  }
0xb3: {  	_ =	swait.eq @p0 [sflag:s6], $0x1  }
0xb4: {  	[sflag:s6] =	ssyncadd.s32 @p0 $0xFFFFFFFF  }
0xb5: {  	s7 =	sshll.u32 @!p0 s1, $0xE  }
0xb6: {  	s7 =	sor.u32 @!p0 $0x4000, s7;
	s6 =	simm.s32 @!p0 $0x1B8D  }
0xb7: {  	s5 =	sshll.u32 @!p0 s5, $0x11;
	s7 =	sadd.s32 @!p0 $0x11B8D, s7;
	_ =	swait.eq @!p0 [sflag:s6], $0x1  }
0xb8: {  	s5 =	sor.u32 @!p0 s5, s7;
	[sflag:s6] =	ssyncadd.s32 @!p0 $0xFFFFFFFF  }
0xb9: {  	s25 =	simm.s32 $0x1B8E;
	s24 =	sld [smem:$0x3FFE];
	[sflag:s5] =	ssyncadd.remote.s32 @!p0 $0x1  }
0xba: {  	s26 =	simm.s32 $execute0_lowered;
	[smem:$0x3FD2] =	sst s25  }
0xbb: {  	s6 =	sshll.u32 s26, $0x1;
	_ =	strace $0x80000061;
	[dreg:$0x1] =	wrdreg $0xFFFFFFFF  }
0xbc: {  	s28 =	simm.s32 $_size_execute0_lowered;
	s4 =	sadd.s32 s4, s6;
	[dreg:$0x0] =	wrdreg $0x0  }
0xbd: {  	s6 =	sshll.u32 s28, $0x1;
	[dreg:$0x2] =	wrdreg s4  }
0xbe: {  	[dreg:$0x3] =	wrdreg s6  }
0xbf: {  	[dreg:$0x4] =	wrdreg $0xC0  }
0xc0: {  	_ =	task [dreg:s22], $0x5FFFF  }
0xc1: {  	[dreg:$0x1] =	wrdreg $0xFFFFFFFF  }
0xc2: {  	[dreg:$0x0] =	wrdreg $0x60  }
0xc3: {  	[dreg:$0x2] =	wrdreg s24  }
0xc4: {  	[dreg:$0x3] =	wrdreg s17  }
0xc5: {  	[dreg:$0x4] =	wrdreg $0x40800  }
0xc6: {  	[dreg:$0x5] =	wrdreg $0x9  }
0xc7: {  	_ =	task.clear_ibuf [dreg:s22], $0x6FFFF;
	_ =	strace $0x90000061  }
0xc8: {  	s29 =	simm.s32 $0x9;
	_ =	strace $0x80000063  }
0xc9: {  	_ =	swait.ge [sflag:s29], $0x1  }
0xca: {  	[sflag:s29] =	ssyncadd.s32 $0xFFFFFFFF  }
0xcb: {  	_ =	strace $0x90000063  }
0xcc: {  	_ =	sfence  }
0xcd: {  	s30 =	sld [smem:$0x0];
	_ =	sdelay $0x2  }
0xce: {  	s31 =	sshll.u32 s1, $0xD;
	s1 =	sshrl.u32 s1, $0x2  }
0xcf: {  	s4 =	sand.u32 $0x4000, s31;
	s1 =	sadd.s32 s1, s30  }
0xd0: {  	s0 =	sor.u32 s4, s0;
	s1 =	sshll.u32 s1, $0x11  }
0xd1: {  	s0 =	sor.u32 s1, s0  }
0xd2: {  	s0 =	sadd.s32 $0x8F2B, s0  }
0xd3: {  	[sflag:s0] =	ssyncadd.remote.s32 $0x1  }
0xd4: {  	_ =	sfence.sel $0xFFFF  }
0xd5: {  	[dreg:$0x0] =	wrdreg $0xFFFFFFFF;
	(pc) =	sbr.abs _section_cstart, $3  }
0xd6: {  	[dreg:$0x1] =	wrdreg $0xFFFFFFFF  }
0xd7: {  	_ =	task.clear_ibuf [dreg:s22], $0x2FFFF;
	_ =	strace $0x9FFFFFFF  }
0xd8: {  	(tm) =	ssettm $0x7FFFFFFF  }
0xd9: {  	_ =	shalt  }
tec
execute0_lowered:
.L_overlay_start_1:
0x0: {  	(tag) =	ssettag $0x1  }
0x1: {  	s7 =	rddreg [dreg:$0x0]  }
0x2: {  	s8 =	rddreg [dreg:$0x1]  }
0x3: {  	s2 =	rddreg [dreg:$0x2]  }
0x4: {  	s0 =	rddreg [dreg:$0x3];
	s1 =	stileid.u32  }
0x5: {  	s4 =	srdreg.scid;
	s3 =	simm.s32 $0x0;
	s13 =	simm.s32 $0x36BC00  }
0x6: {  	s5 =	smul.u32 $0x14000, s1;
	s4 =	sand.u32 $0x1, s4;
	[smem:$0x7FF] =	sst s3  }
0x7: {  	s10 =	smul.u32 $0x50000, s1;
	s28 =	sshll.u32 s1, $0x6;
	s30 =	sshll.u32 s1, $0x4  }
0x8: {  	s31 =	sshll.u32 s1, $0xB;
	s6 =	smul.u32 $0x140000, s4;
	_ =	strace $0x80000062  }
0x9: {  	s26 =	ssub.s32 $0x2, s4;
	p0 =	seq.s32 s4, $0x1;
	s8 =	sadd.s32 s30, s8  }
0xa: {  	s9 =	sshrl.u32 s5, $0x3;
	s11 =	sshrl.u32 s26, $0x1;
	s10 =	sshrl.u32 s10, $0x2  }
0xb: {  	s13 =	simm.s32 @!p0 $0x2EEC00;
	s9 =	sadd.s32 s9, s7;
	s5 =	sadd.s32 s5, s6  }
0xc: {  	s11 =	ssub.s32 s26, s11;
	s10 =	sadd.s32 s10, s2;
	s29 =	sadd.s32 s13, s7  }
0xd: {  	s5 =	sshrl.u32 s5, $0x3;
	s4 =	sadd.s32 $0xFC00, s9;
	s9 =	sadd.s32 s31, s29  }
0xe: {  	s10 =	sshrl.u32 s10, $0x3;
	s12 =	sadd.s32 s5, s7;
	s5 =	sor.u32 $0x1C01, s28  }
0xf: {  	s7 =	smax.u32 s11, $0x1;
	s11 =	simm.s32 $0x1;
	s6 =	sadd.s32 $0x3E8C00, s12  }
.LBB2_1:
0x10: {  	[spmem:s10], [sflag:s5] =	dma.local [hbm:s4], $0x2800  }
0x11: {  	_ =	swait.ge [sflag:s11], $0x2800  }
0x12: {  	s12 =	sadd.s32 $0x0, s1;
	[sflag:s11] =	ssyncset.done $0x0  }
0x13: {  	p0 =	sgt.u32 s12, $0xF9;
	[sflag:s11] =	ssyncadd.s32 $0xFFFFD800  }
0x14: {  	s12 =	simm.s32 @!p0 $0x0;
	s14 =	simm.s32 @!p0 $0x2;
	[bflag:$0x0] =	sbarrier.arrive $0xFFFF  }
0x15: {  	[tilespmem:s12], [sflag:$0x2] =	stream.linear.gather @!p0 [hbm4b:s8+s12], $0x80, $0x38;
	[tilespmem:$0x18080] =	vst v63  }
0x16: {  	_ =	swait.ge @!p0 [sflag:s14], $0x80  }
0x17: {  	[sflag:s14] =	ssyncset.done @!p0 $0x0;
	p0 =	por p0, p0  }
0x18: {  	[sflag:s14] =	ssyncadd.s32 @!p0 $0xFFFFFF80;
	s16 =	simm.s32 @!p0 $0x80  }
0x19: {  	[tilespmem:s16], [sflag:$0x2] =	stream.linear.gather @!p0 [hbm4b:s9+s12], $0x4000, $0x38;
	[tilespmem:$0x18080] =	vst v63  }
0x1a: {  	_ =	swait.ge @!p0 [sflag:s14], $0x4000  }
0x1b: {  	[sflag:s14] =	ssyncset.done @!p0 $0x0  }
0x1c: {  	s31 =	sadd.s32 $0x10, s1;
	s15 =	simm.s32 @!p0 $0x1;
	[sflag:s14] =	ssyncadd.s32 @!p0 $0xFFFFC000  }
0x1d: {  	[spmem:s2] =	stream.indirect.scatter.add.f32 @!p0 [tilespmem:s16], [sflag:$0x1], $0x80, s12, s16, $0xb8;
	[tilespmem:$0x18080] =	vst v63  }
0x1e: {  	s13 =	simm.s32 $0x20;
	p1 =	sgt.u32 s31, $0xF9;
	_ =	swait.ge @!p0 [sflag:s15], $0x4000  }
0x1f: {  	s14 =	sadd.s32 $0x100, s8;
	s12 =	sadd.s32 $0x8000, s9;
	[sflag:s15] =	ssyncset.done @!p0 $0x0  }
.LBB2_2:
0x20: {  	s16 =	simm.s32 @!p1 $0x0;
	s17 =	simm.s32 @!p1 $0x2;
	[sflag:s15] =	ssyncadd.s32 @!p0 $0xFFFFC000  }
0x21: {  	[tilespmem:s16], [sflag:$0x2] =	stream.linear.gather @!p1 [hbm4b:s14+s16], $0x80, $0x38;
	[tilespmem:$0x18080] =	vst v63  }
0x22: {  	s18 =	smov.u32 s13;
	s13 =	sadd.s32 $0x10, s13;
	_ =	swait.ge @!p1 [sflag:s17], $0x80  }
0x23: {  	p0 =	por p1, p1;
	p2 =	sne.s32 s13, $0x100;
	[sflag:s17] =	ssyncset.done @!p1 $0x0  }
0x24: {  	s19 =	simm.s32 @!p0 $0x80;
	[sflag:s17] =	ssyncadd.s32 @!p0 $0xFFFFFF80  }
0x25: {  	[tilespmem:s19], [sflag:$0x2] =	stream.linear.gather @!p0 [hbm4b:s12+s16], $0x4000, $0x38;
	[tilespmem:$0x18080] =	vst v63  }
0x26: {  	_ =	swait.ge @!p0 [sflag:s17], $0x4000  }
.Ltmp0:
0x27: {  	[sflag:s17] =	ssyncset.done @!p0 $0x0;
	(pc) =	sbr.rel @p2 .LBB2_2-.Ltmp0, $4  }
0x28: {  	s15 =	simm.s32 @!p0 $0x1;
	[sflag:s17] =	ssyncadd.s32 @!p0 $0xFFFFC000  }
0x29: {  	[spmem:s2] =	stream.indirect.scatter.add.f32 @!p0 [tilespmem:s19], [sflag:$0x1], $0x80, s16, s19, $0xb8;
	[tilespmem:$0x18080] =	vst v63  }
0x2a: {  	s12 =	sadd.s32 $0x8000, s12;
	s16 =	sadd.s32 s18, s1;
	_ =	swait.ge @!p0 [sflag:s15], $0x4000  }
0x2b: {  	s14 =	sadd.s32 $0x100, s14;
	p1 =	sgt.u32 s16, $0xF9;
	[sflag:s15] =	ssyncset.done @!p0 $0x0  }
0x2c: {  	s13 =	simm.s32 @!p1 $0x0;
	s16 =	simm.s32 @!p1 $0x2;
	[sflag:s15] =	ssyncadd.s32 @!p0 $0xFFFFC000  }
0x2d: {  	[tilespmem:s13], [sflag:$0x2] =	stream.linear.gather @!p1 [hbm4b:s14+s13], $0x80, $0x38;
	[tilespmem:$0x18080] =	vst v63  }
0x2e: {  	_ =	swait.ge @!p1 [sflag:s16], $0x80  }
0x2f: {  	p0 =	por p1, p1;
	[sflag:s16] =	ssyncset.done @!p1 $0x0  }
0x30: {  	s14 =	simm.s32 @!p0 $0x80;
	[sflag:s16] =	ssyncadd.s32 @!p0 $0xFFFFFF80  }
0x31: {  	[tilespmem:s14], [sflag:$0x2] =	stream.linear.gather @!p0 [hbm4b:s12+s13], $0x4000, $0x38;
	[tilespmem:$0x18080] =	vst v63  }
0x32: {  	_ =	swait.ge @!p0 [sflag:s16], $0x4000  }
0x33: {  	[sflag:s16] =	ssyncset.done @!p0 $0x0  }
0x34: {  	s12 =	simm.s32 @!p0 $0x1;
	[sflag:s16] =	ssyncadd.s32 @!p0 $0xFFFFC000  }
0x35: {  	[spmem:s2] =	stream.indirect.scatter.add.f32 @!p0 [tilespmem:s14], [sflag:$0x1], $0x80, s13, s14, $0xb8;
	[tilespmem:$0x18080] =	vst v63  }
0x36: {  	_ =	swait.ge @!p0 [sflag:s12], $0x4000  }
0x37: {  	s3 =	sadd.s32 $0x1, s3;
	[sflag:s12] =	ssyncset.done @!p0 $0x0  }
0x38: {  	[sflag:s12] =	ssyncadd.s32 @!p0 $0xFFFFC000;
	p0 =	sne.s32 s3, s7  }
.Ltmp1:
0x39: {  	[bflag:$0x0] =	sbarrier.arrive $0xFFFF;
	(pc) =	sbr.rel @p0 .LBB2_1-.Ltmp1, $4  }
0x3a: {  	[hbm:s6], [sflag:s5] =	dma.local [spmem:s10], $0x2800  }
0x3b: {  	_ =	swait.ge [sflag:s11], $0x2800  }
0x3c: {  	[sflag:s11] =	ssyncset.done $0x0  }
0x3d: {  	[sflag:s11] =	ssyncadd.s32 $0xFFFFD800  }
0x3e: {  	_ =	sfence.sel $0x180000  }
0x3f: {  	[bflag:$0x0] =	sbarrier.arrive $0xFFFF  }
0x40: {  	p0 =	sne.s32 s1, $0x0;
	_ =	strace $0x90000062  }
0x41: {  	s0 =	sadd.s32 @!p0 $0x100000, s0;
	[bflag:$0x2] =	sbarrier.arrive $0xFFFF  }
0x42: {  	[sflag:s0] =	ssyncadd.tile.s32 @!p0 $0x1;
	_ =	shalt  }
.Lfunc_end2:
_tile_overlayer_lowered:
.L_overlay_start_2:
0x43: {  	(tag) =	ssettag $0x2  }
0x44: {  	s0 =	rddreg [dreg:$0x0];
	s2 =	stileid.u32  }
0x45: {  	s1 =	rddreg [dreg:$0x1];
	p0 =	sne.s32 s2, $0x0  }
0x46: {  	s3 =	rddreg [dreg:$0x2];
	[bflag:$0x3] =	sbarrier.arrive $0xFFFF;
	s2 =	simm.s32 @!p0 $0x1C01  }
0x47: {  	[timem:s3], [sflag:s2] =	dma.local @!p0 [hbm:s0], s1  }
0x48: {  	s0 =	simm.s32 @!p0 $0x1  }
0x49: {  	_ =	swait.ge @!p0 [sflag:s0], s1  }
0x4a: {  	s1 =	ssub.s32 @!p0 $0x0, s1;
	[sflag:s0] =	ssyncset.done @!p0 $0x0  }
0x4b: {  	[sflag:s0] =	ssyncadd.s32 @!p0 s1  }
0x4c: {  	[bflag:$0x3] =	sbarrier.arrive $0xFFFF  }
0x4d: {  	_ =	shalt  }

// kernel: kernel.25.cloned.1.call-start
scs
__scs_entry_jumppad:
0x0: {  	(pc) =	sbr.rel $0x88, $3  }
0x1: {  	(tag) =	ssettag $0x0;
	lr =	simm.s32 $0x1  }
0x2: {  	[smem:$0x3F8E] =	sst lr;
	_ =	strace $0xD0000000  }
0x3: {  	_ = 	snop  }
0x4: {  	_ = 	snop  }
0x5: {  	_ = 	snop  }
0x6: {  	_ = 	snop  }
0x7: {  	_ = 	snop  }
__scs_overlays_trampoline_lowered:
0x8: {  	[smem:$0x3F9D] =	sst s0  }
0x9: {  	[smem:$0x3F9E] =	sst s1  }
0xa: {  	[smem:$0x3F9F] =	sst s2  }
0xb: {  	[smem:$0x3FA0] =	sst s3  }
0xc: {  	[smem:$0x3FA1] =	sst s4  }
0xd: {  	[smem:$0x3FA2] =	sst s5  }
0xe: {  	[smem:$0x3FA3] =	sst s6  }
0xf: {  	[smem:$0x3FA4] =	sst s7  }
0x10: {  	[smem:$0x3FA5] =	sst s8  }
0x11: {  	[smem:$0x3FA6] =	sst s9;
	s0 =	simm.s32 @!p0 $0x0  }
0x12: {  	s1 =	sld [smem:$0x3F8C];
	s0 =	simm.s32 @p0 $0x1  }
0x13: {  	[smem:$0x3FA7] =	sst s0;
	s0 =	simm.s32 @!p1 $0x0  }
0x14: {  	s2 =	sld [smem:$0x3F8B];
	s0 =	simm.s32 @p1 $0x1  }
0x15: {  	[smem:$0x3FA8] =	sst s0;
	s0 =	simm.s32 @!p2 $0x0  }
0x16: {  	s3 =	sld [smem:$0x3FDB];
	s0 =	simm.s32 @p2 $0x1  }
0x17: {  	s4 =	simm.s32 $0x1BF5;
	[smem:$0x3FAA] =	sst s0  }
0x18: {  	s0 =	sld [smem:$0x3F8D];
	_ =	swait.ge [sflag:s4], $0x0  }
0x19: {  	s7 =	sld [smem:$0x3F8E]  }
0x1a: {  	s8 =	sadd.s32 $0xFFFFE003, lr  }
0x1b: {  	s9 =	sadd.s32 $0xFFFFFEF7, lr;
	s5 =	simm.s32 $0xFFFFFFFF;
	p2 =	slt.u32 s8, $0xFFFFF086  }
0x1c: {  	p1 =	slt.u32 s9, $0xF7A;
	s5 =	simm.s32 @!p2 $0x0  }
0x1d: {  	s5 =	simm.s32 @p1 $0x1;
	p0 =	seq.s32 s7, s2  }
0x1e: {  	s7 =	smul.u32 @!p0 $0xF7A, s2;
	p2 =	seq.s32 @!p0 s5, $0x0  }
0x1f: {  	s9 =	smul.u32 $0xF7A, s1;
	s8 =	simm.s32 @!p0 $0x1BF5;
	p2 =	por !p2, p0  }
0x20: {  	[sflag:s8] =	ssyncset.s32 @!p0 $0xFFFFF086;
	s6 =	sadd.s32 @!p0 s3, s7;
	s7 =	simm.s32 @!p0 $0x108  }
0x21: {  	s3 =	sadd.s32 s3, s9;
	s6 =	sadd.s32 @!p0 $0x88, s6;
	s7 =	simm.s32 @p2 $0x1082  }
0x22: {  	[simem:s7], [sflag:s8] =	dma.local @!p0 [hbm:s6], $0xF7A  }
0x23: {  	s9 =	sor.u32 $0xD0000000, s2;
	s6 =	simm.s32 $0x108;
	_ =	swait.ge @!p0 [sflag:s8], $0x0  }
0x24: {  	s3 =	sadd.s32 $0x88, s3;
	s6 =	simm.s32 @!p1 $0x1082;
	[sflag:s4] =	ssyncset.s32 $0xFFFFF086  }
0x25: {  	[simem:s6], [sflag:s4] =	dma.local [hbm:s3], $0xF7A  }
0x26: {  	[smem:$0x3F8E] =	sst s1;
	(tag) =	ssettag s2;
	_ =	strace s9  }
0x27: {  	s1 =	sld [smem:$0x3F9E]  }
0x28: {  	s2 =	sld [smem:$0x3F9F]  }
0x29: {  	s4 =	sld [smem:$0x3FA1]  }
0x2a: {  	p0 =	seq.s32 s5, $0x0;
	s5 =	sld [smem:$0x3FA2]  }
0x2b: {  	s6 =	sld [smem:$0x3FA3]  }
0x2c: {  	s7 =	sld [smem:$0x3FA4]  }
0x2d: {  	s3 =	simm.s32 $0x108;
	s8 =	sld [smem:$0x3FA5]  }
0x2e: {  	s3 =	simm.s32 @!p0 $0x1082;
	s9 =	sld [smem:$0x3FA6]  }
0x2f: {  	lr =	sadd.s32 s0, s3;
	s0 =	sld [smem:$0x3F9D]  }
0x30: {  	s3 =	sld [smem:$0x3FA0]  }
0x31: {  	[smem:$0x3FA9] =	sst s10  }
0x32: {  	s10 =	sld [smem:$0x3FA7];
	_ =	sdelay $0x3  }
0x33: {  	p0 =	seq.s32 s10, $0x1;
	s10 =	sld [smem:$0x3FA9];
	_ =	sdelay $0x3  }
0x34: {  	[smem:$0x3FA9] =	sst s10  }
0x35: {  	s10 =	sld [smem:$0x3FA8];
	_ =	sdelay $0x3  }
0x36: {  	p1 =	seq.s32 s10, $0x1;
	s10 =	sld [smem:$0x3FA9];
	_ =	sdelay $0x3  }
0x37: {  	[smem:$0x3FA9] =	sst s10  }
0x38: {  	s10 =	sld [smem:$0x3FAA]  }
0x39: {  	_ = 	snop;
	(pc) =	sbr.ind lr, $3  }
0x3a: {  	_ = 	snop  }
0x3b: {  	_ = 	snop  }
0x3c: {  	p2 =	seq.s32 s10, $0x1;
	s10 =	sld [smem:$0x3FA9]  }
0x3d: {  	_ =	shalt  }
0x3e: {  	_ =	shalt  }
0x3f: {  	_ =	shalt  }
0x40: {  	_ =	shalt  }
0x41: {  	_ =	shalt  }
0x42: {  	_ =	shalt  }
0x43: {  	_ =	shalt  }
0x44: {  	_ =	shalt  }
0x45: {  	_ =	shalt  }
0x46: {  	_ =	shalt  }
0x47: {  	_ =	shalt  }
0x48: {  	_ =	shalt  }
0x49: {  	_ =	shalt  }
0x4a: {  	_ =	shalt  }
0x4b: {  	_ =	shalt  }
0x4c: {  	_ =	shalt  }
0x4d: {  	_ =	shalt  }
0x4e: {  	_ =	shalt  }
0x4f: {  	_ =	shalt  }
0x50: {  	_ =	shalt  }
0x51: {  	_ =	shalt  }
0x52: {  	_ =	shalt  }
0x53: {  	_ =	shalt  }
0x54: {  	_ =	shalt  }
0x55: {  	_ =	shalt  }
0x56: {  	_ =	shalt  }
0x57: {  	_ =	shalt  }
0x58: {  	_ =	shalt  }
0x59: {  	_ =	shalt  }
0x5a: {  	_ =	shalt  }
0x5b: {  	_ =	shalt  }
0x5c: {  	_ =	shalt  }
0x5d: {  	_ =	shalt  }
0x5e: {  	_ =	shalt  }
0x5f: {  	_ =	shalt  }
0x60: {  	_ =	shalt  }
0x61: {  	_ =	shalt  }
0x62: {  	_ =	shalt  }
0x63: {  	_ =	shalt  }
0x64: {  	_ =	shalt  }
0x65: {  	_ =	shalt  }
0x66: {  	_ =	shalt  }
0x67: {  	_ =	shalt  }
0x68: {  	_ =	shalt  }
0x69: {  	_ =	shalt  }
0x6a: {  	_ =	shalt  }
0x6b: {  	_ =	shalt  }
0x6c: {  	_ =	shalt  }
0x6d: {  	_ =	shalt  }
0x6e: {  	_ =	shalt  }
0x6f: {  	_ =	shalt  }
0x70: {  	_ =	shalt  }
0x71: {  	_ =	shalt  }
0x72: {  	_ =	shalt  }
0x73: {  	_ =	shalt  }
0x74: {  	_ =	shalt  }
0x75: {  	_ =	shalt  }
0x76: {  	_ =	shalt  }
0x77: {  	_ =	shalt  }
0x78: {  	_ =	shalt  }
0x79: {  	_ =	shalt  }
0x7a: {  	_ =	shalt  }
0x7b: {  	_ =	shalt  }
0x7c: {  	_ =	shalt  }
0x7d: {  	_ =	shalt  }
0x7e: {  	_ =	shalt  }
0x7f: {  	_ =	shalt  }
0x80: {  	_ =	shalt  }
0x81: {  	_ =	shalt  }
0x82: {  	_ =	shalt  }
0x83: {  	_ =	shalt  }
0x84: {  	_ =	shalt  }
0x85: {  	_ =	shalt  }
0x86: {  	_ =	shalt  }
0x87: {  	_ =	shalt  }
.Lfunc_end0:
.L_simem_size_0:
called_computation.2_lowered:
.L_overlay_start_0:
0x88: {  	s2 =	sld [smem:$0x3FD9]  }
0x89: {  	s3 =	sld [smem:$0x3FFE];
	_ =	sdelay $0x1  }
0x8a: {  	s1 =	srdreg.scid  }
0x8b: {  	s0 =	sand.u32 $0x1, s1  }
0x8c: {  	s17 =	sshll.u32 s0, $0xA;
	s2 =	sadd.s32 s3, s2  }
0x8d: {  	s2 =	sadd.s32 s2, s17  }
0x8e: {  	[smem:$0x3FB5] =	sst s2  }
0x8f: {  	_ = 	snop  }
0x90: {  	s18 =	sld [smem:$0x3FC9];
	(tm) =	ssettm $0x1  }
0x91: {  	s19 =	sld [smem:$0x3FFB];
	_ =	sdelay $0x3  }
0x92: {  	_ =	strace s19  }
0x93: {  	s2 =	sld [smem:$0x3FFC];
	_ =	sdelay $0x3  }
0x94: {  	_ =	strace s2  }
0x95: {  	s2 =	sld [smem:$0x3FFD];
	_ =	sdelay $0x3  }
0x96: {  	_ =	strace s2  }
0x97: {  	_ =	strace $0x8FFFFFFF  }
0x98: {  	s20 =	sld [smem:$0x3FDB];
	_ =	sdelay $0x1  }
0x99: {  	s4 =	simm.s32 $_scs_section_size  }
0x9a: {  	s5 =	simm.s32 $_size__tile_overlayer_lowered;
	s6 =	simm.s32 $_tile_overlayer_lowered  }
0x9b: {  	s7 =	simm.s32 $0x1BFF;
	s21 =	sshll.u32 s6, $0x1;
	s4 =	sadd.s32 s4, s20  }
0x9c: {  	s22 =	simm.s32 $0x0;
	s5 =	sshll.u32 s5, $0x1;
	s6 =	sadd.s32 s21, s4  }
0x9d: {  	[timem:s22], [sflag:s7] =	dma.local [hbm:s6], s5  }
0x9e: {  	_ =	swait.ge [sflag:s7], s5  }
0x9f: {  	s5 =	ssub.s32 $0x0, s5;
	[sflag:s7] =	ssyncset.done $0x0  }
0xa0: {  	[sflag:s7] =	ssyncadd.s32 s5;
	_ =	sdelay $0x1  }
0xa1: {  	s23 =	simm.s32 $0x1B8B  }
0xa2: {  	_ =	swait.ge [sflag:s23], $0x1  }
0xa3: {  	[sflag:s23] =	ssyncset.done $0x0  }
0xa4: {  	[sflag:s23] =	ssyncadd.s32 $0xFFFFFFFF  }
0xa5: {  	s5 =	sld [smem:$0x0]  }
0xa6: {  	s6 =	sand.u32 $0xFFFFFFFE, s1  }
0xa7: {  	p0 =	sne.s32 s1, s6  }
0xa8: {  	s6 =	sshll.u32 @p0 s6, $0xE  }
0xa9: {  	s6 =	sadd.s32 @p0 $0x11B8D, s6;
	s7 =	sshll.u32 @p0 s5, $0x11  }
0xaa: {  	s6 =	sor.u32 @p0 s7, s6  }
0xab: {  	[sflag:s6] =	ssyncadd.remote.s32 @p0 $0x1;
	_ =	sdelay $0x1  }
0xac: {  	s6 =	simm.s32 @p0 $0x1B8D  }
0xad: {  	_ =	swait.eq @p0 [sflag:s6], $0x1  }
0xae: {  	[sflag:s6] =	ssyncadd.s32 @p0 $0xFFFFFFFF  }
0xaf: {  	s7 =	sshll.u32 @!p0 s1, $0xE  }
0xb0: {  	s7 =	sor.u32 @!p0 $0x4000, s7;
	s6 =	simm.s32 @!p0 $0x1B8D  }
0xb1: {  	s5 =	sshll.u32 @!p0 s5, $0x11;
	s7 =	sadd.s32 @!p0 $0x11B8D, s7;
	_ =	swait.eq @!p0 [sflag:s6], $0x1  }
0xb2: {  	s5 =	sor.u32 @!p0 s5, s7;
	[sflag:s6] =	ssyncadd.s32 @!p0 $0xFFFFFFFF  }
0xb3: {  	s25 =	simm.s32 $0x1B8E;
	s24 =	sld [smem:$0x3FFE];
	[sflag:s5] =	ssyncadd.remote.s32 @!p0 $0x1  }
0xb4: {  	s26 =	simm.s32 $execute0_lowered;
	[smem:$0x3FD2] =	sst s25  }
0xb5: {  	s6 =	sshll.u32 s26, $0x1;
	_ =	strace $0x8000004F;
	[dreg:$0x1] =	wrdreg $0xFFFFFFFF  }
0xb6: {  	s28 =	simm.s32 $_size_execute0_lowered;
	s4 =	sadd.s32 s4, s6;
	[dreg:$0x0] =	wrdreg $0x0  }
0xb7: {  	s6 =	sshll.u32 s28, $0x1;
	[dreg:$0x2] =	wrdreg s4  }
0xb8: {  	[dreg:$0x3] =	wrdreg s6  }
0xb9: {  	[dreg:$0x4] =	wrdreg $0xC0  }
0xba: {  	_ =	task [dreg:s22], $0x5FFFF  }
0xbb: {  	[dreg:$0x1] =	wrdreg $0xFFFFFFFF  }
0xbc: {  	[dreg:$0x0] =	wrdreg $0x60  }
0xbd: {  	[dreg:$0x2] =	wrdreg s18  }
0xbe: {  	[dreg:$0x3] =	wrdreg s24  }
0xbf: {  	[dreg:$0x4] =	wrdreg $0xB  }
0xc0: {  	_ =	task.clear_ibuf [dreg:s22], $0x5FFFF;
	_ =	strace $0x9000004F  }
0xc1: {  	s29 =	simm.s32 $0xB;
	_ =	strace $0x80000051  }
0xc2: {  	_ =	swait.ge [sflag:s29], $0x1  }
0xc3: {  	[sflag:s29] =	ssyncadd.s32 $0xFFFFFFFF  }
0xc4: {  	_ =	strace $0x90000051  }
0xc5: {  	_ =	sfence  }
0xc6: {  	s30 =	sld [smem:$0x0];
	_ =	sdelay $0x2  }
0xc7: {  	s31 =	sshll.u32 s1, $0xD;
	s1 =	sshrl.u32 s1, $0x2  }
0xc8: {  	s4 =	sand.u32 $0x4000, s31;
	s1 =	sadd.s32 s1, s30  }
0xc9: {  	s0 =	sor.u32 s4, s0;
	s1 =	sshll.u32 s1, $0x11  }
0xca: {  	s0 =	sor.u32 s1, s0  }
0xcb: {  	s0 =	sadd.s32 $0x8F2B, s0  }
0xcc: {  	[sflag:s0] =	ssyncadd.remote.s32 $0x1  }
0xcd: {  	_ =	sfence.sel $0xFFFF  }
0xce: {  	[dreg:$0x0] =	wrdreg $0xFFFFFFFF;
	(pc) =	sbr.abs _section_cstart, $3  }
0xcf: {  	[dreg:$0x1] =	wrdreg $0xFFFFFFFF  }
0xd0: {  	_ =	task.clear_ibuf [dreg:s22], $0x2FFFF;
	_ =	strace $0x9FFFFFFF  }
0xd1: {  	(tm) =	ssettm $0x7FFFFFFF  }
tec
execute0_lowered:
.L_overlay_start_1:
0x0: {  	(tag) =	ssettag $0x1  }
0x1: {  	s1 =	rddreg [dreg:$0x0]  }
0x2: {  	s4 =	rddreg [dreg:$0x1]  }
0x3: {  	s0 =	rddreg [dreg:$0x2];
	s3 =	simm.s32 $0x0;
	s5 =	srdreg.scid  }
0x4: {  	s2 =	stileid.u32;
	[smem:$0x7FF] =	sst s3;
	s5 =	sand.u32 $0x1, s5  }
0x5: {  	s6 =	sshll.u32 s2, $0x5;
	s8 =	sshll.u32 s2, $0xC;
	_ =	strace $0x80000050  }
0x6: {  	s7 =	ssub.s32 $0x2, s5;
	s6 =	sadd.s32 s6, s4;
	s8 =	sadd.s32 s8, s4  }
0x7: {  	s31 =	sshll.u32 s5, $0x4;
	s10 =	sshll.u32 s5, $0xB;
	s9 =	sshrl.u32 s7, $0x1  }
0x8: {  	s4 =	sshll.u32 s2, $0x1;
	s10 =	sadd.s32 s10, s8;
	s7 =	ssub.s32 s7, s9  }
0x9: {  	s9 =	sadd.s32 s31, s6;
	s8 =	sadd.s32 $0x37AC00, s10;
	s5 =	smax.u32 s7, $0x1  }
0xa: {  	s6 =	sadd.s32 $0xEC00, s9;
	s7 =	sadd.s32 $0xAC00, s9;
	s9 =	sadd.s32 $0x2FDC00, s10  }
.LBB2_1:
0xb: {  	p0 =	sgt.u32 s4, $0xF9  }
0xc: {  	s10 =	sadd.s32 @!p0 $0x0, s7;
	s11 =	simm.s32 @!p0 $0x0;
	s14 =	simm.s32 @!p0 $0x4  }
0xd: {  	[tilespmem:s11], [sflag:$0x4] =	stream.linear.gather @!p0 [hbm4b:s10+s11], $0x80, $0x38;
	[tilespmem:$0x8100] =	vst v63  }
0xe: {  	_ =	swait.ge @!p0 [sflag:s14], $0x80;
	p0 =	por p0, p0  }
0xf: {  	[sflag:s14] =	ssyncset.done @!p0 $0x0  }
0x10: {  	s10 =	sadd.s32 @!p0 $0x0, s6;
	s12 =	simm.s32 @!p0 $0x80;
	[sflag:s14] =	ssyncadd.s32 @!p0 $0xFFFFFF80  }
0x11: {  	[tilespmem:s12], [sflag:$0x4] =	stream.linear.gather @!p0 [hbm4b:s10+s11], $0x80, $0x38;
	[tilespmem:$0x8100] =	vst v63  }
0x12: {  	_ =	swait.ge @!p0 [sflag:s14], $0x80  }
0x13: {  	[sflag:s14] =	ssyncset.done @!p0 $0x0  }
0x14: {  	s10 =	simm.s32 @!p0 $0x100;
	[sflag:s14] =	ssyncadd.s32 @!p0 $0xFFFFFF80  }
0x15: {  	[tilespmem:s10], [sflag:$0x1] =	stream.indirect.gather @!p0 [hbm4b:s1+s12], $0x80, s11, s12, $0xb8;
	[tilespmem:$0x8100] =	vst v63  }
0x16: {  	s15 =	simm.s32 @!p0 $0x4100;
	s13 =	simm.s32 @!p0 $0x1  }
0x17: {  	[tilespmem:s15], [sflag:$0x2] =	stream.indirect.gather @!p0 [hbm4b:s1+s12], $0x80, s12, s12, $0xb8;
	[tilespmem:$0x8100] =	vst v63  }
0x18: {  	_ =	swait.ge @!p0 [sflag:s13], $0x4000  }
0x19: {  	[sflag:s13] =	ssyncset.done @!p0 $0x0  }
0x1a: {  	s12 =	simm.s32 @!p0 $0x2;
	[sflag:s13] =	ssyncadd.s32 @!p0 $0xFFFFC000  }
0x1b: {  	_ =	swait.ge @!p0 [sflag:s12], $0x4000  }
0x1c: {  	[sflag:s12] =	ssyncset.done @!p0 $0x0  }
0x1d: {  	[sflag:s12] =	ssyncadd.s32 @!p0 $0xFFFFC000  }
0x1e: {  	[hbm4b:s9+s11] =	stream.linear.scatter @!p0 [tilespmem:s10], [sflag:$0x4], $0x4000, $0x38;
	[tilespmem:$0x8100] =	vst v63  }
0x1f: {  	_ =	swait.ge @!p0 [sflag:s14], $0x4000  }
0x20: {  	[sflag:s14] =	ssyncset.done @!p0 $0x0  }
0x21: {  	s13 =	simm.s32 $0x400;
	s12 =	simm.s32 $0x200;
	[sflag:s14] =	ssyncadd.s32 @!p0 $0xFFFFC000  }
0x22: {  	[hbm4b:s8+s11] =	stream.linear.scatter @!p0 [tilespmem:s15], [sflag:$0x3], $0x4000, $0x38;
	[tilespmem:$0x8100] =	vst v63  }
0x23: {  	s10 =	sadd.s32 $0x10000, s9;
	s14 =	sadd.s32 $0x20, s4;
	s15 =	simm.s32 @!p0 $0x3  }
0x24: {  	p2 =	sgt.u32 s14, $0xF9;
	s11 =	sadd.s32 $0x10000, s8;
	_ =	swait.ge @!p0 [sflag:s15], $0x4000  }
.LBB2_2:
0x25: {  	s16 =	sadd.s32 @!p2 s12, s7  }
0x26: {  	s17 =	simm.s32 @!p2 $0x0;
	[sflag:s15] =	ssyncset.done @!p0 $0x0;
	s18 =	smov.u32 s13  }
0x27: {  	s13 =	sadd.s32 $0x200, s13;
	s19 =	simm.s32 @!p2 $0x4;
	[sflag:s15] =	ssyncadd.s32 @!p0 $0xFFFFC000  }
0x28: {  	[tilespmem:s17], [sflag:$0x4] =	stream.linear.gather @!p2 [hbm4b:s16+s17], $0x80, $0x38;
	[tilespmem:$0x8100] =	vst v63  }
0x29: {  	p1 =	sne.s32 s13, $0x1000;
	p0 =	por p2, p2;
	_ =	swait.ge @!p2 [sflag:s19], $0x80  }
0x2a: {  	[sflag:s19] =	ssyncset.done @!p0 $0x0  }
0x2b: {  	s12 =	sadd.s32 @!p0 s12, s6;
	s15 =	simm.s32 @!p0 $0x80;
	[sflag:s19] =	ssyncadd.s32 @!p0 $0xFFFFFF80  }
0x2c: {  	[tilespmem:s15], [sflag:$0x4] =	stream.linear.gather @!p0 [hbm4b:s12+s17], $0x80, $0x38;
	[tilespmem:$0x8100] =	vst v63  }
0x2d: {  	s12 =	smov.u32 s18;
	_ =	swait.ge @!p0 [sflag:s19], $0x80  }
0x2e: {  	[sflag:s19] =	ssyncset.done @!p0 $0x0  }
0x2f: {  	s16 =	simm.s32 @!p0 $0x100;
	[sflag:s19] =	ssyncadd.s32 @!p0 $0xFFFFFF80  }
0x30: {  	[tilespmem:s16], [sflag:$0x1] =	stream.indirect.gather @!p0 [hbm4b:s1+s15], $0x80, s17, s15, $0xb8;
	[tilespmem:$0x8100] =	vst v63  }
0x31: {  	s20 =	simm.s32 @!p0 $0x1;
	s18 =	simm.s32 @!p0 $0x4100  }
0x32: {  	[tilespmem:s18], [sflag:$0x2] =	stream.indirect.gather @!p0 [hbm4b:s1+s15], $0x80, s15, s15, $0xb8;
	[tilespmem:$0x8100] =	vst v63  }
0x33: {  	_ =	swait.ge @!p0 [sflag:s20], $0x4000  }
0x34: {  	[sflag:s20] =	ssyncset.done @!p0 $0x0  }
0x35: {  	s15 =	simm.s32 @!p0 $0x2;
	[sflag:s20] =	ssyncadd.s32 @!p0 $0xFFFFC000  }
0x36: {  	_ =	swait.ge @!p0 [sflag:s15], $0x4000  }
0x37: {  	[sflag:s15] =	ssyncset.done @!p0 $0x0  }
0x38: {  	[sflag:s15] =	ssyncadd.s32 @!p0 $0xFFFFC000  }
0x39: {  	[hbm4b:s10+s17] =	stream.linear.scatter @!p0 [tilespmem:s16], [sflag:$0x4], $0x4000, $0x38;
	[tilespmem:$0x8100] =	vst v63  }
.Ltmp0:
0x3a: {  	_ =	swait.ge @!p0 [sflag:s19], $0x4000;
	(pc) =	sbr.rel @p1 .LBB2_2-.Ltmp0, $4  }
0x3b: {  	s10 =	sadd.s32 $0x10000, s10;
	[sflag:s19] =	ssyncset.done @!p0 $0x0  }
0x3c: {  	s14 =	sadd.s32 $0x20, s14;
	s15 =	simm.s32 @!p0 $0x3;
	[sflag:s19] =	ssyncadd.s32 @!p0 $0xFFFFC000  }
0x3d: {  	[hbm4b:s11+s17] =	stream.linear.scatter @!p0 [tilespmem:s18], [sflag:$0x3], $0x4000, $0x38;
	[tilespmem:$0x8100] =	vst v63  }
0x3e: {  	p2 =	sgt.u32 s14, $0xF9;
	s11 =	sadd.s32 $0x10000, s11;
	_ =	swait.ge @!p0 [sflag:s15], $0x4000  }
0x3f: {  	s13 =	sadd.s32 @!p2 s12, s7;
	[sflag:s15] =	ssyncset.done @!p0 $0x0  }
0x40: {  	s14 =	simm.s32 @!p2 $0x0;
	s16 =	simm.s32 @!p2 $0x4;
	[sflag:s15] =	ssyncadd.s32 @!p0 $0xFFFFC000  }
0x41: {  	[tilespmem:s14], [sflag:$0x4] =	stream.linear.gather @!p2 [hbm4b:s13+s14], $0x80, $0x38;
	[tilespmem:$0x8100] =	vst v63  }
0x42: {  	p0 =	por p2, p2;
	_ =	swait.ge @!p2 [sflag:s16], $0x80  }
0x43: {  	[sflag:s16] =	ssyncset.done @!p0 $0x0  }
0x44: {  	s12 =	sadd.s32 @!p0 s12, s6;
	s13 =	simm.s32 @!p0 $0x80;
	[sflag:s16] =	ssyncadd.s32 @!p0 $0xFFFFFF80  }
0x45: {  	[tilespmem:s13], [sflag:$0x4] =	stream.linear.gather @!p0 [hbm4b:s12+s14], $0x80, $0x38;
	[tilespmem:$0x8100] =	vst v63  }
0x46: {  	_ =	swait.ge @!p0 [sflag:s16], $0x80  }
0x47: {  	[sflag:s16] =	ssyncset.done @!p0 $0x0  }
0x48: {  	s12 =	simm.s32 @!p0 $0x100;
	[sflag:s16] =	ssyncadd.s32 @!p0 $0xFFFFFF80  }
0x49: {  	[tilespmem:s12], [sflag:$0x1] =	stream.indirect.gather @!p0 [hbm4b:s1+s13], $0x80, s14, s13, $0xb8;
	[tilespmem:$0x8100] =	vst v63  }
0x4a: {  	s15 =	simm.s32 @!p0 $0x4100;
	s17 =	simm.s32 @!p0 $0x1  }
0x4b: {  	[tilespmem:s15], [sflag:$0x2] =	stream.indirect.gather @!p0 [hbm4b:s1+s13], $0x80, s13, s13, $0xb8;
	[tilespmem:$0x8100] =	vst v63  }
0x4c: {  	_ =	swait.ge @!p0 [sflag:s17], $0x4000  }
0x4d: {  	[sflag:s17] =	ssyncset.done @!p0 $0x0  }
0x4e: {  	s13 =	simm.s32 @!p0 $0x2;
	[sflag:s17] =	ssyncadd.s32 @!p0 $0xFFFFC000  }
0x4f: {  	_ =	swait.ge @!p0 [sflag:s13], $0x4000  }
0x50: {  	[sflag:s13] =	ssyncset.done @!p0 $0x0  }
0x51: {  	[sflag:s13] =	ssyncadd.s32 @!p0 $0xFFFFC000  }
0x52: {  	[hbm4b:s10+s14] =	stream.linear.scatter @!p0 [tilespmem:s12], [sflag:$0x4], $0x4000, $0x38;
	[tilespmem:$0x8100] =	vst v63  }
0x53: {  	s3 =	sadd.s32 $0x1, s3;
	_ =	swait.ge @!p0 [sflag:s16], $0x4000  }
0x54: {  	p1 =	sne.s32 s3, s5;
	[sflag:s16] =	ssyncset.done @!p0 $0x0  }
.Ltmp1:
0x55: {  	s10 =	simm.s32 @!p0 $0x3;
	[sflag:s16] =	ssyncadd.s32 @!p0 $0xFFFFC000;
	(pc) =	sbr.rel @p1 .LBB2_1-.Ltmp1, $4  }
0x56: {  	[hbm4b:s11+s14] =	stream.linear.scatter @!p0 [tilespmem:s15], [sflag:$0x3], $0x4000, $0x38;
	[tilespmem:$0x8100] =	vst v63  }
0x57: {  	_ =	swait.ge @!p0 [sflag:s10], $0x4000  }
0x58: {  	[sflag:s10] =	ssyncset.done @!p0 $0x0  }
0x59: {  	[sflag:s10] =	ssyncadd.s32 @!p0 $0xFFFFC000  }
0x5a: {  	_ =	sfence.sel $0x180000  }
0x5b: {  	[bflag:$0x0] =	sbarrier.arrive $0xFFFF  }
0x5c: {  	p0 =	sne.s32 s2, $0x0;
	_ =	strace $0x90000050  }
0x5d: {  	s0 =	sadd.s32 @!p0 $0x100000, s0;
	[bflag:$0x2] =	sbarrier.arrive $0xFFFF  }
0x5e: {  	[sflag:s0] =	ssyncadd.tile.s32 @!p0 $0x1;
	_ =	shalt  }
.Lfunc_end2:
_tile_overlayer_lowered:
.L_overlay_start_2:
0x5f: {  	(tag) =	ssettag $0x2  }
0x60: {  	s0 =	rddreg [dreg:$0x0];
	s2 =	stileid.u32  }
0x61: {  	s1 =	rddreg [dreg:$0x1];
	p0 =	sne.s32 s2, $0x0  }
0x62: {  	s3 =	rddreg [dreg:$0x2];
	[bflag:$0x3] =	sbarrier.arrive $0xFFFF;
	s2 =	simm.s32 @!p0 $0x1C03  }
0x63: {  	[timem:s3], [sflag:s2] =	dma.local @!p0 [hbm:s0], s1  }
0x64: {  	s0 =	simm.s32 @!p0 $0x3  }
0x65: {  	_ =	swait.ge @!p0 [sflag:s0], s1  }
0x66: {  	s1 =	ssub.s32 @!p0 $0x0, s1;
	[sflag:s0] =	ssyncset.done @!p0 $0x0  }
0x67: {  	[sflag:s0] =	ssyncadd.s32 @!p0 s1  }
0x68: {  	[bflag:$0x3] =	sbarrier.arrive $0xFFFF  }
0x69: {  	_ =	shalt  }

// kernel: kernel.28.cloned.1.call-start
scs
__scs_entry_jumppad:
0x0: {  	(pc) =	sbr.rel $0x88, $3  }
0x1: {  	(tag) =	ssettag $0x0;
	lr =	simm.s32 $0x1  }
0x2: {  	[smem:$0x3F8E] =	sst lr;
	_ =	strace $0xD0000000  }
0x3: {  	_ = 	snop  }
0x4: {  	_ = 	snop  }
0x5: {  	_ = 	snop  }
0x6: {  	_ = 	snop  }
0x7: {  	_ = 	snop  }
__scs_overlays_trampoline_lowered:
0x8: {  	[smem:$0x3F9D] =	sst s0  }
0x9: {  	[smem:$0x3F9E] =	sst s1  }
0xa: {  	[smem:$0x3F9F] =	sst s2  }
0xb: {  	[smem:$0x3FA0] =	sst s3  }
0xc: {  	[smem:$0x3FA1] =	sst s4  }
0xd: {  	[smem:$0x3FA2] =	sst s5  }
0xe: {  	[smem:$0x3FA3] =	sst s6  }
0xf: {  	[smem:$0x3FA4] =	sst s7  }
0x10: {  	[smem:$0x3FA5] =	sst s8  }
0x11: {  	[smem:$0x3FA6] =	sst s9;
	s0 =	simm.s32 @!p0 $0x0  }
0x12: {  	s1 =	sld [smem:$0x3F8C];
	s0 =	simm.s32 @p0 $0x1  }
0x13: {  	[smem:$0x3FA7] =	sst s0;
	s0 =	simm.s32 @!p1 $0x0  }
0x14: {  	s2 =	sld [smem:$0x3F8B];
	s0 =	simm.s32 @p1 $0x1  }
0x15: {  	[smem:$0x3FA8] =	sst s0;
	s0 =	simm.s32 @!p2 $0x0  }
0x16: {  	s3 =	sld [smem:$0x3FDB];
	s0 =	simm.s32 @p2 $0x1  }
0x17: {  	s4 =	simm.s32 $0x1BF5;
	[smem:$0x3FAA] =	sst s0  }
0x18: {  	s0 =	sld [smem:$0x3F8D];
	_ =	swait.ge [sflag:s4], $0x0  }
0x19: {  	s7 =	sld [smem:$0x3F8E]  }
0x1a: {  	s8 =	sadd.s32 $0xFFFFE003, lr  }
0x1b: {  	s9 =	sadd.s32 $0xFFFFFEF7, lr;
	s5 =	simm.s32 $0xFFFFFFFF;
	p2 =	slt.u32 s8, $0xFFFFF086  }
0x1c: {  	p1 =	slt.u32 s9, $0xF7A;
	s5 =	simm.s32 @!p2 $0x0  }
0x1d: {  	s5 =	simm.s32 @p1 $0x1;
	p0 =	seq.s32 s7, s2  }
0x1e: {  	s7 =	smul.u32 @!p0 $0xF7A, s2;
	p2 =	seq.s32 @!p0 s5, $0x0  }
0x1f: {  	s9 =	smul.u32 $0xF7A, s1;
	s8 =	simm.s32 @!p0 $0x1BF5;
	p2 =	por !p2, p0  }
0x20: {  	[sflag:s8] =	ssyncset.s32 @!p0 $0xFFFFF086;
	s6 =	sadd.s32 @!p0 s3, s7;
	s7 =	simm.s32 @!p0 $0x108  }
0x21: {  	s3 =	sadd.s32 s3, s9;
	s6 =	sadd.s32 @!p0 $0x88, s6;
	s7 =	simm.s32 @p2 $0x1082  }
0x22: {  	[simem:s7], [sflag:s8] =	dma.local @!p0 [hbm:s6], $0xF7A  }
0x23: {  	s9 =	sor.u32 $0xD0000000, s2;
	s6 =	simm.s32 $0x108;
	_ =	swait.ge @!p0 [sflag:s8], $0x0  }
0x24: {  	s3 =	sadd.s32 $0x88, s3;
	s6 =	simm.s32 @!p1 $0x1082;
	[sflag:s4] =	ssyncset.s32 $0xFFFFF086  }
0x25: {  	[simem:s6], [sflag:s4] =	dma.local [hbm:s3], $0xF7A  }
0x26: {  	[smem:$0x3F8E] =	sst s1;
	(tag) =	ssettag s2;
	_ =	strace s9  }
0x27: {  	s1 =	sld [smem:$0x3F9E]  }
0x28: {  	s2 =	sld [smem:$0x3F9F]  }
0x29: {  	s4 =	sld [smem:$0x3FA1]  }
0x2a: {  	p0 =	seq.s32 s5, $0x0;
	s5 =	sld [smem:$0x3FA2]  }
0x2b: {  	s6 =	sld [smem:$0x3FA3]  }
0x2c: {  	s7 =	sld [smem:$0x3FA4]  }
0x2d: {  	s3 =	simm.s32 $0x108;
	s8 =	sld [smem:$0x3FA5]  }
0x2e: {  	s3 =	simm.s32 @!p0 $0x1082;
	s9 =	sld [smem:$0x3FA6]  }
0x2f: {  	lr =	sadd.s32 s0, s3;
	s0 =	sld [smem:$0x3F9D]  }
0x30: {  	s3 =	sld [smem:$0x3FA0]  }
0x31: {  	[smem:$0x3FA9] =	sst s10  }
0x32: {  	s10 =	sld [smem:$0x3FA7];
	_ =	sdelay $0x3  }
0x33: {  	p0 =	seq.s32 s10, $0x1;
	s10 =	sld [smem:$0x3FA9];
	_ =	sdelay $0x3  }
0x34: {  	[smem:$0x3FA9] =	sst s10  }
0x35: {  	s10 =	sld [smem:$0x3FA8];
	_ =	sdelay $0x3  }
0x36: {  	p1 =	seq.s32 s10, $0x1;
	s10 =	sld [smem:$0x3FA9];
	_ =	sdelay $0x3  }
0x37: {  	[smem:$0x3FA9] =	sst s10  }
0x38: {  	s10 =	sld [smem:$0x3FAA]  }
0x39: {  	_ = 	snop;
	(pc) =	sbr.ind lr, $3  }
0x3a: {  	_ = 	snop  }
0x3b: {  	_ = 	snop  }
0x3c: {  	p2 =	seq.s32 s10, $0x1;
	s10 =	sld [smem:$0x3FA9]  }
0x3d: {  	_ =	shalt  }
0x3e: {  	_ =	shalt  }
0x3f: {  	_ =	shalt  }
0x40: {  	_ =	shalt  }
0x41: {  	_ =	shalt  }
0x42: {  	_ =	shalt  }
0x43: {  	_ =	shalt  }
0x44: {  	_ =	shalt  }
0x45: {  	_ =	shalt  }
0x46: {  	_ =	shalt  }
0x47: {  	_ =	shalt  }
0x48: {  	_ =	shalt  }
0x49: {  	_ =	shalt  }
0x4a: {  	_ =	shalt  }
0x4b: {  	_ =	shalt  }
0x4c: {  	_ =	shalt  }
0x4d: {  	_ =	shalt  }
0x4e: {  	_ =	shalt  }
0x4f: {  	_ =	shalt  }
0x50: {  	_ =	shalt  }
0x51: {  	_ =	shalt  }
0x52: {  	_ =	shalt  }
0x53: {  	_ =	shalt  }
0x54: {  	_ =	shalt  }
0x55: {  	_ =	shalt  }
0x56: {  	_ =	shalt  }
0x57: {  	_ =	shalt  }
0x58: {  	_ =	shalt  }
0x59: {  	_ =	shalt  }
0x5a: {  	_ =	shalt  }
0x5b: {  	_ =	shalt  }
0x5c: {  	_ =	shalt  }
0x5d: {  	_ =	shalt  }
0x5e: {  	_ =	shalt  }
0x5f: {  	_ =	shalt  }
0x60: {  	_ =	shalt  }
0x61: {  	_ =	shalt  }
0x62: {  	_ =	shalt  }
0x63: {  	_ =	shalt  }
0x64: {  	_ =	shalt  }
0x65: {  	_ =	shalt  }
0x66: {  	_ =	shalt  }
0x67: {  	_ =	shalt  }
0x68: {  	_ =	shalt  }
0x69: {  	_ =	shalt  }
0x6a: {  	_ =	shalt  }
0x6b: {  	_ =	shalt  }
0x6c: {  	_ =	shalt  }
0x6d: {  	_ =	shalt  }
0x6e: {  	_ =	shalt  }
0x6f: {  	_ =	shalt  }
0x70: {  	_ =	shalt  }
0x71: {  	_ =	shalt  }
0x72: {  	_ =	shalt  }
0x73: {  	_ =	shalt  }
0x74: {  	_ =	shalt  }
0x75: {  	_ =	shalt  }
0x76: {  	_ =	shalt  }
0x77: {  	_ =	shalt  }
0x78: {  	_ =	shalt  }
0x79: {  	_ =	shalt  }
0x7a: {  	_ =	shalt  }
0x7b: {  	_ =	shalt  }
0x7c: {  	_ =	shalt  }
0x7d: {  	_ =	shalt  }
0x7e: {  	_ =	shalt  }
0x7f: {  	_ =	shalt  }
0x80: {  	_ =	shalt  }
0x81: {  	_ =	shalt  }
0x82: {  	_ =	shalt  }
0x83: {  	_ =	shalt  }
0x84: {  	_ =	shalt  }
0x85: {  	_ =	shalt  }
0x86: {  	_ =	shalt  }
0x87: {  	_ =	shalt  }
.Lfunc_end0:
.L_simem_size_0:
called_computation.3_lowered:
.L_overlay_start_0:
0x88: {  	s2 =	sld [smem:$0x3FD9]  }
0x89: {  	s3 =	sld [smem:$0x3FFE];
	_ =	sdelay $0x1  }
0x8a: {  	s1 =	srdreg.scid  }
0x8b: {  	s0 =	sand.u32 $0x1, s1  }
0x8c: {  	s17 =	sshll.u32 s0, $0xA;
	s2 =	sadd.s32 s3, s2  }
0x8d: {  	s2 =	sadd.s32 s2, s17  }
0x8e: {  	[smem:$0x3FB5] =	sst s2  }
0x8f: {  	_ = 	snop  }
0x90: {  	(tm) =	ssettm $0x1  }
0x91: {  	s18 =	sld [smem:$0x3FFB];
	_ =	sdelay $0x3  }
0x92: {  	_ =	strace s18  }
0x93: {  	s2 =	sld [smem:$0x3FFC];
	_ =	sdelay $0x3  }
0x94: {  	_ =	strace s2  }
0x95: {  	s2 =	sld [smem:$0x3FFD];
	_ =	sdelay $0x3  }
0x96: {  	_ =	strace s2  }
0x97: {  	_ =	strace $0x8FFFFFFF  }
0x98: {  	s19 =	sld [smem:$0x3FDB];
	_ =	sdelay $0x1  }
0x99: {  	s20 =	simm.s32 $_scs_section_size  }
0x9a: {  	s4 =	simm.s32 $_size__tile_overlayer_lowered;
	s5 =	simm.s32 $_tile_overlayer_lowered  }
0x9b: {  	s6 =	simm.s32 $0x1BFF;
	s21 =	sshll.u32 s5, $0x1;
	s3 =	sadd.s32 s20, s19  }
0x9c: {  	s22 =	simm.s32 $0x0;
	s4 =	sshll.u32 s4, $0x1;
	s5 =	sadd.s32 s21, s3  }
0x9d: {  	[timem:s22], [sflag:s6] =	dma.local [hbm:s5], s4  }
0x9e: {  	_ =	swait.ge [sflag:s6], s4  }
0x9f: {  	s4 =	ssub.s32 $0x0, s4;
	[sflag:s6] =	ssyncset.done $0x0  }
0xa0: {  	[sflag:s6] =	ssyncadd.s32 s4;
	_ =	sdelay $0x1  }
0xa1: {  	s23 =	simm.s32 $0x1B8B  }
0xa2: {  	_ =	swait.ge [sflag:s23], $0x1  }
0xa3: {  	[sflag:s23] =	ssyncset.done $0x0  }
0xa4: {  	[sflag:s23] =	ssyncadd.s32 $0xFFFFFFFF  }
0xa5: {  	s4 =	sld [smem:$0x0]  }
0xa6: {  	s5 =	sand.u32 $0xFFFFFFFE, s1  }
0xa7: {  	p0 =	sne.s32 s1, s5  }
0xa8: {  	s5 =	sshll.u32 @p0 s5, $0xE  }
0xa9: {  	s5 =	sadd.s32 @p0 $0x11B8D, s5;
	s6 =	sshll.u32 @p0 s4, $0x11  }
0xaa: {  	s5 =	sor.u32 @p0 s6, s5  }
0xab: {  	[sflag:s5] =	ssyncadd.remote.s32 @p0 $0x1;
	_ =	sdelay $0x1  }
0xac: {  	s5 =	simm.s32 @p0 $0x1B8D  }
0xad: {  	_ =	swait.eq @p0 [sflag:s5], $0x1  }
0xae: {  	[sflag:s5] =	ssyncadd.s32 @p0 $0xFFFFFFFF  }
0xaf: {  	s6 =	sshll.u32 @!p0 s1, $0xE  }
0xb0: {  	s6 =	sor.u32 @!p0 $0x4000, s6;
	s5 =	simm.s32 @!p0 $0x1B8D  }
0xb1: {  	s4 =	sshll.u32 @!p0 s4, $0x11;
	s6 =	sadd.s32 @!p0 $0x11B8D, s6;
	_ =	swait.eq @!p0 [sflag:s5], $0x1  }
0xb2: {  	s4 =	sor.u32 @!p0 s4, s6;
	[sflag:s5] =	ssyncadd.s32 @!p0 $0xFFFFFFFF  }
0xb3: {  	s25 =	simm.s32 $0x1B8E;
	s24 =	sld [smem:$0x3FFE];
	[sflag:s4] =	ssyncadd.remote.s32 @!p0 $0x1  }
0xb4: {  	s26 =	simm.s32 $execute0_lowered;
	[smem:$0x3FD2] =	sst s25  }
0xb5: {  	s5 =	sshll.u32 s26, $0x1;
	_ =	strace $0x8000005E;
	[dreg:$0x1] =	wrdreg $0xFFFFFFFF  }
0xb6: {  	s28 =	simm.s32 $_size_execute0_lowered;
	s3 =	sadd.s32 s3, s5;
	[dreg:$0x0] =	wrdreg $0x0  }
0xb7: {  	s5 =	sshll.u32 s28, $0x1;
	[dreg:$0x2] =	wrdreg s3  }
0xb8: {  	[dreg:$0x3] =	wrdreg s5  }
0xb9: {  	[dreg:$0x4] =	wrdreg $0xC0  }
0xba: {  	_ =	task [dreg:s22], $0x5FFFF  }
0xbb: {  	[dreg:$0x1] =	wrdreg $0xFFFFFFFF  }
0xbc: {  	[dreg:$0x0] =	wrdreg $0x60  }
0xbd: {  	[dreg:$0x2] =	wrdreg s24  }
0xbe: {  	[dreg:$0x3] =	wrdreg $0x40800  }
0xbf: {  	[dreg:$0x4] =	wrdreg $0xB  }
0xc0: {  	_ =	task.clear_ibuf [dreg:s22], $0x5FFFF;
	_ =	strace $0x9000005E  }
0xc1: {  	s29 =	simm.s32 $0xB;
	_ =	strace $0x80000060  }
0xc2: {  	_ =	swait.ge [sflag:s29], $0x1  }
0xc3: {  	[sflag:s29] =	ssyncadd.s32 $0xFFFFFFFF  }
0xc4: {  	_ =	strace $0x90000060  }
0xc5: {  	_ =	sfence  }
0xc6: {  	s30 =	sld [smem:$0x0];
	_ =	sdelay $0x2  }
0xc7: {  	s31 =	sshll.u32 s1, $0xD;
	s1 =	sshrl.u32 s1, $0x2  }
0xc8: {  	s4 =	sand.u32 $0x4000, s31;
	s1 =	sadd.s32 s1, s30  }
0xc9: {  	s0 =	sor.u32 s4, s0;
	s1 =	sshll.u32 s1, $0x11  }
0xca: {  	s0 =	sor.u32 s1, s0  }
0xcb: {  	s0 =	sadd.s32 $0x8F2B, s0  }
0xcc: {  	[sflag:s0] =	ssyncadd.remote.s32 $0x1  }
0xcd: {  	_ =	sfence.sel $0xFFFF  }
0xce: {  	[dreg:$0x0] =	wrdreg $0xFFFFFFFF;
	(pc) =	sbr.abs _section_cstart, $3  }
0xcf: {  	[dreg:$0x1] =	wrdreg $0xFFFFFFFF  }
0xd0: {  	_ =	task.clear_ibuf [dreg:s22], $0x2FFFF;
	_ =	strace $0x9FFFFFFF  }
0xd1: {  	(tm) =	ssettm $0x7FFFFFFF  }
tec
execute0_lowered:
.L_overlay_start_1:
0x0: {  	(tag) =	ssettag $0x1  }
0x1: {  	s8 =	rddreg [dreg:$0x0]  }
0x2: {  	s2 =	rddreg [dreg:$0x1]  }
0x3: {  	s0 =	rddreg [dreg:$0x2]  }
0x4: {  	s1 =	stileid.u32;
	s4 =	srdreg.scid  }
0x5: {  	s3 =	simm.s32 $0x0;
	s5 =	smul.u32 $0x14000, s1;
	s6 =	sand.u32 $0x1, s4  }
0x6: {  	[smem:$0x7FF] =	sst s3;
	s25 =	sshll.u32 s1, $0x4;
	s10 =	smul.u32 $0x50000, s1  }
0x7: {  	s30 =	sshll.u32 s1, $0x6;
	s31 =	sshll.u32 s1, $0xB;
	s7 =	smul.u32 $0x140000, s6  }
0x8: {  	_ =	strace $0x8000005F;
	s9 =	sadd.s32 s25, s8;
	s28 =	ssub.s32 $0x2, s6  }
0x9: {  	p0 =	seq.s32 s6, $0x1;
	s26 =	sshrl.u32 s5, $0x3;
	s11 =	sshrl.u32 s28, $0x1  }
0xa: {  	s29 =	sshrl.u32 s10, $0x2;
	s5 =	sadd.s32 s5, s7;
	s4 =	sadd.s32 s26, s8  }
0xb: {  	s7 =	ssub.s32 s28, s11;
	s10 =	sadd.s32 s29, s2;
	s11 =	simm.s32 $0x6E6C00  }
0xc: {  	s5 =	sshrl.u32 s5, $0x3;
	s4 =	sadd.s32 $0xFC00, s4;
	s7 =	smax.u32 s7, $0x1  }
0xd: {  	s11 =	simm.s32 @!p0 $0x221C00;
	s10 =	sshrl.u32 s10, $0x3;
	s12 =	sadd.s32 s5, s8  }
0xe: {  	s5 =	sor.u32 $0x1C01, s30;
	s11 =	sadd.s32 s11, s8;
	s8 =	sadd.s32 $0xEC00, s9  }
0xf: {  	s6 =	sadd.s32 $0x29EC00, s12;
	s9 =	sadd.s32 s31, s11;
	s11 =	simm.s32 $0x1  }
.LBB2_1:
0x10: {  	[spmem:s10], [sflag:s5] =	dma.local [hbm:s4], $0x2800  }
0x11: {  	_ =	swait.ge [sflag:s11], $0x2800  }
0x12: {  	s12 =	sadd.s32 $0x0, s1;
	[sflag:s11] =	ssyncset.done $0x0  }
0x13: {  	p0 =	sgt.u32 s12, $0xF9;
	[sflag:s11] =	ssyncadd.s32 $0xFFFFD800  }
0x14: {  	s12 =	simm.s32 @!p0 $0x0;
	s14 =	simm.s32 @!p0 $0x2;
	[bflag:$0x0] =	sbarrier.arrive $0xFFFF  }
0x15: {  	[tilespmem:s12], [sflag:$0x2] =	stream.linear.gather @!p0 [hbm4b:s8+s12], $0x80, $0x38;
	[tilespmem:$0x18080] =	vst v63  }
0x16: {  	_ =	swait.ge @!p0 [sflag:s14], $0x80  }
0x17: {  	[sflag:s14] =	ssyncset.done @!p0 $0x0;
	p0 =	por p0, p0  }
0x18: {  	[sflag:s14] =	ssyncadd.s32 @!p0 $0xFFFFFF80;
	s16 =	simm.s32 @!p0 $0x80  }
0x19: {  	[tilespmem:s16], [sflag:$0x2] =	stream.linear.gather @!p0 [hbm4b:s9+s12], $0x4000, $0x38;
	[tilespmem:$0x18080] =	vst v63  }
0x1a: {  	_ =	swait.ge @!p0 [sflag:s14], $0x4000  }
0x1b: {  	[sflag:s14] =	ssyncset.done @!p0 $0x0  }
0x1c: {  	s31 =	sadd.s32 $0x10, s1;
	s15 =	simm.s32 @!p0 $0x1;
	[sflag:s14] =	ssyncadd.s32 @!p0 $0xFFFFC000  }
0x1d: {  	[spmem:s2] =	stream.indirect.scatter.add.f32 @!p0 [tilespmem:s16], [sflag:$0x1], $0x80, s12, s16, $0xb8;
	[tilespmem:$0x18080] =	vst v63  }
0x1e: {  	s13 =	simm.s32 $0x20;
	p1 =	sgt.u32 s31, $0xF9;
	_ =	swait.ge @!p0 [sflag:s15], $0x4000  }
0x1f: {  	s14 =	sadd.s32 $0x100, s8;
	s12 =	sadd.s32 $0x8000, s9;
	[sflag:s15] =	ssyncset.done @!p0 $0x0  }
.LBB2_2:
0x20: {  	s16 =	simm.s32 @!p1 $0x0;
	s17 =	simm.s32 @!p1 $0x2;
	[sflag:s15] =	ssyncadd.s32 @!p0 $0xFFFFC000  }
0x21: {  	[tilespmem:s16], [sflag:$0x2] =	stream.linear.gather @!p1 [hbm4b:s14+s16], $0x80, $0x38;
	[tilespmem:$0x18080] =	vst v63  }
0x22: {  	s18 =	smov.u32 s13;
	s13 =	sadd.s32 $0x10, s13;
	_ =	swait.ge @!p1 [sflag:s17], $0x80  }
0x23: {  	p0 =	por p1, p1;
	p2 =	sne.s32 s13, $0x100;
	[sflag:s17] =	ssyncset.done @!p1 $0x0  }
0x24: {  	s19 =	simm.s32 @!p0 $0x80;
	[sflag:s17] =	ssyncadd.s32 @!p0 $0xFFFFFF80  }
0x25: {  	[tilespmem:s19], [sflag:$0x2] =	stream.linear.gather @!p0 [hbm4b:s12+s16], $0x4000, $0x38;
	[tilespmem:$0x18080] =	vst v63  }
0x26: {  	_ =	swait.ge @!p0 [sflag:s17], $0x4000  }
.Ltmp0:
0x27: {  	[sflag:s17] =	ssyncset.done @!p0 $0x0;
	(pc) =	sbr.rel @p2 .LBB2_2-.Ltmp0, $4  }
0x28: {  	s15 =	simm.s32 @!p0 $0x1;
	[sflag:s17] =	ssyncadd.s32 @!p0 $0xFFFFC000  }
0x29: {  	[spmem:s2] =	stream.indirect.scatter.add.f32 @!p0 [tilespmem:s19], [sflag:$0x1], $0x80, s16, s19, $0xb8;
	[tilespmem:$0x18080] =	vst v63  }
0x2a: {  	s12 =	sadd.s32 $0x8000, s12;
	s16 =	sadd.s32 s18, s1;
	_ =	swait.ge @!p0 [sflag:s15], $0x4000  }
0x2b: {  	s14 =	sadd.s32 $0x100, s14;
	p1 =	sgt.u32 s16, $0xF9;
	[sflag:s15] =	ssyncset.done @!p0 $0x0  }
0x2c: {  	s13 =	simm.s32 @!p1 $0x0;
	s16 =	simm.s32 @!p1 $0x2;
	[sflag:s15] =	ssyncadd.s32 @!p0 $0xFFFFC000  }
0x2d: {  	[tilespmem:s13], [sflag:$0x2] =	stream.linear.gather @!p1 [hbm4b:s14+s13], $0x80, $0x38;
	[tilespmem:$0x18080] =	vst v63  }
0x2e: {  	_ =	swait.ge @!p1 [sflag:s16], $0x80  }
0x2f: {  	p0 =	por p1, p1;
	[sflag:s16] =	ssyncset.done @!p1 $0x0  }
0x30: {  	s14 =	simm.s32 @!p0 $0x80;
	[sflag:s16] =	ssyncadd.s32 @!p0 $0xFFFFFF80  }
0x31: {  	[tilespmem:s14], [sflag:$0x2] =	stream.linear.gather @!p0 [hbm4b:s12+s13], $0x4000, $0x38;
	[tilespmem:$0x18080] =	vst v63  }
0x32: {  	_ =	swait.ge @!p0 [sflag:s16], $0x4000  }
0x33: {  	[sflag:s16] =	ssyncset.done @!p0 $0x0  }
0x34: {  	s12 =	simm.s32 @!p0 $0x1;
	[sflag:s16] =	ssyncadd.s32 @!p0 $0xFFFFC000  }
0x35: {  	[spmem:s2] =	stream.indirect.scatter.add.f32 @!p0 [tilespmem:s14], [sflag:$0x1], $0x80, s13, s14, $0xb8;
	[tilespmem:$0x18080] =	vst v63  }
0x36: {  	_ =	swait.ge @!p0 [sflag:s12], $0x4000  }
0x37: {  	s3 =	sadd.s32 $0x1, s3;
	[sflag:s12] =	ssyncset.done @!p0 $0x0  }
0x38: {  	[sflag:s12] =	ssyncadd.s32 @!p0 $0xFFFFC000;
	p0 =	sne.s32 s3, s7  }
.Ltmp1:
0x39: {  	[bflag:$0x0] =	sbarrier.arrive $0xFFFF;
	(pc) =	sbr.rel @p0 .LBB2_1-.Ltmp1, $4  }
0x3a: {  	[hbm:s6], [sflag:s5] =	dma.local [spmem:s10], $0x2800  }
0x3b: {  	_ =	swait.ge [sflag:s11], $0x2800  }
0x3c: {  	[sflag:s11] =	ssyncset.done $0x0  }
0x3d: {  	[sflag:s11] =	ssyncadd.s32 $0xFFFFD800  }
0x3e: {  	_ =	sfence.sel $0x180000  }
0x3f: {  	[bflag:$0x0] =	sbarrier.arrive $0xFFFF  }
0x40: {  	p0 =	sne.s32 s1, $0x0;
	_ =	strace $0x9000005F  }
0x41: {  	s0 =	sadd.s32 @!p0 $0x100000, s0;
	[bflag:$0x2] =	sbarrier.arrive $0xFFFF  }
0x42: {  	[sflag:s0] =	ssyncadd.tile.s32 @!p0 $0x1;
	_ =	shalt  }
.Lfunc_end2:
_tile_overlayer_lowered:
.L_overlay_start_2:
0x43: {  	(tag) =	ssettag $0x2  }
0x44: {  	s0 =	rddreg [dreg:$0x0];
	s2 =	stileid.u32  }
0x45: {  	s1 =	rddreg [dreg:$0x1];
	p0 =	sne.s32 s2, $0x0  }
0x46: {  	s3 =	rddreg [dreg:$0x2];
	[bflag:$0x3] =	sbarrier.arrive $0xFFFF;
	s2 =	simm.s32 @!p0 $0x1C01  }
0x47: {  	[timem:s3], [sflag:s2] =	dma.local @!p0 [hbm:s0], s1  }
0x48: {  	s0 =	simm.s32 @!p0 $0x1  }
0x49: {  	_ =	swait.ge @!p0 [sflag:s0], s1  }
0x4a: {  	s1 =	ssub.s32 @!p0 $0x0, s1;
	[sflag:s0] =	ssyncset.done @!p0 $0x0  }
0x4b: {  	[sflag:s0] =	ssyncadd.s32 @!p0 s1  }
0x4c: {  	[bflag:$0x3] =	sbarrier.arrive $0xFFFF  }
0x4d: {  	_ =	shalt  }

// kernel: kernel.31.cloned.1.call-start
scs
__scs_entry_jumppad:
0x0: {  	(pc) =	sbr.rel $0x88, $3  }
0x1: {  	(tag) =	ssettag $0x0;
	lr =	simm.s32 $0x1  }
0x2: {  	[smem:$0x3F8E] =	sst lr;
	_ =	strace $0xD0000000  }
0x3: {  	_ = 	snop  }
0x4: {  	_ = 	snop  }
0x5: {  	_ = 	snop  }
0x6: {  	_ = 	snop  }
0x7: {  	_ = 	snop  }
__scs_overlays_trampoline_lowered:
0x8: {  	[smem:$0x3F9D] =	sst s0  }
0x9: {  	[smem:$0x3F9E] =	sst s1  }
0xa: {  	[smem:$0x3F9F] =	sst s2  }
0xb: {  	[smem:$0x3FA0] =	sst s3  }
0xc: {  	[smem:$0x3FA1] =	sst s4  }
0xd: {  	[smem:$0x3FA2] =	sst s5  }
0xe: {  	[smem:$0x3FA3] =	sst s6  }
0xf: {  	[smem:$0x3FA4] =	sst s7  }
0x10: {  	[smem:$0x3FA5] =	sst s8  }
0x11: {  	[smem:$0x3FA6] =	sst s9;
	s0 =	simm.s32 @!p0 $0x0  }
0x12: {  	s1 =	sld [smem:$0x3F8C];
	s0 =	simm.s32 @p0 $0x1  }
0x13: {  	[smem:$0x3FA7] =	sst s0;
	s0 =	simm.s32 @!p1 $0x0  }
0x14: {  	s2 =	sld [smem:$0x3F8B];
	s0 =	simm.s32 @p1 $0x1  }
0x15: {  	[smem:$0x3FA8] =	sst s0;
	s0 =	simm.s32 @!p2 $0x0  }
0x16: {  	s3 =	sld [smem:$0x3FDB];
	s0 =	simm.s32 @p2 $0x1  }
0x17: {  	s4 =	simm.s32 $0x1BF5;
	[smem:$0x3FAA] =	sst s0  }
0x18: {  	s0 =	sld [smem:$0x3F8D];
	_ =	swait.ge [sflag:s4], $0x0  }
0x19: {  	s7 =	sld [smem:$0x3F8E]  }
0x1a: {  	s8 =	sadd.s32 $0xFFFFE003, lr  }
0x1b: {  	s9 =	sadd.s32 $0xFFFFFEF7, lr;
	s5 =	simm.s32 $0xFFFFFFFF;
	p2 =	slt.u32 s8, $0xFFFFF086  }
0x1c: {  	p1 =	slt.u32 s9, $0xF7A;
	s5 =	simm.s32 @!p2 $0x0  }
0x1d: {  	s5 =	simm.s32 @p1 $0x1;
	p0 =	seq.s32 s7, s2  }
0x1e: {  	s7 =	smul.u32 @!p0 $0xF7A, s2;
	p2 =	seq.s32 @!p0 s5, $0x0  }
0x1f: {  	s9 =	smul.u32 $0xF7A, s1;
	s8 =	simm.s32 @!p0 $0x1BF5;
	p2 =	por !p2, p0  }
0x20: {  	[sflag:s8] =	ssyncset.s32 @!p0 $0xFFFFF086;
	s6 =	sadd.s32 @!p0 s3, s7;
	s7 =	simm.s32 @!p0 $0x108  }
0x21: {  	s3 =	sadd.s32 s3, s9;
	s6 =	sadd.s32 @!p0 $0x88, s6;
	s7 =	simm.s32 @p2 $0x1082  }
0x22: {  	[simem:s7], [sflag:s8] =	dma.local @!p0 [hbm:s6], $0xF7A  }
0x23: {  	s9 =	sor.u32 $0xD0000000, s2;
	s6 =	simm.s32 $0x108;
	_ =	swait.ge @!p0 [sflag:s8], $0x0  }
0x24: {  	s3 =	sadd.s32 $0x88, s3;
	s6 =	simm.s32 @!p1 $0x1082;
	[sflag:s4] =	ssyncset.s32 $0xFFFFF086  }
0x25: {  	[simem:s6], [sflag:s4] =	dma.local [hbm:s3], $0xF7A  }
0x26: {  	[smem:$0x3F8E] =	sst s1;
	(tag) =	ssettag s2;
	_ =	strace s9  }
0x27: {  	s1 =	sld [smem:$0x3F9E]  }
0x28: {  	s2 =	sld [smem:$0x3F9F]  }
0x29: {  	s4 =	sld [smem:$0x3FA1]  }
0x2a: {  	p0 =	seq.s32 s5, $0x0;
	s5 =	sld [smem:$0x3FA2]  }
0x2b: {  	s6 =	sld [smem:$0x3FA3]  }
0x2c: {  	s7 =	sld [smem:$0x3FA4]  }
0x2d: {  	s3 =	simm.s32 $0x108;
	s8 =	sld [smem:$0x3FA5]  }
0x2e: {  	s3 =	simm.s32 @!p0 $0x1082;
	s9 =	sld [smem:$0x3FA6]  }
0x2f: {  	lr =	sadd.s32 s0, s3;
	s0 =	sld [smem:$0x3F9D]  }
0x30: {  	s3 =	sld [smem:$0x3FA0]  }
0x31: {  	[smem:$0x3FA9] =	sst s10  }
0x32: {  	s10 =	sld [smem:$0x3FA7];
	_ =	sdelay $0x3  }
0x33: {  	p0 =	seq.s32 s10, $0x1;
	s10 =	sld [smem:$0x3FA9];
	_ =	sdelay $0x3  }
0x34: {  	[smem:$0x3FA9] =	sst s10  }
0x35: {  	s10 =	sld [smem:$0x3FA8];
	_ =	sdelay $0x3  }
0x36: {  	p1 =	seq.s32 s10, $0x1;
	s10 =	sld [smem:$0x3FA9];
	_ =	sdelay $0x3  }
0x37: {  	[smem:$0x3FA9] =	sst s10  }
0x38: {  	s10 =	sld [smem:$0x3FAA]  }
0x39: {  	_ = 	snop;
	(pc) =	sbr.ind lr, $3  }
0x3a: {  	_ = 	snop  }
0x3b: {  	_ = 	snop  }
0x3c: {  	p2 =	seq.s32 s10, $0x1;
	s10 =	sld [smem:$0x3FA9]  }
0x3d: {  	_ =	shalt  }
0x3e: {  	_ =	shalt  }
0x3f: {  	_ =	shalt  }
0x40: {  	_ =	shalt  }
0x41: {  	_ =	shalt  }
0x42: {  	_ =	shalt  }
0x43: {  	_ =	shalt  }
0x44: {  	_ =	shalt  }
0x45: {  	_ =	shalt  }
0x46: {  	_ =	shalt  }
0x47: {  	_ =	shalt  }
0x48: {  	_ =	shalt  }
0x49: {  	_ =	shalt  }
0x4a: {  	_ =	shalt  }
0x4b: {  	_ =	shalt  }
0x4c: {  	_ =	shalt  }
0x4d: {  	_ =	shalt  }
0x4e: {  	_ =	shalt  }
0x4f: {  	_ =	shalt  }
0x50: {  	_ =	shalt  }
0x51: {  	_ =	shalt  }
0x52: {  	_ =	shalt  }
0x53: {  	_ =	shalt  }
0x54: {  	_ =	shalt  }
0x55: {  	_ =	shalt  }
0x56: {  	_ =	shalt  }
0x57: {  	_ =	shalt  }
0x58: {  	_ =	shalt  }
0x59: {  	_ =	shalt  }
0x5a: {  	_ =	shalt  }
0x5b: {  	_ =	shalt  }
0x5c: {  	_ =	shalt  }
0x5d: {  	_ =	shalt  }
0x5e: {  	_ =	shalt  }
0x5f: {  	_ =	shalt  }
0x60: {  	_ =	shalt  }
0x61: {  	_ =	shalt  }
0x62: {  	_ =	shalt  }
0x63: {  	_ =	shalt  }
0x64: {  	_ =	shalt  }
0x65: {  	_ =	shalt  }
0x66: {  	_ =	shalt  }
0x67: {  	_ =	shalt  }
0x68: {  	_ =	shalt  }
0x69: {  	_ =	shalt  }
0x6a: {  	_ =	shalt  }
0x6b: {  	_ =	shalt  }
0x6c: {  	_ =	shalt  }
0x6d: {  	_ =	shalt  }
0x6e: {  	_ =	shalt  }
0x6f: {  	_ =	shalt  }
0x70: {  	_ =	shalt  }
0x71: {  	_ =	shalt  }
0x72: {  	_ =	shalt  }
0x73: {  	_ =	shalt  }
0x74: {  	_ =	shalt  }
0x75: {  	_ =	shalt  }
0x76: {  	_ =	shalt  }
0x77: {  	_ =	shalt  }
0x78: {  	_ =	shalt  }
0x79: {  	_ =	shalt  }
0x7a: {  	_ =	shalt  }
0x7b: {  	_ =	shalt  }
0x7c: {  	_ =	shalt  }
0x7d: {  	_ =	shalt  }
0x7e: {  	_ =	shalt  }
0x7f: {  	_ =	shalt  }
0x80: {  	_ =	shalt  }
0x81: {  	_ =	shalt  }
0x82: {  	_ =	shalt  }
0x83: {  	_ =	shalt  }
0x84: {  	_ =	shalt  }
0x85: {  	_ =	shalt  }
0x86: {  	_ =	shalt  }
0x87: {  	_ =	shalt  }
.Lfunc_end0:
.L_simem_size_0:
called_computation.4_lowered:
.L_overlay_start_0:
0x88: {  	s2 =	sld [smem:$0x3FD9]  }
0x89: {  	s3 =	sld [smem:$0x3FFE];
	_ =	sdelay $0x1  }
0x8a: {  	s1 =	srdreg.scid  }
0x8b: {  	s0 =	sand.u32 $0x1, s1  }
0x8c: {  	s17 =	sshll.u32 s0, $0xA;
	s2 =	sadd.s32 s3, s2  }
0x8d: {  	s2 =	sadd.s32 s2, s17  }
0x8e: {  	[smem:$0x3FB5] =	sst s2  }
0x8f: {  	_ = 	snop  }
0x90: {  	s18 =	sld [smem:$0x3FC9];
	(tm) =	ssettm $0x1  }
0x91: {  	s19 =	sld [smem:$0x3FFB];
	_ =	sdelay $0x3  }
0x92: {  	_ =	strace s19  }
0x93: {  	s2 =	sld [smem:$0x3FFC];
	_ =	sdelay $0x3  }
0x94: {  	_ =	strace s2  }
0x95: {  	s2 =	sld [smem:$0x3FFD];
	_ =	sdelay $0x3  }
0x96: {  	_ =	strace s2  }
0x97: {  	_ =	strace $0x8FFFFFFF  }
0x98: {  	s20 =	sld [smem:$0x3FDB];
	_ =	sdelay $0x1  }
0x99: {  	s4 =	simm.s32 $_scs_section_size  }
0x9a: {  	s5 =	simm.s32 $_size__tile_overlayer_lowered;
	s6 =	simm.s32 $_tile_overlayer_lowered  }
0x9b: {  	s7 =	simm.s32 $0x1BFF;
	s21 =	sshll.u32 s6, $0x1;
	s4 =	sadd.s32 s4, s20  }
0x9c: {  	s22 =	simm.s32 $0x0;
	s5 =	sshll.u32 s5, $0x1;
	s6 =	sadd.s32 s21, s4  }
0x9d: {  	[timem:s22], [sflag:s7] =	dma.local [hbm:s6], s5  }
0x9e: {  	_ =	swait.ge [sflag:s7], s5  }
0x9f: {  	s5 =	ssub.s32 $0x0, s5;
	[sflag:s7] =	ssyncset.done $0x0  }
0xa0: {  	[sflag:s7] =	ssyncadd.s32 s5;
	_ =	sdelay $0x1  }
0xa1: {  	s23 =	simm.s32 $0x1B8B  }
0xa2: {  	_ =	swait.ge [sflag:s23], $0x1  }
0xa3: {  	[sflag:s23] =	ssyncset.done $0x0  }
0xa4: {  	[sflag:s23] =	ssyncadd.s32 $0xFFFFFFFF  }
0xa5: {  	s5 =	sld [smem:$0x0]  }
0xa6: {  	s6 =	sand.u32 $0xFFFFFFFE, s1  }
0xa7: {  	p0 =	sne.s32 s1, s6  }
0xa8: {  	s6 =	sshll.u32 @p0 s6, $0xE  }
0xa9: {  	s6 =	sadd.s32 @p0 $0x11B8D, s6;
	s7 =	sshll.u32 @p0 s5, $0x11  }
0xaa: {  	s6 =	sor.u32 @p0 s7, s6  }
0xab: {  	[sflag:s6] =	ssyncadd.remote.s32 @p0 $0x1;
	_ =	sdelay $0x1  }
0xac: {  	s6 =	simm.s32 @p0 $0x1B8D  }
0xad: {  	_ =	swait.eq @p0 [sflag:s6], $0x1  }
0xae: {  	[sflag:s6] =	ssyncadd.s32 @p0 $0xFFFFFFFF  }
0xaf: {  	s7 =	sshll.u32 @!p0 s1, $0xE  }
0xb0: {  	s7 =	sor.u32 @!p0 $0x4000, s7;
	s6 =	simm.s32 @!p0 $0x1B8D  }
0xb1: {  	s5 =	sshll.u32 @!p0 s5, $0x11;
	s7 =	sadd.s32 @!p0 $0x11B8D, s7;
	_ =	swait.eq @!p0 [sflag:s6], $0x1  }
0xb2: {  	s5 =	sor.u32 @!p0 s5, s7;
	[sflag:s6] =	ssyncadd.s32 @!p0 $0xFFFFFFFF  }
0xb3: {  	s25 =	simm.s32 $0x1B8E;
	s24 =	sld [smem:$0x3FFE];
	[sflag:s5] =	ssyncadd.remote.s32 @!p0 $0x1  }
0xb4: {  	s26 =	simm.s32 $execute0_lowered;
	[smem:$0x3FD2] =	sst s25  }
0xb5: {  	s6 =	sshll.u32 s26, $0x1;
	_ =	strace $0x8000004C;
	[dreg:$0x1] =	wrdreg $0xFFFFFFFF  }
0xb6: {  	s28 =	simm.s32 $_size_execute0_lowered;
	s4 =	sadd.s32 s4, s6;
	[dreg:$0x0] =	wrdreg $0x0  }
0xb7: {  	s6 =	sshll.u32 s28, $0x1;
	[dreg:$0x2] =	wrdreg s4  }
0xb8: {  	[dreg:$0x3] =	wrdreg s6  }
0xb9: {  	[dreg:$0x4] =	wrdreg $0xC0  }
0xba: {  	_ =	task [dreg:s22], $0x5FFFF  }
0xbb: {  	[dreg:$0x1] =	wrdreg $0xFFFFFFFF  }
0xbc: {  	[dreg:$0x0] =	wrdreg $0x60  }
0xbd: {  	[dreg:$0x2] =	wrdreg s18  }
0xbe: {  	[dreg:$0x3] =	wrdreg s24  }
0xbf: {  	[dreg:$0x4] =	wrdreg $0xD  }
0xc0: {  	_ =	task.clear_ibuf [dreg:s22], $0x5FFFF;
	_ =	strace $0x9000004C  }
0xc1: {  	s29 =	simm.s32 $0xD;
	_ =	strace $0x8000004E  }
0xc2: {  	_ =	swait.ge [sflag:s29], $0x1  }
0xc3: {  	[sflag:s29] =	ssyncadd.s32 $0xFFFFFFFF  }
0xc4: {  	_ =	strace $0x9000004E  }
0xc5: {  	_ =	sfence  }
0xc6: {  	s30 =	sld [smem:$0x0];
	_ =	sdelay $0x2  }
0xc7: {  	s31 =	sshll.u32 s1, $0xD;
	s1 =	sshrl.u32 s1, $0x2  }
0xc8: {  	s4 =	sand.u32 $0x4000, s31;
	s1 =	sadd.s32 s1, s30  }
0xc9: {  	s0 =	sor.u32 s4, s0;
	s1 =	sshll.u32 s1, $0x11  }
0xca: {  	s0 =	sor.u32 s1, s0  }
0xcb: {  	s0 =	sadd.s32 $0x8F2B, s0  }
0xcc: {  	[sflag:s0] =	ssyncadd.remote.s32 $0x1  }
0xcd: {  	_ =	sfence.sel $0xFFFF  }
0xce: {  	[dreg:$0x0] =	wrdreg $0xFFFFFFFF;
	(pc) =	sbr.abs _section_cstart, $3  }
0xcf: {  	[dreg:$0x1] =	wrdreg $0xFFFFFFFF  }
0xd0: {  	_ =	task.clear_ibuf [dreg:s22], $0x2FFFF;
	_ =	strace $0x9FFFFFFF  }
0xd1: {  	(tm) =	ssettm $0x7FFFFFFF  }
tec
execute0_lowered:
.L_overlay_start_1:
0x0: {  	(tag) =	ssettag $0x1  }
0x1: {  	s1 =	rddreg [dreg:$0x0]  }
0x2: {  	s4 =	rddreg [dreg:$0x1]  }
0x3: {  	s0 =	rddreg [dreg:$0x2];
	s3 =	simm.s32 $0x0;
	s5 =	srdreg.scid  }
0x4: {  	s2 =	stileid.u32;
	[smem:$0x7FF] =	sst s3;
	s5 =	sand.u32 $0x1, s5  }
0x5: {  	s6 =	sshll.u32 s2, $0x5;
	s8 =	sshll.u32 s2, $0xC;
	_ =	strace $0x8000004D  }
0x6: {  	s7 =	ssub.s32 $0x2, s5;
	s6 =	sadd.s32 s6, s4;
	s8 =	sadd.s32 s8, s4  }
0x7: {  	s30 =	sshll.u32 s5, $0x4;
	s4 =	sshll.u32 s2, $0x1;
	s9 =	sshrl.u32 s7, $0x1  }
0x8: {  	s31 =	sshll.u32 s5, $0xB;
	s6 =	sadd.s32 s30, s6;
	s7 =	ssub.s32 s7, s9  }
0x9: {  	s5 =	sadd.s32 $0xDC00, s6;
	s6 =	sadd.s32 $0x9C00, s6;
	s9 =	sadd.s32 s31, s8  }
0xa: {  	s7 =	smax.u32 s7, $0x1;
	s8 =	sadd.s32 $0x280C00, s9;
	s9 =	sadd.s32 $0x203C00, s9  }
.LBB2_1:
0xb: {  	p0 =	sgt.u32 s4, $0xF9  }
0xc: {  	s10 =	sadd.s32 @!p0 $0x0, s6;
	s11 =	simm.s32 @!p0 $0x0;
	s14 =	simm.s32 @!p0 $0x4  }
0xd: {  	[tilespmem:s11], [sflag:$0x4] =	stream.linear.gather @!p0 [hbm4b:s10+s11], $0x80, $0x38;
	[tilespmem:$0x8100] =	vst v63  }
0xe: {  	_ =	swait.ge @!p0 [sflag:s14], $0x80;
	p0 =	por p0, p0  }
0xf: {  	[sflag:s14] =	ssyncset.done @!p0 $0x0  }
0x10: {  	s10 =	sadd.s32 @!p0 $0x0, s5;
	s12 =	simm.s32 @!p0 $0x80;
	[sflag:s14] =	ssyncadd.s32 @!p0 $0xFFFFFF80  }
0x11: {  	[tilespmem:s12], [sflag:$0x4] =	stream.linear.gather @!p0 [hbm4b:s10+s11], $0x80, $0x38;
	[tilespmem:$0x8100] =	vst v63  }
0x12: {  	_ =	swait.ge @!p0 [sflag:s14], $0x80  }
0x13: {  	[sflag:s14] =	ssyncset.done @!p0 $0x0  }
0x14: {  	s10 =	simm.s32 @!p0 $0x100;
	[sflag:s14] =	ssyncadd.s32 @!p0 $0xFFFFFF80  }
0x15: {  	[tilespmem:s10], [sflag:$0x1] =	stream.indirect.gather @!p0 [hbm4b:s1+s12], $0x80, s11, s12, $0xb8;
	[tilespmem:$0x8100] =	vst v63  }
0x16: {  	s15 =	simm.s32 @!p0 $0x4100;
	s13 =	simm.s32 @!p0 $0x1  }
0x17: {  	[tilespmem:s15], [sflag:$0x2] =	stream.indirect.gather @!p0 [hbm4b:s1+s12], $0x80, s12, s12, $0xb8;
	[tilespmem:$0x8100] =	vst v63  }
0x18: {  	_ =	swait.ge @!p0 [sflag:s13], $0x4000  }
0x19: {  	[sflag:s13] =	ssyncset.done @!p0 $0x0  }
0x1a: {  	s12 =	simm.s32 @!p0 $0x2;
	[sflag:s13] =	ssyncadd.s32 @!p0 $0xFFFFC000  }
0x1b: {  	_ =	swait.ge @!p0 [sflag:s12], $0x4000  }
0x1c: {  	[sflag:s12] =	ssyncset.done @!p0 $0x0  }
0x1d: {  	[sflag:s12] =	ssyncadd.s32 @!p0 $0xFFFFC000  }
0x1e: {  	[hbm4b:s9+s11] =	stream.linear.scatter @!p0 [tilespmem:s10], [sflag:$0x4], $0x4000, $0x38;
	[tilespmem:$0x8100] =	vst v63  }
0x1f: {  	_ =	swait.ge @!p0 [sflag:s14], $0x4000  }
0x20: {  	[sflag:s14] =	ssyncset.done @!p0 $0x0  }
0x21: {  	s13 =	simm.s32 $0x400;
	s12 =	simm.s32 $0x200;
	[sflag:s14] =	ssyncadd.s32 @!p0 $0xFFFFC000  }
0x22: {  	[hbm4b:s8+s11] =	stream.linear.scatter @!p0 [tilespmem:s15], [sflag:$0x3], $0x4000, $0x38;
	[tilespmem:$0x8100] =	vst v63  }
0x23: {  	s10 =	sadd.s32 $0x10000, s9;
	s14 =	sadd.s32 $0x20, s4;
	s15 =	simm.s32 @!p0 $0x3  }
0x24: {  	p2 =	sgt.u32 s14, $0xF9;
	s11 =	sadd.s32 $0x10000, s8;
	_ =	swait.ge @!p0 [sflag:s15], $0x4000  }
.LBB2_2:
0x25: {  	s16 =	sadd.s32 @!p2 s12, s6  }
0x26: {  	s17 =	simm.s32 @!p2 $0x0;
	[sflag:s15] =	ssyncset.done @!p0 $0x0;
	s18 =	smov.u32 s13  }
0x27: {  	s13 =	sadd.s32 $0x200, s13;
	s19 =	simm.s32 @!p2 $0x4;
	[sflag:s15] =	ssyncadd.s32 @!p0 $0xFFFFC000  }
0x28: {  	[tilespmem:s17], [sflag:$0x4] =	stream.linear.gather @!p2 [hbm4b:s16+s17], $0x80, $0x38;
	[tilespmem:$0x8100] =	vst v63  }
0x29: {  	p1 =	sne.s32 s13, $0x1000;
	p0 =	por p2, p2;
	_ =	swait.ge @!p2 [sflag:s19], $0x80  }
0x2a: {  	[sflag:s19] =	ssyncset.done @!p0 $0x0  }
0x2b: {  	s12 =	sadd.s32 @!p0 s12, s5;
	s15 =	simm.s32 @!p0 $0x80;
	[sflag:s19] =	ssyncadd.s32 @!p0 $0xFFFFFF80  }
0x2c: {  	[tilespmem:s15], [sflag:$0x4] =	stream.linear.gather @!p0 [hbm4b:s12+s17], $0x80, $0x38;
	[tilespmem:$0x8100] =	vst v63  }
0x2d: {  	s12 =	smov.u32 s18;
	_ =	swait.ge @!p0 [sflag:s19], $0x80  }
0x2e: {  	[sflag:s19] =	ssyncset.done @!p0 $0x0  }
0x2f: {  	s16 =	simm.s32 @!p0 $0x100;
	[sflag:s19] =	ssyncadd.s32 @!p0 $0xFFFFFF80  }
0x30: {  	[tilespmem:s16], [sflag:$0x1] =	stream.indirect.gather @!p0 [hbm4b:s1+s15], $0x80, s17, s15, $0xb8;
	[tilespmem:$0x8100] =	vst v63  }
0x31: {  	s20 =	simm.s32 @!p0 $0x1;
	s18 =	simm.s32 @!p0 $0x4100  }
0x32: {  	[tilespmem:s18], [sflag:$0x2] =	stream.indirect.gather @!p0 [hbm4b:s1+s15], $0x80, s15, s15, $0xb8;
	[tilespmem:$0x8100] =	vst v63  }
0x33: {  	_ =	swait.ge @!p0 [sflag:s20], $0x4000  }
0x34: {  	[sflag:s20] =	ssyncset.done @!p0 $0x0  }
0x35: {  	s15 =	simm.s32 @!p0 $0x2;
	[sflag:s20] =	ssyncadd.s32 @!p0 $0xFFFFC000  }
0x36: {  	_ =	swait.ge @!p0 [sflag:s15], $0x4000  }
0x37: {  	[sflag:s15] =	ssyncset.done @!p0 $0x0  }
0x38: {  	[sflag:s15] =	ssyncadd.s32 @!p0 $0xFFFFC000  }
0x39: {  	[hbm4b:s10+s17] =	stream.linear.scatter @!p0 [tilespmem:s16], [sflag:$0x4], $0x4000, $0x38;
	[tilespmem:$0x8100] =	vst v63  }
.Ltmp0:
0x3a: {  	_ =	swait.ge @!p0 [sflag:s19], $0x4000;
	(pc) =	sbr.rel @p1 .LBB2_2-.Ltmp0, $4  }
0x3b: {  	s10 =	sadd.s32 $0x10000, s10;
	[sflag:s19] =	ssyncset.done @!p0 $0x0  }
0x3c: {  	s14 =	sadd.s32 $0x20, s14;
	s15 =	simm.s32 @!p0 $0x3;
	[sflag:s19] =	ssyncadd.s32 @!p0 $0xFFFFC000  }
0x3d: {  	[hbm4b:s11+s17] =	stream.linear.scatter @!p0 [tilespmem:s18], [sflag:$0x3], $0x4000, $0x38;
	[tilespmem:$0x8100] =	vst v63  }
0x3e: {  	p2 =	sgt.u32 s14, $0xF9;
	s11 =	sadd.s32 $0x10000, s11;
	_ =	swait.ge @!p0 [sflag:s15], $0x4000  }
0x3f: {  	s13 =	sadd.s32 @!p2 s12, s6;
	[sflag:s15] =	ssyncset.done @!p0 $0x0  }
0x40: {  	s14 =	simm.s32 @!p2 $0x0;
	s16 =	simm.s32 @!p2 $0x4;
	[sflag:s15] =	ssyncadd.s32 @!p0 $0xFFFFC000  }
0x41: {  	[tilespmem:s14], [sflag:$0x4] =	stream.linear.gather @!p2 [hbm4b:s13+s14], $0x80, $0x38;
	[tilespmem:$0x8100] =	vst v63  }
0x42: {  	p0 =	por p2, p2;
	_ =	swait.ge @!p2 [sflag:s16], $0x80  }
0x43: {  	[sflag:s16] =	ssyncset.done @!p0 $0x0  }
0x44: {  	s12 =	sadd.s32 @!p0 s12, s5;
	s13 =	simm.s32 @!p0 $0x80;
	[sflag:s16] =	ssyncadd.s32 @!p0 $0xFFFFFF80  }
0x45: {  	[tilespmem:s13], [sflag:$0x4] =	stream.linear.gather @!p0 [hbm4b:s12+s14], $0x80, $0x38;
	[tilespmem:$0x8100] =	vst v63  }
0x46: {  	_ =	swait.ge @!p0 [sflag:s16], $0x80  }
0x47: {  	[sflag:s16] =	ssyncset.done @!p0 $0x0  }
0x48: {  	s12 =	simm.s32 @!p0 $0x100;
	[sflag:s16] =	ssyncadd.s32 @!p0 $0xFFFFFF80  }
0x49: {  	[tilespmem:s12], [sflag:$0x1] =	stream.indirect.gather @!p0 [hbm4b:s1+s13], $0x80, s14, s13, $0xb8;
	[tilespmem:$0x8100] =	vst v63  }
0x4a: {  	s15 =	simm.s32 @!p0 $0x4100;
	s17 =	simm.s32 @!p0 $0x1  }
0x4b: {  	[tilespmem:s15], [sflag:$0x2] =	stream.indirect.gather @!p0 [hbm4b:s1+s13], $0x80, s13, s13, $0xb8;
	[tilespmem:$0x8100] =	vst v63  }
0x4c: {  	_ =	swait.ge @!p0 [sflag:s17], $0x4000  }
0x4d: {  	[sflag:s17] =	ssyncset.done @!p0 $0x0  }
0x4e: {  	s13 =	simm.s32 @!p0 $0x2;
	[sflag:s17] =	ssyncadd.s32 @!p0 $0xFFFFC000  }
0x4f: {  	_ =	swait.ge @!p0 [sflag:s13], $0x4000  }
0x50: {  	[sflag:s13] =	ssyncset.done @!p0 $0x0  }
0x51: {  	[sflag:s13] =	ssyncadd.s32 @!p0 $0xFFFFC000  }
0x52: {  	[hbm4b:s10+s14] =	stream.linear.scatter @!p0 [tilespmem:s12], [sflag:$0x4], $0x4000, $0x38;
	[tilespmem:$0x8100] =	vst v63  }
0x53: {  	s3 =	sadd.s32 $0x1, s3;
	_ =	swait.ge @!p0 [sflag:s16], $0x4000  }
0x54: {  	p1 =	sne.s32 s3, s7;
	[sflag:s16] =	ssyncset.done @!p0 $0x0  }
.Ltmp1:
0x55: {  	s10 =	simm.s32 @!p0 $0x3;
	[sflag:s16] =	ssyncadd.s32 @!p0 $0xFFFFC000;
	(pc) =	sbr.rel @p1 .LBB2_1-.Ltmp1, $4  }
0x56: {  	[hbm4b:s11+s14] =	stream.linear.scatter @!p0 [tilespmem:s15], [sflag:$0x3], $0x4000, $0x38;
	[tilespmem:$0x8100] =	vst v63  }
0x57: {  	_ =	swait.ge @!p0 [sflag:s10], $0x4000  }
0x58: {  	[sflag:s10] =	ssyncset.done @!p0 $0x0  }
0x59: {  	[sflag:s10] =	ssyncadd.s32 @!p0 $0xFFFFC000  }
0x5a: {  	_ =	sfence.sel $0x180000  }
0x5b: {  	[bflag:$0x0] =	sbarrier.arrive $0xFFFF  }
0x5c: {  	p0 =	sne.s32 s2, $0x0;
	_ =	strace $0x9000004D  }
0x5d: {  	s0 =	sadd.s32 @!p0 $0x100000, s0;
	[bflag:$0x2] =	sbarrier.arrive $0xFFFF  }
0x5e: {  	[sflag:s0] =	ssyncadd.tile.s32 @!p0 $0x1;
	_ =	shalt  }
.Lfunc_end2:
_tile_overlayer_lowered:
.L_overlay_start_2:
0x5f: {  	(tag) =	ssettag $0x2  }
0x60: {  	s0 =	rddreg [dreg:$0x0];
	s2 =	stileid.u32  }
0x61: {  	s1 =	rddreg [dreg:$0x1];
	p0 =	sne.s32 s2, $0x0  }
0x62: {  	s3 =	rddreg [dreg:$0x2];
	[bflag:$0x3] =	sbarrier.arrive $0xFFFF;
	s2 =	simm.s32 @!p0 $0x1C03  }
0x63: {  	[timem:s3], [sflag:s2] =	dma.local @!p0 [hbm:s0], s1  }
0x64: {  	s0 =	simm.s32 @!p0 $0x3  }
0x65: {  	_ =	swait.ge @!p0 [sflag:s0], s1  }
0x66: {  	s1 =	ssub.s32 @!p0 $0x0, s1;
	[sflag:s0] =	ssyncset.done @!p0 $0x0  }
0x67: {  	[sflag:s0] =	ssyncadd.s32 @!p0 s1  }
0x68: {  	[bflag:$0x3] =	sbarrier.arrive $0xFFFF  }
0x69: {  	_ =	shalt  }

// kernel: kernel.34.cloned.1.call-start
scs
__scs_entry_jumppad:
0x0: {  	(pc) =	sbr.rel $0x88, $3  }
0x1: {  	(tag) =	ssettag $0x0;
	lr =	simm.s32 $0x1  }
0x2: {  	[smem:$0x3F8E] =	sst lr;
	_ =	strace $0xD0000000  }
0x3: {  	_ = 	snop  }
0x4: {  	_ = 	snop  }
0x5: {  	_ = 	snop  }
0x6: {  	_ = 	snop  }
0x7: {  	_ = 	snop  }
__scs_overlays_trampoline_lowered:
0x8: {  	[smem:$0x3F9D] =	sst s0  }
0x9: {  	[smem:$0x3F9E] =	sst s1  }
0xa: {  	[smem:$0x3F9F] =	sst s2  }
0xb: {  	[smem:$0x3FA0] =	sst s3  }
0xc: {  	[smem:$0x3FA1] =	sst s4  }
0xd: {  	[smem:$0x3FA2] =	sst s5  }
0xe: {  	[smem:$0x3FA3] =	sst s6  }
0xf: {  	[smem:$0x3FA4] =	sst s7  }
0x10: {  	[smem:$0x3FA5] =	sst s8  }
0x11: {  	[smem:$0x3FA6] =	sst s9;
	s0 =	simm.s32 @!p0 $0x0  }
0x12: {  	s1 =	sld [smem:$0x3F8C];
	s0 =	simm.s32 @p0 $0x1  }
0x13: {  	[smem:$0x3FA7] =	sst s0;
	s0 =	simm.s32 @!p1 $0x0  }
0x14: {  	s2 =	sld [smem:$0x3F8B];
	s0 =	simm.s32 @p1 $0x1  }
0x15: {  	[smem:$0x3FA8] =	sst s0;
	s0 =	simm.s32 @!p2 $0x0  }
0x16: {  	s3 =	sld [smem:$0x3FDB];
	s0 =	simm.s32 @p2 $0x1  }
0x17: {  	s4 =	simm.s32 $0x1BF5;
	[smem:$0x3FAA] =	sst s0  }
0x18: {  	s0 =	sld [smem:$0x3F8D];
	_ =	swait.ge [sflag:s4], $0x0  }
0x19: {  	s7 =	sld [smem:$0x3F8E]  }
0x1a: {  	s8 =	sadd.s32 $0xFFFFE003, lr  }
0x1b: {  	s9 =	sadd.s32 $0xFFFFFEF7, lr;
	s5 =	simm.s32 $0xFFFFFFFF;
	p2 =	slt.u32 s8, $0xFFFFF086  }
0x1c: {  	p1 =	slt.u32 s9, $0xF7A;
	s5 =	simm.s32 @!p2 $0x0  }
0x1d: {  	s5 =	simm.s32 @p1 $0x1;
	p0 =	seq.s32 s7, s2  }
0x1e: {  	s7 =	smul.u32 @!p0 $0xF7A, s2;
	p2 =	seq.s32 @!p0 s5, $0x0  }
0x1f: {  	s9 =	smul.u32 $0xF7A, s1;
	s8 =	simm.s32 @!p0 $0x1BF5;
	p2 =	por !p2, p0  }
0x20: {  	[sflag:s8] =	ssyncset.s32 @!p0 $0xFFFFF086;
	s6 =	sadd.s32 @!p0 s3, s7;
	s7 =	simm.s32 @!p0 $0x108  }
0x21: {  	s3 =	sadd.s32 s3, s9;
	s6 =	sadd.s32 @!p0 $0x88, s6;
	s7 =	simm.s32 @p2 $0x1082  }
0x22: {  	[simem:s7], [sflag:s8] =	dma.local @!p0 [hbm:s6], $0xF7A  }
0x23: {  	s9 =	sor.u32 $0xD0000000, s2;
	s6 =	simm.s32 $0x108;
	_ =	swait.ge @!p0 [sflag:s8], $0x0  }
0x24: {  	s3 =	sadd.s32 $0x88, s3;
	s6 =	simm.s32 @!p1 $0x1082;
	[sflag:s4] =	ssyncset.s32 $0xFFFFF086  }
0x25: {  	[simem:s6], [sflag:s4] =	dma.local [hbm:s3], $0xF7A  }
0x26: {  	[smem:$0x3F8E] =	sst s1;
	(tag) =	ssettag s2;
	_ =	strace s9  }
0x27: {  	s1 =	sld [smem:$0x3F9E]  }
0x28: {  	s2 =	sld [smem:$0x3F9F]  }
0x29: {  	s4 =	sld [smem:$0x3FA1]  }
0x2a: {  	p0 =	seq.s32 s5, $0x0;
	s5 =	sld [smem:$0x3FA2]  }
0x2b: {  	s6 =	sld [smem:$0x3FA3]  }
0x2c: {  	s7 =	sld [smem:$0x3FA4]  }
0x2d: {  	s3 =	simm.s32 $0x108;
	s8 =	sld [smem:$0x3FA5]  }
0x2e: {  	s3 =	simm.s32 @!p0 $0x1082;
	s9 =	sld [smem:$0x3FA6]  }
0x2f: {  	lr =	sadd.s32 s0, s3;
	s0 =	sld [smem:$0x3F9D]  }
0x30: {  	s3 =	sld [smem:$0x3FA0]  }
0x31: {  	[smem:$0x3FA9] =	sst s10  }
0x32: {  	s10 =	sld [smem:$0x3FA7];
	_ =	sdelay $0x3  }
0x33: {  	p0 =	seq.s32 s10, $0x1;
	s10 =	sld [smem:$0x3FA9];
	_ =	sdelay $0x3  }
0x34: {  	[smem:$0x3FA9] =	sst s10  }
0x35: {  	s10 =	sld [smem:$0x3FA8];
	_ =	sdelay $0x3  }
0x36: {  	p1 =	seq.s32 s10, $0x1;
	s10 =	sld [smem:$0x3FA9];
	_ =	sdelay $0x3  }
0x37: {  	[smem:$0x3FA9] =	sst s10  }
0x38: {  	s10 =	sld [smem:$0x3FAA]  }
0x39: {  	_ = 	snop;
	(pc) =	sbr.ind lr, $3  }
0x3a: {  	_ = 	snop  }
0x3b: {  	_ = 	snop  }
0x3c: {  	p2 =	seq.s32 s10, $0x1;
	s10 =	sld [smem:$0x3FA9]  }
0x3d: {  	_ =	shalt  }
0x3e: {  	_ =	shalt  }
0x3f: {  	_ =	shalt  }
0x40: {  	_ =	shalt  }
0x41: {  	_ =	shalt  }
0x42: {  	_ =	shalt  }
0x43: {  	_ =	shalt  }
0x44: {  	_ =	shalt  }
0x45: {  	_ =	shalt  }
0x46: {  	_ =	shalt  }
0x47: {  	_ =	shalt  }
0x48: {  	_ =	shalt  }
0x49: {  	_ =	shalt  }
0x4a: {  	_ =	shalt  }
0x4b: {  	_ =	shalt  }
0x4c: {  	_ =	shalt  }
0x4d: {  	_ =	shalt  }
0x4e: {  	_ =	shalt  }
0x4f: {  	_ =	shalt  }
0x50: {  	_ =	shalt  }
0x51: {  	_ =	shalt  }
0x52: {  	_ =	shalt  }
0x53: {  	_ =	shalt  }
0x54: {  	_ =	shalt  }
0x55: {  	_ =	shalt  }
0x56: {  	_ =	shalt  }
0x57: {  	_ =	shalt  }
0x58: {  	_ =	shalt  }
0x59: {  	_ =	shalt  }
0x5a: {  	_ =	shalt  }
0x5b: {  	_ =	shalt  }
0x5c: {  	_ =	shalt  }
0x5d: {  	_ =	shalt  }
0x5e: {  	_ =	shalt  }
0x5f: {  	_ =	shalt  }
0x60: {  	_ =	shalt  }
0x61: {  	_ =	shalt  }
0x62: {  	_ =	shalt  }
0x63: {  	_ =	shalt  }
0x64: {  	_ =	shalt  }
0x65: {  	_ =	shalt  }
0x66: {  	_ =	shalt  }
0x67: {  	_ =	shalt  }
0x68: {  	_ =	shalt  }
0x69: {  	_ =	shalt  }
0x6a: {  	_ =	shalt  }
0x6b: {  	_ =	shalt  }
0x6c: {  	_ =	shalt  }
0x6d: {  	_ =	shalt  }
0x6e: {  	_ =	shalt  }
0x6f: {  	_ =	shalt  }
0x70: {  	_ =	shalt  }
0x71: {  	_ =	shalt  }
0x72: {  	_ =	shalt  }
0x73: {  	_ =	shalt  }
0x74: {  	_ =	shalt  }
0x75: {  	_ =	shalt  }
0x76: {  	_ =	shalt  }
0x77: {  	_ =	shalt  }
0x78: {  	_ =	shalt  }
0x79: {  	_ =	shalt  }
0x7a: {  	_ =	shalt  }
0x7b: {  	_ =	shalt  }
0x7c: {  	_ =	shalt  }
0x7d: {  	_ =	shalt  }
0x7e: {  	_ =	shalt  }
0x7f: {  	_ =	shalt  }
0x80: {  	_ =	shalt  }
0x81: {  	_ =	shalt  }
0x82: {  	_ =	shalt  }
0x83: {  	_ =	shalt  }
0x84: {  	_ =	shalt  }
0x85: {  	_ =	shalt  }
0x86: {  	_ =	shalt  }
0x87: {  	_ =	shalt  }
.Lfunc_end0:
.L_simem_size_0:
called_computation.5_lowered:
.L_overlay_start_0:
0x88: {  	s2 =	sld [smem:$0x3FD9]  }
0x89: {  	s3 =	sld [smem:$0x3FFE];
	_ =	sdelay $0x1  }
0x8a: {  	s1 =	srdreg.scid  }
0x8b: {  	s0 =	sand.u32 $0x1, s1  }
0x8c: {  	s17 =	sshll.u32 s0, $0xA;
	s2 =	sadd.s32 s3, s2  }
0x8d: {  	s2 =	sadd.s32 s2, s17  }
0x8e: {  	[smem:$0x3FB5] =	sst s2  }
0x8f: {  	_ = 	snop  }
0x90: {  	(tm) =	ssettm $0x1  }
0x91: {  	s18 =	sld [smem:$0x3FFB];
	_ =	sdelay $0x3  }
0x92: {  	_ =	strace s18  }
0x93: {  	s2 =	sld [smem:$0x3FFC];
	_ =	sdelay $0x3  }
0x94: {  	_ =	strace s2  }
0x95: {  	s2 =	sld [smem:$0x3FFD];
	_ =	sdelay $0x3  }
0x96: {  	_ =	strace s2  }
0x97: {  	_ =	strace $0x8FFFFFFF  }
0x98: {  	s19 =	sld [smem:$0x3FDB];
	_ =	sdelay $0x1  }
0x99: {  	s20 =	simm.s32 $_scs_section_size  }
0x9a: {  	s4 =	simm.s32 $_size__tile_overlayer_lowered;
	s5 =	simm.s32 $_tile_overlayer_lowered  }
0x9b: {  	s6 =	simm.s32 $0x1BFF;
	s21 =	sshll.u32 s5, $0x1;
	s3 =	sadd.s32 s20, s19  }
0x9c: {  	s22 =	simm.s32 $0x0;
	s4 =	sshll.u32 s4, $0x1;
	s5 =	sadd.s32 s21, s3  }
0x9d: {  	[timem:s22], [sflag:s6] =	dma.local [hbm:s5], s4  }
0x9e: {  	_ =	swait.ge [sflag:s6], s4  }
0x9f: {  	s4 =	ssub.s32 $0x0, s4;
	[sflag:s6] =	ssyncset.done $0x0  }
0xa0: {  	[sflag:s6] =	ssyncadd.s32 s4;
	_ =	sdelay $0x1  }
0xa1: {  	s23 =	simm.s32 $0x1B8B  }
0xa2: {  	_ =	swait.ge [sflag:s23], $0x1  }
0xa3: {  	[sflag:s23] =	ssyncset.done $0x0  }
0xa4: {  	[sflag:s23] =	ssyncadd.s32 $0xFFFFFFFF  }
0xa5: {  	s4 =	sld [smem:$0x0]  }
0xa6: {  	s5 =	sand.u32 $0xFFFFFFFE, s1  }
0xa7: {  	p0 =	sne.s32 s1, s5  }
0xa8: {  	s5 =	sshll.u32 @p0 s5, $0xE  }
0xa9: {  	s5 =	sadd.s32 @p0 $0x11B8D, s5;
	s6 =	sshll.u32 @p0 s4, $0x11  }
0xaa: {  	s5 =	sor.u32 @p0 s6, s5  }
0xab: {  	[sflag:s5] =	ssyncadd.remote.s32 @p0 $0x1;
	_ =	sdelay $0x1  }
0xac: {  	s5 =	simm.s32 @p0 $0x1B8D  }
0xad: {  	_ =	swait.eq @p0 [sflag:s5], $0x1  }
0xae: {  	[sflag:s5] =	ssyncadd.s32 @p0 $0xFFFFFFFF  }
0xaf: {  	s6 =	sshll.u32 @!p0 s1, $0xE  }
0xb0: {  	s6 =	sor.u32 @!p0 $0x4000, s6;
	s5 =	simm.s32 @!p0 $0x1B8D  }
0xb1: {  	s4 =	sshll.u32 @!p0 s4, $0x11;
	s6 =	sadd.s32 @!p0 $0x11B8D, s6;
	_ =	swait.eq @!p0 [sflag:s5], $0x1  }
0xb2: {  	s4 =	sor.u32 @!p0 s4, s6;
	[sflag:s5] =	ssyncadd.s32 @!p0 $0xFFFFFFFF  }
0xb3: {  	s25 =	simm.s32 $0x1B8E;
	s24 =	sld [smem:$0x3FFE];
	[sflag:s4] =	ssyncadd.remote.s32 @!p0 $0x1  }
0xb4: {  	s26 =	simm.s32 $execute0_lowered;
	[smem:$0x3FD2] =	sst s25  }
0xb5: {  	s5 =	sshll.u32 s26, $0x1;
	_ =	strace $0x8000005B;
	[dreg:$0x1] =	wrdreg $0xFFFFFFFF  }
0xb6: {  	s28 =	simm.s32 $_size_execute0_lowered;
	s3 =	sadd.s32 s3, s5;
	[dreg:$0x0] =	wrdreg $0x0  }
0xb7: {  	s5 =	sshll.u32 s28, $0x1;
	[dreg:$0x2] =	wrdreg s3  }
0xb8: {  	[dreg:$0x3] =	wrdreg s5  }
0xb9: {  	[dreg:$0x4] =	wrdreg $0xC0  }
0xba: {  	_ =	task [dreg:s22], $0x5FFFF  }
0xbb: {  	[dreg:$0x1] =	wrdreg $0xFFFFFFFF  }
0xbc: {  	[dreg:$0x0] =	wrdreg $0x60  }
0xbd: {  	[dreg:$0x2] =	wrdreg s24  }
0xbe: {  	[dreg:$0x3] =	wrdreg $0x40800  }
0xbf: {  	[dreg:$0x4] =	wrdreg $0xD  }
0xc0: {  	_ =	task.clear_ibuf [dreg:s22], $0x5FFFF;
	_ =	strace $0x9000005B  }
0xc1: {  	s29 =	simm.s32 $0xD;
	_ =	strace $0x8000005D  }
0xc2: {  	_ =	swait.ge [sflag:s29], $0x1  }
0xc3: {  	[sflag:s29] =	ssyncadd.s32 $0xFFFFFFFF  }
0xc4: {  	_ =	strace $0x9000005D  }
0xc5: {  	_ =	sfence  }
0xc6: {  	s30 =	sld [smem:$0x0];
	_ =	sdelay $0x2  }
0xc7: {  	s31 =	sshll.u32 s1, $0xD;
	s1 =	sshrl.u32 s1, $0x2  }
0xc8: {  	s4 =	sand.u32 $0x4000, s31;
	s1 =	sadd.s32 s1, s30  }
0xc9: {  	s0 =	sor.u32 s4, s0;
	s1 =	sshll.u32 s1, $0x11  }
0xca: {  	s0 =	sor.u32 s1, s0  }
0xcb: {  	s0 =	sadd.s32 $0x8F2B, s0  }
0xcc: {  	[sflag:s0] =	ssyncadd.remote.s32 $0x1  }
0xcd: {  	_ =	sfence.sel $0xFFFF  }
0xce: {  	[dreg:$0x0] =	wrdreg $0xFFFFFFFF;
	(pc) =	sbr.abs _section_cstart, $3  }
0xcf: {  	[dreg:$0x1] =	wrdreg $0xFFFFFFFF  }
0xd0: {  	_ =	task.clear_ibuf [dreg:s22], $0x2FFFF;
	_ =	strace $0x9FFFFFFF  }
0xd1: {  	(tm) =	ssettm $0x7FFFFFFF  }
tec
execute0_lowered:
.L_overlay_start_1:
0x0: {  	(tag) =	ssettag $0x1  }
0x1: {  	s8 =	rddreg [dreg:$0x0]  }
0x2: {  	s2 =	rddreg [dreg:$0x1]  }
0x3: {  	s0 =	rddreg [dreg:$0x2]  }
0x4: {  	s1 =	stileid.u32;
	s4 =	srdreg.scid  }
0x5: {  	s3 =	simm.s32 $0x0;
	s5 =	smul.u32 $0x14000, s1;
	s6 =	sand.u32 $0x1, s4  }
0x6: {  	[smem:$0x7FF] =	sst s3;
	s25 =	sshll.u32 s1, $0x4;
	s10 =	smul.u32 $0x50000, s1  }
0x7: {  	s30 =	sshll.u32 s1, $0x6;
	s31 =	sshll.u32 s1, $0xB;
	s7 =	smul.u32 $0x140000, s6  }
0x8: {  	_ =	strace $0x8000005C;
	s9 =	sadd.s32 s25, s8;
	s28 =	ssub.s32 $0x2, s6  }
0x9: {  	p0 =	seq.s32 s6, $0x1;
	s26 =	sshrl.u32 s5, $0x3;
	s11 =	sshrl.u32 s28, $0x1  }
0xa: {  	s29 =	sshrl.u32 s10, $0x2;
	s5 =	sadd.s32 s5, s7;
	s4 =	sadd.s32 s26, s8  }
0xb: {  	s7 =	ssub.s32 s28, s11;
	s10 =	sadd.s32 s29, s2;
	s11 =	simm.s32 $0x669C00  }
0xc: {  	s5 =	sshrl.u32 s5, $0x3;
	s4 =	sadd.s32 $0xFC00, s4;
	s7 =	smax.u32 s7, $0x1  }
0xd: {  	s11 =	simm.s32 @!p0 $0x154C00;
	s10 =	sshrl.u32 s10, $0x3;
	s12 =	sadd.s32 s5, s8  }
0xe: {  	s5 =	sor.u32 $0x1C01, s30;
	s11 =	sadd.s32 s11, s8;
	s8 =	sadd.s32 $0xDC00, s9  }
0xf: {  	s6 =	sadd.s32 $0x1D1C00, s12;
	s9 =	sadd.s32 s31, s11;
	s11 =	simm.s32 $0x1  }
.LBB2_1:
0x10: {  	[spmem:s10], [sflag:s5] =	dma.local [hbm:s4], $0x2800  }
0x11: {  	_ =	swait.ge [sflag:s11], $0x2800  }
0x12: {  	s12 =	sadd.s32 $0x0, s1;
	[sflag:s11] =	ssyncset.done $0x0  }
0x13: {  	p0 =	sgt.u32 s12, $0xF9;
	[sflag:s11] =	ssyncadd.s32 $0xFFFFD800  }
0x14: {  	s12 =	simm.s32 @!p0 $0x0;
	s14 =	simm.s32 @!p0 $0x2;
	[bflag:$0x0] =	sbarrier.arrive $0xFFFF  }
0x15: {  	[tilespmem:s12], [sflag:$0x2] =	stream.linear.gather @!p0 [hbm4b:s8+s12], $0x80, $0x38;
	[tilespmem:$0x18080] =	vst v63  }
0x16: {  	_ =	swait.ge @!p0 [sflag:s14], $0x80  }
0x17: {  	[sflag:s14] =	ssyncset.done @!p0 $0x0;
	p0 =	por p0, p0  }
0x18: {  	[sflag:s14] =	ssyncadd.s32 @!p0 $0xFFFFFF80;
	s16 =	simm.s32 @!p0 $0x80  }
0x19: {  	[tilespmem:s16], [sflag:$0x2] =	stream.linear.gather @!p0 [hbm4b:s9+s12], $0x4000, $0x38;
	[tilespmem:$0x18080] =	vst v63  }
0x1a: {  	_ =	swait.ge @!p0 [sflag:s14], $0x4000  }
0x1b: {  	[sflag:s14] =	ssyncset.done @!p0 $0x0  }
0x1c: {  	s31 =	sadd.s32 $0x10, s1;
	s15 =	simm.s32 @!p0 $0x1;
	[sflag:s14] =	ssyncadd.s32 @!p0 $0xFFFFC000  }
0x1d: {  	[spmem:s2] =	stream.indirect.scatter.add.f32 @!p0 [tilespmem:s16], [sflag:$0x1], $0x80, s12, s16, $0xb8;
	[tilespmem:$0x18080] =	vst v63  }
0x1e: {  	s13 =	simm.s32 $0x20;
	p1 =	sgt.u32 s31, $0xF9;
	_ =	swait.ge @!p0 [sflag:s15], $0x4000  }
0x1f: {  	s14 =	sadd.s32 $0x100, s8;
	s12 =	sadd.s32 $0x8000, s9;
	[sflag:s15] =	ssyncset.done @!p0 $0x0  }
.LBB2_2:
0x20: {  	s16 =	simm.s32 @!p1 $0x0;
	s17 =	simm.s32 @!p1 $0x2;
	[sflag:s15] =	ssyncadd.s32 @!p0 $0xFFFFC000  }
0x21: {  	[tilespmem:s16], [sflag:$0x2] =	stream.linear.gather @!p1 [hbm4b:s14+s16], $0x80, $0x38;
	[tilespmem:$0x18080] =	vst v63  }
0x22: {  	s18 =	smov.u32 s13;
	s13 =	sadd.s32 $0x10, s13;
	_ =	swait.ge @!p1 [sflag:s17], $0x80  }
0x23: {  	p0 =	por p1, p1;
	p2 =	sne.s32 s13, $0x100;
	[sflag:s17] =	ssyncset.done @!p1 $0x0  }
0x24: {  	s19 =	simm.s32 @!p0 $0x80;
	[sflag:s17] =	ssyncadd.s32 @!p0 $0xFFFFFF80  }
0x25: {  	[tilespmem:s19], [sflag:$0x2] =	stream.linear.gather @!p0 [hbm4b:s12+s16], $0x4000, $0x38;
	[tilespmem:$0x18080] =	vst v63  }
0x26: {  	_ =	swait.ge @!p0 [sflag:s17], $0x4000  }
.Ltmp0:
0x27: {  	[sflag:s17] =	ssyncset.done @!p0 $0x0;
	(pc) =	sbr.rel @p2 .LBB2_2-.Ltmp0, $4  }
0x28: {  	s15 =	simm.s32 @!p0 $0x1;
	[sflag:s17] =	ssyncadd.s32 @!p0 $0xFFFFC000  }
0x29: {  	[spmem:s2] =	stream.indirect.scatter.add.f32 @!p0 [tilespmem:s19], [sflag:$0x1], $0x80, s16, s19, $0xb8;
	[tilespmem:$0x18080] =	vst v63  }
0x2a: {  	s12 =	sadd.s32 $0x8000, s12;
	s16 =	sadd.s32 s18, s1;
	_ =	swait.ge @!p0 [sflag:s15], $0x4000  }
0x2b: {  	s14 =	sadd.s32 $0x100, s14;
	p1 =	sgt.u32 s16, $0xF9;
	[sflag:s15] =	ssyncset.done @!p0 $0x0  }
0x2c: {  	s13 =	simm.s32 @!p1 $0x0;
	s16 =	simm.s32 @!p1 $0x2;
	[sflag:s15] =	ssyncadd.s32 @!p0 $0xFFFFC000  }
0x2d: {  	[tilespmem:s13], [sflag:$0x2] =	stream.linear.gather @!p1 [hbm4b:s14+s13], $0x80, $0x38;
	[tilespmem:$0x18080] =	vst v63  }
0x2e: {  	_ =	swait.ge @!p1 [sflag:s16], $0x80  }
0x2f: {  	p0 =	por p1, p1;
	[sflag:s16] =	ssyncset.done @!p1 $0x0  }
0x30: {  	s14 =	simm.s32 @!p0 $0x80;
	[sflag:s16] =	ssyncadd.s32 @!p0 $0xFFFFFF80  }
0x31: {  	[tilespmem:s14], [sflag:$0x2] =	stream.linear.gather @!p0 [hbm4b:s12+s13], $0x4000, $0x38;
	[tilespmem:$0x18080] =	vst v63  }
0x32: {  	_ =	swait.ge @!p0 [sflag:s16], $0x4000  }
0x33: {  	[sflag:s16] =	ssyncset.done @!p0 $0x0  }
0x34: {  	s12 =	simm.s32 @!p0 $0x1;
	[sflag:s16] =	ssyncadd.s32 @!p0 $0xFFFFC000  }
0x35: {  	[spmem:s2] =	stream.indirect.scatter.add.f32 @!p0 [tilespmem:s14], [sflag:$0x1], $0x80, s13, s14, $0xb8;
	[tilespmem:$0x18080] =	vst v63  }
0x36: {  	_ =	swait.ge @!p0 [sflag:s12], $0x4000  }
0x37: {  	s3 =	sadd.s32 $0x1, s3;
	[sflag:s12] =	ssyncset.done @!p0 $0x0  }
0x38: {  	[sflag:s12] =	ssyncadd.s32 @!p0 $0xFFFFC000;
	p0 =	sne.s32 s3, s7  }
.Ltmp1:
0x39: {  	[bflag:$0x0] =	sbarrier.arrive $0xFFFF;
	(pc) =	sbr.rel @p0 .LBB2_1-.Ltmp1, $4  }
0x3a: {  	[hbm:s6], [sflag:s5] =	dma.local [spmem:s10], $0x2800  }
0x3b: {  	_ =	swait.ge [sflag:s11], $0x2800  }
0x3c: {  	[sflag:s11] =	ssyncset.done $0x0  }
0x3d: {  	[sflag:s11] =	ssyncadd.s32 $0xFFFFD800  }
0x3e: {  	_ =	sfence.sel $0x180000  }
0x3f: {  	[bflag:$0x0] =	sbarrier.arrive $0xFFFF  }
0x40: {  	p0 =	sne.s32 s1, $0x0;
	_ =	strace $0x9000005C  }
0x41: {  	s0 =	sadd.s32 @!p0 $0x100000, s0;
	[bflag:$0x2] =	sbarrier.arrive $0xFFFF  }
0x42: {  	[sflag:s0] =	ssyncadd.tile.s32 @!p0 $0x1;
	_ =	shalt  }
.Lfunc_end2:
_tile_overlayer_lowered:
.L_overlay_start_2:
0x43: {  	(tag) =	ssettag $0x2  }
0x44: {  	s0 =	rddreg [dreg:$0x0];
	s2 =	stileid.u32  }
0x45: {  	s1 =	rddreg [dreg:$0x1];
	p0 =	sne.s32 s2, $0x0  }
0x46: {  	s3 =	rddreg [dreg:$0x2];
	[bflag:$0x3] =	sbarrier.arrive $0xFFFF;
	s2 =	simm.s32 @!p0 $0x1C01  }
0x47: {  	[timem:s3], [sflag:s2] =	dma.local @!p0 [hbm:s0], s1  }
0x48: {  	s0 =	simm.s32 @!p0 $0x1  }
0x49: {  	_ =	swait.ge @!p0 [sflag:s0], s1  }
0x4a: {  	s1 =	ssub.s32 @!p0 $0x0, s1;
	[sflag:s0] =	ssyncset.done @!p0 $0x0  }
0x4b: {  	[sflag:s0] =	ssyncadd.s32 @!p0 s1  }
0x4c: {  	[bflag:$0x3] =	sbarrier.arrive $0xFFFF  }
0x4d: {  	_ =	shalt  }

// kernel: kernel.37.cloned.1.call-start
scs
__scs_entry_jumppad:
0x0: {  	(pc) =	sbr.rel $0x88, $3  }
0x1: {  	(tag) =	ssettag $0x0;
	lr =	simm.s32 $0x1  }
0x2: {  	[smem:$0x3F8E] =	sst lr;
	_ =	strace $0xD0000000  }
0x3: {  	_ = 	snop  }
0x4: {  	_ = 	snop  }
0x5: {  	_ = 	snop  }
0x6: {  	_ = 	snop  }
0x7: {  	_ = 	snop  }
__scs_overlays_trampoline_lowered:
0x8: {  	[smem:$0x3F9D] =	sst s0  }
0x9: {  	[smem:$0x3F9E] =	sst s1  }
0xa: {  	[smem:$0x3F9F] =	sst s2  }
0xb: {  	[smem:$0x3FA0] =	sst s3  }
0xc: {  	[smem:$0x3FA1] =	sst s4  }
0xd: {  	[smem:$0x3FA2] =	sst s5  }
0xe: {  	[smem:$0x3FA3] =	sst s6  }
0xf: {  	[smem:$0x3FA4] =	sst s7  }
0x10: {  	[smem:$0x3FA5] =	sst s8  }
0x11: {  	[smem:$0x3FA6] =	sst s9;
	s0 =	simm.s32 @!p0 $0x0  }
0x12: {  	s1 =	sld [smem:$0x3F8C];
	s0 =	simm.s32 @p0 $0x1  }
0x13: {  	[smem:$0x3FA7] =	sst s0;
	s0 =	simm.s32 @!p1 $0x0  }
0x14: {  	s2 =	sld [smem:$0x3F8B];
	s0 =	simm.s32 @p1 $0x1  }
0x15: {  	[smem:$0x3FA8] =	sst s0;
	s0 =	simm.s32 @!p2 $0x0  }
0x16: {  	s3 =	sld [smem:$0x3FDB];
	s0 =	simm.s32 @p2 $0x1  }
0x17: {  	s4 =	simm.s32 $0x1BF5;
	[smem:$0x3FAA] =	sst s0  }
0x18: {  	s0 =	sld [smem:$0x3F8D];
	_ =	swait.ge [sflag:s4], $0x0  }
0x19: {  	s7 =	sld [smem:$0x3F8E]  }
0x1a: {  	s8 =	sadd.s32 $0xFFFFE003, lr  }
0x1b: {  	s9 =	sadd.s32 $0xFFFFFEF7, lr;
	s5 =	simm.s32 $0xFFFFFFFF;
	p2 =	slt.u32 s8, $0xFFFFF086  }
0x1c: {  	p1 =	slt.u32 s9, $0xF7A;
	s5 =	simm.s32 @!p2 $0x0  }
0x1d: {  	s5 =	simm.s32 @p1 $0x1;
	p0 =	seq.s32 s7, s2  }
0x1e: {  	s7 =	smul.u32 @!p0 $0xF7A, s2;
	p2 =	seq.s32 @!p0 s5, $0x0  }
0x1f: {  	s9 =	smul.u32 $0xF7A, s1;
	s8 =	simm.s32 @!p0 $0x1BF5;
	p2 =	por !p2, p0  }
0x20: {  	[sflag:s8] =	ssyncset.s32 @!p0 $0xFFFFF086;
	s6 =	sadd.s32 @!p0 s3, s7;
	s7 =	simm.s32 @!p0 $0x108  }
0x21: {  	s3 =	sadd.s32 s3, s9;
	s6 =	sadd.s32 @!p0 $0x88, s6;
	s7 =	simm.s32 @p2 $0x1082  }
0x22: {  	[simem:s7], [sflag:s8] =	dma.local @!p0 [hbm:s6], $0xF7A  }
0x23: {  	s9 =	sor.u32 $0xD0000000, s2;
	s6 =	simm.s32 $0x108;
	_ =	swait.ge @!p0 [sflag:s8], $0x0  }
0x24: {  	s3 =	sadd.s32 $0x88, s3;
	s6 =	simm.s32 @!p1 $0x1082;
	[sflag:s4] =	ssyncset.s32 $0xFFFFF086  }
0x25: {  	[simem:s6], [sflag:s4] =	dma.local [hbm:s3], $0xF7A  }
0x26: {  	[smem:$0x3F8E] =	sst s1;
	(tag) =	ssettag s2;
	_ =	strace s9  }
0x27: {  	s1 =	sld [smem:$0x3F9E]  }
0x28: {  	s2 =	sld [smem:$0x3F9F]  }
0x29: {  	s4 =	sld [smem:$0x3FA1]  }
0x2a: {  	p0 =	seq.s32 s5, $0x0;
	s5 =	sld [smem:$0x3FA2]  }
0x2b: {  	s6 =	sld [smem:$0x3FA3]  }
0x2c: {  	s7 =	sld [smem:$0x3FA4]  }
0x2d: {  	s3 =	simm.s32 $0x108;
	s8 =	sld [smem:$0x3FA5]  }
0x2e: {  	s3 =	simm.s32 @!p0 $0x1082;
	s9 =	sld [smem:$0x3FA6]  }
0x2f: {  	lr =	sadd.s32 s0, s3;
	s0 =	sld [smem:$0x3F9D]  }
0x30: {  	s3 =	sld [smem:$0x3FA0]  }
0x31: {  	[smem:$0x3FA9] =	sst s10  }
0x32: {  	s10 =	sld [smem:$0x3FA7];
	_ =	sdelay $0x3  }
0x33: {  	p0 =	seq.s32 s10, $0x1;
	s10 =	sld [smem:$0x3FA9];
	_ =	sdelay $0x3  }
0x34: {  	[smem:$0x3FA9] =	sst s10  }
0x35: {  	s10 =	sld [smem:$0x3FA8];
	_ =	sdelay $0x3  }
0x36: {  	p1 =	seq.s32 s10, $0x1;
	s10 =	sld [smem:$0x3FA9];
	_ =	sdelay $0x3  }
0x37: {  	[smem:$0x3FA9] =	sst s10  }
0x38: {  	s10 =	sld [smem:$0x3FAA]  }
0x39: {  	_ = 	snop;
	(pc) =	sbr.ind lr, $3  }
0x3a: {  	_ = 	snop  }
0x3b: {  	_ = 	snop  }
0x3c: {  	p2 =	seq.s32 s10, $0x1;
	s10 =	sld [smem:$0x3FA9]  }
0x3d: {  	_ =	shalt  }
0x3e: {  	_ =	shalt  }
0x3f: {  	_ =	shalt  }
0x40: {  	_ =	shalt  }
0x41: {  	_ =	shalt  }
0x42: {  	_ =	shalt  }
0x43: {  	_ =	shalt  }
0x44: {  	_ =	shalt  }
0x45: {  	_ =	shalt  }
0x46: {  	_ =	shalt  }
0x47: {  	_ =	shalt  }
0x48: {  	_ =	shalt  }
0x49: {  	_ =	shalt  }
0x4a: {  	_ =	shalt  }
0x4b: {  	_ =	shalt  }
0x4c: {  	_ =	shalt  }
0x4d: {  	_ =	shalt  }
0x4e: {  	_ =	shalt  }
0x4f: {  	_ =	shalt  }
0x50: {  	_ =	shalt  }
0x51: {  	_ =	shalt  }
0x52: {  	_ =	shalt  }
0x53: {  	_ =	shalt  }
0x54: {  	_ =	shalt  }
0x55: {  	_ =	shalt  }
0x56: {  	_ =	shalt  }
0x57: {  	_ =	shalt  }
0x58: {  	_ =	shalt  }
0x59: {  	_ =	shalt  }
0x5a: {  	_ =	shalt  }
0x5b: {  	_ =	shalt  }
0x5c: {  	_ =	shalt  }
0x5d: {  	_ =	shalt  }
0x5e: {  	_ =	shalt  }
0x5f: {  	_ =	shalt  }
0x60: {  	_ =	shalt  }
0x61: {  	_ =	shalt  }
0x62: {  	_ =	shalt  }
0x63: {  	_ =	shalt  }
0x64: {  	_ =	shalt  }
0x65: {  	_ =	shalt  }
0x66: {  	_ =	shalt  }
0x67: {  	_ =	shalt  }
0x68: {  	_ =	shalt  }
0x69: {  	_ =	shalt  }
0x6a: {  	_ =	shalt  }
0x6b: {  	_ =	shalt  }
0x6c: {  	_ =	shalt  }
0x6d: {  	_ =	shalt  }
0x6e: {  	_ =	shalt  }
0x6f: {  	_ =	shalt  }
0x70: {  	_ =	shalt  }
0x71: {  	_ =	shalt  }
0x72: {  	_ =	shalt  }
0x73: {  	_ =	shalt  }
0x74: {  	_ =	shalt  }
0x75: {  	_ =	shalt  }
0x76: {  	_ =	shalt  }
0x77: {  	_ =	shalt  }
0x78: {  	_ =	shalt  }
0x79: {  	_ =	shalt  }
0x7a: {  	_ =	shalt  }
0x7b: {  	_ =	shalt  }
0x7c: {  	_ =	shalt  }
0x7d: {  	_ =	shalt  }
0x7e: {  	_ =	shalt  }
0x7f: {  	_ =	shalt  }
0x80: {  	_ =	shalt  }
0x81: {  	_ =	shalt  }
0x82: {  	_ =	shalt  }
0x83: {  	_ =	shalt  }
0x84: {  	_ =	shalt  }
0x85: {  	_ =	shalt  }
0x86: {  	_ =	shalt  }
0x87: {  	_ =	shalt  }
.Lfunc_end0:
.L_simem_size_0:
called_computation.6_lowered:
.L_overlay_start_0:
0x88: {  	s2 =	sld [smem:$0x3FD9]  }
0x89: {  	s3 =	sld [smem:$0x3FFE];
	_ =	sdelay $0x1  }
0x8a: {  	s1 =	srdreg.scid  }
0x8b: {  	s0 =	sand.u32 $0x1, s1  }
0x8c: {  	s17 =	sshll.u32 s0, $0xA;
	s2 =	sadd.s32 s3, s2  }
0x8d: {  	s2 =	sadd.s32 s2, s17  }
0x8e: {  	[smem:$0x3FB5] =	sst s2  }
0x8f: {  	_ = 	snop  }
0x90: {  	s18 =	sld [smem:$0x3FC9];
	(tm) =	ssettm $0x1  }
0x91: {  	s19 =	sld [smem:$0x3FFB];
	_ =	sdelay $0x3  }
0x92: {  	_ =	strace s19  }
0x93: {  	s2 =	sld [smem:$0x3FFC];
	_ =	sdelay $0x3  }
0x94: {  	_ =	strace s2  }
0x95: {  	s2 =	sld [smem:$0x3FFD];
	_ =	sdelay $0x3  }
0x96: {  	_ =	strace s2  }
0x97: {  	_ =	strace $0x8FFFFFFF  }
0x98: {  	s20 =	sld [smem:$0x3FDB];
	_ =	sdelay $0x1  }
0x99: {  	s4 =	simm.s32 $_scs_section_size  }
0x9a: {  	s5 =	simm.s32 $_size__tile_overlayer_lowered;
	s6 =	simm.s32 $_tile_overlayer_lowered  }
0x9b: {  	s7 =	simm.s32 $0x1BFF;
	s21 =	sshll.u32 s6, $0x1;
	s4 =	sadd.s32 s4, s20  }
0x9c: {  	s22 =	simm.s32 $0x0;
	s5 =	sshll.u32 s5, $0x1;
	s6 =	sadd.s32 s21, s4  }
0x9d: {  	[timem:s22], [sflag:s7] =	dma.local [hbm:s6], s5  }
0x9e: {  	_ =	swait.ge [sflag:s7], s5  }
0x9f: {  	s5 =	ssub.s32 $0x0, s5;
	[sflag:s7] =	ssyncset.done $0x0  }
0xa0: {  	[sflag:s7] =	ssyncadd.s32 s5;
	_ =	sdelay $0x1  }
0xa1: {  	s23 =	simm.s32 $0x1B8B  }
0xa2: {  	_ =	swait.ge [sflag:s23], $0x1  }
0xa3: {  	[sflag:s23] =	ssyncset.done $0x0  }
0xa4: {  	[sflag:s23] =	ssyncadd.s32 $0xFFFFFFFF  }
0xa5: {  	s5 =	sld [smem:$0x0]  }
0xa6: {  	s6 =	sand.u32 $0xFFFFFFFE, s1  }
0xa7: {  	p0 =	sne.s32 s1, s6  }
0xa8: {  	s6 =	sshll.u32 @p0 s6, $0xE  }
0xa9: {  	s6 =	sadd.s32 @p0 $0x11B8D, s6;
	s7 =	sshll.u32 @p0 s5, $0x11  }
0xaa: {  	s6 =	sor.u32 @p0 s7, s6  }
0xab: {  	[sflag:s6] =	ssyncadd.remote.s32 @p0 $0x1;
	_ =	sdelay $0x1  }
0xac: {  	s6 =	simm.s32 @p0 $0x1B8D  }
0xad: {  	_ =	swait.eq @p0 [sflag:s6], $0x1  }
0xae: {  	[sflag:s6] =	ssyncadd.s32 @p0 $0xFFFFFFFF  }
0xaf: {  	s7 =	sshll.u32 @!p0 s1, $0xE  }
0xb0: {  	s7 =	sor.u32 @!p0 $0x4000, s7;
	s6 =	simm.s32 @!p0 $0x1B8D  }
0xb1: {  	s5 =	sshll.u32 @!p0 s5, $0x11;
	s7 =	sadd.s32 @!p0 $0x11B8D, s7;
	_ =	swait.eq @!p0 [sflag:s6], $0x1  }
0xb2: {  	s5 =	sor.u32 @!p0 s5, s7;
	[sflag:s6] =	ssyncadd.s32 @!p0 $0xFFFFFFFF  }
0xb3: {  	s25 =	simm.s32 $0x1B8E;
	s24 =	sld [smem:$0x3FFE];
	[sflag:s5] =	ssyncadd.remote.s32 @!p0 $0x1  }
0xb4: {  	s26 =	simm.s32 $execute0_lowered;
	[smem:$0x3FD2] =	sst s25  }
0xb5: {  	s6 =	sshll.u32 s26, $0x1;
	_ =	strace $0x80000049;
	[dreg:$0x1] =	wrdreg $0xFFFFFFFF  }
0xb6: {  	s28 =	simm.s32 $_size_execute0_lowered;
	s4 =	sadd.s32 s4, s6;
	[dreg:$0x0] =	wrdreg $0x0  }
0xb7: {  	s6 =	sshll.u32 s28, $0x1;
	[dreg:$0x2] =	wrdreg s4  }
0xb8: {  	[dreg:$0x3] =	wrdreg s6  }
0xb9: {  	[dreg:$0x4] =	wrdreg $0xC0  }
0xba: {  	_ =	task [dreg:s22], $0x5FFFF  }
0xbb: {  	[dreg:$0x1] =	wrdreg $0xFFFFFFFF  }
0xbc: {  	[dreg:$0x0] =	wrdreg $0x60  }
0xbd: {  	[dreg:$0x2] =	wrdreg s18  }
0xbe: {  	[dreg:$0x3] =	wrdreg s24  }
0xbf: {  	[dreg:$0x4] =	wrdreg $0xC  }
0xc0: {  	_ =	task.clear_ibuf [dreg:s22], $0x5FFFF;
	_ =	strace $0x90000049  }
0xc1: {  	s29 =	simm.s32 $0xC;
	_ =	strace $0x8000004B  }
0xc2: {  	_ =	swait.ge [sflag:s29], $0x1  }
0xc3: {  	[sflag:s29] =	ssyncadd.s32 $0xFFFFFFFF  }
0xc4: {  	_ =	strace $0x9000004B  }
0xc5: {  	_ =	sfence  }
0xc6: {  	s30 =	sld [smem:$0x0];
	_ =	sdelay $0x2  }
0xc7: {  	s31 =	sshll.u32 s1, $0xD;
	s1 =	sshrl.u32 s1, $0x2  }
0xc8: {  	s4 =	sand.u32 $0x4000, s31;
	s1 =	sadd.s32 s1, s30  }
0xc9: {  	s0 =	sor.u32 s4, s0;
	s1 =	sshll.u32 s1, $0x11  }
0xca: {  	s0 =	sor.u32 s1, s0  }
0xcb: {  	s0 =	sadd.s32 $0x8F2B, s0  }
0xcc: {  	[sflag:s0] =	ssyncadd.remote.s32 $0x1  }
0xcd: {  	_ =	sfence.sel $0xFFFF  }
0xce: {  	[dreg:$0x0] =	wrdreg $0xFFFFFFFF;
	(pc) =	sbr.abs _section_cstart, $3  }
0xcf: {  	[dreg:$0x1] =	wrdreg $0xFFFFFFFF  }
0xd0: {  	_ =	task.clear_ibuf [dreg:s22], $0x2FFFF;
	_ =	strace $0x9FFFFFFF  }
0xd1: {  	(tm) =	ssettm $0x7FFFFFFF  }
tec
execute0_lowered:
.L_overlay_start_1:
0x0: {  	(tag) =	ssettag $0x1  }
0x1: {  	s1 =	rddreg [dreg:$0x0]  }
0x2: {  	s4 =	rddreg [dreg:$0x1]  }
0x3: {  	s0 =	rddreg [dreg:$0x2];
	s3 =	simm.s32 $0x0;
	s5 =	srdreg.scid  }
0x4: {  	s2 =	stileid.u32;
	[smem:$0x7FF] =	sst s3;
	s5 =	sand.u32 $0x1, s5  }
0x5: {  	s6 =	sshll.u32 s2, $0x5;
	s8 =	sshll.u32 s2, $0xC;
	_ =	strace $0x8000004A  }
0x6: {  	s7 =	ssub.s32 $0x2, s5;
	s6 =	sadd.s32 s6, s4;
	s8 =	sadd.s32 s8, s4  }
0x7: {  	s30 =	sshll.u32 s5, $0x4;
	s4 =	sshll.u32 s2, $0x1;
	s9 =	sshrl.u32 s7, $0x1  }
0x8: {  	s31 =	sshll.u32 s5, $0xB;
	s6 =	sadd.s32 s30, s6;
	s7 =	ssub.s32 s7, s9  }
0x9: {  	s5 =	sadd.s32 $0xCC00, s6;
	s6 =	sadd.s32 $0x8C00, s6;
	s9 =	sadd.s32 s31, s8  }
0xa: {  	s7 =	smax.u32 s7, $0x1;
	s8 =	sadd.s32 $0x186C00, s9;
	s9 =	sadd.s32 $0x109C00, s9  }
.LBB2_1:
0xb: {  	p0 =	sgt.u32 s4, $0xF9  }
0xc: {  	s10 =	sadd.s32 @!p0 $0x0, s6;
	s11 =	simm.s32 @!p0 $0x0;
	s14 =	simm.s32 @!p0 $0x4  }
0xd: {  	[tilespmem:s11], [sflag:$0x4] =	stream.linear.gather @!p0 [hbm4b:s10+s11], $0x80, $0x38;
	[tilespmem:$0x8100] =	vst v63  }
0xe: {  	_ =	swait.ge @!p0 [sflag:s14], $0x80;
	p0 =	por p0, p0  }
0xf: {  	[sflag:s14] =	ssyncset.done @!p0 $0x0  }
0x10: {  	s10 =	sadd.s32 @!p0 $0x0, s5;
	s12 =	simm.s32 @!p0 $0x80;
	[sflag:s14] =	ssyncadd.s32 @!p0 $0xFFFFFF80  }
0x11: {  	[tilespmem:s12], [sflag:$0x4] =	stream.linear.gather @!p0 [hbm4b:s10+s11], $0x80, $0x38;
	[tilespmem:$0x8100] =	vst v63  }
0x12: {  	_ =	swait.ge @!p0 [sflag:s14], $0x80  }
0x13: {  	[sflag:s14] =	ssyncset.done @!p0 $0x0  }
0x14: {  	s10 =	simm.s32 @!p0 $0x100;
	[sflag:s14] =	ssyncadd.s32 @!p0 $0xFFFFFF80  }
0x15: {  	[tilespmem:s10], [sflag:$0x1] =	stream.indirect.gather @!p0 [hbm4b:s1+s12], $0x80, s11, s12, $0xb8;
	[tilespmem:$0x8100] =	vst v63  }
0x16: {  	s15 =	simm.s32 @!p0 $0x4100;
	s13 =	simm.s32 @!p0 $0x1  }
0x17: {  	[tilespmem:s15], [sflag:$0x2] =	stream.indirect.gather @!p0 [hbm4b:s1+s12], $0x80, s12, s12, $0xb8;
	[tilespmem:$0x8100] =	vst v63  }
0x18: {  	_ =	swait.ge @!p0 [sflag:s13], $0x4000  }
0x19: {  	[sflag:s13] =	ssyncset.done @!p0 $0x0  }
0x1a: {  	s12 =	simm.s32 @!p0 $0x2;
	[sflag:s13] =	ssyncadd.s32 @!p0 $0xFFFFC000  }
0x1b: {  	_ =	swait.ge @!p0 [sflag:s12], $0x4000  }
0x1c: {  	[sflag:s12] =	ssyncset.done @!p0 $0x0  }
0x1d: {  	[sflag:s12] =	ssyncadd.s32 @!p0 $0xFFFFC000  }
0x1e: {  	[hbm4b:s9+s11] =	stream.linear.scatter @!p0 [tilespmem:s10], [sflag:$0x4], $0x4000, $0x38;
	[tilespmem:$0x8100] =	vst v63  }
0x1f: {  	_ =	swait.ge @!p0 [sflag:s14], $0x4000  }
0x20: {  	[sflag:s14] =	ssyncset.done @!p0 $0x0  }
0x21: {  	s13 =	simm.s32 $0x400;
	s12 =	simm.s32 $0x200;
	[sflag:s14] =	ssyncadd.s32 @!p0 $0xFFFFC000  }
0x22: {  	[hbm4b:s8+s11] =	stream.linear.scatter @!p0 [tilespmem:s15], [sflag:$0x3], $0x4000, $0x38;
	[tilespmem:$0x8100] =	vst v63  }
0x23: {  	s10 =	sadd.s32 $0x10000, s9;
	s14 =	sadd.s32 $0x20, s4;
	s15 =	simm.s32 @!p0 $0x3  }
0x24: {  	p2 =	sgt.u32 s14, $0xF9;
	s11 =	sadd.s32 $0x10000, s8;
	_ =	swait.ge @!p0 [sflag:s15], $0x4000  }
.LBB2_2:
0x25: {  	s16 =	sadd.s32 @!p2 s12, s6  }
0x26: {  	s17 =	simm.s32 @!p2 $0x0;
	[sflag:s15] =	ssyncset.done @!p0 $0x0;
	s18 =	smov.u32 s13  }
0x27: {  	s13 =	sadd.s32 $0x200, s13;
	s19 =	simm.s32 @!p2 $0x4;
	[sflag:s15] =	ssyncadd.s32 @!p0 $0xFFFFC000  }
0x28: {  	[tilespmem:s17], [sflag:$0x4] =	stream.linear.gather @!p2 [hbm4b:s16+s17], $0x80, $0x38;
	[tilespmem:$0x8100] =	vst v63  }
0x29: {  	p1 =	sne.s32 s13, $0x1000;
	p0 =	por p2, p2;
	_ =	swait.ge @!p2 [sflag:s19], $0x80  }
0x2a: {  	[sflag:s19] =	ssyncset.done @!p0 $0x0  }
0x2b: {  	s12 =	sadd.s32 @!p0 s12, s5;
	s15 =	simm.s32 @!p0 $0x80;
	[sflag:s19] =	ssyncadd.s32 @!p0 $0xFFFFFF80  }
0x2c: {  	[tilespmem:s15], [sflag:$0x4] =	stream.linear.gather @!p0 [hbm4b:s12+s17], $0x80, $0x38;
	[tilespmem:$0x8100] =	vst v63  }
0x2d: {  	s12 =	smov.u32 s18;
	_ =	swait.ge @!p0 [sflag:s19], $0x80  }
0x2e: {  	[sflag:s19] =	ssyncset.done @!p0 $0x0  }
0x2f: {  	s16 =	simm.s32 @!p0 $0x100;
	[sflag:s19] =	ssyncadd.s32 @!p0 $0xFFFFFF80  }
0x30: {  	[tilespmem:s16], [sflag:$0x1] =	stream.indirect.gather @!p0 [hbm4b:s1+s15], $0x80, s17, s15, $0xb8;
	[tilespmem:$0x8100] =	vst v63  }
0x31: {  	s20 =	simm.s32 @!p0 $0x1;
	s18 =	simm.s32 @!p0 $0x4100  }
0x32: {  	[tilespmem:s18], [sflag:$0x2] =	stream.indirect.gather @!p0 [hbm4b:s1+s15], $0x80, s15, s15, $0xb8;
	[tilespmem:$0x8100] =	vst v63  }
0x33: {  	_ =	swait.ge @!p0 [sflag:s20], $0x4000  }
0x34: {  	[sflag:s20] =	ssyncset.done @!p0 $0x0  }
0x35: {  	s15 =	simm.s32 @!p0 $0x2;
	[sflag:s20] =	ssyncadd.s32 @!p0 $0xFFFFC000  }
0x36: {  	_ =	swait.ge @!p0 [sflag:s15], $0x4000  }
0x37: {  	[sflag:s15] =	ssyncset.done @!p0 $0x0  }
0x38: {  	[sflag:s15] =	ssyncadd.s32 @!p0 $0xFFFFC000  }
0x39: {  	[hbm4b:s10+s17] =	stream.linear.scatter @!p0 [tilespmem:s16], [sflag:$0x4], $0x4000, $0x38;
	[tilespmem:$0x8100] =	vst v63  }
.Ltmp0:
0x3a: {  	_ =	swait.ge @!p0 [sflag:s19], $0x4000;
	(pc) =	sbr.rel @p1 .LBB2_2-.Ltmp0, $4  }
0x3b: {  	s10 =	sadd.s32 $0x10000, s10;
	[sflag:s19] =	ssyncset.done @!p0 $0x0  }
0x3c: {  	s14 =	sadd.s32 $0x20, s14;
	s15 =	simm.s32 @!p0 $0x3;
	[sflag:s19] =	ssyncadd.s32 @!p0 $0xFFFFC000  }
0x3d: {  	[hbm4b:s11+s17] =	stream.linear.scatter @!p0 [tilespmem:s18], [sflag:$0x3], $0x4000, $0x38;
	[tilespmem:$0x8100] =	vst v63  }
0x3e: {  	p2 =	sgt.u32 s14, $0xF9;
	s11 =	sadd.s32 $0x10000, s11;
	_ =	swait.ge @!p0 [sflag:s15], $0x4000  }
0x3f: {  	s13 =	sadd.s32 @!p2 s12, s6;
	[sflag:s15] =	ssyncset.done @!p0 $0x0  }
0x40: {  	s14 =	simm.s32 @!p2 $0x0;
	s16 =	simm.s32 @!p2 $0x4;
	[sflag:s15] =	ssyncadd.s32 @!p0 $0xFFFFC000  }
0x41: {  	[tilespmem:s14], [sflag:$0x4] =	stream.linear.gather @!p2 [hbm4b:s13+s14], $0x80, $0x38;
	[tilespmem:$0x8100] =	vst v63  }
0x42: {  	p0 =	por p2, p2;
	_ =	swait.ge @!p2 [sflag:s16], $0x80  }
0x43: {  	[sflag:s16] =	ssyncset.done @!p0 $0x0  }
0x44: {  	s12 =	sadd.s32 @!p0 s12, s5;
	s13 =	simm.s32 @!p0 $0x80;
	[sflag:s16] =	ssyncadd.s32 @!p0 $0xFFFFFF80  }
0x45: {  	[tilespmem:s13], [sflag:$0x4] =	stream.linear.gather @!p0 [hbm4b:s12+s14], $0x80, $0x38;
	[tilespmem:$0x8100] =	vst v63  }
0x46: {  	_ =	swait.ge @!p0 [sflag:s16], $0x80  }
0x47: {  	[sflag:s16] =	ssyncset.done @!p0 $0x0  }
0x48: {  	s12 =	simm.s32 @!p0 $0x100;
	[sflag:s16] =	ssyncadd.s32 @!p0 $0xFFFFFF80  }
0x49: {  	[tilespmem:s12], [sflag:$0x1] =	stream.indirect.gather @!p0 [hbm4b:s1+s13], $0x80, s14, s13, $0xb8;
	[tilespmem:$0x8100] =	vst v63  }
0x4a: {  	s15 =	simm.s32 @!p0 $0x4100;
	s17 =	simm.s32 @!p0 $0x1  }
0x4b: {  	[tilespmem:s15], [sflag:$0x2] =	stream.indirect.gather @!p0 [hbm4b:s1+s13], $0x80, s13, s13, $0xb8;
	[tilespmem:$0x8100] =	vst v63  }
0x4c: {  	_ =	swait.ge @!p0 [sflag:s17], $0x4000  }
0x4d: {  	[sflag:s17] =	ssyncset.done @!p0 $0x0  }
0x4e: {  	s13 =	simm.s32 @!p0 $0x2;
	[sflag:s17] =	ssyncadd.s32 @!p0 $0xFFFFC000  }
0x4f: {  	_ =	swait.ge @!p0 [sflag:s13], $0x4000  }
0x50: {  	[sflag:s13] =	ssyncset.done @!p0 $0x0  }
0x51: {  	[sflag:s13] =	ssyncadd.s32 @!p0 $0xFFFFC000  }
0x52: {  	[hbm4b:s10+s14] =	stream.linear.scatter @!p0 [tilespmem:s12], [sflag:$0x4], $0x4000, $0x38;
	[tilespmem:$0x8100] =	vst v63  }
0x53: {  	s3 =	sadd.s32 $0x1, s3;
	_ =	swait.ge @!p0 [sflag:s16], $0x4000  }
0x54: {  	p1 =	sne.s32 s3, s7;
	[sflag:s16] =	ssyncset.done @!p0 $0x0  }
.Ltmp1:
0x55: {  	s10 =	simm.s32 @!p0 $0x3;
	[sflag:s16] =	ssyncadd.s32 @!p0 $0xFFFFC000;
	(pc) =	sbr.rel @p1 .LBB2_1-.Ltmp1, $4  }
0x56: {  	[hbm4b:s11+s14] =	stream.linear.scatter @!p0 [tilespmem:s15], [sflag:$0x3], $0x4000, $0x38;
	[tilespmem:$0x8100] =	vst v63  }
0x57: {  	_ =	swait.ge @!p0 [sflag:s10], $0x4000  }
0x58: {  	[sflag:s10] =	ssyncset.done @!p0 $0x0  }
0x59: {  	[sflag:s10] =	ssyncadd.s32 @!p0 $0xFFFFC000  }
0x5a: {  	_ =	sfence.sel $0x180000  }
0x5b: {  	[bflag:$0x0] =	sbarrier.arrive $0xFFFF  }
0x5c: {  	p0 =	sne.s32 s2, $0x0;
	_ =	strace $0x9000004A  }
0x5d: {  	s0 =	sadd.s32 @!p0 $0x100000, s0;
	[bflag:$0x2] =	sbarrier.arrive $0xFFFF  }
0x5e: {  	[sflag:s0] =	ssyncadd.tile.s32 @!p0 $0x1;
	_ =	shalt  }
.Lfunc_end2:
_tile_overlayer_lowered:
.L_overlay_start_2:
0x5f: {  	(tag) =	ssettag $0x2  }
0x60: {  	s0 =	rddreg [dreg:$0x0];
	s2 =	stileid.u32  }
0x61: {  	s1 =	rddreg [dreg:$0x1];
	p0 =	sne.s32 s2, $0x0  }
0x62: {  	s3 =	rddreg [dreg:$0x2];
	[bflag:$0x3] =	sbarrier.arrive $0xFFFF;
	s2 =	simm.s32 @!p0 $0x1C03  }
0x63: {  	[timem:s3], [sflag:s2] =	dma.local @!p0 [hbm:s0], s1  }
0x64: {  	s0 =	simm.s32 @!p0 $0x3  }
0x65: {  	_ =	swait.ge @!p0 [sflag:s0], s1  }
0x66: {  	s1 =	ssub.s32 @!p0 $0x0, s1;
	[sflag:s0] =	ssyncset.done @!p0 $0x0  }
0x67: {  	[sflag:s0] =	ssyncadd.s32 @!p0 s1  }
0x68: {  	[bflag:$0x3] =	sbarrier.arrive $0xFFFF  }
0x69: {  	_ =	shalt  }

// kernel: kernel.40.cloned.1.call-start
scs
__scs_entry_jumppad:
0x0: {  	(pc) =	sbr.rel $0x88, $3  }
0x1: {  	(tag) =	ssettag $0x0;
	lr =	simm.s32 $0x1  }
0x2: {  	[smem:$0x3F8E] =	sst lr;
	_ =	strace $0xD0000000  }
0x3: {  	_ = 	snop  }
0x4: {  	_ = 	snop  }
0x5: {  	_ = 	snop  }
0x6: {  	_ = 	snop  }
0x7: {  	_ = 	snop  }
__scs_overlays_trampoline_lowered:
0x8: {  	[smem:$0x3F9D] =	sst s0  }
0x9: {  	[smem:$0x3F9E] =	sst s1  }
0xa: {  	[smem:$0x3F9F] =	sst s2  }
0xb: {  	[smem:$0x3FA0] =	sst s3  }
0xc: {  	[smem:$0x3FA1] =	sst s4  }
0xd: {  	[smem:$0x3FA2] =	sst s5  }
0xe: {  	[smem:$0x3FA3] =	sst s6  }
0xf: {  	[smem:$0x3FA4] =	sst s7  }
0x10: {  	[smem:$0x3FA5] =	sst s8  }
0x11: {  	[smem:$0x3FA6] =	sst s9;
	s0 =	simm.s32 @!p0 $0x0  }
0x12: {  	s1 =	sld [smem:$0x3F8C];
	s0 =	simm.s32 @p0 $0x1  }
0x13: {  	[smem:$0x3FA7] =	sst s0;
	s0 =	simm.s32 @!p1 $0x0  }
0x14: {  	s2 =	sld [smem:$0x3F8B];
	s0 =	simm.s32 @p1 $0x1  }
0x15: {  	[smem:$0x3FA8] =	sst s0;
	s0 =	simm.s32 @!p2 $0x0  }
0x16: {  	s3 =	sld [smem:$0x3FDB];
	s0 =	simm.s32 @p2 $0x1  }
0x17: {  	s4 =	simm.s32 $0x1BF5;
	[smem:$0x3FAA] =	sst s0  }
0x18: {  	s0 =	sld [smem:$0x3F8D];
	_ =	swait.ge [sflag:s4], $0x0  }
0x19: {  	s7 =	sld [smem:$0x3F8E]  }
0x1a: {  	s8 =	sadd.s32 $0xFFFFE003, lr  }
0x1b: {  	s9 =	sadd.s32 $0xFFFFFEF7, lr;
	s5 =	simm.s32 $0xFFFFFFFF;
	p2 =	slt.u32 s8, $0xFFFFF086  }
0x1c: {  	p1 =	slt.u32 s9, $0xF7A;
	s5 =	simm.s32 @!p2 $0x0  }
0x1d: {  	s5 =	simm.s32 @p1 $0x1;
	p0 =	seq.s32 s7, s2  }
0x1e: {  	s7 =	smul.u32 @!p0 $0xF7A, s2;
	p2 =	seq.s32 @!p0 s5, $0x0  }
0x1f: {  	s9 =	smul.u32 $0xF7A, s1;
	s8 =	simm.s32 @!p0 $0x1BF5;
	p2 =	por !p2, p0  }
0x20: {  	[sflag:s8] =	ssyncset.s32 @!p0 $0xFFFFF086;
	s6 =	sadd.s32 @!p0 s3, s7;
	s7 =	simm.s32 @!p0 $0x108  }
0x21: {  	s3 =	sadd.s32 s3, s9;
	s6 =	sadd.s32 @!p0 $0x88, s6;
	s7 =	simm.s32 @p2 $0x1082  }
0x22: {  	[simem:s7], [sflag:s8] =	dma.local @!p0 [hbm:s6], $0xF7A  }
0x23: {  	s9 =	sor.u32 $0xD0000000, s2;
	s6 =	simm.s32 $0x108;
	_ =	swait.ge @!p0 [sflag:s8], $0x0  }
0x24: {  	s3 =	sadd.s32 $0x88, s3;
	s6 =	simm.s32 @!p1 $0x1082;
	[sflag:s4] =	ssyncset.s32 $0xFFFFF086  }
0x25: {  	[simem:s6], [sflag:s4] =	dma.local [hbm:s3], $0xF7A  }
0x26: {  	[smem:$0x3F8E] =	sst s1;
	(tag) =	ssettag s2;
	_ =	strace s9  }
0x27: {  	s1 =	sld [smem:$0x3F9E]  }
0x28: {  	s2 =	sld [smem:$0x3F9F]  }
0x29: {  	s4 =	sld [smem:$0x3FA1]  }
0x2a: {  	p0 =	seq.s32 s5, $0x0;
	s5 =	sld [smem:$0x3FA2]  }
0x2b: {  	s6 =	sld [smem:$0x3FA3]  }
0x2c: {  	s7 =	sld [smem:$0x3FA4]  }
0x2d: {  	s3 =	simm.s32 $0x108;
	s8 =	sld [smem:$0x3FA5]  }
0x2e: {  	s3 =	simm.s32 @!p0 $0x1082;
	s9 =	sld [smem:$0x3FA6]  }
0x2f: {  	lr =	sadd.s32 s0, s3;
	s0 =	sld [smem:$0x3F9D]  }
0x30: {  	s3 =	sld [smem:$0x3FA0]  }
0x31: {  	[smem:$0x3FA9] =	sst s10  }
0x32: {  	s10 =	sld [smem:$0x3FA7];
	_ =	sdelay $0x3  }
0x33: {  	p0 =	seq.s32 s10, $0x1;
	s10 =	sld [smem:$0x3FA9];
	_ =	sdelay $0x3  }
0x34: {  	[smem:$0x3FA9] =	sst s10  }
0x35: {  	s10 =	sld [smem:$0x3FA8];
	_ =	sdelay $0x3  }
0x36: {  	p1 =	seq.s32 s10, $0x1;
	s10 =	sld [smem:$0x3FA9];
	_ =	sdelay $0x3  }
0x37: {  	[smem:$0x3FA9] =	sst s10  }
0x38: {  	s10 =	sld [smem:$0x3FAA]  }
0x39: {  	_ = 	snop;
	(pc) =	sbr.ind lr, $3  }
0x3a: {  	_ = 	snop  }
0x3b: {  	_ = 	snop  }
0x3c: {  	p2 =	seq.s32 s10, $0x1;
	s10 =	sld [smem:$0x3FA9]  }
0x3d: {  	_ =	shalt  }
0x3e: {  	_ =	shalt  }
0x3f: {  	_ =	shalt  }
0x40: {  	_ =	shalt  }
0x41: {  	_ =	shalt  }
0x42: {  	_ =	shalt  }
0x43: {  	_ =	shalt  }
0x44: {  	_ =	shalt  }
0x45: {  	_ =	shalt  }
0x46: {  	_ =	shalt  }
0x47: {  	_ =	shalt  }
0x48: {  	_ =	shalt  }
0x49: {  	_ =	shalt  }
0x4a: {  	_ =	shalt  }
0x4b: {  	_ =	shalt  }
0x4c: {  	_ =	shalt  }
0x4d: {  	_ =	shalt  }
0x4e: {  	_ =	shalt  }
0x4f: {  	_ =	shalt  }
0x50: {  	_ =	shalt  }
0x51: {  	_ =	shalt  }
0x52: {  	_ =	shalt  }
0x53: {  	_ =	shalt  }
0x54: {  	_ =	shalt  }
0x55: {  	_ =	shalt  }
0x56: {  	_ =	shalt  }
0x57: {  	_ =	shalt  }
0x58: {  	_ =	shalt  }
0x59: {  	_ =	shalt  }
0x5a: {  	_ =	shalt  }
0x5b: {  	_ =	shalt  }
0x5c: {  	_ =	shalt  }
0x5d: {  	_ =	shalt  }
0x5e: {  	_ =	shalt  }
0x5f: {  	_ =	shalt  }
0x60: {  	_ =	shalt  }
0x61: {  	_ =	shalt  }
0x62: {  	_ =	shalt  }
0x63: {  	_ =	shalt  }
0x64: {  	_ =	shalt  }
0x65: {  	_ =	shalt  }
0x66: {  	_ =	shalt  }
0x67: {  	_ =	shalt  }
0x68: {  	_ =	shalt  }
0x69: {  	_ =	shalt  }
0x6a: {  	_ =	shalt  }
0x6b: {  	_ =	shalt  }
0x6c: {  	_ =	shalt  }
0x6d: {  	_ =	shalt  }
0x6e: {  	_ =	shalt  }
0x6f: {  	_ =	shalt  }
0x70: {  	_ =	shalt  }
0x71: {  	_ =	shalt  }
0x72: {  	_ =	shalt  }
0x73: {  	_ =	shalt  }
0x74: {  	_ =	shalt  }
0x75: {  	_ =	shalt  }
0x76: {  	_ =	shalt  }
0x77: {  	_ =	shalt  }
0x78: {  	_ =	shalt  }
0x79: {  	_ =	shalt  }
0x7a: {  	_ =	shalt  }
0x7b: {  	_ =	shalt  }
0x7c: {  	_ =	shalt  }
0x7d: {  	_ =	shalt  }
0x7e: {  	_ =	shalt  }
0x7f: {  	_ =	shalt  }
0x80: {  	_ =	shalt  }
0x81: {  	_ =	shalt  }
0x82: {  	_ =	shalt  }
0x83: {  	_ =	shalt  }
0x84: {  	_ =	shalt  }
0x85: {  	_ =	shalt  }
0x86: {  	_ =	shalt  }
0x87: {  	_ =	shalt  }
.Lfunc_end0:
.L_simem_size_0:
called_computation.7_lowered:
.L_overlay_start_0:
0x88: {  	s2 =	sld [smem:$0x3FD9]  }
0x89: {  	s3 =	sld [smem:$0x3FFE];
	_ =	sdelay $0x1  }
0x8a: {  	s1 =	srdreg.scid  }
0x8b: {  	s0 =	sand.u32 $0x1, s1  }
0x8c: {  	s17 =	sshll.u32 s0, $0xA;
	s2 =	sadd.s32 s3, s2  }
0x8d: {  	s2 =	sadd.s32 s2, s17  }
0x8e: {  	[smem:$0x3FB5] =	sst s2  }
0x8f: {  	_ = 	snop  }
0x90: {  	(tm) =	ssettm $0x1  }
0x91: {  	s18 =	sld [smem:$0x3FFB];
	_ =	sdelay $0x3  }
0x92: {  	_ =	strace s18  }
0x93: {  	s2 =	sld [smem:$0x3FFC];
	_ =	sdelay $0x3  }
0x94: {  	_ =	strace s2  }
0x95: {  	s2 =	sld [smem:$0x3FFD];
	_ =	sdelay $0x3  }
0x96: {  	_ =	strace s2  }
0x97: {  	_ =	strace $0x8FFFFFFF  }
0x98: {  	s19 =	sld [smem:$0x3FDB];
	_ =	sdelay $0x1  }
0x99: {  	s20 =	simm.s32 $_scs_section_size  }
0x9a: {  	s4 =	simm.s32 $_size__tile_overlayer_lowered;
	s5 =	simm.s32 $_tile_overlayer_lowered  }
0x9b: {  	s6 =	simm.s32 $0x1BFF;
	s21 =	sshll.u32 s5, $0x1;
	s3 =	sadd.s32 s20, s19  }
0x9c: {  	s22 =	simm.s32 $0x0;
	s4 =	sshll.u32 s4, $0x1;
	s5 =	sadd.s32 s21, s3  }
0x9d: {  	[timem:s22], [sflag:s6] =	dma.local [hbm:s5], s4  }
0x9e: {  	_ =	swait.ge [sflag:s6], s4  }
0x9f: {  	s4 =	ssub.s32 $0x0, s4;
	[sflag:s6] =	ssyncset.done $0x0  }
0xa0: {  	[sflag:s6] =	ssyncadd.s32 s4;
	_ =	sdelay $0x1  }
0xa1: {  	s23 =	simm.s32 $0x1B8B  }
0xa2: {  	_ =	swait.ge [sflag:s23], $0x1  }
0xa3: {  	[sflag:s23] =	ssyncset.done $0x0  }
0xa4: {  	[sflag:s23] =	ssyncadd.s32 $0xFFFFFFFF  }
0xa5: {  	s4 =	sld [smem:$0x0]  }
0xa6: {  	s5 =	sand.u32 $0xFFFFFFFE, s1  }
0xa7: {  	p0 =	sne.s32 s1, s5  }
0xa8: {  	s5 =	sshll.u32 @p0 s5, $0xE  }
0xa9: {  	s5 =	sadd.s32 @p0 $0x11B8D, s5;
	s6 =	sshll.u32 @p0 s4, $0x11  }
0xaa: {  	s5 =	sor.u32 @p0 s6, s5  }
0xab: {  	[sflag:s5] =	ssyncadd.remote.s32 @p0 $0x1;
	_ =	sdelay $0x1  }
0xac: {  	s5 =	simm.s32 @p0 $0x1B8D  }
0xad: {  	_ =	swait.eq @p0 [sflag:s5], $0x1  }
0xae: {  	[sflag:s5] =	ssyncadd.s32 @p0 $0xFFFFFFFF  }
0xaf: {  	s6 =	sshll.u32 @!p0 s1, $0xE  }
0xb0: {  	s6 =	sor.u32 @!p0 $0x4000, s6;
	s5 =	simm.s32 @!p0 $0x1B8D  }
0xb1: {  	s4 =	sshll.u32 @!p0 s4, $0x11;
	s6 =	sadd.s32 @!p0 $0x11B8D, s6;
	_ =	swait.eq @!p0 [sflag:s5], $0x1  }
0xb2: {  	s4 =	sor.u32 @!p0 s4, s6;
	[sflag:s5] =	ssyncadd.s32 @!p0 $0xFFFFFFFF  }
0xb3: {  	s25 =	simm.s32 $0x1B8E;
	s24 =	sld [smem:$0x3FFE];
	[sflag:s4] =	ssyncadd.remote.s32 @!p0 $0x1  }
0xb4: {  	s26 =	simm.s32 $execute0_lowered;
	[smem:$0x3FD2] =	sst s25  }
0xb5: {  	s5 =	sshll.u32 s26, $0x1;
	_ =	strace $0x80000058;
	[dreg:$0x1] =	wrdreg $0xFFFFFFFF  }
0xb6: {  	s28 =	simm.s32 $_size_execute0_lowered;
	s3 =	sadd.s32 s3, s5;
	[dreg:$0x0] =	wrdreg $0x0  }
0xb7: {  	s5 =	sshll.u32 s28, $0x1;
	[dreg:$0x2] =	wrdreg s3  }
0xb8: {  	[dreg:$0x3] =	wrdreg s5  }
0xb9: {  	[dreg:$0x4] =	wrdreg $0xC0  }
0xba: {  	_ =	task [dreg:s22], $0x5FFFF  }
0xbb: {  	[dreg:$0x1] =	wrdreg $0xFFFFFFFF  }
0xbc: {  	[dreg:$0x0] =	wrdreg $0x60  }
0xbd: {  	[dreg:$0x2] =	wrdreg s24  }
0xbe: {  	[dreg:$0x3] =	wrdreg $0x40800  }
0xbf: {  	[dreg:$0x4] =	wrdreg $0xC  }
0xc0: {  	_ =	task.clear_ibuf [dreg:s22], $0x5FFFF;
	_ =	strace $0x90000058  }
0xc1: {  	s29 =	simm.s32 $0xC;
	_ =	strace $0x8000005A  }
0xc2: {  	_ =	swait.ge [sflag:s29], $0x1  }
0xc3: {  	[sflag:s29] =	ssyncadd.s32 $0xFFFFFFFF  }
0xc4: {  	_ =	strace $0x9000005A  }
0xc5: {  	_ =	sfence  }
0xc6: {  	s30 =	sld [smem:$0x0];
	_ =	sdelay $0x2  }
0xc7: {  	s31 =	sshll.u32 s1, $0xD;
	s1 =	sshrl.u32 s1, $0x2  }
0xc8: {  	s4 =	sand.u32 $0x4000, s31;
	s1 =	sadd.s32 s1, s30  }
0xc9: {  	s0 =	sor.u32 s4, s0;
	s1 =	sshll.u32 s1, $0x11  }
0xca: {  	s0 =	sor.u32 s1, s0  }
0xcb: {  	s0 =	sadd.s32 $0x8F2B, s0  }
0xcc: {  	[sflag:s0] =	ssyncadd.remote.s32 $0x1  }
0xcd: {  	_ =	sfence.sel $0xFFFF  }
0xce: {  	[dreg:$0x0] =	wrdreg $0xFFFFFFFF;
	(pc) =	sbr.abs _section_cstart, $3  }
0xcf: {  	[dreg:$0x1] =	wrdreg $0xFFFFFFFF  }
0xd0: {  	_ =	task.clear_ibuf [dreg:s22], $0x2FFFF;
	_ =	strace $0x9FFFFFFF  }
0xd1: {  	(tm) =	ssettm $0x7FFFFFFF  }
tec
execute0_lowered:
.L_overlay_start_1:
0x0: {  	(tag) =	ssettag $0x1  }
0x1: {  	s8 =	rddreg [dreg:$0x0]  }
0x2: {  	s2 =	rddreg [dreg:$0x1]  }
0x3: {  	s0 =	rddreg [dreg:$0x2]  }
0x4: {  	s1 =	stileid.u32;
	s4 =	srdreg.scid  }
0x5: {  	s3 =	simm.s32 $0x0;
	s5 =	smul.u32 $0x14000, s1;
	s6 =	sand.u32 $0x1, s4  }
0x6: {  	[smem:$0x7FF] =	sst s3;
	s25 =	sshll.u32 s1, $0x4;
	s10 =	smul.u32 $0x50000, s1  }
0x7: {  	s30 =	sshll.u32 s1, $0x6;
	s31 =	sshll.u32 s1, $0xB;
	s7 =	smul.u32 $0x140000, s6  }
0x8: {  	_ =	strace $0x80000059;
	s9 =	sadd.s32 s25, s8;
	s28 =	ssub.s32 $0x2, s6  }
0x9: {  	p0 =	seq.s32 s6, $0x1;
	s26 =	sshrl.u32 s5, $0x3;
	s11 =	sshrl.u32 s28, $0x1  }
0xa: {  	s29 =	sshrl.u32 s10, $0x2;
	s5 =	sadd.s32 s5, s7;
	s4 =	sadd.s32 s26, s8  }
0xb: {  	s7 =	ssub.s32 s28, s11;
	s10 =	sadd.s32 s29, s2;
	s11 =	simm.s32 $0x5ECC00  }
0xc: {  	s5 =	sshrl.u32 s5, $0x3;
	s4 =	sadd.s32 $0xFC00, s4;
	s7 =	smax.u32 s7, $0x1  }
0xd: {  	s11 =	simm.s32 @!p0 $0x87C00;
	s10 =	sshrl.u32 s10, $0x3;
	s12 =	sadd.s32 s5, s8  }
0xe: {  	s5 =	sor.u32 $0x1C01, s30;
	s11 =	sadd.s32 s11, s8;
	s8 =	sadd.s32 $0xCC00, s9  }
0xf: {  	s6 =	sadd.s32 $0x104C00, s12;
	s9 =	sadd.s32 s31, s11;
	s11 =	simm.s32 $0x1  }
.LBB2_1:
0x10: {  	[spmem:s10], [sflag:s5] =	dma.local [hbm:s4], $0x2800  }
0x11: {  	_ =	swait.ge [sflag:s11], $0x2800  }
0x12: {  	s12 =	sadd.s32 $0x0, s1;
	[sflag:s11] =	ssyncset.done $0x0  }
0x13: {  	p0 =	sgt.u32 s12, $0xF9;
	[sflag:s11] =	ssyncadd.s32 $0xFFFFD800  }
0x14: {  	s12 =	simm.s32 @!p0 $0x0;
	s14 =	simm.s32 @!p0 $0x2;
	[bflag:$0x0] =	sbarrier.arrive $0xFFFF  }
0x15: {  	[tilespmem:s12], [sflag:$0x2] =	stream.linear.gather @!p0 [hbm4b:s8+s12], $0x80, $0x38;
	[tilespmem:$0x18080] =	vst v63  }
0x16: {  	_ =	swait.ge @!p0 [sflag:s14], $0x80  }
0x17: {  	[sflag:s14] =	ssyncset.done @!p0 $0x0;
	p0 =	por p0, p0  }
0x18: {  	[sflag:s14] =	ssyncadd.s32 @!p0 $0xFFFFFF80;
	s16 =	simm.s32 @!p0 $0x80  }
0x19: {  	[tilespmem:s16], [sflag:$0x2] =	stream.linear.gather @!p0 [hbm4b:s9+s12], $0x4000, $0x38;
	[tilespmem:$0x18080] =	vst v63  }
0x1a: {  	_ =	swait.ge @!p0 [sflag:s14], $0x4000  }
0x1b: {  	[sflag:s14] =	ssyncset.done @!p0 $0x0  }
0x1c: {  	s31 =	sadd.s32 $0x10, s1;
	s15 =	simm.s32 @!p0 $0x1;
	[sflag:s14] =	ssyncadd.s32 @!p0 $0xFFFFC000  }
0x1d: {  	[spmem:s2] =	stream.indirect.scatter.add.f32 @!p0 [tilespmem:s16], [sflag:$0x1], $0x80, s12, s16, $0xb8;
	[tilespmem:$0x18080] =	vst v63  }
0x1e: {  	s13 =	simm.s32 $0x20;
	p1 =	sgt.u32 s31, $0xF9;
	_ =	swait.ge @!p0 [sflag:s15], $0x4000  }
0x1f: {  	s14 =	sadd.s32 $0x100, s8;
	s12 =	sadd.s32 $0x8000, s9;
	[sflag:s15] =	ssyncset.done @!p0 $0x0  }
.LBB2_2:
0x20: {  	s16 =	simm.s32 @!p1 $0x0;
	s17 =	simm.s32 @!p1 $0x2;
	[sflag:s15] =	ssyncadd.s32 @!p0 $0xFFFFC000  }
0x21: {  	[tilespmem:s16], [sflag:$0x2] =	stream.linear.gather @!p1 [hbm4b:s14+s16], $0x80, $0x38;
	[tilespmem:$0x18080] =	vst v63  }
0x22: {  	s18 =	smov.u32 s13;
	s13 =	sadd.s32 $0x10, s13;
	_ =	swait.ge @!p1 [sflag:s17], $0x80  }
0x23: {  	p0 =	por p1, p1;
	p2 =	sne.s32 s13, $0x100;
	[sflag:s17] =	ssyncset.done @!p1 $0x0  }
0x24: {  	s19 =	simm.s32 @!p0 $0x80;
	[sflag:s17] =	ssyncadd.s32 @!p0 $0xFFFFFF80  }
0x25: {  	[tilespmem:s19], [sflag:$0x2] =	stream.linear.gather @!p0 [hbm4b:s12+s16], $0x4000, $0x38;
	[tilespmem:$0x18080] =	vst v63  }
0x26: {  	_ =	swait.ge @!p0 [sflag:s17], $0x4000  }
.Ltmp0:
0x27: {  	[sflag:s17] =	ssyncset.done @!p0 $0x0;
	(pc) =	sbr.rel @p2 .LBB2_2-.Ltmp0, $4  }
0x28: {  	s15 =	simm.s32 @!p0 $0x1;
	[sflag:s17] =	ssyncadd.s32 @!p0 $0xFFFFC000  }
0x29: {  	[spmem:s2] =	stream.indirect.scatter.add.f32 @!p0 [tilespmem:s19], [sflag:$0x1], $0x80, s16, s19, $0xb8;
	[tilespmem:$0x18080] =	vst v63  }
0x2a: {  	s12 =	sadd.s32 $0x8000, s12;
	s16 =	sadd.s32 s18, s1;
	_ =	swait.ge @!p0 [sflag:s15], $0x4000  }
0x2b: {  	s14 =	sadd.s32 $0x100, s14;
	p1 =	sgt.u32 s16, $0xF9;
	[sflag:s15] =	ssyncset.done @!p0 $0x0  }
0x2c: {  	s13 =	simm.s32 @!p1 $0x0;
	s16 =	simm.s32 @!p1 $0x2;
	[sflag:s15] =	ssyncadd.s32 @!p0 $0xFFFFC000  }
0x2d: {  	[tilespmem:s13], [sflag:$0x2] =	stream.linear.gather @!p1 [hbm4b:s14+s13], $0x80, $0x38;
	[tilespmem:$0x18080] =	vst v63  }
0x2e: {  	_ =	swait.ge @!p1 [sflag:s16], $0x80  }
0x2f: {  	p0 =	por p1, p1;
	[sflag:s16] =	ssyncset.done @!p1 $0x0  }
0x30: {  	s14 =	simm.s32 @!p0 $0x80;
	[sflag:s16] =	ssyncadd.s32 @!p0 $0xFFFFFF80  }
0x31: {  	[tilespmem:s14], [sflag:$0x2] =	stream.linear.gather @!p0 [hbm4b:s12+s13], $0x4000, $0x38;
	[tilespmem:$0x18080] =	vst v63  }
0x32: {  	_ =	swait.ge @!p0 [sflag:s16], $0x4000  }
0x33: {  	[sflag:s16] =	ssyncset.done @!p0 $0x0  }
0x34: {  	s12 =	simm.s32 @!p0 $0x1;
	[sflag:s16] =	ssyncadd.s32 @!p0 $0xFFFFC000  }
0x35: {  	[spmem:s2] =	stream.indirect.scatter.add.f32 @!p0 [tilespmem:s14], [sflag:$0x1], $0x80, s13, s14, $0xb8;
	[tilespmem:$0x18080] =	vst v63  }
0x36: {  	_ =	swait.ge @!p0 [sflag:s12], $0x4000  }
0x37: {  	s3 =	sadd.s32 $0x1, s3;
	[sflag:s12] =	ssyncset.done @!p0 $0x0  }
0x38: {  	[sflag:s12] =	ssyncadd.s32 @!p0 $0xFFFFC000;
	p0 =	sne.s32 s3, s7  }
.Ltmp1:
0x39: {  	[bflag:$0x0] =	sbarrier.arrive $0xFFFF;
	(pc) =	sbr.rel @p0 .LBB2_1-.Ltmp1, $4  }
0x3a: {  	[hbm:s6], [sflag:s5] =	dma.local [spmem:s10], $0x2800  }
0x3b: {  	_ =	swait.ge [sflag:s11], $0x2800  }
0x3c: {  	[sflag:s11] =	ssyncset.done $0x0  }
0x3d: {  	[sflag:s11] =	ssyncadd.s32 $0xFFFFD800  }
0x3e: {  	_ =	sfence.sel $0x180000  }
0x3f: {  	[bflag:$0x0] =	sbarrier.arrive $0xFFFF  }
0x40: {  	p0 =	sne.s32 s1, $0x0;
	_ =	strace $0x90000059  }
0x41: {  	s0 =	sadd.s32 @!p0 $0x100000, s0;
	[bflag:$0x2] =	sbarrier.arrive $0xFFFF  }
0x42: {  	[sflag:s0] =	ssyncadd.tile.s32 @!p0 $0x1;
	_ =	shalt  }
.Lfunc_end2:
_tile_overlayer_lowered:
.L_overlay_start_2:
0x43: {  	(tag) =	ssettag $0x2  }
0x44: {  	s0 =	rddreg [dreg:$0x0];
	s2 =	stileid.u32  }
0x45: {  	s1 =	rddreg [dreg:$0x1];
	p0 =	sne.s32 s2, $0x0  }
0x46: {  	s3 =	rddreg [dreg:$0x2];
	[bflag:$0x3] =	sbarrier.arrive $0xFFFF;
	s2 =	simm.s32 @!p0 $0x1C01  }
0x47: {  	[timem:s3], [sflag:s2] =	dma.local @!p0 [hbm:s0], s1  }
0x48: {  	s0 =	simm.s32 @!p0 $0x1  }
0x49: {  	_ =	swait.ge @!p0 [sflag:s0], s1  }
0x4a: {  	s1 =	ssub.s32 @!p0 $0x0, s1;
	[sflag:s0] =	ssyncset.done @!p0 $0x0  }
0x4b: {  	[sflag:s0] =	ssyncadd.s32 @!p0 s1  }
0x4c: {  	[bflag:$0x3] =	sbarrier.arrive $0xFFFF  }
0x4d: {  	_ =	shalt  }

// kernel: kernel.43.cloned.1.call-start
scs
__scs_entry_jumppad:
0x0: {  	(pc) =	sbr.rel $0x88, $3  }
0x1: {  	(tag) =	ssettag $0x0;
	lr =	simm.s32 $0x1  }
0x2: {  	[smem:$0x3F8E] =	sst lr;
	_ =	strace $0xD0000000  }
0x3: {  	_ = 	snop  }
0x4: {  	_ = 	snop  }
0x5: {  	_ = 	snop  }
0x6: {  	_ = 	snop  }
0x7: {  	_ = 	snop  }
__scs_overlays_trampoline_lowered:
0x8: {  	[smem:$0x3F9D] =	sst s0  }
0x9: {  	[smem:$0x3F9E] =	sst s1  }
0xa: {  	[smem:$0x3F9F] =	sst s2  }
0xb: {  	[smem:$0x3FA0] =	sst s3  }
0xc: {  	[smem:$0x3FA1] =	sst s4  }
0xd: {  	[smem:$0x3FA2] =	sst s5  }
0xe: {  	[smem:$0x3FA3] =	sst s6  }
0xf: {  	[smem:$0x3FA4] =	sst s7  }
0x10: {  	[smem:$0x3FA5] =	sst s8  }
0x11: {  	[smem:$0x3FA6] =	sst s9;
	s0 =	simm.s32 @!p0 $0x0  }
0x12: {  	s1 =	sld [smem:$0x3F8C];
	s0 =	simm.s32 @p0 $0x1  }
0x13: {  	[smem:$0x3FA7] =	sst s0;
	s0 =	simm.s32 @!p1 $0x0  }
0x14: {  	s2 =	sld [smem:$0x3F8B];
	s0 =	simm.s32 @p1 $0x1  }
0x15: {  	[smem:$0x3FA8] =	sst s0;
	s0 =	simm.s32 @!p2 $0x0  }
0x16: {  	s3 =	sld [smem:$0x3FDB];
	s0 =	simm.s32 @p2 $0x1  }
0x17: {  	s4 =	simm.s32 $0x1BF5;
	[smem:$0x3FAA] =	sst s0  }
0x18: {  	s0 =	sld [smem:$0x3F8D];
	_ =	swait.ge [sflag:s4], $0x0  }
0x19: {  	s7 =	sld [smem:$0x3F8E]  }
0x1a: {  	s8 =	sadd.s32 $0xFFFFE003, lr  }
0x1b: {  	s9 =	sadd.s32 $0xFFFFFEF7, lr;
	s5 =	simm.s32 $0xFFFFFFFF;
	p2 =	slt.u32 s8, $0xFFFFF086  }
0x1c: {  	p1 =	slt.u32 s9, $0xF7A;
	s5 =	simm.s32 @!p2 $0x0  }
0x1d: {  	s5 =	simm.s32 @p1 $0x1;
	p0 =	seq.s32 s7, s2  }
0x1e: {  	s7 =	smul.u32 @!p0 $0xF7A, s2;
	p2 =	seq.s32 @!p0 s5, $0x0  }
0x1f: {  	s9 =	smul.u32 $0xF7A, s1;
	s8 =	simm.s32 @!p0 $0x1BF5;
	p2 =	por !p2, p0  }
0x20: {  	[sflag:s8] =	ssyncset.s32 @!p0 $0xFFFFF086;
	s6 =	sadd.s32 @!p0 s3, s7;
	s7 =	simm.s32 @!p0 $0x108  }
0x21: {  	s3 =	sadd.s32 s3, s9;
	s6 =	sadd.s32 @!p0 $0x88, s6;
	s7 =	simm.s32 @p2 $0x1082  }
0x22: {  	[simem:s7], [sflag:s8] =	dma.local @!p0 [hbm:s6], $0xF7A  }
0x23: {  	s9 =	sor.u32 $0xD0000000, s2;
	s6 =	simm.s32 $0x108;
	_ =	swait.ge @!p0 [sflag:s8], $0x0  }
0x24: {  	s3 =	sadd.s32 $0x88, s3;
	s6 =	simm.s32 @!p1 $0x1082;
	[sflag:s4] =	ssyncset.s32 $0xFFFFF086  }
0x25: {  	[simem:s6], [sflag:s4] =	dma.local [hbm:s3], $0xF7A  }
0x26: {  	[smem:$0x3F8E] =	sst s1;
	(tag) =	ssettag s2;
	_ =	strace s9  }
0x27: {  	s1 =	sld [smem:$0x3F9E]  }
0x28: {  	s2 =	sld [smem:$0x3F9F]  }
0x29: {  	s4 =	sld [smem:$0x3FA1]  }
0x2a: {  	p0 =	seq.s32 s5, $0x0;
	s5 =	sld [smem:$0x3FA2]  }
0x2b: {  	s6 =	sld [smem:$0x3FA3]  }
0x2c: {  	s7 =	sld [smem:$0x3FA4]  }
0x2d: {  	s3 =	simm.s32 $0x108;
	s8 =	sld [smem:$0x3FA5]  }
0x2e: {  	s3 =	simm.s32 @!p0 $0x1082;
	s9 =	sld [smem:$0x3FA6]  }
0x2f: {  	lr =	sadd.s32 s0, s3;
	s0 =	sld [smem:$0x3F9D]  }
0x30: {  	s3 =	sld [smem:$0x3FA0]  }
0x31: {  	[smem:$0x3FA9] =	sst s10  }
0x32: {  	s10 =	sld [smem:$0x3FA7];
	_ =	sdelay $0x3  }
0x33: {  	p0 =	seq.s32 s10, $0x1;
	s10 =	sld [smem:$0x3FA9];
	_ =	sdelay $0x3  }
0x34: {  	[smem:$0x3FA9] =	sst s10  }
0x35: {  	s10 =	sld [smem:$0x3FA8];
	_ =	sdelay $0x3  }
0x36: {  	p1 =	seq.s32 s10, $0x1;
	s10 =	sld [smem:$0x3FA9];
	_ =	sdelay $0x3  }
0x37: {  	[smem:$0x3FA9] =	sst s10  }
0x38: {  	s10 =	sld [smem:$0x3FAA]  }
0x39: {  	_ = 	snop;
	(pc) =	sbr.ind lr, $3  }
0x3a: {  	_ = 	snop  }
0x3b: {  	_ = 	snop  }
0x3c: {  	p2 =	seq.s32 s10, $0x1;
	s10 =	sld [smem:$0x3FA9]  }
0x3d: {  	_ =	shalt  }
0x3e: {  	_ =	shalt  }
0x3f: {  	_ =	shalt  }
0x40: {  	_ =	shalt  }
0x41: {  	_ =	shalt  }
0x42: {  	_ =	shalt  }
0x43: {  	_ =	shalt  }
0x44: {  	_ =	shalt  }
0x45: {  	_ =	shalt  }
0x46: {  	_ =	shalt  }
0x47: {  	_ =	shalt  }
0x48: {  	_ =	shalt  }
0x49: {  	_ =	shalt  }
0x4a: {  	_ =	shalt  }
0x4b: {  	_ =	shalt  }
0x4c: {  	_ =	shalt  }
0x4d: {  	_ =	shalt  }
0x4e: {  	_ =	shalt  }
0x4f: {  	_ =	shalt  }
0x50: {  	_ =	shalt  }
0x51: {  	_ =	shalt  }
0x52: {  	_ =	shalt  }
0x53: {  	_ =	shalt  }
0x54: {  	_ =	shalt  }
0x55: {  	_ =	shalt  }
0x56: {  	_ =	shalt  }
0x57: {  	_ =	shalt  }
0x58: {  	_ =	shalt  }
0x59: {  	_ =	shalt  }
0x5a: {  	_ =	shalt  }
0x5b: {  	_ =	shalt  }
0x5c: {  	_ =	shalt  }
0x5d: {  	_ =	shalt  }
0x5e: {  	_ =	shalt  }
0x5f: {  	_ =	shalt  }
0x60: {  	_ =	shalt  }
0x61: {  	_ =	shalt  }
0x62: {  	_ =	shalt  }
0x63: {  	_ =	shalt  }
0x64: {  	_ =	shalt  }
0x65: {  	_ =	shalt  }
0x66: {  	_ =	shalt  }
0x67: {  	_ =	shalt  }
0x68: {  	_ =	shalt  }
0x69: {  	_ =	shalt  }
0x6a: {  	_ =	shalt  }
0x6b: {  	_ =	shalt  }
0x6c: {  	_ =	shalt  }
0x6d: {  	_ =	shalt  }
0x6e: {  	_ =	shalt  }
0x6f: {  	_ =	shalt  }
0x70: {  	_ =	shalt  }
0x71: {  	_ =	shalt  }
0x72: {  	_ =	shalt  }
0x73: {  	_ =	shalt  }
0x74: {  	_ =	shalt  }
0x75: {  	_ =	shalt  }
0x76: {  	_ =	shalt  }
0x77: {  	_ =	shalt  }
0x78: {  	_ =	shalt  }
0x79: {  	_ =	shalt  }
0x7a: {  	_ =	shalt  }
0x7b: {  	_ =	shalt  }
0x7c: {  	_ =	shalt  }
0x7d: {  	_ =	shalt  }
0x7e: {  	_ =	shalt  }
0x7f: {  	_ =	shalt  }
0x80: {  	_ =	shalt  }
0x81: {  	_ =	shalt  }
0x82: {  	_ =	shalt  }
0x83: {  	_ =	shalt  }
0x84: {  	_ =	shalt  }
0x85: {  	_ =	shalt  }
0x86: {  	_ =	shalt  }
0x87: {  	_ =	shalt  }
.Lfunc_end0:
.L_simem_size_0:
called_computation.8_lowered:
.L_overlay_start_0:
0x88: {  	s2 =	sld [smem:$0x3FD9]  }
0x89: {  	s3 =	sld [smem:$0x3FFE];
	_ =	sdelay $0x1  }
0x8a: {  	s1 =	srdreg.scid  }
0x8b: {  	s0 =	sand.u32 $0x1, s1  }
0x8c: {  	s17 =	sshll.u32 s0, $0xA;
	s2 =	sadd.s32 s3, s2  }
0x8d: {  	s2 =	sadd.s32 s2, s17  }
0x8e: {  	[smem:$0x3FB5] =	sst s2  }
0x8f: {  	_ = 	snop  }
0x90: {  	s2 =	sld [smem:$0x3FC9];
	(tm) =	ssettm $0x1  }
0x91: {  	s18 =	sld [smem:$0x3FFB];
	_ =	sdelay $0x3  }
0x92: {  	_ =	strace s18  }
0x93: {  	s3 =	sld [smem:$0x3FFC];
	_ =	sdelay $0x3  }
0x94: {  	_ =	strace s3  }
0x95: {  	s3 =	sld [smem:$0x3FFD];
	_ =	sdelay $0x3  }
0x96: {  	_ =	strace s3  }
0x97: {  	_ =	strace $0x8FFFFFFF  }
0x98: {  	s19 =	sld [smem:$0x3FDB];
	_ =	sdelay $0x1  }
0x99: {  	s4 =	simm.s32 $_scs_section_size  }
0x9a: {  	s5 =	simm.s32 $_size__tile_overlayer_lowered;
	s6 =	simm.s32 $_tile_overlayer_lowered  }
0x9b: {  	s22 =	simm.s32 $0x1BFF;
	s21 =	sshll.u32 s6, $0x1;
	s3 =	sadd.s32 s4, s19  }
0x9c: {  	s7 =	simm.s32 $0x0;
	s20 =	sshll.u32 s5, $0x1;
	s5 =	sadd.s32 s21, s3  }
0x9d: {  	[timem:s7], [sflag:s22] =	dma.local [hbm:s5], s20  }
0x9e: {  	_ =	swait.ge [sflag:s22], s20  }
0x9f: {  	s4 =	ssub.s32 $0x0, s20;
	[sflag:s22] =	ssyncset.done $0x0  }
0xa0: {  	[sflag:s22] =	ssyncadd.s32 s4;
	_ =	sdelay $0x1  }
0xa1: {  	s23 =	simm.s32 $0x1B8B  }
0xa2: {  	_ =	swait.ge [sflag:s23], $0x1  }
0xa3: {  	[sflag:s23] =	ssyncset.done $0x0  }
0xa4: {  	s25 =	simm.s32 $0x1B8E;
	s24 =	sld [smem:$0x3FFE];
	[sflag:s23] =	ssyncadd.s32 $0xFFFFFFFF  }
0xa5: {  	s26 =	simm.s32 $execute0_lowered;
	[smem:$0x3FD2] =	sst s25  }
0xa6: {  	s5 =	sshll.u32 s26, $0x1;
	_ =	strace $0x80000046;
	[dreg:$0x1] =	wrdreg $0xFFFFFFFF  }
0xa7: {  	s28 =	simm.s32 $_size_execute0_lowered;
	s3 =	sadd.s32 s3, s5;
	[dreg:$0x0] =	wrdreg $0x0  }
0xa8: {  	s5 =	sshll.u32 s28, $0x1;
	[dreg:$0x2] =	wrdreg s3  }
0xa9: {  	[dreg:$0x3] =	wrdreg s5  }
0xaa: {  	[dreg:$0x4] =	wrdreg $0xC0  }
0xab: {  	_ =	task [dreg:s7], $0x5FFFF  }
0xac: {  	[dreg:$0x1] =	wrdreg $0xFFFFFFFF  }
0xad: {  	[dreg:$0x0] =	wrdreg $0x60  }
0xae: {  	[dreg:$0x2] =	wrdreg s2  }
0xaf: {  	[dreg:$0x3] =	wrdreg s24  }
0xb0: {  	[dreg:$0x4] =	wrdreg $0xA  }
0xb1: {  	_ =	task.clear_ibuf [dreg:s7], $0x5FFFF;
	_ =	strace $0x90000046  }
0xb2: {  	s29 =	simm.s32 $0xA;
	_ =	strace $0x80000048  }
0xb3: {  	_ =	swait.ge [sflag:s29], $0x1  }
0xb4: {  	[sflag:s29] =	ssyncadd.s32 $0xFFFFFFFF  }
0xb5: {  	_ =	strace $0x90000048  }
0xb6: {  	_ =	sfence  }
0xb7: {  	s30 =	sld [smem:$0x0];
	_ =	sdelay $0x2  }
0xb8: {  	s31 =	sshll.u32 s1, $0xD;
	s1 =	sshrl.u32 s1, $0x2  }
0xb9: {  	s3 =	sand.u32 $0x4000, s31;
	s1 =	sadd.s32 s1, s30  }
0xba: {  	s0 =	sor.u32 s3, s0;
	s1 =	sshll.u32 s1, $0x11  }
0xbb: {  	s0 =	sor.u32 s1, s0  }
0xbc: {  	s0 =	sadd.s32 $0x8F2B, s0  }
0xbd: {  	[sflag:s0] =	ssyncadd.remote.s32 $0x1  }
0xbe: {  	_ =	sfence.sel $0xFFFF  }
0xbf: {  	[dreg:$0x0] =	wrdreg $0xFFFFFFFF;
	(pc) =	sbr.abs _section_cstart, $3  }
0xc0: {  	[dreg:$0x1] =	wrdreg $0xFFFFFFFF  }
0xc1: {  	_ =	task.clear_ibuf [dreg:s7], $0x2FFFF;
	_ =	strace $0x9FFFFFFF  }
0xc2: {  	(tm) =	ssettm $0x7FFFFFFF  }
0xc3: {  	_ =	shalt  }
tec
execute0_lowered:
.L_overlay_start_1:
0x0: {  	(tag) =	ssettag $0x1  }
0x1: {  	s1 =	rddreg [dreg:$0x0]  }
0x2: {  	s4 =	rddreg [dreg:$0x1]  }
0x3: {  	s0 =	rddreg [dreg:$0x2];
	s3 =	simm.s32 $0x0;
	s5 =	srdreg.scid  }
0x4: {  	s2 =	stileid.u32;
	[smem:$0x7FF] =	sst s3;
	s5 =	sand.u32 $0x1, s5  }
0x5: {  	s6 =	sshll.u32 s2, $0x5;
	s8 =	sshll.u32 s2, $0xC;
	_ =	strace $0x80000047  }
0x6: {  	s7 =	ssub.s32 $0x2, s5;
	s6 =	sadd.s32 s6, s4;
	s8 =	sadd.s32 s8, s4  }
0x7: {  	s31 =	sshll.u32 s5, $0x4;
	s10 =	sshll.u32 s5, $0xB;
	s9 =	sshrl.u32 s7, $0x1  }
0x8: {  	s4 =	sshll.u32 s2, $0x1;
	s10 =	sadd.s32 s10, s8;
	s7 =	ssub.s32 s7, s9  }
0x9: {  	s9 =	sadd.s32 s31, s6;
	s8 =	sadd.s32 $0x8CC00, s10;
	s5 =	smax.u32 s7, $0x1  }
0xa: {  	s6 =	sadd.s32 $0xBC00, s9;
	s7 =	sadd.s32 $0x7C00, s9;
	s9 =	sadd.s32 $0xFC00, s10  }
.LBB2_1:
0xb: {  	p0 =	sgt.u32 s4, $0xF9  }
0xc: {  	s10 =	sadd.s32 @!p0 $0x0, s7;
	s11 =	simm.s32 @!p0 $0x0;
	s14 =	simm.s32 @!p0 $0x4  }
0xd: {  	[tilespmem:s11], [sflag:$0x4] =	stream.linear.gather @!p0 [hbm4b:s10+s11], $0x80, $0x38;
	[tilespmem:$0x8100] =	vst v63  }
0xe: {  	_ =	swait.ge @!p0 [sflag:s14], $0x80;
	p0 =	por p0, p0  }
0xf: {  	[sflag:s14] =	ssyncset.done @!p0 $0x0  }
0x10: {  	s10 =	sadd.s32 @!p0 $0x0, s6;
	s12 =	simm.s32 @!p0 $0x80;
	[sflag:s14] =	ssyncadd.s32 @!p0 $0xFFFFFF80  }
0x11: {  	[tilespmem:s12], [sflag:$0x4] =	stream.linear.gather @!p0 [hbm4b:s10+s11], $0x80, $0x38;
	[tilespmem:$0x8100] =	vst v63  }
0x12: {  	_ =	swait.ge @!p0 [sflag:s14], $0x80  }
0x13: {  	[sflag:s14] =	ssyncset.done @!p0 $0x0  }
0x14: {  	s10 =	simm.s32 @!p0 $0x100;
	[sflag:s14] =	ssyncadd.s32 @!p0 $0xFFFFFF80  }
0x15: {  	[tilespmem:s10], [sflag:$0x1] =	stream.indirect.gather @!p0 [hbm4b:s1+s12], $0x80, s11, s12, $0xb8;
	[tilespmem:$0x8100] =	vst v63  }
0x16: {  	s15 =	simm.s32 @!p0 $0x4100;
	s13 =	simm.s32 @!p0 $0x1  }
0x17: {  	[tilespmem:s15], [sflag:$0x2] =	stream.indirect.gather @!p0 [hbm4b:s1+s12], $0x80, s12, s12, $0xb8;
	[tilespmem:$0x8100] =	vst v63  }
0x18: {  	_ =	swait.ge @!p0 [sflag:s13], $0x4000  }
0x19: {  	[sflag:s13] =	ssyncset.done @!p0 $0x0  }
0x1a: {  	s12 =	simm.s32 @!p0 $0x2;
	[sflag:s13] =	ssyncadd.s32 @!p0 $0xFFFFC000  }
0x1b: {  	_ =	swait.ge @!p0 [sflag:s12], $0x4000  }
0x1c: {  	[sflag:s12] =	ssyncset.done @!p0 $0x0  }
0x1d: {  	[sflag:s12] =	ssyncadd.s32 @!p0 $0xFFFFC000  }
0x1e: {  	[hbm4b:s9+s11] =	stream.linear.scatter @!p0 [tilespmem:s10], [sflag:$0x4], $0x4000, $0x38;
	[tilespmem:$0x8100] =	vst v63  }
0x1f: {  	_ =	swait.ge @!p0 [sflag:s14], $0x4000  }
0x20: {  	[sflag:s14] =	ssyncset.done @!p0 $0x0  }
0x21: {  	s13 =	simm.s32 $0x400;
	s12 =	simm.s32 $0x200;
	[sflag:s14] =	ssyncadd.s32 @!p0 $0xFFFFC000  }
0x22: {  	[hbm4b:s8+s11] =	stream.linear.scatter @!p0 [tilespmem:s15], [sflag:$0x3], $0x4000, $0x38;
	[tilespmem:$0x8100] =	vst v63  }
0x23: {  	s10 =	sadd.s32 $0x10000, s9;
	s14 =	sadd.s32 $0x20, s4;
	s15 =	simm.s32 @!p0 $0x3  }
0x24: {  	p2 =	sgt.u32 s14, $0xF9;
	s11 =	sadd.s32 $0x10000, s8;
	_ =	swait.ge @!p0 [sflag:s15], $0x4000  }
.LBB2_2:
0x25: {  	s16 =	sadd.s32 @!p2 s12, s7  }
0x26: {  	s17 =	simm.s32 @!p2 $0x0;
	[sflag:s15] =	ssyncset.done @!p0 $0x0;
	s18 =	smov.u32 s13  }
0x27: {  	s13 =	sadd.s32 $0x200, s13;
	s19 =	simm.s32 @!p2 $0x4;
	[sflag:s15] =	ssyncadd.s32 @!p0 $0xFFFFC000  }
0x28: {  	[tilespmem:s17], [sflag:$0x4] =	stream.linear.gather @!p2 [hbm4b:s16+s17], $0x80, $0x38;
	[tilespmem:$0x8100] =	vst v63  }
0x29: {  	p1 =	sne.s32 s13, $0x1000;
	p0 =	por p2, p2;
	_ =	swait.ge @!p2 [sflag:s19], $0x80  }
0x2a: {  	[sflag:s19] =	ssyncset.done @!p0 $0x0  }
0x2b: {  	s12 =	sadd.s32 @!p0 s12, s6;
	s15 =	simm.s32 @!p0 $0x80;
	[sflag:s19] =	ssyncadd.s32 @!p0 $0xFFFFFF80  }
0x2c: {  	[tilespmem:s15], [sflag:$0x4] =	stream.linear.gather @!p0 [hbm4b:s12+s17], $0x80, $0x38;
	[tilespmem:$0x8100] =	vst v63  }
0x2d: {  	s12 =	smov.u32 s18;
	_ =	swait.ge @!p0 [sflag:s19], $0x80  }
0x2e: {  	[sflag:s19] =	ssyncset.done @!p0 $0x0  }
0x2f: {  	s16 =	simm.s32 @!p0 $0x100;
	[sflag:s19] =	ssyncadd.s32 @!p0 $0xFFFFFF80  }
0x30: {  	[tilespmem:s16], [sflag:$0x1] =	stream.indirect.gather @!p0 [hbm4b:s1+s15], $0x80, s17, s15, $0xb8;
	[tilespmem:$0x8100] =	vst v63  }
0x31: {  	s20 =	simm.s32 @!p0 $0x1;
	s18 =	simm.s32 @!p0 $0x4100  }
0x32: {  	[tilespmem:s18], [sflag:$0x2] =	stream.indirect.gather @!p0 [hbm4b:s1+s15], $0x80, s15, s15, $0xb8;
	[tilespmem:$0x8100] =	vst v63  }
0x33: {  	_ =	swait.ge @!p0 [sflag:s20], $0x4000  }
0x34: {  	[sflag:s20] =	ssyncset.done @!p0 $0x0  }
0x35: {  	s15 =	simm.s32 @!p0 $0x2;
	[sflag:s20] =	ssyncadd.s32 @!p0 $0xFFFFC000  }
0x36: {  	_ =	swait.ge @!p0 [sflag:s15], $0x4000  }
0x37: {  	[sflag:s15] =	ssyncset.done @!p0 $0x0  }
0x38: {  	[sflag:s15] =	ssyncadd.s32 @!p0 $0xFFFFC000  }
0x39: {  	[hbm4b:s10+s17] =	stream.linear.scatter @!p0 [tilespmem:s16], [sflag:$0x4], $0x4000, $0x38;
	[tilespmem:$0x8100] =	vst v63  }
.Ltmp0:
0x3a: {  	_ =	swait.ge @!p0 [sflag:s19], $0x4000;
	(pc) =	sbr.rel @p1 .LBB2_2-.Ltmp0, $4  }
0x3b: {  	s10 =	sadd.s32 $0x10000, s10;
	[sflag:s19] =	ssyncset.done @!p0 $0x0  }
0x3c: {  	s14 =	sadd.s32 $0x20, s14;
	s15 =	simm.s32 @!p0 $0x3;
	[sflag:s19] =	ssyncadd.s32 @!p0 $0xFFFFC000  }
0x3d: {  	[hbm4b:s11+s17] =	stream.linear.scatter @!p0 [tilespmem:s18], [sflag:$0x3], $0x4000, $0x38;
	[tilespmem:$0x8100] =	vst v63  }
0x3e: {  	p2 =	sgt.u32 s14, $0xF9;
	s11 =	sadd.s32 $0x10000, s11;
	_ =	swait.ge @!p0 [sflag:s15], $0x4000  }
0x3f: {  	s13 =	sadd.s32 @!p2 s12, s7;
	[sflag:s15] =	ssyncset.done @!p0 $0x0  }
0x40: {  	s14 =	simm.s32 @!p2 $0x0;
	s16 =	simm.s32 @!p2 $0x4;
	[sflag:s15] =	ssyncadd.s32 @!p0 $0xFFFFC000  }
0x41: {  	[tilespmem:s14], [sflag:$0x4] =	stream.linear.gather @!p2 [hbm4b:s13+s14], $0x80, $0x38;
	[tilespmem:$0x8100] =	vst v63  }
0x42: {  	p0 =	por p2, p2;
	_ =	swait.ge @!p2 [sflag:s16], $0x80  }
0x43: {  	[sflag:s16] =	ssyncset.done @!p0 $0x0  }
0x44: {  	s12 =	sadd.s32 @!p0 s12, s6;
	s13 =	simm.s32 @!p0 $0x80;
	[sflag:s16] =	ssyncadd.s32 @!p0 $0xFFFFFF80  }
0x45: {  	[tilespmem:s13], [sflag:$0x4] =	stream.linear.gather @!p0 [hbm4b:s12+s14], $0x80, $0x38;
	[tilespmem:$0x8100] =	vst v63  }
0x46: {  	_ =	swait.ge @!p0 [sflag:s16], $0x80  }
0x47: {  	[sflag:s16] =	ssyncset.done @!p0 $0x0  }
0x48: {  	s12 =	simm.s32 @!p0 $0x100;
	[sflag:s16] =	ssyncadd.s32 @!p0 $0xFFFFFF80  }
0x49: {  	[tilespmem:s12], [sflag:$0x1] =	stream.indirect.gather @!p0 [hbm4b:s1+s13], $0x80, s14, s13, $0xb8;
	[tilespmem:$0x8100] =	vst v63  }
0x4a: {  	s15 =	simm.s32 @!p0 $0x4100;
	s17 =	simm.s32 @!p0 $0x1  }
0x4b: {  	[tilespmem:s15], [sflag:$0x2] =	stream.indirect.gather @!p0 [hbm4b:s1+s13], $0x80, s13, s13, $0xb8;
	[tilespmem:$0x8100] =	vst v63  }
0x4c: {  	_ =	swait.ge @!p0 [sflag:s17], $0x4000  }
0x4d: {  	[sflag:s17] =	ssyncset.done @!p0 $0x0  }
0x4e: {  	s13 =	simm.s32 @!p0 $0x2;
	[sflag:s17] =	ssyncadd.s32 @!p0 $0xFFFFC000  }
0x4f: {  	_ =	swait.ge @!p0 [sflag:s13], $0x4000  }
0x50: {  	[sflag:s13] =	ssyncset.done @!p0 $0x0  }
0x51: {  	[sflag:s13] =	ssyncadd.s32 @!p0 $0xFFFFC000  }
0x52: {  	[hbm4b:s10+s14] =	stream.linear.scatter @!p0 [tilespmem:s12], [sflag:$0x4], $0x4000, $0x38;
	[tilespmem:$0x8100] =	vst v63  }
0x53: {  	s3 =	sadd.s32 $0x1, s3;
	_ =	swait.ge @!p0 [sflag:s16], $0x4000  }
0x54: {  	p1 =	sne.s32 s3, s5;
	[sflag:s16] =	ssyncset.done @!p0 $0x0  }
.Ltmp1:
0x55: {  	s10 =	simm.s32 @!p0 $0x3;
	[sflag:s16] =	ssyncadd.s32 @!p0 $0xFFFFC000;
	(pc) =	sbr.rel @p1 .LBB2_1-.Ltmp1, $4  }
0x56: {  	[hbm4b:s11+s14] =	stream.linear.scatter @!p0 [tilespmem:s15], [sflag:$0x3], $0x4000, $0x38;
	[tilespmem:$0x8100] =	vst v63  }
0x57: {  	_ =	swait.ge @!p0 [sflag:s10], $0x4000  }
0x58: {  	[sflag:s10] =	ssyncset.done @!p0 $0x0  }
0x59: {  	[sflag:s10] =	ssyncadd.s32 @!p0 $0xFFFFC000  }
0x5a: {  	_ =	sfence.sel $0x180000  }
0x5b: {  	[bflag:$0x0] =	sbarrier.arrive $0xFFFF  }
0x5c: {  	p0 =	sne.s32 s2, $0x0;
	_ =	strace $0x90000047  }
0x5d: {  	s0 =	sadd.s32 @!p0 $0x100000, s0;
	[bflag:$0x2] =	sbarrier.arrive $0xFFFF  }
0x5e: {  	[sflag:s0] =	ssyncadd.tile.s32 @!p0 $0x1;
	_ =	shalt  }
.Lfunc_end2:
_tile_overlayer_lowered:
.L_overlay_start_2:
0x5f: {  	(tag) =	ssettag $0x2  }
0x60: {  	s0 =	rddreg [dreg:$0x0];
	s2 =	stileid.u32  }
0x61: {  	s1 =	rddreg [dreg:$0x1];
	p0 =	sne.s32 s2, $0x0  }
0x62: {  	s3 =	rddreg [dreg:$0x2];
	[bflag:$0x3] =	sbarrier.arrive $0xFFFF;
	s2 =	simm.s32 @!p0 $0x1C03  }
0x63: {  	[timem:s3], [sflag:s2] =	dma.local @!p0 [hbm:s0], s1  }
0x64: {  	s0 =	simm.s32 @!p0 $0x3  }
0x65: {  	_ =	swait.ge @!p0 [sflag:s0], s1  }
0x66: {  	s1 =	ssub.s32 @!p0 $0x0, s1;
	[sflag:s0] =	ssyncset.done @!p0 $0x0  }
0x67: {  	[sflag:s0] =	ssyncadd.s32 @!p0 s1  }
0x68: {  	[bflag:$0x3] =	sbarrier.arrive $0xFFFF  }
0x69: {  	_ =	shalt  }

// kernel: kernel.46.cloned.1.call-start
scs
__scs_entry_jumppad:
0x0: {  	(pc) =	sbr.rel $0x88, $3  }
0x1: {  	(tag) =	ssettag $0x0;
	lr =	simm.s32 $0x1  }
0x2: {  	[smem:$0x3F8E] =	sst lr;
	_ =	strace $0xD0000000  }
0x3: {  	_ = 	snop  }
0x4: {  	_ = 	snop  }
0x5: {  	_ = 	snop  }
0x6: {  	_ = 	snop  }
0x7: {  	_ = 	snop  }
__scs_overlays_trampoline_lowered:
0x8: {  	[smem:$0x3F9D] =	sst s0  }
0x9: {  	[smem:$0x3F9E] =	sst s1  }
0xa: {  	[smem:$0x3F9F] =	sst s2  }
0xb: {  	[smem:$0x3FA0] =	sst s3  }
0xc: {  	[smem:$0x3FA1] =	sst s4  }
0xd: {  	[smem:$0x3FA2] =	sst s5  }
0xe: {  	[smem:$0x3FA3] =	sst s6  }
0xf: {  	[smem:$0x3FA4] =	sst s7  }
0x10: {  	[smem:$0x3FA5] =	sst s8  }
0x11: {  	[smem:$0x3FA6] =	sst s9;
	s0 =	simm.s32 @!p0 $0x0  }
0x12: {  	s1 =	sld [smem:$0x3F8C];
	s0 =	simm.s32 @p0 $0x1  }
0x13: {  	[smem:$0x3FA7] =	sst s0;
	s0 =	simm.s32 @!p1 $0x0  }
0x14: {  	s2 =	sld [smem:$0x3F8B];
	s0 =	simm.s32 @p1 $0x1  }
0x15: {  	[smem:$0x3FA8] =	sst s0;
	s0 =	simm.s32 @!p2 $0x0  }
0x16: {  	s3 =	sld [smem:$0x3FDB];
	s0 =	simm.s32 @p2 $0x1  }
0x17: {  	s4 =	simm.s32 $0x1BF5;
	[smem:$0x3FAA] =	sst s0  }
0x18: {  	s0 =	sld [smem:$0x3F8D];
	_ =	swait.ge [sflag:s4], $0x0  }
0x19: {  	s7 =	sld [smem:$0x3F8E]  }
0x1a: {  	s8 =	sadd.s32 $0xFFFFE003, lr  }
0x1b: {  	s9 =	sadd.s32 $0xFFFFFEF7, lr;
	s5 =	simm.s32 $0xFFFFFFFF;
	p2 =	slt.u32 s8, $0xFFFFF086  }
0x1c: {  	p1 =	slt.u32 s9, $0xF7A;
	s5 =	simm.s32 @!p2 $0x0  }
0x1d: {  	s5 =	simm.s32 @p1 $0x1;
	p0 =	seq.s32 s7, s2  }
0x1e: {  	s7 =	smul.u32 @!p0 $0xF7A, s2;
	p2 =	seq.s32 @!p0 s5, $0x0  }
0x1f: {  	s9 =	smul.u32 $0xF7A, s1;
	s8 =	simm.s32 @!p0 $0x1BF5;
	p2 =	por !p2, p0  }
0x20: {  	[sflag:s8] =	ssyncset.s32 @!p0 $0xFFFFF086;
	s6 =	sadd.s32 @!p0 s3, s7;
	s7 =	simm.s32 @!p0 $0x108  }
0x21: {  	s3 =	sadd.s32 s3, s9;
	s6 =	sadd.s32 @!p0 $0x88, s6;
	s7 =	simm.s32 @p2 $0x1082  }
0x22: {  	[simem:s7], [sflag:s8] =	dma.local @!p0 [hbm:s6], $0xF7A  }
0x23: {  	s9 =	sor.u32 $0xD0000000, s2;
	s6 =	simm.s32 $0x108;
	_ =	swait.ge @!p0 [sflag:s8], $0x0  }
0x24: {  	s3 =	sadd.s32 $0x88, s3;
	s6 =	simm.s32 @!p1 $0x1082;
	[sflag:s4] =	ssyncset.s32 $0xFFFFF086  }
0x25: {  	[simem:s6], [sflag:s4] =	dma.local [hbm:s3], $0xF7A  }
0x26: {  	[smem:$0x3F8E] =	sst s1;
	(tag) =	ssettag s2;
	_ =	strace s9  }
0x27: {  	s1 =	sld [smem:$0x3F9E]  }
0x28: {  	s2 =	sld [smem:$0x3F9F]  }
0x29: {  	s4 =	sld [smem:$0x3FA1]  }
0x2a: {  	p0 =	seq.s32 s5, $0x0;
	s5 =	sld [smem:$0x3FA2]  }
0x2b: {  	s6 =	sld [smem:$0x3FA3]  }
0x2c: {  	s7 =	sld [smem:$0x3FA4]  }
0x2d: {  	s3 =	simm.s32 $0x108;
	s8 =	sld [smem:$0x3FA5]  }
0x2e: {  	s3 =	simm.s32 @!p0 $0x1082;
	s9 =	sld [smem:$0x3FA6]  }
0x2f: {  	lr =	sadd.s32 s0, s3;
	s0 =	sld [smem:$0x3F9D]  }
0x30: {  	s3 =	sld [smem:$0x3FA0]  }
0x31: {  	[smem:$0x3FA9] =	sst s10  }
0x32: {  	s10 =	sld [smem:$0x3FA7];
	_ =	sdelay $0x3  }
0x33: {  	p0 =	seq.s32 s10, $0x1;
	s10 =	sld [smem:$0x3FA9];
	_ =	sdelay $0x3  }
0x34: {  	[smem:$0x3FA9] =	sst s10  }
0x35: {  	s10 =	sld [smem:$0x3FA8];
	_ =	sdelay $0x3  }
0x36: {  	p1 =	seq.s32 s10, $0x1;
	s10 =	sld [smem:$0x3FA9];
	_ =	sdelay $0x3  }
0x37: {  	[smem:$0x3FA9] =	sst s10  }
0x38: {  	s10 =	sld [smem:$0x3FAA]  }
0x39: {  	_ = 	snop;
	(pc) =	sbr.ind lr, $3  }
0x3a: {  	_ = 	snop  }
0x3b: {  	_ = 	snop  }
0x3c: {  	p2 =	seq.s32 s10, $0x1;
	s10 =	sld [smem:$0x3FA9]  }
0x3d: {  	_ =	shalt  }
0x3e: {  	_ =	shalt  }
0x3f: {  	_ =	shalt  }
0x40: {  	_ =	shalt  }
0x41: {  	_ =	shalt  }
0x42: {  	_ =	shalt  }
0x43: {  	_ =	shalt  }
0x44: {  	_ =	shalt  }
0x45: {  	_ =	shalt  }
0x46: {  	_ =	shalt  }
0x47: {  	_ =	shalt  }
0x48: {  	_ =	shalt  }
0x49: {  	_ =	shalt  }
0x4a: {  	_ =	shalt  }
0x4b: {  	_ =	shalt  }
0x4c: {  	_ =	shalt  }
0x4d: {  	_ =	shalt  }
0x4e: {  	_ =	shalt  }
0x4f: {  	_ =	shalt  }
0x50: {  	_ =	shalt  }
0x51: {  	_ =	shalt  }
0x52: {  	_ =	shalt  }
0x53: {  	_ =	shalt  }
0x54: {  	_ =	shalt  }
0x55: {  	_ =	shalt  }
0x56: {  	_ =	shalt  }
0x57: {  	_ =	shalt  }
0x58: {  	_ =	shalt  }
0x59: {  	_ =	shalt  }
0x5a: {  	_ =	shalt  }
0x5b: {  	_ =	shalt  }
0x5c: {  	_ =	shalt  }
0x5d: {  	_ =	shalt  }
0x5e: {  	_ =	shalt  }
0x5f: {  	_ =	shalt  }
0x60: {  	_ =	shalt  }
0x61: {  	_ =	shalt  }
0x62: {  	_ =	shalt  }
0x63: {  	_ =	shalt  }
0x64: {  	_ =	shalt  }
0x65: {  	_ =	shalt  }
0x66: {  	_ =	shalt  }
0x67: {  	_ =	shalt  }
0x68: {  	_ =	shalt  }
0x69: {  	_ =	shalt  }
0x6a: {  	_ =	shalt  }
0x6b: {  	_ =	shalt  }
0x6c: {  	_ =	shalt  }
0x6d: {  	_ =	shalt  }
0x6e: {  	_ =	shalt  }
0x6f: {  	_ =	shalt  }
0x70: {  	_ =	shalt  }
0x71: {  	_ =	shalt  }
0x72: {  	_ =	shalt  }
0x73: {  	_ =	shalt  }
0x74: {  	_ =	shalt  }
0x75: {  	_ =	shalt  }
0x76: {  	_ =	shalt  }
0x77: {  	_ =	shalt  }
0x78: {  	_ =	shalt  }
0x79: {  	_ =	shalt  }
0x7a: {  	_ =	shalt  }
0x7b: {  	_ =	shalt  }
0x7c: {  	_ =	shalt  }
0x7d: {  	_ =	shalt  }
0x7e: {  	_ =	shalt  }
0x7f: {  	_ =	shalt  }
0x80: {  	_ =	shalt  }
0x81: {  	_ =	shalt  }
0x82: {  	_ =	shalt  }
0x83: {  	_ =	shalt  }
0x84: {  	_ =	shalt  }
0x85: {  	_ =	shalt  }
0x86: {  	_ =	shalt  }
0x87: {  	_ =	shalt  }
.Lfunc_end0:
.L_simem_size_0:
called_computation.9_lowered:
.L_overlay_start_0:
0x88: {  	s2 =	sld [smem:$0x3FD9]  }
0x89: {  	s3 =	sld [smem:$0x3FFE];
	_ =	sdelay $0x1  }
0x8a: {  	s1 =	srdreg.scid  }
0x8b: {  	s0 =	sand.u32 $0x1, s1  }
0x8c: {  	s17 =	sshll.u32 s0, $0xA;
	s2 =	sadd.s32 s3, s2  }
0x8d: {  	s2 =	sadd.s32 s2, s17  }
0x8e: {  	[smem:$0x3FB5] =	sst s2  }
0x8f: {  	_ = 	snop  }
0x90: {  	(tm) =	ssettm $0x1  }
0x91: {  	s18 =	sld [smem:$0x3FFB];
	_ =	sdelay $0x3  }
0x92: {  	_ =	strace s18  }
0x93: {  	s2 =	sld [smem:$0x3FFC];
	_ =	sdelay $0x3  }
0x94: {  	_ =	strace s2  }
0x95: {  	s2 =	sld [smem:$0x3FFD];
	_ =	sdelay $0x3  }
0x96: {  	_ =	strace s2  }
0x97: {  	_ =	strace $0x8FFFFFFF  }
0x98: {  	s19 =	sld [smem:$0x3FDB];
	_ =	sdelay $0x1  }
0x99: {  	s20 =	simm.s32 $_scs_section_size  }
0x9a: {  	s4 =	simm.s32 $_size__tile_overlayer_lowered;
	s5 =	simm.s32 $_tile_overlayer_lowered  }
0x9b: {  	s6 =	simm.s32 $0x1BFF;
	s21 =	sshll.u32 s5, $0x1;
	s3 =	sadd.s32 s20, s19  }
0x9c: {  	s22 =	simm.s32 $0x0;
	s4 =	sshll.u32 s4, $0x1;
	s5 =	sadd.s32 s21, s3  }
0x9d: {  	[timem:s22], [sflag:s6] =	dma.local [hbm:s5], s4  }
0x9e: {  	_ =	swait.ge [sflag:s6], s4  }
0x9f: {  	s4 =	ssub.s32 $0x0, s4;
	[sflag:s6] =	ssyncset.done $0x0  }
0xa0: {  	[sflag:s6] =	ssyncadd.s32 s4;
	_ =	sdelay $0x1  }
0xa1: {  	s23 =	simm.s32 $0x1B8B  }
0xa2: {  	_ =	swait.ge [sflag:s23], $0x1  }
0xa3: {  	[sflag:s23] =	ssyncset.done $0x0  }
0xa4: {  	[sflag:s23] =	ssyncadd.s32 $0xFFFFFFFF  }
0xa5: {  	s4 =	sld [smem:$0x0]  }
0xa6: {  	s5 =	sand.u32 $0xFFFFFFFE, s1  }
0xa7: {  	p0 =	sne.s32 s1, s5  }
0xa8: {  	s5 =	sshll.u32 @p0 s5, $0xE  }
0xa9: {  	s5 =	sadd.s32 @p0 $0x11B8D, s5;
	s6 =	sshll.u32 @p0 s4, $0x11  }
0xaa: {  	s5 =	sor.u32 @p0 s6, s5  }
0xab: {  	[sflag:s5] =	ssyncadd.remote.s32 @p0 $0x1;
	_ =	sdelay $0x1  }
0xac: {  	s5 =	simm.s32 @p0 $0x1B8D  }
0xad: {  	_ =	swait.eq @p0 [sflag:s5], $0x1  }
0xae: {  	[sflag:s5] =	ssyncadd.s32 @p0 $0xFFFFFFFF  }
0xaf: {  	s6 =	sshll.u32 @!p0 s1, $0xE  }
0xb0: {  	s6 =	sor.u32 @!p0 $0x4000, s6;
	s5 =	simm.s32 @!p0 $0x1B8D  }
0xb1: {  	s4 =	sshll.u32 @!p0 s4, $0x11;
	s6 =	sadd.s32 @!p0 $0x11B8D, s6;
	_ =	swait.eq @!p0 [sflag:s5], $0x1  }
0xb2: {  	s4 =	sor.u32 @!p0 s4, s6;
	[sflag:s5] =	ssyncadd.s32 @!p0 $0xFFFFFFFF  }
0xb3: {  	s25 =	simm.s32 $0x1B8E;
	s24 =	sld [smem:$0x3FFE];
	[sflag:s4] =	ssyncadd.remote.s32 @!p0 $0x1  }
0xb4: {  	s26 =	simm.s32 $execute0_lowered;
	[smem:$0x3FD2] =	sst s25  }
0xb5: {  	s5 =	sshll.u32 s26, $0x1;
	_ =	strace $0x80000055;
	[dreg:$0x1] =	wrdreg $0xFFFFFFFF  }
0xb6: {  	s28 =	simm.s32 $_size_execute0_lowered;
	s3 =	sadd.s32 s3, s5;
	[dreg:$0x0] =	wrdreg $0x0  }
0xb7: {  	s5 =	sshll.u32 s28, $0x1;
	[dreg:$0x2] =	wrdreg s3  }
0xb8: {  	[dreg:$0x3] =	wrdreg s5  }
0xb9: {  	[dreg:$0x4] =	wrdreg $0xC0  }
0xba: {  	_ =	task [dreg:s22], $0x5FFFF  }
0xbb: {  	[dreg:$0x1] =	wrdreg $0xFFFFFFFF  }
0xbc: {  	[dreg:$0x0] =	wrdreg $0x60  }
0xbd: {  	[dreg:$0x2] =	wrdreg s24  }
0xbe: {  	[dreg:$0x3] =	wrdreg $0x40800  }
0xbf: {  	[dreg:$0x4] =	wrdreg $0xA  }
0xc0: {  	_ =	task.clear_ibuf [dreg:s22], $0x5FFFF;
	_ =	strace $0x90000055  }
0xc1: {  	s29 =	simm.s32 $0xA;
	_ =	strace $0x80000057  }
0xc2: {  	_ =	swait.ge [sflag:s29], $0x1  }
0xc3: {  	[sflag:s29] =	ssyncadd.s32 $0xFFFFFFFF  }
0xc4: {  	_ =	strace $0x90000057  }
0xc5: {  	_ =	sfence  }
0xc6: {  	s30 =	sld [smem:$0x0];
	_ =	sdelay $0x2  }
0xc7: {  	s31 =	sshll.u32 s1, $0xD;
	s1 =	sshrl.u32 s1, $0x2  }
0xc8: {  	s4 =	sand.u32 $0x4000, s31;
	s1 =	sadd.s32 s1, s30  }
0xc9: {  	s0 =	sor.u32 s4, s0;
	s1 =	sshll.u32 s1, $0x11  }
0xca: {  	s0 =	sor.u32 s1, s0  }
0xcb: {  	s0 =	sadd.s32 $0x8F2B, s0  }
0xcc: {  	[sflag:s0] =	ssyncadd.remote.s32 $0x1  }
0xcd: {  	_ =	sfence.sel $0xFFFF  }
0xce: {  	[dreg:$0x0] =	wrdreg $0xFFFFFFFF;
	(pc) =	sbr.abs _section_cstart, $3  }
0xcf: {  	[dreg:$0x1] =	wrdreg $0xFFFFFFFF  }
0xd0: {  	_ =	task.clear_ibuf [dreg:s22], $0x2FFFF;
	_ =	strace $0x9FFFFFFF  }
0xd1: {  	(tm) =	ssettm $0x7FFFFFFF  }
tec
execute0_lowered:
.L_overlay_start_1:
0x0: {  	(tag) =	ssettag $0x1  }
0x1: {  	s8 =	rddreg [dreg:$0x0]  }
0x2: {  	s2 =	rddreg [dreg:$0x1]  }
0x3: {  	s0 =	rddreg [dreg:$0x2]  }
0x4: {  	s1 =	stileid.u32;
	s4 =	srdreg.scid  }
0x5: {  	s3 =	simm.s32 $0x0;
	s5 =	smul.u32 $0x14000, s1;
	s6 =	sand.u32 $0x1, s4  }
0x6: {  	[smem:$0x7FF] =	sst s3;
	s25 =	sshll.u32 s1, $0x4;
	s10 =	smul.u32 $0x50000, s1  }
0x7: {  	s30 =	sshll.u32 s1, $0x6;
	s31 =	sshll.u32 s1, $0xB;
	s7 =	smul.u32 $0x140000, s6  }
0x8: {  	_ =	strace $0x80000056;
	s9 =	sadd.s32 s25, s8;
	s28 =	ssub.s32 $0x2, s6  }
0x9: {  	p0 =	seq.s32 s6, $0x1;
	s26 =	sshrl.u32 s5, $0x3;
	s11 =	sshrl.u32 s28, $0x1  }
0xa: {  	s29 =	sshrl.u32 s10, $0x2;
	s5 =	sadd.s32 s5, s7;
	s4 =	sadd.s32 s26, s8  }
0xb: {  	s7 =	ssub.s32 s28, s11;
	s10 =	sadd.s32 s29, s2;
	s11 =	simm.s32 $0x56FC00  }
0xc: {  	s5 =	sshrl.u32 s5, $0x3;
	s4 =	sadd.s32 $0xFC00, s4;
	s7 =	smax.u32 s7, $0x1  }
0xd: {  	s11 =	simm.s32 @!p0 $0x4F2C00;
	s10 =	sshrl.u32 s10, $0x3;
	s12 =	sadd.s32 s5, s8  }
0xe: {  	s5 =	sor.u32 $0x1C01, s30;
	s11 =	sadd.s32 s11, s8;
	s8 =	sadd.s32 $0xBC00, s9  }
0xf: {  	s6 =	sadd.s32 $0x37C00, s12;
	s9 =	sadd.s32 s31, s11;
	s11 =	simm.s32 $0x1  }
.LBB2_1:
0x10: {  	[spmem:s10], [sflag:s5] =	dma.local [hbm:s4], $0x2800  }
0x11: {  	_ =	swait.ge [sflag:s11], $0x2800  }
0x12: {  	s12 =	sadd.s32 $0x0, s1;
	[sflag:s11] =	ssyncset.done $0x0  }
0x13: {  	p0 =	sgt.u32 s12, $0xF9;
	[sflag:s11] =	ssyncadd.s32 $0xFFFFD800  }
0x14: {  	s12 =	simm.s32 @!p0 $0x0;
	s14 =	simm.s32 @!p0 $0x2;
	[bflag:$0x0] =	sbarrier.arrive $0xFFFF  }
0x15: {  	[tilespmem:s12], [sflag:$0x2] =	stream.linear.gather @!p0 [hbm4b:s8+s12], $0x80, $0x38;
	[tilespmem:$0x18080] =	vst v63  }
0x16: {  	_ =	swait.ge @!p0 [sflag:s14], $0x80  }
0x17: {  	[sflag:s14] =	ssyncset.done @!p0 $0x0;
	p0 =	por p0, p0  }
0x18: {  	[sflag:s14] =	ssyncadd.s32 @!p0 $0xFFFFFF80;
	s16 =	simm.s32 @!p0 $0x80  }
0x19: {  	[tilespmem:s16], [sflag:$0x2] =	stream.linear.gather @!p0 [hbm4b:s9+s12], $0x4000, $0x38;
	[tilespmem:$0x18080] =	vst v63  }
0x1a: {  	_ =	swait.ge @!p0 [sflag:s14], $0x4000  }
0x1b: {  	[sflag:s14] =	ssyncset.done @!p0 $0x0  }
0x1c: {  	s31 =	sadd.s32 $0x10, s1;
	s15 =	simm.s32 @!p0 $0x1;
	[sflag:s14] =	ssyncadd.s32 @!p0 $0xFFFFC000  }
0x1d: {  	[spmem:s2] =	stream.indirect.scatter.add.f32 @!p0 [tilespmem:s16], [sflag:$0x1], $0x80, s12, s16, $0xb8;
	[tilespmem:$0x18080] =	vst v63  }
0x1e: {  	s13 =	simm.s32 $0x20;
	p1 =	sgt.u32 s31, $0xF9;
	_ =	swait.ge @!p0 [sflag:s15], $0x4000  }
0x1f: {  	s14 =	sadd.s32 $0x100, s8;
	s12 =	sadd.s32 $0x8000, s9;
	[sflag:s15] =	ssyncset.done @!p0 $0x0  }
.LBB2_2:
0x20: {  	s16 =	simm.s32 @!p1 $0x0;
	s17 =	simm.s32 @!p1 $0x2;
	[sflag:s15] =	ssyncadd.s32 @!p0 $0xFFFFC000  }
0x21: {  	[tilespmem:s16], [sflag:$0x2] =	stream.linear.gather @!p1 [hbm4b:s14+s16], $0x80, $0x38;
	[tilespmem:$0x18080] =	vst v63  }
0x22: {  	s18 =	smov.u32 s13;
	s13 =	sadd.s32 $0x10, s13;
	_ =	swait.ge @!p1 [sflag:s17], $0x80  }
0x23: {  	p0 =	por p1, p1;
	p2 =	sne.s32 s13, $0x100;
	[sflag:s17] =	ssyncset.done @!p1 $0x0  }
0x24: {  	s19 =	simm.s32 @!p0 $0x80;
	[sflag:s17] =	ssyncadd.s32 @!p0 $0xFFFFFF80  }
0x25: {  	[tilespmem:s19], [sflag:$0x2] =	stream.linear.gather @!p0 [hbm4b:s12+s16], $0x4000, $0x38;
	[tilespmem:$0x18080] =	vst v63  }
0x26: {  	_ =	swait.ge @!p0 [sflag:s17], $0x4000  }
.Ltmp0:
0x27: {  	[sflag:s17] =	ssyncset.done @!p0 $0x0;
	(pc) =	sbr.rel @p2 .LBB2_2-.Ltmp0, $4  }
0x28: {  	s15 =	simm.s32 @!p0 $0x1;
	[sflag:s17] =	ssyncadd.s32 @!p0 $0xFFFFC000  }
0x29: {  	[spmem:s2] =	stream.indirect.scatter.add.f32 @!p0 [tilespmem:s19], [sflag:$0x1], $0x80, s16, s19, $0xb8;
	[tilespmem:$0x18080] =	vst v63  }
0x2a: {  	s12 =	sadd.s32 $0x8000, s12;
	s16 =	sadd.s32 s18, s1;
	_ =	swait.ge @!p0 [sflag:s15], $0x4000  }
0x2b: {  	s14 =	sadd.s32 $0x100, s14;
	p1 =	sgt.u32 s16, $0xF9;
	[sflag:s15] =	ssyncset.done @!p0 $0x0  }
0x2c: {  	s13 =	simm.s32 @!p1 $0x0;
	s16 =	simm.s32 @!p1 $0x2;
	[sflag:s15] =	ssyncadd.s32 @!p0 $0xFFFFC000  }
0x2d: {  	[tilespmem:s13], [sflag:$0x2] =	stream.linear.gather @!p1 [hbm4b:s14+s13], $0x80, $0x38;
	[tilespmem:$0x18080] =	vst v63  }
0x2e: {  	_ =	swait.ge @!p1 [sflag:s16], $0x80  }
0x2f: {  	p0 =	por p1, p1;
	[sflag:s16] =	ssyncset.done @!p1 $0x0  }
0x30: {  	s14 =	simm.s32 @!p0 $0x80;
	[sflag:s16] =	ssyncadd.s32 @!p0 $0xFFFFFF80  }
0x31: {  	[tilespmem:s14], [sflag:$0x2] =	stream.linear.gather @!p0 [hbm4b:s12+s13], $0x4000, $0x38;
	[tilespmem:$0x18080] =	vst v63  }
0x32: {  	_ =	swait.ge @!p0 [sflag:s16], $0x4000  }
0x33: {  	[sflag:s16] =	ssyncset.done @!p0 $0x0  }
0x34: {  	s12 =	simm.s32 @!p0 $0x1;
	[sflag:s16] =	ssyncadd.s32 @!p0 $0xFFFFC000  }
0x35: {  	[spmem:s2] =	stream.indirect.scatter.add.f32 @!p0 [tilespmem:s14], [sflag:$0x1], $0x80, s13, s14, $0xb8;
	[tilespmem:$0x18080] =	vst v63  }
0x36: {  	_ =	swait.ge @!p0 [sflag:s12], $0x4000  }
0x37: {  	s3 =	sadd.s32 $0x1, s3;
	[sflag:s12] =	ssyncset.done @!p0 $0x0  }
0x38: {  	[sflag:s12] =	ssyncadd.s32 @!p0 $0xFFFFC000;
	p0 =	sne.s32 s3, s7  }
.Ltmp1:
0x39: {  	[bflag:$0x0] =	sbarrier.arrive $0xFFFF;
	(pc) =	sbr.rel @p0 .LBB2_1-.Ltmp1, $4  }
0x3a: {  	[hbm:s6], [sflag:s5] =	dma.local [spmem:s10], $0x2800  }
0x3b: {  	_ =	swait.ge [sflag:s11], $0x2800  }
0x3c: {  	[sflag:s11] =	ssyncset.done $0x0  }
0x3d: {  	[sflag:s11] =	ssyncadd.s32 $0xFFFFD800  }
0x3e: {  	_ =	sfence.sel $0x180000  }
0x3f: {  	[bflag:$0x0] =	sbarrier.arrive $0xFFFF  }
0x40: {  	p0 =	sne.s32 s1, $0x0;
	_ =	strace $0x90000056  }
0x41: {  	s0 =	sadd.s32 @!p0 $0x100000, s0;
	[bflag:$0x2] =	sbarrier.arrive $0xFFFF  }
0x42: {  	[sflag:s0] =	ssyncadd.tile.s32 @!p0 $0x1;
	_ =	shalt  }
.Lfunc_end2:
_tile_overlayer_lowered:
.L_overlay_start_2:
0x43: {  	(tag) =	ssettag $0x2  }
0x44: {  	s0 =	rddreg [dreg:$0x0];
	s2 =	stileid.u32  }
0x45: {  	s1 =	rddreg [dreg:$0x1];
	p0 =	sne.s32 s2, $0x0  }
0x46: {  	s3 =	rddreg [dreg:$0x2];
	[bflag:$0x3] =	sbarrier.arrive $0xFFFF;
	s2 =	simm.s32 @!p0 $0x1C01  }
0x47: {  	[timem:s3], [sflag:s2] =	dma.local @!p0 [hbm:s0], s1  }
0x48: {  	s0 =	simm.s32 @!p0 $0x1  }
0x49: {  	_ =	swait.ge @!p0 [sflag:s0], s1  }
0x4a: {  	s1 =	ssub.s32 @!p0 $0x0, s1;
	[sflag:s0] =	ssyncset.done @!p0 $0x0  }
0x4b: {  	[sflag:s0] =	ssyncadd.s32 @!p0 s1  }
0x4c: {  	[bflag:$0x3] =	sbarrier.arrive $0xFFFF  }
0x4d: {  	_ =	shalt  }

</sc_bundles>
